<compile_context>
chip_gen: v7x
topology: tpu7x:2x2x1
jax: 0.10.2.dev20260603
libtpu: 0.0.44.dev20260713+nightly
codegen_flags: <defaults>
</compile_context>

<pallas_src>
import jax
import jax.numpy as jnp
from jax import lax
from jax.experimental import pallas as pl
from jax.experimental.pallas import tpu as pltpu
from jax.experimental.pallas import tpu_sc as plsc

N = 10000
E = 320000
F_IN = 128
H = 256
HH = 128
NHID = 256
NOUT = 128
G = 64

NS = 16
NC = 2
K = 128
CH = 160
CHD = CH // NC
IDXB = 16
EPS = NS * CH * K
AROWS = 10240
RPS = AROWS // NS
RT = 1000
GRID = N // RT

f32 = jnp.float32
i32 = jnp.int32

_mesh = plsc.VectorSubcoreMesh(core_axis_name="c", subcore_axis_name="s")



def _fill_rows(ref, rows, val):
    def row(k, _):
        for q in range(HH // 16):
            ref[k, pl.ds(q * 16, 16)] = jnp.full((16,), val, f32)
        return 0

    lax.fori_loop(0, rows, row, 0)


def _deg_body(dst_hbm, out_hbm, dstw, buf, acc_sh):
    c = lax.axis_index("c")
    s = lax.axis_index("s")
    _fill_rows(buf, K, 1.0)
    for t in range(RPS // K):
        pltpu.sync_copy(buf, acc_sh.at[pl.ds(s * RPS + t * K, K)])
    plsc.subcore_barrier()

    def step(j, _):
        pltpu.sync_copy(dst_hbm.at[pl.ds((s * CH + c * CHD + j) * K, K)], dstw)
        pltpu.sync_copy(buf, acc_sh.at[dstw], add=True)
        return 0

    lax.fori_loop(0, CHD, step, 0)
    plsc.subcore_barrier()
    pltpu.sync_copy(acc_sh.at[pl.ds(s * RPS, RPS)],
                    out_hbm.at[c, pl.ds(s * RPS, RPS)])


_deg_call = pl.kernel(
    _deg_body,
    out_type=jax.ShapeDtypeStruct((NC, AROWS, HH), f32),
    mesh=_mesh,
    scratch_types=[
        pltpu.VMEM((K,), i32),
        pltpu.VMEM((K, HH), f32),
        pltpu.VMEM_SHARED((AROWS, HH), f32),
    ],
)


def _scat_body(tab_lo, tab_hi, src_hbm, dst_hbm, out_lo, out_hi,
               srcw, dstw, buf, acc_sh, gsem, isem, ssem):
    c = lax.axis_index("c")
    s = lax.axis_index("s")
    base = s * CH

    def run(tab, out):
        @pl.when(s != NS - 1)
        def _():
            pltpu.sync_copy(tab.at[pl.ds(s * RPS, RPS)],
                            acc_sh.at[pl.ds(s * RPS, RPS)])

        @pl.when(s == NS - 1)
        def _():
            pltpu.sync_copy(tab.at[pl.ds((NS - 1) * RPS, N - (NS - 1) * RPS)],
                            acc_sh.at[pl.ds((NS - 1) * RPS, N - (NS - 1) * RPS)])

        plsc.subcore_barrier()

        def idx_start(ch, m4):
            pltpu.async_copy(src_hbm.at[pl.ds((base + ch) * K, K)],
                             srcw[m4], isem[m4])
            pltpu.async_copy(dst_hbm.at[pl.ds((base + ch) * K, K)],
                             dstw[m4], isem[m4])

        def idx_wait(ch, m4):
            pltpu.make_async_copy(src_hbm.at[pl.ds((base + ch) * K, K)],
                                  srcw[m4], isem[m4]).wait()
            pltpu.make_async_copy(dst_hbm.at[pl.ds((base + ch) * K, K)],
                                  dstw[m4], isem[m4]).wait()

        def gather_start(m4, m2):
            pltpu.async_copy(tab.at[srcw[m4]], buf[m2], gsem[m2])

        def gather_wait(m4, m2):
            pltpu.make_async_copy(tab.at[srcw[m4]], buf[m2],
                                  gsem[m2]).wait()

        def scat_start(m4, m2):
            pltpu.async_copy(buf[m2], acc_sh.at[dstw[m4]], ssem[m2], add=True)

        def scat_wait(m4, m2):
            pltpu.make_async_copy(buf[m2], acc_sh.at[dstw[m4]],
                                  ssem[m2]).wait()

        idx_start(0, 0)
        idx_wait(0, 0)
        gather_start(0, 0)
        idx_start(1, 1)

        def quad(q, _):
            c0 = 4 * q

            def chunk(ch, m4, m2):
                @pl.when(ch + 1 < CH)
                def _():
                    idx_wait(ch + 1, (m4 + 1) % 4)

                    @pl.when(ch >= 1)
                    def _():
                        scat_wait((m4 + 3) % 4, 1 - m2)

                    gather_start((m4 + 1) % 4, 1 - m2)

                gather_wait(m4, m2)
                scat_start(m4, m2)

                @pl.when(ch + 2 < CH)
                def _():
                    idx_start(ch + 2, (m4 + 2) % 4)

            chunk(c0, 0, 0)
            chunk(c0 + 1, 1, 1)
            chunk(c0 + 2, 2, 0)
            chunk(c0 + 3, 3, 1)
            return 0

        lax.fori_loop(0, CH // 4, quad, 0)
        scat_wait((CH - 2) % 4, (CH - 2) % 2)
        scat_wait((CH - 1) % 4, (CH - 1) % 2)
        plsc.subcore_barrier()
        pltpu.sync_copy(acc_sh.at[pl.ds(s * RPS, RPS)],
                        out.at[pl.ds(s * RPS, RPS)])

    @pl.when(c == 0)
    def _():
        run(tab_lo, out_lo)

    @pl.when(c == 1)
    def _():
        run(tab_hi, out_hi)


_scat_call = pl.kernel(
    _scat_body,
    out_type=(jax.ShapeDtypeStruct((AROWS, HH), f32),
              jax.ShapeDtypeStruct((AROWS, HH), f32)),
    mesh=_mesh,
    scratch_types=[
        [pltpu.VMEM((K,), i32)] * 4,
        [pltpu.VMEM((K,), i32)] * 4,
        [pltpu.VMEM((K, HH), f32)] * 2,
        pltpu.VMEM_SHARED((AROWS, HH), f32),
        [pltpu.SemaphoreType.DMA] * 2,
        [pltpu.SemaphoreType.DMA] * 4,
        [pltpu.SemaphoreType.DMA] * 2,
    ],
)



def _dinv_of(deg_blk):
    return lax.rsqrt(deg_blk[0, :, 0:1] + deg_blk[1, :, 0:1] - 1.0)


def _t1_body(deg_ref, x_ref, w_ref, lo_ref, hi_ref):
    dinv = _dinv_of(deg_ref[...])
    z = jnp.dot(x_ref[...], w_ref[...], preferred_element_type=f32)
    zs = z * dinv
    lo_ref[...] = zs[:, :HH]
    hi_ref[...] = zs[:, HH:]


def _t2_body(deg_ref, lo_ref, hi_ref, b_ref, w_ref, olo_ref, ohi_ref):
    dinv = _dinv_of(deg_ref[...])
    u = jnp.concatenate([lo_ref[...], hi_ref[...]], axis=1) * dinv + b_ref[...]
    h = jnp.maximum(u, 0.0)
    z = jnp.dot(h, w_ref[...], preferred_element_type=f32)
    zs = z * dinv
    olo_ref[...] = zs[:, :HH]
    ohi_ref[...] = zs[:, HH:]


def _t3a_body(deg_ref, lo_ref, hi_ref, b_ref, u_ref, s1_ref, s2_ref):
    i = pl.program_id(0)
    dinv = _dinv_of(deg_ref[...])
    u = jnp.concatenate([lo_ref[...], hi_ref[...]], axis=1) * dinv + b_ref[...]
    u_ref[...] = u
    p1 = jnp.sum(u, axis=0, keepdims=True)
    p2 = jnp.sum(u * u, axis=0, keepdims=True)

    @pl.when(i == 0)
    def _():
        s1_ref[...] = p1
        s2_ref[...] = p2

    @pl.when(i != 0)
    def _():
        s1_ref[...] += p1
        s2_ref[...] += p2


def _t3b_body(deg_ref, u_ref, s1_ref, s2_ref, g_ref, bt_ref, w_ref,
              olo_ref, ohi_ref):
    m = s1_ref[...] / N
    v = s2_ref[...] / N - m * m
    y = (u_ref[...] - m) * lax.rsqrt(v + 1e-5) * g_ref[...] + bt_ref[...]
    y = jnp.maximum(y, 0.0)
    dinv = _dinv_of(deg_ref[...])
    z = jnp.dot(y, w_ref[...], preferred_element_type=f32)
    zs = z * dinv
    olo_ref[...] = zs[:, :HH]
    ohi_ref[...] = zs[:, HH:]


def _t4b_body(u_ref, s1_ref, s2_ref, g_ref, bt_ref, batch_ref,
              pooled_ref, cnt_ref):
    i = pl.program_id(0)
    m = s1_ref[...] / N
    v = s2_ref[...] / N - m * m
    y = (u_ref[...] - m) * lax.rsqrt(v + 1e-5) * g_ref[...] + bt_ref[...]
    y = jnp.maximum(y, 0.0)
    oh = (batch_ref[...] == lax.broadcasted_iota(i32, (RT, G), 1)).astype(f32)
    pp = lax.dot_general(oh, y, (((0,), (0,)), ((), ())),
                         preferred_element_type=f32)
    pc = lax.dot_general(oh, jnp.ones((RT, 1), f32), (((0,), (0,)), ((), ())),
                         preferred_element_type=f32)

    @pl.when(i == 0)
    def _():
        pooled_ref[...] = pp
        cnt_ref[...] = pc

    @pl.when(i != 0)
    def _():
        pooled_ref[...] += pp
        cnt_ref[...] += pc


def _t5_body(pooled_ref, cnt_ref, wh1_ref, bh1_ref, wh2_ref, bh2_ref, out_ref):
    p = pooled_ref[...] / jnp.maximum(cnt_ref[...], 1.0)
    h = jnp.dot(p, wh1_ref[...], preferred_element_type=f32) + bh1_ref[...]
    h = jnp.maximum(h, 0.0)
    out_ref[...] = jnp.dot(h, wh2_ref[...], preferred_element_type=f32) \
        + bh2_ref[...]


def _bs(shape, imap):
    return pl.BlockSpec(shape, imap)


_DEG_BS = _bs((NC, RT, HH), lambda i: (0, i, 0))
_ROW_BS = _bs((RT, HH), lambda i: (i, 0))
_FULL_BS = _bs((RT, H), lambda i: (i, 0))
_VEC_BS = _bs((1, H), lambda i: (0, 0))

_t1 = pl.pallas_call(
    _t1_body,
    grid=(GRID,),
    in_specs=[_DEG_BS, _bs((RT, F_IN), lambda i: (i, 0)),
              _bs((F_IN, H), lambda i: (0, 0))],
    out_specs=[_ROW_BS, _ROW_BS],
    out_shape=[jax.ShapeDtypeStruct((N, HH), f32)] * 2,
)

_t2 = pl.pallas_call(
    _t2_body,
    grid=(GRID,),
    in_specs=[_DEG_BS, _ROW_BS, _ROW_BS, _VEC_BS,
              _bs((H, H), lambda i: (0, 0))],
    out_specs=[_ROW_BS, _ROW_BS],
    out_shape=[jax.ShapeDtypeStruct((N, HH), f32)] * 2,
)

_t3a = pl.pallas_call(
    _t3a_body,
    grid=(GRID,),
    in_specs=[_DEG_BS, _ROW_BS, _ROW_BS, _VEC_BS],
    out_specs=[_FULL_BS, _VEC_BS, _VEC_BS],
    out_shape=[jax.ShapeDtypeStruct((N, H), f32),
               jax.ShapeDtypeStruct((1, H), f32),
               jax.ShapeDtypeStruct((1, H), f32)],
)

_t3b = pl.pallas_call(
    _t3b_body,
    grid=(GRID,),
    in_specs=[_DEG_BS, _FULL_BS, _VEC_BS, _VEC_BS, _VEC_BS, _VEC_BS,
              _bs((H, H), lambda i: (0, 0))],
    out_specs=[_ROW_BS, _ROW_BS],
    out_shape=[jax.ShapeDtypeStruct((N, HH), f32)] * 2,
)

_t4b = pl.pallas_call(
    _t4b_body,
    grid=(GRID,),
    in_specs=[_FULL_BS, _VEC_BS, _VEC_BS, _VEC_BS, _VEC_BS,
              _bs((RT, 1), lambda i: (i, 0))],
    out_specs=[_bs((G, H), lambda i: (0, 0)), _bs((G, 1), lambda i: (0, 0))],
    out_shape=[jax.ShapeDtypeStruct((G, H), f32),
               jax.ShapeDtypeStruct((G, 1), f32)],
)

_t5 = pl.pallas_call(
    _t5_body,
    grid=(1,),
    in_specs=[_bs((G, H), lambda i: (0, 0)), _bs((G, 1), lambda i: (0, 0)),
              _bs((NHID, NHID), lambda i: (0, 0)),
              _bs((1, NHID), lambda i: (0, 0)),
              _bs((NHID, NOUT), lambda i: (0, 0)),
              _bs((1, NOUT), lambda i: (0, 0))],
    out_specs=_bs((G, NOUT), lambda i: (0, 0)),
    out_shape=jax.ShapeDtypeStruct((G, NOUT), f32),
)


def kernel(x, edge_index, batch, W1, b1, W2, b2, W3, b3, g2, bt2, g4, bt4,
           Wh1, bh1, Wh2, bh2):
    src = edge_index[0]
    dst = edge_index[1]
    srcp = jnp.concatenate([src, jnp.zeros((EPS - E,), i32)])
    dstp = jnp.concatenate([dst, jnp.full((EPS - E,), N, i32)])
    batch2 = batch.reshape(N, 1)
    b1r = b1.reshape(1, H)
    b2r = b2.reshape(1, H)
    b3r = b3.reshape(1, H)
    g2r = g2.reshape(1, H)
    bt2r = bt2.reshape(1, H)
    g4r = g4.reshape(1, H)
    bt4r = bt4.reshape(1, H)
    bh1r = bh1.reshape(1, NHID)
    bh2r = bh2.reshape(1, NOUT)

    degp = _deg_call(dstp)
    zlo, zhi = _t1(degp, x, W1)
    alo, ahi = _scat_call(zlo, zhi, srcp, dstp)
    zlo, zhi = _t2(degp, alo, ahi, b1r, W2)
    alo, ahi = _scat_call(zlo, zhi, srcp, dstp)
    u2, s1, s2 = _t3a(degp, alo, ahi, b2r)
    zlo, zhi = _t3b(degp, u2, s1, s2, g2r, bt2r, W3)
    alo, ahi = _scat_call(zlo, zhi, srcp, dstp)
    u3, s13, s23 = _t3a(degp, alo, ahi, b3r)
    pooled, cnt = _t4b(u3, s13, s23, g4r, bt4r, batch2)
    return _t5(pooled, cnt, Wh1, bh1r, Wh2, bh2r)

# --- scband reference (transcript-rebuilt; emitter-appended) ---
"""Pipeline reference for scband-graph-encoder-71347996721729 (READ-ONLY COPY).

The authoritative reference and input builder live on the scoring server;
editing this copy changes nothing except your own understanding.
"""

import jax, jax.numpy as jnp
import numpy as np

N = 10000
E = 320000
F_IN = 128
H = 256
NHID = 256
NOUT = 128
G = 64


def setup_inputs(seed: int = 0) -> dict:
    key = jax.random.key(seed)
    ks = jax.random.split(key, 20)
    x = jax.random.normal(ks[0], (N, F_IN), dtype=jnp.float32)
    edge_index = jax.random.randint(ks[1], (2, E), 0, N, dtype=jnp.int32)
    batch = jnp.sort(jax.random.randint(ks[2], (N,), 0, G, dtype=jnp.int32))
    W1 = jax.random.normal(ks[3], (F_IN, H), dtype=jnp.float32) * 0.05
    b1 = jnp.zeros((H,), dtype=jnp.float32)
    W2 = jax.random.normal(ks[4], (H, H), dtype=jnp.float32) * 0.05
    b2 = jnp.zeros((H,), dtype=jnp.float32)
    W3 = jax.random.normal(ks[5], (H, H), dtype=jnp.float32) * 0.05
    b3 = jnp.zeros((H,), dtype=jnp.float32)
    g2 = jnp.ones((H,), dtype=jnp.float32)
    bt2 = jnp.zeros((H,), dtype=jnp.float32)
    g4 = jnp.ones((NHID,), dtype=jnp.float32)
    bt4 = jnp.zeros((NHID,), dtype=jnp.float32)
    Wh1 = jax.random.normal(ks[6], (H, NHID), dtype=jnp.float32) * 0.05
    bh1 = jnp.zeros((NHID,), dtype=jnp.float32)
    Wh2 = jax.random.normal(ks[7], (NHID, NOUT), dtype=jnp.float32) * 0.05
    bh2 = jnp.zeros((NOUT,), dtype=jnp.float32)
    return {"x": x, "edge_index": edge_index, "batch": batch,
            "W1": W1, "b1": b1, "W2": W2, "b2": b2, "W3": W3, "b3": b3,
            "g2": g2, "bt2": bt2, "g4": g4, "bt4": bt4,
            "Wh1": Wh1, "bh1": bh1, "Wh2": Wh2, "bh2": bh2}


def _gcn_conv(x, edge_index, W, b):
    # GCNConv: x' = D^-1/2 (A + I) D^-1/2 (x W) + b  (symmetric norm, self-loops)
    h = x @ W
    loops = jnp.arange(N, dtype=edge_index.dtype)
    src = jnp.concatenate([edge_index[0], loops])
    dst = jnp.concatenate([edge_index[1], loops])
    deg = jax.ops.segment_sum(jnp.ones(src.shape[0], dtype=h.dtype), dst, num_segments=N)
    dinv = jnp.where(deg > 0, deg ** -0.5, 0.0)
    norm = dinv[src] * dinv[dst]
    msg = jnp.take(h, src, axis=0) * norm[:, None]
    out = jax.ops.segment_sum(msg, dst, num_segments=N)
    return out + b


def _batch_norm(x, gamma, beta):
    # training-mode BatchNorm1d with batch statistics (biased variance), eps=1e-5
    m = jnp.mean(x, axis=0)
    v = jnp.var(x, axis=0)
    return (x - m) / jnp.sqrt(v + 1e-5) * gamma + beta


def reference(x, edge_index, batch, W1, b1, W2, b2, W3, b3, g2, bt2, g4, bt4, Wh1, bh1, Wh2, bh2):
    h = jax.nn.relu(_gcn_conv(x, edge_index, W1, b1))
    h = jax.nn.relu(_batch_norm(_gcn_conv(h, edge_index, W2, b2), g2, bt2))
    h = jax.nn.relu(_batch_norm(_gcn_conv(h, edge_index, W3, b3), g4, bt4))
    # global mean pool over graphs in the batch
    s = jax.ops.segment_sum(h, batch, num_segments=G)
    cnt = jax.ops.segment_sum(jnp.ones((N,), dtype=h.dtype), batch, num_segments=G)
    pooled = s / jnp.maximum(cnt, 1.0)[:, None]
    h = jax.nn.relu(pooled @ Wh1 + bh1)
    # dropout is identity in eval
    out = h @ Wh2 + bh2
    return out

if __name__ == "__main__":
    import jax
    _d = setup_inputs()
    print(jax.jit(kernel)(*tuple(_d.values())))

</pallas_src>

<mosaic_0001>
#map = affine_map<(d0, d1) -> (0, 0)>
#map1 = affine_map<(d0, d1) -> (0)>
module attributes {stable_mosaic.version = 14 : i64} {
  func.func @_scat_body(%arg0: i32, %arg1: i32, %arg2: memref<10000x128xf32, #tpu.memory_space<hbm>>, %arg3: memref<10000x128xf32, #tpu.memory_space<hbm>>, %arg4: memref<327680xi32, #tpu.memory_space<hbm>>, %arg5: memref<327680xi32, #tpu.memory_space<hbm>>, %arg6: memref<10240x128xf32, #tpu.memory_space<hbm>>, %arg7: memref<10240x128xf32, #tpu.memory_space<hbm>>, %arg8: memref<128xi32, #tpu.memory_space<vmem>>, %arg9: memref<128xi32, #tpu.memory_space<vmem>>, %arg10: memref<128xi32, #tpu.memory_space<vmem>>, %arg11: memref<128xi32, #tpu.memory_space<vmem>>, %arg12: memref<128xi32, #tpu.memory_space<vmem>>, %arg13: memref<128xi32, #tpu.memory_space<vmem>>, %arg14: memref<128xi32, #tpu.memory_space<vmem>>, %arg15: memref<128xi32, #tpu.memory_space<vmem>>, %arg16: memref<128x128xf32, #tpu.memory_space<vmem>>, %arg17: memref<128x128xf32, #tpu.memory_space<vmem>>, %arg18: memref<10240x128xf32, #tpu.memory_space<vmem_shared>>, %arg19: memref<!tpu.dma_semaphore, #tpu.memory_space<semaphore_mem>>, %arg20: memref<!tpu.dma_semaphore, #tpu.memory_space<semaphore_mem>>, %arg21: memref<!tpu.dma_semaphore, #tpu.memory_space<semaphore_mem>>, %arg22: memref<!tpu.dma_semaphore, #tpu.memory_space<semaphore_mem>>, %arg23: memref<!tpu.dma_semaphore, #tpu.memory_space<semaphore_mem>>, %arg24: memref<!tpu.dma_semaphore, #tpu.memory_space<semaphore_mem>>, %arg25: memref<!tpu.dma_semaphore, #tpu.memory_space<semaphore_mem>>, %arg26: memref<!tpu.dma_semaphore, #tpu.memory_space<semaphore_mem>>) attributes {dimension_semantics = [#tpu.dimension_semantics<core_parallel>, #tpu.dimension_semantics<subcore_parallel>], iteration_bounds = array<i64: 2, 16>, scalar_prefetch = 0 : i64, scratch_operands = 19 : i64, tpu.core_type = #tpu.core_type<sc_vector_subcore>, window_params = [{transform_indices = #map}, {transform_indices = #map}, {transform_indices = #map1}, {transform_indices = #map1}, {transform_indices = #map}, {transform_indices = #map}]} {
    %mul3A = arith.constant 160 : i32
    %mul3A_0 = arith.muli %arg1, %mul3A : i32
    %eq3A = arith.constant 0 : i32
    %eq3A_1 = arith.cmpi eq, %arg0, %eq3A : i32
    %convert_element_type3A = arith.extui %eq3A_1 : i1 to i32
    %cond3A = arith.constant 0 : i32
    %cond3A_2 = arith.cmpi ne, %convert_element_type3A, %cond3A : i32
    scf.if %cond3A_2 {
      %ne3A = arith.constant 15 : i32
      %ne3A_8 = arith.cmpi ne, %arg1, %ne3A : i32
      %convert_element_type3A_9 = arith.extui %ne3A_8 : i1 to i32
      %cond3A_10 = arith.constant 0 : i32
      %cond3A_11 = arith.cmpi ne, %convert_element_type3A_9, %cond3A_10 : i32
      scf.if %cond3A_11 {
        %mul3A_70 = arith.constant 640 : i32
        %mul3A_71 = arith.muli %arg1, %mul3A_70 : i32
        %mul3A_72 = arith.constant 640 : i32
        %mul3A_73 = arith.muli %arg1, %mul3A_72 : i32
        "tpu.region"() ({
          %run_scoped3A = tpu.sem_alloc : memref<!tpu.dma_semaphore, #tpu.memory_space<semaphore_mem>>
          %dma_start3A_74 = arith.constant 0 : i32
          %dma_start3A_75 = tpu.memref_slice %arg18[%mul3A_73, %dma_start3A_74] : memref<10240x128xf32, #tpu.memory_space<vmem_shared>> -> memref<640x128xf32, #tpu.memory_space<vmem_shared>>
          %dma_start3A_76 = arith.constant 0 : i32
          %dma_start3A_77 = tpu.memref_slice %arg2[%mul3A_71, %dma_start3A_76] : memref<10000x128xf32, #tpu.memory_space<hbm>> -> memref<640x128xf32, #tpu.memory_space<hbm>>
          tpu.enqueue_dma source(%dma_start3A_77 : memref<640x128xf32, #tpu.memory_space<hbm>>) target(%dma_start3A_75 : memref<640x128xf32, #tpu.memory_space<vmem_shared>>) target_semaphore(%run_scoped3A : memref<!tpu.dma_semaphore, #tpu.memory_space<semaphore_mem>>)
          %dma_wait3A_78 = arith.constant 0 : i32
          %dma_wait3A_79 = tpu.memref_slice %arg18[%mul3A_73, %dma_wait3A_78] : memref<10240x128xf32, #tpu.memory_space<vmem_shared>> -> memref<640x128xf32, #tpu.memory_space<vmem_shared>>
          %dma_wait3A_80 = arith.constant 0 : i32
          %dma_wait3A_81 = tpu.memref_slice %arg2[%mul3A_71, %dma_wait3A_80] : memref<10000x128xf32, #tpu.memory_space<hbm>> -> memref<640x128xf32, #tpu.memory_space<hbm>>
          tpu.wait_dma2 semaphore(%run_scoped3A : memref<!tpu.dma_semaphore, #tpu.memory_space<semaphore_mem>>) src(%dma_wait3A_81 : memref<640x128xf32, #tpu.memory_space<hbm>>) dst(%dma_wait3A_79 : memref<640x128xf32, #tpu.memory_space<vmem_shared>>)
          tpu.yield
        }) : () -> ()
      } else {
      }
      %eq3A_12 = arith.constant 15 : i32
      %eq3A_13 = arith.cmpi eq, %arg1, %eq3A_12 : i32
      %convert_element_type3A_14 = arith.extui %eq3A_13 : i1 to i32
      %cond3A_15 = arith.constant 0 : i32
      %cond3A_16 = arith.cmpi ne, %convert_element_type3A_14, %cond3A_15 : i32
      scf.if %cond3A_16 {
        "tpu.region"() ({
          %run_scoped3A = tpu.sem_alloc : memref<!tpu.dma_semaphore, #tpu.memory_space<semaphore_mem>>
          %dma_start3A_70 = arith.constant 9600 : i32
          %dma_start3A_71 = arith.constant 0 : i32
          %dma_start3A_72 = tpu.memref_slice %arg18[%dma_start3A_70, %dma_start3A_71] : memref<10240x128xf32, #tpu.memory_space<vmem_shared>> -> memref<400x128xf32, #tpu.memory_space<vmem_shared>>
          %dma_start3A_73 = arith.constant 9600 : i32
          %dma_start3A_74 = arith.constant 0 : i32
          %dma_start3A_75 = tpu.memref_slice %arg2[%dma_start3A_73, %dma_start3A_74] : memref<10000x128xf32, #tpu.memory_space<hbm>> -> memref<400x128xf32, #tpu.memory_space<hbm>>
          tpu.enqueue_dma source(%dma_start3A_75 : memref<400x128xf32, #tpu.memory_space<hbm>>) target(%dma_start3A_72 : memref<400x128xf32, #tpu.memory_space<vmem_shared>>) target_semaphore(%run_scoped3A : memref<!tpu.dma_semaphore, #tpu.memory_space<semaphore_mem>>)
          %dma_wait3A_76 = arith.constant 9600 : i32
          %dma_wait3A_77 = arith.constant 0 : i32
          %dma_wait3A_78 = tpu.memref_slice %arg18[%dma_wait3A_76, %dma_wait3A_77] : memref<10240x128xf32, #tpu.memory_space<vmem_shared>> -> memref<400x128xf32, #tpu.memory_space<vmem_shared>>
          %dma_wait3A_79 = arith.constant 9600 : i32
          %dma_wait3A_80 = arith.constant 0 : i32
          %dma_wait3A_81 = tpu.memref_slice %arg2[%dma_wait3A_79, %dma_wait3A_80] : memref<10000x128xf32, #tpu.memory_space<hbm>> -> memref<400x128xf32, #tpu.memory_space<hbm>>
          tpu.wait_dma2 semaphore(%run_scoped3A : memref<!tpu.dma_semaphore, #tpu.memory_space<semaphore_mem>>) src(%dma_wait3A_81 : memref<400x128xf32, #tpu.memory_space<hbm>>) dst(%dma_wait3A_78 : memref<400x128xf32, #tpu.memory_space<vmem_shared>>)
          tpu.yield
        }) : () -> ()
      } else {
      }
      %barrier3A = arith.constant 0 : index
      tpu.barrier barrier_id(%barrier3A)
      %add3A = arith.constant 0 : i32
      %add3A_17 = arith.addi %mul3A_0, %add3A : i32
      %mul3A_18 = arith.constant 128 : i32
      %mul3A_19 = arith.muli %add3A_17, %mul3A_18 : i32
      %dma_start3A = tpu.memref_slice %arg4[%mul3A_19] : memref<327680xi32, #tpu.memory_space<hbm>> -> memref<128xi32, #tpu.memory_space<hbm>>
      %dma_start3A_20 = tpu.memref_slice %arg4[%mul3A_19] : memref<327680xi32, #tpu.memory_space<hbm>> -> memref<128xi32, #tpu.memory_space<hbm>>
      tpu.enqueue_dma source(%dma_start3A_20 : memref<128xi32, #tpu.memory_space<hbm>>) target(%arg8 : memref<128xi32, #tpu.memory_space<vmem>>) target_semaphore(%arg21 : memref<!tpu.dma_semaphore, #tpu.memory_space<semaphore_mem>>)
      %add3A_21 = arith.constant 0 : i32
      %add3A_22 = arith.addi %mul3A_0, %add3A_21 : i32
      %mul3A_23 = arith.constant 128 : i32
      %mul3A_24 = arith.muli %add3A_22, %mul3A_23 : i32
      %dma_start3A_25 = tpu.memref_slice %arg5[%mul3A_24] : memref<327680xi32, #tpu.memory_space<hbm>> -> memref<128xi32, #tpu.memory_space<hbm>>
      %dma_start3A_26 = tpu.memref_slice %arg5[%mul3A_24] : memref<327680xi32, #tpu.memory_space<hbm>> -> memref<128xi32, #tpu.memory_space<hbm>>
      tpu.enqueue_dma source(%dma_start3A_26 : memref<128xi32, #tpu.memory_space<hbm>>) target(%arg12 : memref<128xi32, #tpu.memory_space<vmem>>) target_semaphore(%arg21 : memref<!tpu.dma_semaphore, #tpu.memory_space<semaphore_mem>>)
      %add3A_27 = arith.constant 0 : i32
      %add3A_28 = arith.addi %mul3A_0, %add3A_27 : i32
      %mul3A_29 = arith.constant 128 : i32
      %mul3A_30 = arith.muli %add3A_28, %mul3A_29 : i32
      %dma_wait3A = tpu.memref_slice %arg4[%mul3A_30] : memref<327680xi32, #tpu.memory_space<hbm>> -> memref<128xi32, #tpu.memory_space<hbm>>
      %dma_wait3A_31 = tpu.memref_slice %arg4[%mul3A_30] : memref<327680xi32, #tpu.memory_space<hbm>> -> memref<128xi32, #tpu.memory_space<hbm>>
      tpu.wait_dma2 semaphore(%arg21 : memref<!tpu.dma_semaphore, #tpu.memory_space<semaphore_mem>>) src(%dma_wait3A_31 : memref<128xi32, #tpu.memory_space<hbm>>) dst(%arg8 : memref<128xi32, #tpu.memory_space<vmem>>)
      %add3A_32 = arith.constant 0 : i32
      %add3A_33 = arith.addi %mul3A_0, %add3A_32 : i32
      %mul3A_34 = arith.constant 128 : i32
      %mul3A_35 = arith.muli %add3A_33, %mul3A_34 : i32
      %dma_wait3A_36 = tpu.memref_slice %arg5[%mul3A_35] : memref<327680xi32, #tpu.memory_space<hbm>> -> memref<128xi32, #tpu.memory_space<hbm>>
      %dma_wait3A_37 = tpu.memref_slice %arg5[%mul3A_35] : memref<327680xi32, #tpu.memory_space<hbm>> -> memref<128xi32, #tpu.memory_space<hbm>>
      tpu.wait_dma2 semaphore(%arg21 : memref<!tpu.dma_semaphore, #tpu.memory_space<semaphore_mem>>) src(%dma_wait3A_37 : memref<128xi32, #tpu.memory_space<hbm>>) dst(%arg12 : memref<128xi32, #tpu.memory_space<vmem>>)
      %dma_start3A_38 = arith.constant 0 : i32
      %dma_start3A_39 = arith.constant 0 : i32
      %dma_start3A_40 = tpu.memref_slice %arg2[%dma_start3A_38, %dma_start3A_39] : memref<10000x128xf32, #tpu.memory_space<hbm>> -> memref<10000x128xf32, #tpu.memory_space<hbm>>
      tpu.enqueue_indirect_dma source(%dma_start3A_40 : memref<10000x128xf32, #tpu.memory_space<hbm>>) target(%arg16 : memref<128x128xf32, #tpu.memory_space<vmem>>) offsets(%arg8 : memref<128xi32, #tpu.memory_space<vmem>>) semaphore(%arg19 : memref<!tpu.dma_semaphore, #tpu.memory_space<semaphore_mem>>)
      %add3A_41 = arith.constant 1 : i32
      %add3A_42 = arith.addi %mul3A_0, %add3A_41 : i32
      %mul3A_43 = arith.constant 128 : i32
      %mul3A_44 = arith.muli %add3A_42, %mul3A_43 : i32
      %dma_start3A_45 = tpu.memref_slice %arg4[%mul3A_44] : memref<327680xi32, #tpu.memory_space<hbm>> -> memref<128xi32, #tpu.memory_space<hbm>>
      %dma_start3A_46 = tpu.memref_slice %arg4[%mul3A_44] : memref<327680xi32, #tpu.memory_space<hbm>> -> memref<128xi32, #tpu.memory_space<hbm>>
      tpu.enqueue_dma source(%dma_start3A_46 : memref<128xi32, #tpu.memory_space<hbm>>) target(%arg9 : memref<128xi32, #tpu.memory_space<vmem>>) target_semaphore(%arg22 : memref<!tpu.dma_semaphore, #tpu.memory_space<semaphore_mem>>)
      %add3A_47 = arith.constant 1 : i32
      %add3A_48 = arith.addi %mul3A_0, %add3A_47 : i32
      %mul3A_49 = arith.constant 128 : i32
      %mul3A_50 = arith.muli %add3A_48, %mul3A_49 : i32
      %dma_start3A_51 = tpu.memref_slice %arg5[%mul3A_50] : memref<327680xi32, #tpu.memory_space<hbm>> -> memref<128xi32, #tpu.memory_space<hbm>>
      %dma_start3A_52 = tpu.memref_slice %arg5[%mul3A_50] : memref<327680xi32, #tpu.memory_space<hbm>> -> memref<128xi32, #tpu.memory_space<hbm>>
      tpu.enqueue_dma source(%dma_start3A_52 : memref<128xi32, #tpu.memory_space<hbm>>) target(%arg13 : memref<128xi32, #tpu.memory_space<vmem>>) target_semaphore(%arg22 : memref<!tpu.dma_semaphore, #tpu.memory_space<semaphore_mem>>)
      %scan3A = arith.constant 0 : i32
      %scan3A_53 = arith.constant 0 : i32
      %scan3A_54 = arith.constant 40 : i32
      %scan3A_55 = arith.addi %scan3A_53, %scan3A_54 : i32
      %scan3A_56 = arith.constant 1 : i32
      %scan3A_57 = scf.for %scan3A_70 = %scan3A_53 to %scan3A_55 step %scan3A_56 iter_args(%scan3A_71 = %scan3A) -> (i32)  : i32 {
        %mul3A_72 = arith.constant 4 : i32
        %mul3A_73 = arith.muli %mul3A_72, %scan3A_70 : i32
        %add3A_74 = arith.constant 1 : i32
        %add3A_75 = arith.addi %mul3A_73, %add3A_74 : i32
        %lt3A = arith.constant 160 : i32
        %lt3A_76 = arith.cmpi slt, %add3A_75, %lt3A : i32
        %convert_element_type3A_77 = arith.extui %lt3A_76 : i1 to i32
        %cond3A_78 = arith.constant 0 : i32
        %cond3A_79 = arith.cmpi ne, %convert_element_type3A_77, %cond3A_78 : i32
        scf.if %cond3A_79 {
          %add3A_160 = arith.constant 1 : i32
          %add3A_161 = arith.addi %mul3A_73, %add3A_160 : i32
          %add3A_162 = arith.addi %mul3A_0, %add3A_161 : i32
          %mul3A_163 = arith.constant 128 : i32
          %mul3A_164 = arith.muli %add3A_162, %mul3A_163 : i32
          %dma_wait3A_165 = tpu.memref_slice %arg4[%mul3A_164] : memref<327680xi32, #tpu.memory_space<hbm>> -> memref<128xi32, #tpu.memory_space<hbm>>
          %dma_wait3A_166 = tpu.memref_slice %arg4[%mul3A_164] : memref<327680xi32, #tpu.memory_space<hbm>> -> memref<128xi32, #tpu.memory_space<hbm>>
          tpu.wait_dma2 semaphore(%arg22 : memref<!tpu.dma_semaphore, #tpu.memory_space<semaphore_mem>>) src(%dma_wait3A_166 : memref<128xi32, #tpu.memory_space<hbm>>) dst(%arg9 : memref<128xi32, #tpu.memory_space<vmem>>)
          %add3A_167 = arith.addi %mul3A_0, %add3A_161 : i32
          %mul3A_168 = arith.constant 128 : i32
          %mul3A_169 = arith.muli %add3A_167, %mul3A_168 : i32
          %dma_wait3A_170 = tpu.memref_slice %arg5[%mul3A_169] : memref<327680xi32, #tpu.memory_space<hbm>> -> memref<128xi32, #tpu.memory_space<hbm>>
          %dma_wait3A_171 = tpu.memref_slice %arg5[%mul3A_169] : memref<327680xi32, #tpu.memory_space<hbm>> -> memref<128xi32, #tpu.memory_space<hbm>>
          tpu.wait_dma2 semaphore(%arg22 : memref<!tpu.dma_semaphore, #tpu.memory_space<semaphore_mem>>) src(%dma_wait3A_171 : memref<128xi32, #tpu.memory_space<hbm>>) dst(%arg13 : memref<128xi32, #tpu.memory_space<vmem>>)
          %ge3A = arith.constant 1 : i32
          %ge3A_172 = arith.cmpi sge, %mul3A_73, %ge3A : i32
          %convert_element_type3A_173 = arith.extui %ge3A_172 : i1 to i32
          %cond3A_174 = arith.constant 0 : i32
          %cond3A_175 = arith.cmpi ne, %convert_element_type3A_173, %cond3A_174 : i32
          scf.if %cond3A_175 {
            %dma_wait3A_179 = arith.constant 0 : i32
            %dma_wait3A_180 = arith.constant 0 : i32
            %dma_wait3A_181 = tpu.memref_slice %arg18[%dma_wait3A_179, %dma_wait3A_180] : memref<10240x128xf32, #tpu.memory_space<vmem_shared>> -> memref<10240x128xf32, #tpu.memory_space<vmem_shared>>
            tpu.wait_indirect_dma semaphore(%arg26 : memref<!tpu.dma_semaphore, #tpu.memory_space<semaphore_mem>>) src(%arg17 : memref<128x128xf32, #tpu.memory_space<vmem>>) dst(%dma_wait3A_181 : memref<10240x128xf32, #tpu.memory_space<vmem_shared>>)
          } else {
          }
          %dma_start3A_176 = arith.constant 0 : i32
          %dma_start3A_177 = arith.constant 0 : i32
          %dma_start3A_178 = tpu.memref_slice %arg2[%dma_start3A_176, %dma_start3A_177] : memref<10000x128xf32, #tpu.memory_space<hbm>> -> memref<10000x128xf32, #tpu.memory_space<hbm>>
          tpu.enqueue_indirect_dma source(%dma_start3A_178 : memref<10000x128xf32, #tpu.memory_space<hbm>>) target(%arg17 : memref<128x128xf32, #tpu.memory_space<vmem>>) offsets(%arg9 : memref<128xi32, #tpu.memory_space<vmem>>) semaphore(%arg20 : memref<!tpu.dma_semaphore, #tpu.memory_space<semaphore_mem>>)
        } else {
        }
        %dma_wait3A_80 = arith.constant 0 : i32
        %dma_wait3A_81 = arith.constant 0 : i32
        %dma_wait3A_82 = tpu.memref_slice %arg2[%dma_wait3A_80, %dma_wait3A_81] : memref<10000x128xf32, #tpu.memory_space<hbm>> -> memref<10000x128xf32, #tpu.memory_space<hbm>>
        tpu.wait_indirect_dma semaphore(%arg19 : memref<!tpu.dma_semaphore, #tpu.memory_space<semaphore_mem>>) src(%dma_wait3A_82 : memref<10000x128xf32, #tpu.memory_space<hbm>>) dst(%arg16 : memref<128x128xf32, #tpu.memory_space<vmem>>)
        %dma_start3A_83 = arith.constant 0 : i32
        %dma_start3A_84 = arith.constant 0 : i32
        %dma_start3A_85 = tpu.memref_slice %arg18[%dma_start3A_83, %dma_start3A_84] : memref<10240x128xf32, #tpu.memory_space<vmem_shared>> -> memref<10240x128xf32, #tpu.memory_space<vmem_shared>>
        tpu.enqueue_indirect_dma source(%arg16 : memref<128x128xf32, #tpu.memory_space<vmem>>) target(%dma_start3A_85 : memref<10240x128xf32, #tpu.memory_space<vmem_shared>>) offsets(%arg12 : memref<128xi32, #tpu.memory_space<vmem>>) semaphore(%arg25 : memref<!tpu.dma_semaphore, #tpu.memory_space<semaphore_mem>>) {add = true}
        %add3A_86 = arith.constant 2 : i32
        %add3A_87 = arith.addi %mul3A_73, %add3A_86 : i32
        %lt3A_88 = arith.constant 160 : i32
        %lt3A_89 = arith.cmpi slt, %add3A_87, %lt3A_88 : i32
        %convert_element_type3A_90 = arith.extui %lt3A_89 : i1 to i32
        %cond3A_91 = arith.constant 0 : i32
        %cond3A_92 = arith.cmpi ne, %convert_element_type3A_90, %cond3A_91 : i32
        scf.if %cond3A_92 {
          %add3A_160 = arith.constant 2 : i32
          %add3A_161 = arith.addi %mul3A_73, %add3A_160 : i32
          %add3A_162 = arith.addi %mul3A_0, %add3A_161 : i32
          %mul3A_163 = arith.constant 128 : i32
          %mul3A_164 = arith.muli %add3A_162, %mul3A_163 : i32
          %dma_start3A_165 = tpu.memref_slice %arg4[%mul3A_164] : memref<327680xi32, #tpu.memory_space<hbm>> -> memref<128xi32, #tpu.memory_space<hbm>>
          %dma_start3A_166 = tpu.memref_slice %arg4[%mul3A_164] : memref<327680xi32, #tpu.memory_space<hbm>> -> memref<128xi32, #tpu.memory_space<hbm>>
          tpu.enqueue_dma source(%dma_start3A_166 : memref<128xi32, #tpu.memory_space<hbm>>) target(%arg10 : memref<128xi32, #tpu.memory_space<vmem>>) target_semaphore(%arg23 : memref<!tpu.dma_semaphore, #tpu.memory_space<semaphore_mem>>)
          %add3A_167 = arith.addi %mul3A_0, %add3A_161 : i32
          %mul3A_168 = arith.constant 128 : i32
          %mul3A_169 = arith.muli %add3A_167, %mul3A_168 : i32
          %dma_start3A_170 = tpu.memref_slice %arg5[%mul3A_169] : memref<327680xi32, #tpu.memory_space<hbm>> -> memref<128xi32, #tpu.memory_space<hbm>>
          %dma_start3A_171 = tpu.memref_slice %arg5[%mul3A_169] : memref<327680xi32, #tpu.memory_space<hbm>> -> memref<128xi32, #tpu.memory_space<hbm>>
          tpu.enqueue_dma source(%dma_start3A_171 : memref<128xi32, #tpu.memory_space<hbm>>) target(%arg14 : memref<128xi32, #tpu.memory_space<vmem>>) target_semaphore(%arg23 : memref<!tpu.dma_semaphore, #tpu.memory_space<semaphore_mem>>)
        } else {
        }
        %add3A_93 = arith.constant 1 : i32
        %add3A_94 = arith.addi %mul3A_73, %add3A_93 : i32
        %add3A_95 = arith.constant 1 : i32
        %add3A_96 = arith.addi %add3A_94, %add3A_95 : i32
        %lt3A_97 = arith.constant 160 : i32
        %lt3A_98 = arith.cmpi slt, %add3A_96, %lt3A_97 : i32
        %convert_element_type3A_99 = arith.extui %lt3A_98 : i1 to i32
        %cond3A_100 = arith.constant 0 : i32
        %cond3A_101 = arith.cmpi ne, %convert_element_type3A_99, %cond3A_100 : i32
        scf.if %cond3A_101 {
          %add3A_160 = arith.constant 1 : i32
          %add3A_161 = arith.addi %add3A_94, %add3A_160 : i32
          %add3A_162 = arith.addi %mul3A_0, %add3A_161 : i32
          %mul3A_163 = arith.constant 128 : i32
          %mul3A_164 = arith.muli %add3A_162, %mul3A_163 : i32
          %dma_wait3A_165 = tpu.memref_slice %arg4[%mul3A_164] : memref<327680xi32, #tpu.memory_space<hbm>> -> memref<128xi32, #tpu.memory_space<hbm>>
          %dma_wait3A_166 = tpu.memref_slice %arg4[%mul3A_164] : memref<327680xi32, #tpu.memory_space<hbm>> -> memref<128xi32, #tpu.memory_space<hbm>>
          tpu.wait_dma2 semaphore(%arg23 : memref<!tpu.dma_semaphore, #tpu.memory_space<semaphore_mem>>) src(%dma_wait3A_166 : memref<128xi32, #tpu.memory_space<hbm>>) dst(%arg10 : memref<128xi32, #tpu.memory_space<vmem>>)
          %add3A_167 = arith.addi %mul3A_0, %add3A_161 : i32
          %mul3A_168 = arith.constant 128 : i32
          %mul3A_169 = arith.muli %add3A_167, %mul3A_168 : i32
          %dma_wait3A_170 = tpu.memref_slice %arg5[%mul3A_169] : memref<327680xi32, #tpu.memory_space<hbm>> -> memref<128xi32, #tpu.memory_space<hbm>>
          %dma_wait3A_171 = tpu.memref_slice %arg5[%mul3A_169] : memref<327680xi32, #tpu.memory_space<hbm>> -> memref<128xi32, #tpu.memory_space<hbm>>
          tpu.wait_dma2 semaphore(%arg23 : memref<!tpu.dma_semaphore, #tpu.memory_space<semaphore_mem>>) src(%dma_wait3A_171 : memref<128xi32, #tpu.memory_space<hbm>>) dst(%arg14 : memref<128xi32, #tpu.memory_space<vmem>>)
          %ge3A = arith.constant 1 : i32
          %ge3A_172 = arith.cmpi sge, %add3A_94, %ge3A : i32
          %convert_element_type3A_173 = arith.extui %ge3A_172 : i1 to i32
          %cond3A_174 = arith.constant 0 : i32
          %cond3A_175 = arith.cmpi ne, %convert_element_type3A_173, %cond3A_174 : i32
          scf.if %cond3A_175 {
            %dma_wait3A_179 = arith.constant 0 : i32
            %dma_wait3A_180 = arith.constant 0 : i32
            %dma_wait3A_181 = tpu.memref_slice %arg18[%dma_wait3A_179, %dma_wait3A_180] : memref<10240x128xf32, #tpu.memory_space<vmem_shared>> -> memref<10240x128xf32, #tpu.memory_space<vmem_shared>>
            tpu.wait_indirect_dma semaphore(%arg25 : memref<!tpu.dma_semaphore, #tpu.memory_space<semaphore_mem>>) src(%arg16 : memref<128x128xf32, #tpu.memory_space<vmem>>) dst(%dma_wait3A_181 : memref<10240x128xf32, #tpu.memory_space<vmem_shared>>)
          } else {
          }
          %dma_start3A_176 = arith.constant 0 : i32
          %dma_start3A_177 = arith.constant 0 : i32
          %dma_start3A_178 = tpu.memref_slice %arg2[%dma_start3A_176, %dma_start3A_177] : memref<10000x128xf32, #tpu.memory_space<hbm>> -> memref<10000x128xf32, #tpu.memory_space<hbm>>
          tpu.enqueue_indirect_dma source(%dma_start3A_178 : memref<10000x128xf32, #tpu.memory_space<hbm>>) target(%arg16 : memref<128x128xf32, #tpu.memory_space<vmem>>) offsets(%arg10 : memref<128xi32, #tpu.memory_space<vmem>>) semaphore(%arg19 : memref<!tpu.dma_semaphore, #tpu.memory_space<semaphore_mem>>)
        } else {
        }
        %dma_wait3A_102 = arith.constant 0 : i32
        %dma_wait3A_103 = arith.constant 0 : i32
        %dma_wait3A_104 = tpu.memref_slice %arg2[%dma_wait3A_102, %dma_wait3A_103] : memref<10000x128xf32, #tpu.memory_space<hbm>> -> memref<10000x128xf32, #tpu.memory_space<hbm>>
        tpu.wait_indirect_dma semaphore(%arg20 : memref<!tpu.dma_semaphore, #tpu.memory_space<semaphore_mem>>) src(%dma_wait3A_104 : memref<10000x128xf32, #tpu.memory_space<hbm>>) dst(%arg17 : memref<128x128xf32, #tpu.memory_space<vmem>>)
        %dma_start3A_105 = arith.constant 0 : i32
        %dma_start3A_106 = arith.constant 0 : i32
        %dma_start3A_107 = tpu.memref_slice %arg18[%dma_start3A_105, %dma_start3A_106] : memref<10240x128xf32, #tpu.memory_space<vmem_shared>> -> memref<10240x128xf32, #tpu.memory_space<vmem_shared>>
        tpu.enqueue_indirect_dma source(%arg17 : memref<128x128xf32, #tpu.memory_space<vmem>>) target(%dma_start3A_107 : memref<10240x128xf32, #tpu.memory_space<vmem_shared>>) offsets(%arg13 : memref<128xi32, #tpu.memory_space<vmem>>) semaphore(%arg26 : memref<!tpu.dma_semaphore, #tpu.memory_space<semaphore_mem>>) {add = true}
        %add3A_108 = arith.constant 2 : i32
        %add3A_109 = arith.addi %add3A_94, %add3A_108 : i32
        %lt3A_110 = arith.constant 160 : i32
        %lt3A_111 = arith.cmpi slt, %add3A_109, %lt3A_110 : i32
        %convert_element_type3A_112 = arith.extui %lt3A_111 : i1 to i32
        %cond3A_113 = arith.constant 0 : i32
        %cond3A_114 = arith.cmpi ne, %convert_element_type3A_112, %cond3A_113 : i32
        scf.if %cond3A_114 {
          %add3A_160 = arith.constant 2 : i32
          %add3A_161 = arith.addi %add3A_94, %add3A_160 : i32
          %add3A_162 = arith.addi %mul3A_0, %add3A_161 : i32
          %mul3A_163 = arith.constant 128 : i32
          %mul3A_164 = arith.muli %add3A_162, %mul3A_163 : i32
          %dma_start3A_165 = tpu.memref_slice %arg4[%mul3A_164] : memref<327680xi32, #tpu.memory_space<hbm>> -> memref<128xi32, #tpu.memory_space<hbm>>
          %dma_start3A_166 = tpu.memref_slice %arg4[%mul3A_164] : memref<327680xi32, #tpu.memory_space<hbm>> -> memref<128xi32, #tpu.memory_space<hbm>>
          tpu.enqueue_dma source(%dma_start3A_166 : memref<128xi32, #tpu.memory_space<hbm>>) target(%arg11 : memref<128xi32, #tpu.memory_space<vmem>>) target_semaphore(%arg24 : memref<!tpu.dma_semaphore, #tpu.memory_space<semaphore_mem>>)
          %add3A_167 = arith.addi %mul3A_0, %add3A_161 : i32
          %mul3A_168 = arith.constant 128 : i32
          %mul3A_169 = arith.muli %add3A_167, %mul3A_168 : i32
          %dma_start3A_170 = tpu.memref_slice %arg5[%mul3A_169] : memref<327680xi32, #tpu.memory_space<hbm>> -> memref<128xi32, #tpu.memory_space<hbm>>
          %dma_start3A_171 = tpu.memref_slice %arg5[%mul3A_169] : memref<327680xi32, #tpu.memory_space<hbm>> -> memref<128xi32, #tpu.memory_space<hbm>>
          tpu.enqueue_dma source(%dma_start3A_171 : memref<128xi32, #tpu.memory_space<hbm>>) target(%arg15 : memref<128xi32, #tpu.memory_space<vmem>>) target_semaphore(%arg24 : memref<!tpu.dma_semaphore, #tpu.memory_space<semaphore_mem>>)
        } else {
        }
        %add3A_115 = arith.constant 2 : i32
        %add3A_116 = arith.addi %mul3A_73, %add3A_115 : i32
        %add3A_117 = arith.constant 1 : i32
        %add3A_118 = arith.addi %add3A_116, %add3A_117 : i32
        %lt3A_119 = arith.constant 160 : i32
        %lt3A_120 = arith.cmpi slt, %add3A_118, %lt3A_119 : i32
        %convert_element_type3A_121 = arith.extui %lt3A_120 : i1 to i32
        %cond3A_122 = arith.constant 0 : i32
        %cond3A_123 = arith.cmpi ne, %convert_element_type3A_121, %cond3A_122 : i32
        scf.if %cond3A_123 {
          %add3A_160 = arith.constant 1 : i32
          %add3A_161 = arith.addi %add3A_116, %add3A_160 : i32
          %add3A_162 = arith.addi %mul3A_0, %add3A_161 : i32
          %mul3A_163 = arith.constant 128 : i32
          %mul3A_164 = arith.muli %add3A_162, %mul3A_163 : i32
          %dma_wait3A_165 = tpu.memref_slice %arg4[%mul3A_164] : memref<327680xi32, #tpu.memory_space<hbm>> -> memref<128xi32, #tpu.memory_space<hbm>>
          %dma_wait3A_166 = tpu.memref_slice %arg4[%mul3A_164] : memref<327680xi32, #tpu.memory_space<hbm>> -> memref<128xi32, #tpu.memory_space<hbm>>
          tpu.wait_dma2 semaphore(%arg24 : memref<!tpu.dma_semaphore, #tpu.memory_space<semaphore_mem>>) src(%dma_wait3A_166 : memref<128xi32, #tpu.memory_space<hbm>>) dst(%arg11 : memref<128xi32, #tpu.memory_space<vmem>>)
          %add3A_167 = arith.addi %mul3A_0, %add3A_161 : i32
          %mul3A_168 = arith.constant 128 : i32
          %mul3A_169 = arith.muli %add3A_167, %mul3A_168 : i32
          %dma_wait3A_170 = tpu.memref_slice %arg5[%mul3A_169] : memref<327680xi32, #tpu.memory_space<hbm>> -> memref<128xi32, #tpu.memory_space<hbm>>
          %dma_wait3A_171 = tpu.memref_slice %arg5[%mul3A_169] : memref<327680xi32, #tpu.memory_space<hbm>> -> memref<128xi32, #tpu.memory_space<hbm>>
          tpu.wait_dma2 semaphore(%arg24 : memref<!tpu.dma_semaphore, #tpu.memory_space<semaphore_mem>>) src(%dma_wait3A_171 : memref<128xi32, #tpu.memory_space<hbm>>) dst(%arg15 : memref<128xi32, #tpu.memory_space<vmem>>)
          %ge3A = arith.constant 1 : i32
          %ge3A_172 = arith.cmpi sge, %add3A_116, %ge3A : i32
          %convert_element_type3A_173 = arith.extui %ge3A_172 : i1 to i32
          %cond3A_174 = arith.constant 0 : i32
          %cond3A_175 = arith.cmpi ne, %convert_element_type3A_173, %cond3A_174 : i32
          scf.if %cond3A_175 {
            %dma_wait3A_179 = arith.constant 0 : i32
            %dma_wait3A_180 = arith.constant 0 : i32
            %dma_wait3A_181 = tpu.memref_slice %arg18[%dma_wait3A_179, %dma_wait3A_180] : memref<10240x128xf32, #tpu.memory_space<vmem_shared>> -> memref<10240x128xf32, #tpu.memory_space<vmem_shared>>
            tpu.wait_indirect_dma semaphore(%arg26 : memref<!tpu.dma_semaphore, #tpu.memory_space<semaphore_mem>>) src(%arg17 : memref<128x128xf32, #tpu.memory_space<vmem>>) dst(%dma_wait3A_181 : memref<10240x128xf32, #tpu.memory_space<vmem_shared>>)
          } else {
          }
          %dma_start3A_176 = arith.constant 0 : i32
          %dma_start3A_177 = arith.constant 0 : i32
          %dma_start3A_178 = tpu.memref_slice %arg2[%dma_start3A_176, %dma_start3A_177] : memref<10000x128xf32, #tpu.memory_space<hbm>> -> memref<10000x128xf32, #tpu.memory_space<hbm>>
          tpu.enqueue_indirect_dma source(%dma_start3A_178 : memref<10000x128xf32, #tpu.memory_space<hbm>>) target(%arg17 : memref<128x128xf32, #tpu.memory_space<vmem>>) offsets(%arg11 : memref<128xi32, #tpu.memory_space<vmem>>) semaphore(%arg20 : memref<!tpu.dma_semaphore, #tpu.memory_space<semaphore_mem>>)
        } else {
        }
        %dma_wait3A_124 = arith.constant 0 : i32
        %dma_wait3A_125 = arith.constant 0 : i32
        %dma_wait3A_126 = tpu.memref_slice %arg2[%dma_wait3A_124, %dma_wait3A_125] : memref<10000x128xf32, #tpu.memory_space<hbm>> -> memref<10000x128xf32, #tpu.memory_space<hbm>>
        tpu.wait_indirect_dma semaphore(%arg19 : memref<!tpu.dma_semaphore, #tpu.memory_space<semaphore_mem>>) src(%dma_wait3A_126 : memref<10000x128xf32, #tpu.memory_space<hbm>>) dst(%arg16 : memref<128x128xf32, #tpu.memory_space<vmem>>)
        %dma_start3A_127 = arith.constant 0 : i32
        %dma_start3A_128 = arith.constant 0 : i32
        %dma_start3A_129 = tpu.memref_slice %arg18[%dma_start3A_127, %dma_start3A_128] : memref<10240x128xf32, #tpu.memory_space<vmem_shared>> -> memref<10240x128xf32, #tpu.memory_space<vmem_shared>>
        tpu.enqueue_indirect_dma source(%arg16 : memref<128x128xf32, #tpu.memory_space<vmem>>) target(%dma_start3A_129 : memref<10240x128xf32, #tpu.memory_space<vmem_shared>>) offsets(%arg14 : memref<128xi32, #tpu.memory_space<vmem>>) semaphore(%arg25 : memref<!tpu.dma_semaphore, #tpu.memory_space<semaphore_mem>>) {add = true}
        %add3A_130 = arith.constant 2 : i32
        %add3A_131 = arith.addi %add3A_116, %add3A_130 : i32
        %lt3A_132 = arith.constant 160 : i32
        %lt3A_133 = arith.cmpi slt, %add3A_131, %lt3A_132 : i32
        %convert_element_type3A_134 = arith.extui %lt3A_133 : i1 to i32
        %cond3A_135 = arith.constant 0 : i32
        %cond3A_136 = arith.cmpi ne, %convert_element_type3A_134, %cond3A_135 : i32
        scf.if %cond3A_136 {
          %add3A_160 = arith.constant 2 : i32
          %add3A_161 = arith.addi %add3A_116, %add3A_160 : i32
          %add3A_162 = arith.addi %mul3A_0, %add3A_161 : i32
          %mul3A_163 = arith.constant 128 : i32
          %mul3A_164 = arith.muli %add3A_162, %mul3A_163 : i32
          %dma_start3A_165 = tpu.memref_slice %arg4[%mul3A_164] : memref<327680xi32, #tpu.memory_space<hbm>> -> memref<128xi32, #tpu.memory_space<hbm>>
          %dma_start3A_166 = tpu.memref_slice %arg4[%mul3A_164] : memref<327680xi32, #tpu.memory_space<hbm>> -> memref<128xi32, #tpu.memory_space<hbm>>
          tpu.enqueue_dma source(%dma_start3A_166 : memref<128xi32, #tpu.memory_space<hbm>>) target(%arg8 : memref<128xi32, #tpu.memory_space<vmem>>) target_semaphore(%arg21 : memref<!tpu.dma_semaphore, #tpu.memory_space<semaphore_mem>>)
          %add3A_167 = arith.addi %mul3A_0, %add3A_161 : i32
          %mul3A_168 = arith.constant 128 : i32
          %mul3A_169 = arith.muli %add3A_167, %mul3A_168 : i32
          %dma_start3A_170 = tpu.memref_slice %arg5[%mul3A_169] : memref<327680xi32, #tpu.memory_space<hbm>> -> memref<128xi32, #tpu.memory_space<hbm>>
          %dma_start3A_171 = tpu.memref_slice %arg5[%mul3A_169] : memref<327680xi32, #tpu.memory_space<hbm>> -> memref<128xi32, #tpu.memory_space<hbm>>
          tpu.enqueue_dma source(%dma_start3A_171 : memref<128xi32, #tpu.memory_space<hbm>>) target(%arg12 : memref<128xi32, #tpu.memory_space<vmem>>) target_semaphore(%arg21 : memref<!tpu.dma_semaphore, #tpu.memory_space<semaphore_mem>>)
        } else {
        }
        %add3A_137 = arith.constant 3 : i32
        %add3A_138 = arith.addi %mul3A_73, %add3A_137 : i32
        %add3A_139 = arith.constant 1 : i32
        %add3A_140 = arith.addi %add3A_138, %add3A_139 : i32
        %lt3A_141 = arith.constant 160 : i32
        %lt3A_142 = arith.cmpi slt, %add3A_140, %lt3A_141 : i32
        %convert_element_type3A_143 = arith.extui %lt3A_142 : i1 to i32
        %cond3A_144 = arith.constant 0 : i32
        %cond3A_145 = arith.cmpi ne, %convert_element_type3A_143, %cond3A_144 : i32
        scf.if %cond3A_145 {
          %add3A_160 = arith.constant 1 : i32
          %add3A_161 = arith.addi %add3A_138, %add3A_160 : i32
          %add3A_162 = arith.addi %mul3A_0, %add3A_161 : i32
          %mul3A_163 = arith.constant 128 : i32
          %mul3A_164 = arith.muli %add3A_162, %mul3A_163 : i32
          %dma_wait3A_165 = tpu.memref_slice %arg4[%mul3A_164] : memref<327680xi32, #tpu.memory_space<hbm>> -> memref<128xi32, #tpu.memory_space<hbm>>
          %dma_wait3A_166 = tpu.memref_slice %arg4[%mul3A_164] : memref<327680xi32, #tpu.memory_space<hbm>> -> memref<128xi32, #tpu.memory_space<hbm>>
          tpu.wait_dma2 semaphore(%arg21 : memref<!tpu.dma_semaphore, #tpu.memory_space<semaphore_mem>>) src(%dma_wait3A_166 : memref<128xi32, #tpu.memory_space<hbm>>) dst(%arg8 : memref<128xi32, #tpu.memory_space<vmem>>)
          %add3A_167 = arith.addi %mul3A_0, %add3A_161 : i32
          %mul3A_168 = arith.constant 128 : i32
          %mul3A_169 = arith.muli %add3A_167, %mul3A_168 : i32
          %dma_wait3A_170 = tpu.memref_slice %arg5[%mul3A_169] : memref<327680xi32, #tpu.memory_space<hbm>> -> memref<128xi32, #tpu.memory_space<hbm>>
          %dma_wait3A_171 = tpu.memref_slice %arg5[%mul3A_169] : memref<327680xi32, #tpu.memory_space<hbm>> -> memref<128xi32, #tpu.memory_space<hbm>>
          tpu.wait_dma2 semaphore(%arg21 : memref<!tpu.dma_semaphore, #tpu.memory_space<semaphore_mem>>) src(%dma_wait3A_171 : memref<128xi32, #tpu.memory_space<hbm>>) dst(%arg12 : memref<128xi32, #tpu.memory_space<vmem>>)
          %ge3A = arith.constant 1 : i32
          %ge3A_172 = arith.cmpi sge, %add3A_138, %ge3A : i32
          %convert_element_type3A_173 = arith.extui %ge3A_172 : i1 to i32
          %cond3A_174 = arith.constant 0 : i32
          %cond3A_175 = arith.cmpi ne, %convert_element_type3A_173, %cond3A_174 : i32
          scf.if %cond3A_175 {
            %dma_wait3A_179 = arith.constant 0 : i32
            %dma_wait3A_180 = arith.constant 0 : i32
            %dma_wait3A_181 = tpu.memref_slice %arg18[%dma_wait3A_179, %dma_wait3A_180] : memref<10240x128xf32, #tpu.memory_space<vmem_shared>> -> memref<10240x128xf32, #tpu.memory_space<vmem_shared>>
            tpu.wait_indirect_dma semaphore(%arg25 : memref<!tpu.dma_semaphore, #tpu.memory_space<semaphore_mem>>) src(%arg16 : memref<128x128xf32, #tpu.memory_space<vmem>>) dst(%dma_wait3A_181 : memref<10240x128xf32, #tpu.memory_space<vmem_shared>>)
          } else {
          }
          %dma_start3A_176 = arith.constant 0 : i32
          %dma_start3A_177 = arith.constant 0 : i32
          %dma_start3A_178 = tpu.memref_slice %arg2[%dma_start3A_176, %dma_start3A_177] : memref<10000x128xf32, #tpu.memory_space<hbm>> -> memref<10000x128xf32, #tpu.memory_space<hbm>>
          tpu.enqueue_indirect_dma source(%dma_start3A_178 : memref<10000x128xf32, #tpu.memory_space<hbm>>) target(%arg16 : memref<128x128xf32, #tpu.memory_space<vmem>>) offsets(%arg8 : memref<128xi32, #tpu.memory_space<vmem>>) semaphore(%arg19 : memref<!tpu.dma_semaphore, #tpu.memory_space<semaphore_mem>>)
        } else {
        }
        %dma_wait3A_146 = arith.constant 0 : i32
        %dma_wait3A_147 = arith.constant 0 : i32
        %dma_wait3A_148 = tpu.memref_slice %arg2[%dma_wait3A_146, %dma_wait3A_147] : memref<10000x128xf32, #tpu.memory_space<hbm>> -> memref<10000x128xf32, #tpu.memory_space<hbm>>
        tpu.wait_indirect_dma semaphore(%arg20 : memref<!tpu.dma_semaphore, #tpu.memory_space<semaphore_mem>>) src(%dma_wait3A_148 : memref<10000x128xf32, #tpu.memory_space<hbm>>) dst(%arg17 : memref<128x128xf32, #tpu.memory_space<vmem>>)
        %dma_start3A_149 = arith.constant 0 : i32
        %dma_start3A_150 = arith.constant 0 : i32
        %dma_start3A_151 = tpu.memref_slice %arg18[%dma_start3A_149, %dma_start3A_150] : memref<10240x128xf32, #tpu.memory_space<vmem_shared>> -> memref<10240x128xf32, #tpu.memory_space<vmem_shared>>
        tpu.enqueue_indirect_dma source(%arg17 : memref<128x128xf32, #tpu.memory_space<vmem>>) target(%dma_start3A_151 : memref<10240x128xf32, #tpu.memory_space<vmem_shared>>) offsets(%arg15 : memref<128xi32, #tpu.memory_space<vmem>>) semaphore(%arg26 : memref<!tpu.dma_semaphore, #tpu.memory_space<semaphore_mem>>) {add = true}
        %add3A_152 = arith.constant 2 : i32
        %add3A_153 = arith.addi %add3A_138, %add3A_152 : i32
        %lt3A_154 = arith.constant 160 : i32
        %lt3A_155 = arith.cmpi slt, %add3A_153, %lt3A_154 : i32
        %convert_element_type3A_156 = arith.extui %lt3A_155 : i1 to i32
        %cond3A_157 = arith.constant 0 : i32
        %cond3A_158 = arith.cmpi ne, %convert_element_type3A_156, %cond3A_157 : i32
        scf.if %cond3A_158 {
          %add3A_160 = arith.constant 2 : i32
          %add3A_161 = arith.addi %add3A_138, %add3A_160 : i32
          %add3A_162 = arith.addi %mul3A_0, %add3A_161 : i32
          %mul3A_163 = arith.constant 128 : i32
          %mul3A_164 = arith.muli %add3A_162, %mul3A_163 : i32
          %dma_start3A_165 = tpu.memref_slice %arg4[%mul3A_164] : memref<327680xi32, #tpu.memory_space<hbm>> -> memref<128xi32, #tpu.memory_space<hbm>>
          %dma_start3A_166 = tpu.memref_slice %arg4[%mul3A_164] : memref<327680xi32, #tpu.memory_space<hbm>> -> memref<128xi32, #tpu.memory_space<hbm>>
          tpu.enqueue_dma source(%dma_start3A_166 : memref<128xi32, #tpu.memory_space<hbm>>) target(%arg9 : memref<128xi32, #tpu.memory_space<vmem>>) target_semaphore(%arg22 : memref<!tpu.dma_semaphore, #tpu.memory_space<semaphore_mem>>)
          %add3A_167 = arith.addi %mul3A_0, %add3A_161 : i32
          %mul3A_168 = arith.constant 128 : i32
          %mul3A_169 = arith.muli %add3A_167, %mul3A_168 : i32
          %dma_start3A_170 = tpu.memref_slice %arg5[%mul3A_169] : memref<327680xi32, #tpu.memory_space<hbm>> -> memref<128xi32, #tpu.memory_space<hbm>>
          %dma_start3A_171 = tpu.memref_slice %arg5[%mul3A_169] : memref<327680xi32, #tpu.memory_space<hbm>> -> memref<128xi32, #tpu.memory_space<hbm>>
          tpu.enqueue_dma source(%dma_start3A_171 : memref<128xi32, #tpu.memory_space<hbm>>) target(%arg13 : memref<128xi32, #tpu.memory_space<vmem>>) target_semaphore(%arg22 : memref<!tpu.dma_semaphore, #tpu.memory_space<semaphore_mem>>)
        } else {
        }
        %scan3A_159 = arith.constant 0 : i32
        scf.yield %scan3A_159 : i32
      }
      %scan3A_58 = arith.constant 40 : i32
      %dma_wait3A_59 = arith.constant 0 : i32
      %dma_wait3A_60 = arith.constant 0 : i32
      %dma_wait3A_61 = tpu.memref_slice %arg18[%dma_wait3A_59, %dma_wait3A_60] : memref<10240x128xf32, #tpu.memory_space<vmem_shared>> -> memref<10240x128xf32, #tpu.memory_space<vmem_shared>>
      tpu.wait_indirect_dma semaphore(%arg25 : memref<!tpu.dma_semaphore, #tpu.memory_space<semaphore_mem>>) src(%arg16 : memref<128x128xf32, #tpu.memory_space<vmem>>) dst(%dma_wait3A_61 : memref<10240x128xf32, #tpu.memory_space<vmem_shared>>)
      %dma_wait3A_62 = arith.constant 0 : i32
      %dma_wait3A_63 = arith.constant 0 : i32
      %dma_wait3A_64 = tpu.memref_slice %arg18[%dma_wait3A_62, %dma_wait3A_63] : memref<10240x128xf32, #tpu.memory_space<vmem_shared>> -> memref<10240x128xf32, #tpu.memory_space<vmem_shared>>
      tpu.wait_indirect_dma semaphore(%arg26 : memref<!tpu.dma_semaphore, #tpu.memory_space<semaphore_mem>>) src(%arg17 : memref<128x128xf32, #tpu.memory_space<vmem>>) dst(%dma_wait3A_64 : memref<10240x128xf32, #tpu.memory_space<vmem_shared>>)
      %barrier3A_65 = arith.constant 0 : index
      tpu.barrier barrier_id(%barrier3A_65)
      %mul3A_66 = arith.constant 640 : i32
      %mul3A_67 = arith.muli %arg1, %mul3A_66 : i32
      %mul3A_68 = arith.constant 640 : i32
      %mul3A_69 = arith.muli %arg1, %mul3A_68 : i32
      "tpu.region"() ({
        %run_scoped3A = tpu.sem_alloc : memref<!tpu.dma_semaphore, #tpu.memory_space<semaphore_mem>>
        %dma_start3A_70 = arith.constant 0 : i32
        %dma_start3A_71 = tpu.memref_slice %arg6[%mul3A_69, %dma_start3A_70] : memref<10240x128xf32, #tpu.memory_space<hbm>> -> memref<640x128xf32, #tpu.memory_space<hbm>>
        %dma_start3A_72 = arith.constant 0 : i32
        %dma_start3A_73 = tpu.memref_slice %arg18[%mul3A_67, %dma_start3A_72] : memref<10240x128xf32, #tpu.memory_space<vmem_shared>> -> memref<640x128xf32, #tpu.memory_space<vmem_shared>>
        tpu.enqueue_dma source(%dma_start3A_73 : memref<640x128xf32, #tpu.memory_space<vmem_shared>>) target(%dma_start3A_71 : memref<640x128xf32, #tpu.memory_space<hbm>>) target_semaphore(%run_scoped3A : memref<!tpu.dma_semaphore, #tpu.memory_space<semaphore_mem>>)
        %dma_wait3A_74 = arith.constant 0 : i32
        %dma_wait3A_75 = tpu.memref_slice %arg6[%mul3A_69, %dma_wait3A_74] : memref<10240x128xf32, #tpu.memory_space<hbm>> -> memref<640x128xf32, #tpu.memory_space<hbm>>
        %dma_wait3A_76 = arith.constant 0 : i32
        %dma_wait3A_77 = tpu.memref_slice %arg18[%mul3A_67, %dma_wait3A_76] : memref<10240x128xf32, #tpu.memory_space<vmem_shared>> -> memref<640x128xf32, #tpu.memory_space<vmem_shared>>
        tpu.wait_dma2 semaphore(%run_scoped3A : memref<!tpu.dma_semaphore, #tpu.memory_space<semaphore_mem>>) src(%dma_wait3A_77 : memref<640x128xf32, #tpu.memory_space<vmem_shared>>) dst(%dma_wait3A_75 : memref<640x128xf32, #tpu.memory_space<hbm>>)
        tpu.yield
      }) : () -> ()
    } else {
    }
    %eq3A_3 = arith.constant 1 : i32
    %eq3A_4 = arith.cmpi eq, %arg0, %eq3A_3 : i32
    %convert_element_type3A_5 = arith.extui %eq3A_4 : i1 to i32
    %cond3A_6 = arith.constant 0 : i32
    %cond3A_7 = arith.cmpi ne, %convert_element_type3A_5, %cond3A_6 : i32
    scf.if %cond3A_7 {
      %ne3A = arith.constant 15 : i32
      %ne3A_8 = arith.cmpi ne, %arg1, %ne3A : i32
      %convert_element_type3A_9 = arith.extui %ne3A_8 : i1 to i32
      %cond3A_10 = arith.constant 0 : i32
      %cond3A_11 = arith.cmpi ne, %convert_element_type3A_9, %cond3A_10 : i32
      scf.if %cond3A_11 {
        %mul3A_70 = arith.constant 640 : i32
        %mul3A_71 = arith.muli %arg1, %mul3A_70 : i32
        %mul3A_72 = arith.constant 640 : i32
        %mul3A_73 = arith.muli %arg1, %mul3A_72 : i32
        "tpu.region"() ({
          %run_scoped3A = tpu.sem_alloc : memref<!tpu.dma_semaphore, #tpu.memory_space<semaphore_mem>>
          %dma_start3A_74 = arith.constant 0 : i32
          %dma_start3A_75 = tpu.memref_slice %arg18[%mul3A_73, %dma_start3A_74] : memref<10240x128xf32, #tpu.memory_space<vmem_shared>> -> memref<640x128xf32, #tpu.memory_space<vmem_shared>>
          %dma_start3A_76 = arith.constant 0 : i32
          %dma_start3A_77 = tpu.memref_slice %arg3[%mul3A_71, %dma_start3A_76] : memref<10000x128xf32, #tpu.memory_space<hbm>> -> memref<640x128xf32, #tpu.memory_space<hbm>>
          tpu.enqueue_dma source(%dma_start3A_77 : memref<640x128xf32, #tpu.memory_space<hbm>>) target(%dma_start3A_75 : memref<640x128xf32, #tpu.memory_space<vmem_shared>>) target_semaphore(%run_scoped3A : memref<!tpu.dma_semaphore, #tpu.memory_space<semaphore_mem>>)
          %dma_wait3A_78 = arith.constant 0 : i32
          %dma_wait3A_79 = tpu.memref_slice %arg18[%mul3A_73, %dma_wait3A_78] : memref<10240x128xf32, #tpu.memory_space<vmem_shared>> -> memref<640x128xf32, #tpu.memory_space<vmem_shared>>
          %dma_wait3A_80 = arith.constant 0 : i32
          %dma_wait3A_81 = tpu.memref_slice %arg3[%mul3A_71, %dma_wait3A_80] : memref<10000x128xf32, #tpu.memory_space<hbm>> -> memref<640x128xf32, #tpu.memory_space<hbm>>
          tpu.wait_dma2 semaphore(%run_scoped3A : memref<!tpu.dma_semaphore, #tpu.memory_space<semaphore_mem>>) src(%dma_wait3A_81 : memref<640x128xf32, #tpu.memory_space<hbm>>) dst(%dma_wait3A_79 : memref<640x128xf32, #tpu.memory_space<vmem_shared>>)
          tpu.yield
        }) : () -> ()
      } else {
      }
      %eq3A_12 = arith.constant 15 : i32
      %eq3A_13 = arith.cmpi eq, %arg1, %eq3A_12 : i32
      %convert_element_type3A_14 = arith.extui %eq3A_13 : i1 to i32
      %cond3A_15 = arith.constant 0 : i32
      %cond3A_16 = arith.cmpi ne, %convert_element_type3A_14, %cond3A_15 : i32
      scf.if %cond3A_16 {
        "tpu.region"() ({
          %run_scoped3A = tpu.sem_alloc : memref<!tpu.dma_semaphore, #tpu.memory_space<semaphore_mem>>
          %dma_start3A_70 = arith.constant 9600 : i32
          %dma_start3A_71 = arith.constant 0 : i32
          %dma_start3A_72 = tpu.memref_slice %arg18[%dma_start3A_70, %dma_start3A_71] : memref<10240x128xf32, #tpu.memory_space<vmem_shared>> -> memref<400x128xf32, #tpu.memory_space<vmem_shared>>
          %dma_start3A_73 = arith.constant 9600 : i32
          %dma_start3A_74 = arith.constant 0 : i32
          %dma_start3A_75 = tpu.memref_slice %arg3[%dma_start3A_73, %dma_start3A_74] : memref<10000x128xf32, #tpu.memory_space<hbm>> -> memref<400x128xf32, #tpu.memory_space<hbm>>
          tpu.enqueue_dma source(%dma_start3A_75 : memref<400x128xf32, #tpu.memory_space<hbm>>) target(%dma_start3A_72 : memref<400x128xf32, #tpu.memory_space<vmem_shared>>) target_semaphore(%run_scoped3A : memref<!tpu.dma_semaphore, #tpu.memory_space<semaphore_mem>>)
          %dma_wait3A_76 = arith.constant 9600 : i32
          %dma_wait3A_77 = arith.constant 0 : i32
          %dma_wait3A_78 = tpu.memref_slice %arg18[%dma_wait3A_76, %dma_wait3A_77] : memref<10240x128xf32, #tpu.memory_space<vmem_shared>> -> memref<400x128xf32, #tpu.memory_space<vmem_shared>>
          %dma_wait3A_79 = arith.constant 9600 : i32
          %dma_wait3A_80 = arith.constant 0 : i32
          %dma_wait3A_81 = tpu.memref_slice %arg3[%dma_wait3A_79, %dma_wait3A_80] : memref<10000x128xf32, #tpu.memory_space<hbm>> -> memref<400x128xf32, #tpu.memory_space<hbm>>
          tpu.wait_dma2 semaphore(%run_scoped3A : memref<!tpu.dma_semaphore, #tpu.memory_space<semaphore_mem>>) src(%dma_wait3A_81 : memref<400x128xf32, #tpu.memory_space<hbm>>) dst(%dma_wait3A_78 : memref<400x128xf32, #tpu.memory_space<vmem_shared>>)
          tpu.yield
        }) : () -> ()
      } else {
      }
      %barrier3A = arith.constant 0 : index
      tpu.barrier barrier_id(%barrier3A)
      %add3A = arith.constant 0 : i32
      %add3A_17 = arith.addi %mul3A_0, %add3A : i32
      %mul3A_18 = arith.constant 128 : i32
      %mul3A_19 = arith.muli %add3A_17, %mul3A_18 : i32
      %dma_start3A = tpu.memref_slice %arg4[%mul3A_19] : memref<327680xi32, #tpu.memory_space<hbm>> -> memref<128xi32, #tpu.memory_space<hbm>>
      %dma_start3A_20 = tpu.memref_slice %arg4[%mul3A_19] : memref<327680xi32, #tpu.memory_space<hbm>> -> memref<128xi32, #tpu.memory_space<hbm>>
      tpu.enqueue_dma source(%dma_start3A_20 : memref<128xi32, #tpu.memory_space<hbm>>) target(%arg8 : memref<128xi32, #tpu.memory_space<vmem>>) target_semaphore(%arg21 : memref<!tpu.dma_semaphore, #tpu.memory_space<semaphore_mem>>)
      %add3A_21 = arith.constant 0 : i32
      %add3A_22 = arith.addi %mul3A_0, %add3A_21 : i32
      %mul3A_23 = arith.constant 128 : i32
      %mul3A_24 = arith.muli %add3A_22, %mul3A_23 : i32
      %dma_start3A_25 = tpu.memref_slice %arg5[%mul3A_24] : memref<327680xi32, #tpu.memory_space<hbm>> -> memref<128xi32, #tpu.memory_space<hbm>>
      %dma_start3A_26 = tpu.memref_slice %arg5[%mul3A_24] : memref<327680xi32, #tpu.memory_space<hbm>> -> memref<128xi32, #tpu.memory_space<hbm>>
      tpu.enqueue_dma source(%dma_start3A_26 : memref<128xi32, #tpu.memory_space<hbm>>) target(%arg12 : memref<128xi32, #tpu.memory_space<vmem>>) target_semaphore(%arg21 : memref<!tpu.dma_semaphore, #tpu.memory_space<semaphore_mem>>)
      %add3A_27 = arith.constant 0 : i32
      %add3A_28 = arith.addi %mul3A_0, %add3A_27 : i32
      %mul3A_29 = arith.constant 128 : i32
      %mul3A_30 = arith.muli %add3A_28, %mul3A_29 : i32
      %dma_wait3A = tpu.memref_slice %arg4[%mul3A_30] : memref<327680xi32, #tpu.memory_space<hbm>> -> memref<128xi32, #tpu.memory_space<hbm>>
      %dma_wait3A_31 = tpu.memref_slice %arg4[%mul3A_30] : memref<327680xi32, #tpu.memory_space<hbm>> -> memref<128xi32, #tpu.memory_space<hbm>>
      tpu.wait_dma2 semaphore(%arg21 : memref<!tpu.dma_semaphore, #tpu.memory_space<semaphore_mem>>) src(%dma_wait3A_31 : memref<128xi32, #tpu.memory_space<hbm>>) dst(%arg8 : memref<128xi32, #tpu.memory_space<vmem>>)
      %add3A_32 = arith.constant 0 : i32
      %add3A_33 = arith.addi %mul3A_0, %add3A_32 : i32
      %mul3A_34 = arith.constant 128 : i32
      %mul3A_35 = arith.muli %add3A_33, %mul3A_34 : i32
      %dma_wait3A_36 = tpu.memref_slice %arg5[%mul3A_35] : memref<327680xi32, #tpu.memory_space<hbm>> -> memref<128xi32, #tpu.memory_space<hbm>>
      %dma_wait3A_37 = tpu.memref_slice %arg5[%mul3A_35] : memref<327680xi32, #tpu.memory_space<hbm>> -> memref<128xi32, #tpu.memory_space<hbm>>
      tpu.wait_dma2 semaphore(%arg21 : memref<!tpu.dma_semaphore, #tpu.memory_space<semaphore_mem>>) src(%dma_wait3A_37 : memref<128xi32, #tpu.memory_space<hbm>>) dst(%arg12 : memref<128xi32, #tpu.memory_space<vmem>>)
      %dma_start3A_38 = arith.constant 0 : i32
      %dma_start3A_39 = arith.constant 0 : i32
      %dma_start3A_40 = tpu.memref_slice %arg3[%dma_start3A_38, %dma_start3A_39] : memref<10000x128xf32, #tpu.memory_space<hbm>> -> memref<10000x128xf32, #tpu.memory_space<hbm>>
      tpu.enqueue_indirect_dma source(%dma_start3A_40 : memref<10000x128xf32, #tpu.memory_space<hbm>>) target(%arg16 : memref<128x128xf32, #tpu.memory_space<vmem>>) offsets(%arg8 : memref<128xi32, #tpu.memory_space<vmem>>) semaphore(%arg19 : memref<!tpu.dma_semaphore, #tpu.memory_space<semaphore_mem>>)
      %add3A_41 = arith.constant 1 : i32
      %add3A_42 = arith.addi %mul3A_0, %add3A_41 : i32
      %mul3A_43 = arith.constant 128 : i32
      %mul3A_44 = arith.muli %add3A_42, %mul3A_43 : i32
      %dma_start3A_45 = tpu.memref_slice %arg4[%mul3A_44] : memref<327680xi32, #tpu.memory_space<hbm>> -> memref<128xi32, #tpu.memory_space<hbm>>
      %dma_start3A_46 = tpu.memref_slice %arg4[%mul3A_44] : memref<327680xi32, #tpu.memory_space<hbm>> -> memref<128xi32, #tpu.memory_space<hbm>>
      tpu.enqueue_dma source(%dma_start3A_46 : memref<128xi32, #tpu.memory_space<hbm>>) target(%arg9 : memref<128xi32, #tpu.memory_space<vmem>>) target_semaphore(%arg22 : memref<!tpu.dma_semaphore, #tpu.memory_space<semaphore_mem>>)
      %add3A_47 = arith.constant 1 : i32
      %add3A_48 = arith.addi %mul3A_0, %add3A_47 : i32
      %mul3A_49 = arith.constant 128 : i32
      %mul3A_50 = arith.muli %add3A_48, %mul3A_49 : i32
      %dma_start3A_51 = tpu.memref_slice %arg5[%mul3A_50] : memref<327680xi32, #tpu.memory_space<hbm>> -> memref<128xi32, #tpu.memory_space<hbm>>
      %dma_start3A_52 = tpu.memref_slice %arg5[%mul3A_50] : memref<327680xi32, #tpu.memory_space<hbm>> -> memref<128xi32, #tpu.memory_space<hbm>>
      tpu.enqueue_dma source(%dma_start3A_52 : memref<128xi32, #tpu.memory_space<hbm>>) target(%arg13 : memref<128xi32, #tpu.memory_space<vmem>>) target_semaphore(%arg22 : memref<!tpu.dma_semaphore, #tpu.memory_space<semaphore_mem>>)
      %scan3A = arith.constant 0 : i32
      %scan3A_53 = arith.constant 0 : i32
      %scan3A_54 = arith.constant 40 : i32
      %scan3A_55 = arith.addi %scan3A_53, %scan3A_54 : i32
      %scan3A_56 = arith.constant 1 : i32
      %scan3A_57 = scf.for %scan3A_70 = %scan3A_53 to %scan3A_55 step %scan3A_56 iter_args(%scan3A_71 = %scan3A) -> (i32)  : i32 {
        %mul3A_72 = arith.constant 4 : i32
        %mul3A_73 = arith.muli %mul3A_72, %scan3A_70 : i32
        %add3A_74 = arith.constant 1 : i32
        %add3A_75 = arith.addi %mul3A_73, %add3A_74 : i32
        %lt3A = arith.constant 160 : i32
        %lt3A_76 = arith.cmpi slt, %add3A_75, %lt3A : i32
        %convert_element_type3A_77 = arith.extui %lt3A_76 : i1 to i32
        %cond3A_78 = arith.constant 0 : i32
        %cond3A_79 = arith.cmpi ne, %convert_element_type3A_77, %cond3A_78 : i32
        scf.if %cond3A_79 {
          %add3A_160 = arith.constant 1 : i32
          %add3A_161 = arith.addi %mul3A_73, %add3A_160 : i32
          %add3A_162 = arith.addi %mul3A_0, %add3A_161 : i32
          %mul3A_163 = arith.constant 128 : i32
          %mul3A_164 = arith.muli %add3A_162, %mul3A_163 : i32
          %dma_wait3A_165 = tpu.memref_slice %arg4[%mul3A_164] : memref<327680xi32, #tpu.memory_space<hbm>> -> memref<128xi32, #tpu.memory_space<hbm>>
          %dma_wait3A_166 = tpu.memref_slice %arg4[%mul3A_164] : memref<327680xi32, #tpu.memory_space<hbm>> -> memref<128xi32, #tpu.memory_space<hbm>>
          tpu.wait_dma2 semaphore(%arg22 : memref<!tpu.dma_semaphore, #tpu.memory_space<semaphore_mem>>) src(%dma_wait3A_166 : memref<128xi32, #tpu.memory_space<hbm>>) dst(%arg9 : memref<128xi32, #tpu.memory_space<vmem>>)
          %add3A_167 = arith.addi %mul3A_0, %add3A_161 : i32
          %mul3A_168 = arith.constant 128 : i32
          %mul3A_169 = arith.muli %add3A_167, %mul3A_168 : i32
          %dma_wait3A_170 = tpu.memref_slice %arg5[%mul3A_169] : memref<327680xi32, #tpu.memory_space<hbm>> -> memref<128xi32, #tpu.memory_space<hbm>>
          %dma_wait3A_171 = tpu.memref_slice %arg5[%mul3A_169] : memref<327680xi32, #tpu.memory_space<hbm>> -> memref<128xi32, #tpu.memory_space<hbm>>
          tpu.wait_dma2 semaphore(%arg22 : memref<!tpu.dma_semaphore, #tpu.memory_space<semaphore_mem>>) src(%dma_wait3A_171 : memref<128xi32, #tpu.memory_space<hbm>>) dst(%arg13 : memref<128xi32, #tpu.memory_space<vmem>>)
          %ge3A = arith.constant 1 : i32
          %ge3A_172 = arith.cmpi sge, %mul3A_73, %ge3A : i32
          %convert_element_type3A_173 = arith.extui %ge3A_172 : i1 to i32
          %cond3A_174 = arith.constant 0 : i32
          %cond3A_175 = arith.cmpi ne, %convert_element_type3A_173, %cond3A_174 : i32
          scf.if %cond3A_175 {
            %dma_wait3A_179 = arith.constant 0 : i32
            %dma_wait3A_180 = arith.constant 0 : i32
            %dma_wait3A_181 = tpu.memref_slice %arg18[%dma_wait3A_179, %dma_wait3A_180] : memref<10240x128xf32, #tpu.memory_space<vmem_shared>> -> memref<10240x128xf32, #tpu.memory_space<vmem_shared>>
            tpu.wait_indirect_dma semaphore(%arg26 : memref<!tpu.dma_semaphore, #tpu.memory_space<semaphore_mem>>) src(%arg17 : memref<128x128xf32, #tpu.memory_space<vmem>>) dst(%dma_wait3A_181 : memref<10240x128xf32, #tpu.memory_space<vmem_shared>>)
          } else {
          }
          %dma_start3A_176 = arith.constant 0 : i32
          %dma_start3A_177 = arith.constant 0 : i32
          %dma_start3A_178 = tpu.memref_slice %arg3[%dma_start3A_176, %dma_start3A_177] : memref<10000x128xf32, #tpu.memory_space<hbm>> -> memref<10000x128xf32, #tpu.memory_space<hbm>>
          tpu.enqueue_indirect_dma source(%dma_start3A_178 : memref<10000x128xf32, #tpu.memory_space<hbm>>) target(%arg17 : memref<128x128xf32, #tpu.memory_space<vmem>>) offsets(%arg9 : memref<128xi32, #tpu.memory_space<vmem>>) semaphore(%arg20 : memref<!tpu.dma_semaphore, #tpu.memory_space<semaphore_mem>>)
        } else {
        }
        %dma_wait3A_80 = arith.constant 0 : i32
        %dma_wait3A_81 = arith.constant 0 : i32
        %dma_wait3A_82 = tpu.memref_slice %arg3[%dma_wait3A_80, %dma_wait3A_81] : memref<10000x128xf32, #tpu.memory_space<hbm>> -> memref<10000x128xf32, #tpu.memory_space<hbm>>
        tpu.wait_indirect_dma semaphore(%arg19 : memref<!tpu.dma_semaphore, #tpu.memory_space<semaphore_mem>>) src(%dma_wait3A_82 : memref<10000x128xf32, #tpu.memory_space<hbm>>) dst(%arg16 : memref<128x128xf32, #tpu.memory_space<vmem>>)
        %dma_start3A_83 = arith.constant 0 : i32
        %dma_start3A_84 = arith.constant 0 : i32
        %dma_start3A_85 = tpu.memref_slice %arg18[%dma_start3A_83, %dma_start3A_84] : memref<10240x128xf32, #tpu.memory_space<vmem_shared>> -> memref<10240x128xf32, #tpu.memory_space<vmem_shared>>
        tpu.enqueue_indirect_dma source(%arg16 : memref<128x128xf32, #tpu.memory_space<vmem>>) target(%dma_start3A_85 : memref<10240x128xf32, #tpu.memory_space<vmem_shared>>) offsets(%arg12 : memref<128xi32, #tpu.memory_space<vmem>>) semaphore(%arg25 : memref<!tpu.dma_semaphore, #tpu.memory_space<semaphore_mem>>) {add = true}
        %add3A_86 = arith.constant 2 : i32
        %add3A_87 = arith.addi %mul3A_73, %add3A_86 : i32
        %lt3A_88 = arith.constant 160 : i32
        %lt3A_89 = arith.cmpi slt, %add3A_87, %lt3A_88 : i32
        %convert_element_type3A_90 = arith.extui %lt3A_89 : i1 to i32
        %cond3A_91 = arith.constant 0 : i32
        %cond3A_92 = arith.cmpi ne, %convert_element_type3A_90, %cond3A_91 : i32
        scf.if %cond3A_92 {
          %add3A_160 = arith.constant 2 : i32
          %add3A_161 = arith.addi %mul3A_73, %add3A_160 : i32
          %add3A_162 = arith.addi %mul3A_0, %add3A_161 : i32
          %mul3A_163 = arith.constant 128 : i32
          %mul3A_164 = arith.muli %add3A_162, %mul3A_163 : i32
          %dma_start3A_165 = tpu.memref_slice %arg4[%mul3A_164] : memref<327680xi32, #tpu.memory_space<hbm>> -> memref<128xi32, #tpu.memory_space<hbm>>
          %dma_start3A_166 = tpu.memref_slice %arg4[%mul3A_164] : memref<327680xi32, #tpu.memory_space<hbm>> -> memref<128xi32, #tpu.memory_space<hbm>>
          tpu.enqueue_dma source(%dma_start3A_166 : memref<128xi32, #tpu.memory_space<hbm>>) target(%arg10 : memref<128xi32, #tpu.memory_space<vmem>>) target_semaphore(%arg23 : memref<!tpu.dma_semaphore, #tpu.memory_space<semaphore_mem>>)
          %add3A_167 = arith.addi %mul3A_0, %add3A_161 : i32
          %mul3A_168 = arith.constant 128 : i32
          %mul3A_169 = arith.muli %add3A_167, %mul3A_168 : i32
          %dma_start3A_170 = tpu.memref_slice %arg5[%mul3A_169] : memref<327680xi32, #tpu.memory_space<hbm>> -> memref<128xi32, #tpu.memory_space<hbm>>
          %dma_start3A_171 = tpu.memref_slice %arg5[%mul3A_169] : memref<327680xi32, #tpu.memory_space<hbm>> -> memref<128xi32, #tpu.memory_space<hbm>>
          tpu.enqueue_dma source(%dma_start3A_171 : memref<128xi32, #tpu.memory_space<hbm>>) target(%arg14 : memref<128xi32, #tpu.memory_space<vmem>>) target_semaphore(%arg23 : memref<!tpu.dma_semaphore, #tpu.memory_space<semaphore_mem>>)
        } else {
        }
        %add3A_93 = arith.constant 1 : i32
        %add3A_94 = arith.addi %mul3A_73, %add3A_93 : i32
        %add3A_95 = arith.constant 1 : i32
        %add3A_96 = arith.addi %add3A_94, %add3A_95 : i32
        %lt3A_97 = arith.constant 160 : i32
        %lt3A_98 = arith.cmpi slt, %add3A_96, %lt3A_97 : i32
        %convert_element_type3A_99 = arith.extui %lt3A_98 : i1 to i32
        %cond3A_100 = arith.constant 0 : i32
        %cond3A_101 = arith.cmpi ne, %convert_element_type3A_99, %cond3A_100 : i32
        scf.if %cond3A_101 {
          %add3A_160 = arith.constant 1 : i32
          %add3A_161 = arith.addi %add3A_94, %add3A_160 : i32
          %add3A_162 = arith.addi %mul3A_0, %add3A_161 : i32
          %mul3A_163 = arith.constant 128 : i32
          %mul3A_164 = arith.muli %add3A_162, %mul3A_163 : i32
          %dma_wait3A_165 = tpu.memref_slice %arg4[%mul3A_164] : memref<327680xi32, #tpu.memory_space<hbm>> -> memref<128xi32, #tpu.memory_space<hbm>>
          %dma_wait3A_166 = tpu.memref_slice %arg4[%mul3A_164] : memref<327680xi32, #tpu.memory_space<hbm>> -> memref<128xi32, #tpu.memory_space<hbm>>
          tpu.wait_dma2 semaphore(%arg23 : memref<!tpu.dma_semaphore, #tpu.memory_space<semaphore_mem>>) src(%dma_wait3A_166 : memref<128xi32, #tpu.memory_space<hbm>>) dst(%arg10 : memref<128xi32, #tpu.memory_space<vmem>>)
          %add3A_167 = arith.addi %mul3A_0, %add3A_161 : i32
          %mul3A_168 = arith.constant 128 : i32
          %mul3A_169 = arith.muli %add3A_167, %mul3A_168 : i32
          %dma_wait3A_170 = tpu.memref_slice %arg5[%mul3A_169] : memref<327680xi32, #tpu.memory_space<hbm>> -> memref<128xi32, #tpu.memory_space<hbm>>
          %dma_wait3A_171 = tpu.memref_slice %arg5[%mul3A_169] : memref<327680xi32, #tpu.memory_space<hbm>> -> memref<128xi32, #tpu.memory_space<hbm>>
          tpu.wait_dma2 semaphore(%arg23 : memref<!tpu.dma_semaphore, #tpu.memory_space<semaphore_mem>>) src(%dma_wait3A_171 : memref<128xi32, #tpu.memory_space<hbm>>) dst(%arg14 : memref<128xi32, #tpu.memory_space<vmem>>)
          %ge3A = arith.constant 1 : i32
          %ge3A_172 = arith.cmpi sge, %add3A_94, %ge3A : i32
          %convert_element_type3A_173 = arith.extui %ge3A_172 : i1 to i32
          %cond3A_174 = arith.constant 0 : i32
          %cond3A_175 = arith.cmpi ne, %convert_element_type3A_173, %cond3A_174 : i32
          scf.if %cond3A_175 {
            %dma_wait3A_179 = arith.constant 0 : i32
            %dma_wait3A_180 = arith.constant 0 : i32
            %dma_wait3A_181 = tpu.memref_slice %arg18[%dma_wait3A_179, %dma_wait3A_180] : memref<10240x128xf32, #tpu.memory_space<vmem_shared>> -> memref<10240x128xf32, #tpu.memory_space<vmem_shared>>
            tpu.wait_indirect_dma semaphore(%arg25 : memref<!tpu.dma_semaphore, #tpu.memory_space<semaphore_mem>>) src(%arg16 : memref<128x128xf32, #tpu.memory_space<vmem>>) dst(%dma_wait3A_181 : memref<10240x128xf32, #tpu.memory_space<vmem_shared>>)
          } else {
          }
          %dma_start3A_176 = arith.constant 0 : i32
          %dma_start3A_177 = arith.constant 0 : i32
          %dma_start3A_178 = tpu.memref_slice %arg3[%dma_start3A_176, %dma_start3A_177] : memref<10000x128xf32, #tpu.memory_space<hbm>> -> memref<10000x128xf32, #tpu.memory_space<hbm>>
          tpu.enqueue_indirect_dma source(%dma_start3A_178 : memref<10000x128xf32, #tpu.memory_space<hbm>>) target(%arg16 : memref<128x128xf32, #tpu.memory_space<vmem>>) offsets(%arg10 : memref<128xi32, #tpu.memory_space<vmem>>) semaphore(%arg19 : memref<!tpu.dma_semaphore, #tpu.memory_space<semaphore_mem>>)
        } else {
        }
        %dma_wait3A_102 = arith.constant 0 : i32
        %dma_wait3A_103 = arith.constant 0 : i32
        %dma_wait3A_104 = tpu.memref_slice %arg3[%dma_wait3A_102, %dma_wait3A_103] : memref<10000x128xf32, #tpu.memory_space<hbm>> -> memref<10000x128xf32, #tpu.memory_space<hbm>>
        tpu.wait_indirect_dma semaphore(%arg20 : memref<!tpu.dma_semaphore, #tpu.memory_space<semaphore_mem>>) src(%dma_wait3A_104 : memref<10000x128xf32, #tpu.memory_space<hbm>>) dst(%arg17 : memref<128x128xf32, #tpu.memory_space<vmem>>)
        %dma_start3A_105 = arith.constant 0 : i32
        %dma_start3A_106 = arith.constant 0 : i32
        %dma_start3A_107 = tpu.memref_slice %arg18[%dma_start3A_105, %dma_start3A_106] : memref<10240x128xf32, #tpu.memory_space<vmem_shared>> -> memref<10240x128xf32, #tpu.memory_space<vmem_shared>>
        tpu.enqueue_indirect_dma source(%arg17 : memref<128x128xf32, #tpu.memory_space<vmem>>) target(%dma_start3A_107 : memref<10240x128xf32, #tpu.memory_space<vmem_shared>>) offsets(%arg13 : memref<128xi32, #tpu.memory_space<vmem>>) semaphore(%arg26 : memref<!tpu.dma_semaphore, #tpu.memory_space<semaphore_mem>>) {add = true}
        %add3A_108 = arith.constant 2 : i32
        %add3A_109 = arith.addi %add3A_94, %add3A_108 : i32
        %lt3A_110 = arith.constant 160 : i32
        %lt3A_111 = arith.cmpi slt, %add3A_109, %lt3A_110 : i32
        %convert_element_type3A_112 = arith.extui %lt3A_111 : i1 to i32
        %cond3A_113 = arith.constant 0 : i32
        %cond3A_114 = arith.cmpi ne, %convert_element_type3A_112, %cond3A_113 : i32
        scf.if %cond3A_114 {
          %add3A_160 = arith.constant 2 : i32
          %add3A_161 = arith.addi %add3A_94, %add3A_160 : i32
          %add3A_162 = arith.addi %mul3A_0, %add3A_161 : i32
          %mul3A_163 = arith.constant 128 : i32
          %mul3A_164 = arith.muli %add3A_162, %mul3A_163 : i32
          %dma_start3A_165 = tpu.memref_slice %arg4[%mul3A_164] : memref<327680xi32, #tpu.memory_space<hbm>> -> memref<128xi32, #tpu.memory_space<hbm>>
          %dma_start3A_166 = tpu.memref_slice %arg4[%mul3A_164] : memref<327680xi32, #tpu.memory_space<hbm>> -> memref<128xi32, #tpu.memory_space<hbm>>
          tpu.enqueue_dma source(%dma_start3A_166 : memref<128xi32, #tpu.memory_space<hbm>>) target(%arg11 : memref<128xi32, #tpu.memory_space<vmem>>) target_semaphore(%arg24 : memref<!tpu.dma_semaphore, #tpu.memory_space<semaphore_mem>>)
          %add3A_167 = arith.addi %mul3A_0, %add3A_161 : i32
          %mul3A_168 = arith.constant 128 : i32
          %mul3A_169 = arith.muli %add3A_167, %mul3A_168 : i32
          %dma_start3A_170 = tpu.memref_slice %arg5[%mul3A_169] : memref<327680xi32, #tpu.memory_space<hbm>> -> memref<128xi32, #tpu.memory_space<hbm>>
          %dma_start3A_171 = tpu.memref_slice %arg5[%mul3A_169] : memref<327680xi32, #tpu.memory_space<hbm>> -> memref<128xi32, #tpu.memory_space<hbm>>
          tpu.enqueue_dma source(%dma_start3A_171 : memref<128xi32, #tpu.memory_space<hbm>>) target(%arg15 : memref<128xi32, #tpu.memory_space<vmem>>) target_semaphore(%arg24 : memref<!tpu.dma_semaphore, #tpu.memory_space<semaphore_mem>>)
        } else {
        }
        %add3A_115 = arith.constant 2 : i32
        %add3A_116 = arith.addi %mul3A_73, %add3A_115 : i32
        %add3A_117 = arith.constant 1 : i32
        %add3A_118 = arith.addi %add3A_116, %add3A_117 : i32
        %lt3A_119 = arith.constant 160 : i32
        %lt3A_120 = arith.cmpi slt, %add3A_118, %lt3A_119 : i32
        %convert_element_type3A_121 = arith.extui %lt3A_120 : i1 to i32
        %cond3A_122 = arith.constant 0 : i32
        %cond3A_123 = arith.cmpi ne, %convert_element_type3A_121, %cond3A_122 : i32
        scf.if %cond3A_123 {
          %add3A_160 = arith.constant 1 : i32
          %add3A_161 = arith.addi %add3A_116, %add3A_160 : i32
          %add3A_162 = arith.addi %mul3A_0, %add3A_161 : i32
          %mul3A_163 = arith.constant 128 : i32
          %mul3A_164 = arith.muli %add3A_162, %mul3A_163 : i32
          %dma_wait3A_165 = tpu.memref_slice %arg4[%mul3A_164] : memref<327680xi32, #tpu.memory_space<hbm>> -> memref<128xi32, #tpu.memory_space<hbm>>
          %dma_wait3A_166 = tpu.memref_slice %arg4[%mul3A_164] : memref<327680xi32, #tpu.memory_space<hbm>> -> memref<128xi32, #tpu.memory_space<hbm>>
          tpu.wait_dma2 semaphore(%arg24 : memref<!tpu.dma_semaphore, #tpu.memory_space<semaphore_mem>>) src(%dma_wait3A_166 : memref<128xi32, #tpu.memory_space<hbm>>) dst(%arg11 : memref<128xi32, #tpu.memory_space<vmem>>)
          %add3A_167 = arith.addi %mul3A_0, %add3A_161 : i32
          %mul3A_168 = arith.constant 128 : i32
          %mul3A_169 = arith.muli %add3A_167, %mul3A_168 : i32
          %dma_wait3A_170 = tpu.memref_slice %arg5[%mul3A_169] : memref<327680xi32, #tpu.memory_space<hbm>> -> memref<128xi32, #tpu.memory_space<hbm>>
          %dma_wait3A_171 = tpu.memref_slice %arg5[%mul3A_169] : memref<327680xi32, #tpu.memory_space<hbm>> -> memref<128xi32, #tpu.memory_space<hbm>>
          tpu.wait_dma2 semaphore(%arg24 : memref<!tpu.dma_semaphore, #tpu.memory_space<semaphore_mem>>) src(%dma_wait3A_171 : memref<128xi32, #tpu.memory_space<hbm>>) dst(%arg15 : memref<128xi32, #tpu.memory_space<vmem>>)
          %ge3A = arith.constant 1 : i32
          %ge3A_172 = arith.cmpi sge, %add3A_116, %ge3A : i32
          %convert_element_type3A_173 = arith.extui %ge3A_172 : i1 to i32
          %cond3A_174 = arith.constant 0 : i32
          %cond3A_175 = arith.cmpi ne, %convert_element_type3A_173, %cond3A_174 : i32
          scf.if %cond3A_175 {
            %dma_wait3A_179 = arith.constant 0 : i32
            %dma_wait3A_180 = arith.constant 0 : i32
            %dma_wait3A_181 = tpu.memref_slice %arg18[%dma_wait3A_179, %dma_wait3A_180] : memref<10240x128xf32, #tpu.memory_space<vmem_shared>> -> memref<10240x128xf32, #tpu.memory_space<vmem_shared>>
            tpu.wait_indirect_dma semaphore(%arg26 : memref<!tpu.dma_semaphore, #tpu.memory_space<semaphore_mem>>) src(%arg17 : memref<128x128xf32, #tpu.memory_space<vmem>>) dst(%dma_wait3A_181 : memref<10240x128xf32, #tpu.memory_space<vmem_shared>>)
          } else {
          }
          %dma_start3A_176 = arith.constant 0 : i32
          %dma_start3A_177 = arith.constant 0 : i32
          %dma_start3A_178 = tpu.memref_slice %arg3[%dma_start3A_176, %dma_start3A_177] : memref<10000x128xf32, #tpu.memory_space<hbm>> -> memref<10000x128xf32, #tpu.memory_space<hbm>>
          tpu.enqueue_indirect_dma source(%dma_start3A_178 : memref<10000x128xf32, #tpu.memory_space<hbm>>) target(%arg17 : memref<128x128xf32, #tpu.memory_space<vmem>>) offsets(%arg11 : memref<128xi32, #tpu.memory_space<vmem>>) semaphore(%arg20 : memref<!tpu.dma_semaphore, #tpu.memory_space<semaphore_mem>>)
        } else {
        }
        %dma_wait3A_124 = arith.constant 0 : i32
        %dma_wait3A_125 = arith.constant 0 : i32
        %dma_wait3A_126 = tpu.memref_slice %arg3[%dma_wait3A_124, %dma_wait3A_125] : memref<10000x128xf32, #tpu.memory_space<hbm>> -> memref<10000x128xf32, #tpu.memory_space<hbm>>
        tpu.wait_indirect_dma semaphore(%arg19 : memref<!tpu.dma_semaphore, #tpu.memory_space<semaphore_mem>>) src(%dma_wait3A_126 : memref<10000x128xf32, #tpu.memory_space<hbm>>) dst(%arg16 : memref<128x128xf32, #tpu.memory_space<vmem>>)
        %dma_start3A_127 = arith.constant 0 : i32
        %dma_start3A_128 = arith.constant 0 : i32
        %dma_start3A_129 = tpu.memref_slice %arg18[%dma_start3A_127, %dma_start3A_128] : memref<10240x128xf32, #tpu.memory_space<vmem_shared>> -> memref<10240x128xf32, #tpu.memory_space<vmem_shared>>
        tpu.enqueue_indirect_dma source(%arg16 : memref<128x128xf32, #tpu.memory_space<vmem>>) target(%dma_start3A_129 : memref<10240x128xf32, #tpu.memory_space<vmem_shared>>) offsets(%arg14 : memref<128xi32, #tpu.memory_space<vmem>>) semaphore(%arg25 : memref<!tpu.dma_semaphore, #tpu.memory_space<semaphore_mem>>) {add = true}
        %add3A_130 = arith.constant 2 : i32
        %add3A_131 = arith.addi %add3A_116, %add3A_130 : i32
        %lt3A_132 = arith.constant 160 : i32
        %lt3A_133 = arith.cmpi slt, %add3A_131, %lt3A_132 : i32
        %convert_element_type3A_134 = arith.extui %lt3A_133 : i1 to i32
        %cond3A_135 = arith.constant 0 : i32
        %cond3A_136 = arith.cmpi ne, %convert_element_type3A_134, %cond3A_135 : i32
        scf.if %cond3A_136 {
          %add3A_160 = arith.constant 2 : i32
          %add3A_161 = arith.addi %add3A_116, %add3A_160 : i32
          %add3A_162 = arith.addi %mul3A_0, %add3A_161 : i32
          %mul3A_163 = arith.constant 128 : i32
          %mul3A_164 = arith.muli %add3A_162, %mul3A_163 : i32
          %dma_start3A_165 = tpu.memref_slice %arg4[%mul3A_164] : memref<327680xi32, #tpu.memory_space<hbm>> -> memref<128xi32, #tpu.memory_space<hbm>>
          %dma_start3A_166 = tpu.memref_slice %arg4[%mul3A_164] : memref<327680xi32, #tpu.memory_space<hbm>> -> memref<128xi32, #tpu.memory_space<hbm>>
          tpu.enqueue_dma source(%dma_start3A_166 : memref<128xi32, #tpu.memory_space<hbm>>) target(%arg8 : memref<128xi32, #tpu.memory_space<vmem>>) target_semaphore(%arg21 : memref<!tpu.dma_semaphore, #tpu.memory_space<semaphore_mem>>)
          %add3A_167 = arith.addi %mul3A_0, %add3A_161 : i32
          %mul3A_168 = arith.constant 128 : i32
          %mul3A_169 = arith.muli %add3A_167, %mul3A_168 : i32
          %dma_start3A_170 = tpu.memref_slice %arg5[%mul3A_169] : memref<327680xi32, #tpu.memory_space<hbm>> -> memref<128xi32, #tpu.memory_space<hbm>>
          %dma_start3A_171 = tpu.memref_slice %arg5[%mul3A_169] : memref<327680xi32, #tpu.memory_space<hbm>> -> memref<128xi32, #tpu.memory_space<hbm>>
          tpu.enqueue_dma source(%dma_start3A_171 : memref<128xi32, #tpu.memory_space<hbm>>) target(%arg12 : memref<128xi32, #tpu.memory_space<vmem>>) target_semaphore(%arg21 : memref<!tpu.dma_semaphore, #tpu.memory_space<semaphore_mem>>)
        } else {
        }
        %add3A_137 = arith.constant 3 : i32
        %add3A_138 = arith.addi %mul3A_73, %add3A_137 : i32
        %add3A_139 = arith.constant 1 : i32
        %add3A_140 = arith.addi %add3A_138, %add3A_139 : i32
        %lt3A_141 = arith.constant 160 : i32
        %lt3A_142 = arith.cmpi slt, %add3A_140, %lt3A_141 : i32
        %convert_element_type3A_143 = arith.extui %lt3A_142 : i1 to i32
        %cond3A_144 = arith.constant 0 : i32
        %cond3A_145 = arith.cmpi ne, %convert_element_type3A_143, %cond3A_144 : i32
        scf.if %cond3A_145 {
          %add3A_160 = arith.constant 1 : i32
          %add3A_161 = arith.addi %add3A_138, %add3A_160 : i32
          %add3A_162 = arith.addi %mul3A_0, %add3A_161 : i32
          %mul3A_163 = arith.constant 128 : i32
          %mul3A_164 = arith.muli %add3A_162, %mul3A_163 : i32
          %dma_wait3A_165 = tpu.memref_slice %arg4[%mul3A_164] : memref<327680xi32, #tpu.memory_space<hbm>> -> memref<128xi32, #tpu.memory_space<hbm>>
          %dma_wait3A_166 = tpu.memref_slice %arg4[%mul3A_164] : memref<327680xi32, #tpu.memory_space<hbm>> -> memref<128xi32, #tpu.memory_space<hbm>>
          tpu.wait_dma2 semaphore(%arg21 : memref<!tpu.dma_semaphore, #tpu.memory_space<semaphore_mem>>) src(%dma_wait3A_166 : memref<128xi32, #tpu.memory_space<hbm>>) dst(%arg8 : memref<128xi32, #tpu.memory_space<vmem>>)
          %add3A_167 = arith.addi %mul3A_0, %add3A_161 : i32
          %mul3A_168 = arith.constant 128 : i32
          %mul3A_169 = arith.muli %add3A_167, %mul3A_168 : i32
          %dma_wait3A_170 = tpu.memref_slice %arg5[%mul3A_169] : memref<327680xi32, #tpu.memory_space<hbm>> -> memref<128xi32, #tpu.memory_space<hbm>>
          %dma_wait3A_171 = tpu.memref_slice %arg5[%mul3A_169] : memref<327680xi32, #tpu.memory_space<hbm>> -> memref<128xi32, #tpu.memory_space<hbm>>
          tpu.wait_dma2 semaphore(%arg21 : memref<!tpu.dma_semaphore, #tpu.memory_space<semaphore_mem>>) src(%dma_wait3A_171 : memref<128xi32, #tpu.memory_space<hbm>>) dst(%arg12 : memref<128xi32, #tpu.memory_space<vmem>>)
          %ge3A = arith.constant 1 : i32
          %ge3A_172 = arith.cmpi sge, %add3A_138, %ge3A : i32
          %convert_element_type3A_173 = arith.extui %ge3A_172 : i1 to i32
          %cond3A_174 = arith.constant 0 : i32
          %cond3A_175 = arith.cmpi ne, %convert_element_type3A_173, %cond3A_174 : i32
          scf.if %cond3A_175 {
            %dma_wait3A_179 = arith.constant 0 : i32
            %dma_wait3A_180 = arith.constant 0 : i32
            %dma_wait3A_181 = tpu.memref_slice %arg18[%dma_wait3A_179, %dma_wait3A_180] : memref<10240x128xf32, #tpu.memory_space<vmem_shared>> -> memref<10240x128xf32, #tpu.memory_space<vmem_shared>>
            tpu.wait_indirect_dma semaphore(%arg25 : memref<!tpu.dma_semaphore, #tpu.memory_space<semaphore_mem>>) src(%arg16 : memref<128x128xf32, #tpu.memory_space<vmem>>) dst(%dma_wait3A_181 : memref<10240x128xf32, #tpu.memory_space<vmem_shared>>)
          } else {
          }
          %dma_start3A_176 = arith.constant 0 : i32
          %dma_start3A_177 = arith.constant 0 : i32
          %dma_start3A_178 = tpu.memref_slice %arg3[%dma_start3A_176, %dma_start3A_177] : memref<10000x128xf32, #tpu.memory_space<hbm>> -> memref<10000x128xf32, #tpu.memory_space<hbm>>
          tpu.enqueue_indirect_dma source(%dma_start3A_178 : memref<10000x128xf32, #tpu.memory_space<hbm>>) target(%arg16 : memref<128x128xf32, #tpu.memory_space<vmem>>) offsets(%arg8 : memref<128xi32, #tpu.memory_space<vmem>>) semaphore(%arg19 : memref<!tpu.dma_semaphore, #tpu.memory_space<semaphore_mem>>)
        } else {
        }
        %dma_wait3A_146 = arith.constant 0 : i32
        %dma_wait3A_147 = arith.constant 0 : i32
        %dma_wait3A_148 = tpu.memref_slice %arg3[%dma_wait3A_146, %dma_wait3A_147] : memref<10000x128xf32, #tpu.memory_space<hbm>> -> memref<10000x128xf32, #tpu.memory_space<hbm>>
        tpu.wait_indirect_dma semaphore(%arg20 : memref<!tpu.dma_semaphore, #tpu.memory_space<semaphore_mem>>) src(%dma_wait3A_148 : memref<10000x128xf32, #tpu.memory_space<hbm>>) dst(%arg17 : memref<128x128xf32, #tpu.memory_space<vmem>>)
        %dma_start3A_149 = arith.constant 0 : i32
        %dma_start3A_150 = arith.constant 0 : i32
        %dma_start3A_151 = tpu.memref_slice %arg18[%dma_start3A_149, %dma_start3A_150] : memref<10240x128xf32, #tpu.memory_space<vmem_shared>> -> memref<10240x128xf32, #tpu.memory_space<vmem_shared>>
        tpu.enqueue_indirect_dma source(%arg17 : memref<128x128xf32, #tpu.memory_space<vmem>>) target(%dma_start3A_151 : memref<10240x128xf32, #tpu.memory_space<vmem_shared>>) offsets(%arg15 : memref<128xi32, #tpu.memory_space<vmem>>) semaphore(%arg26 : memref<!tpu.dma_semaphore, #tpu.memory_space<semaphore_mem>>) {add = true}
        %add3A_152 = arith.constant 2 : i32
        %add3A_153 = arith.addi %add3A_138, %add3A_152 : i32
        %lt3A_154 = arith.constant 160 : i32
        %lt3A_155 = arith.cmpi slt, %add3A_153, %lt3A_154 : i32
        %convert_element_type3A_156 = arith.extui %lt3A_155 : i1 to i32
        %cond3A_157 = arith.constant 0 : i32
        %cond3A_158 = arith.cmpi ne, %convert_element_type3A_156, %cond3A_157 : i32
        scf.if %cond3A_158 {
          %add3A_160 = arith.constant 2 : i32
          %add3A_161 = arith.addi %add3A_138, %add3A_160 : i32
          %add3A_162 = arith.addi %mul3A_0, %add3A_161 : i32
          %mul3A_163 = arith.constant 128 : i32
          %mul3A_164 = arith.muli %add3A_162, %mul3A_163 : i32
          %dma_start3A_165 = tpu.memref_slice %arg4[%mul3A_164] : memref<327680xi32, #tpu.memory_space<hbm>> -> memref<128xi32, #tpu.memory_space<hbm>>
          %dma_start3A_166 = tpu.memref_slice %arg4[%mul3A_164] : memref<327680xi32, #tpu.memory_space<hbm>> -> memref<128xi32, #tpu.memory_space<hbm>>
          tpu.enqueue_dma source(%dma_start3A_166 : memref<128xi32, #tpu.memory_space<hbm>>) target(%arg9 : memref<128xi32, #tpu.memory_space<vmem>>) target_semaphore(%arg22 : memref<!tpu.dma_semaphore, #tpu.memory_space<semaphore_mem>>)
          %add3A_167 = arith.addi %mul3A_0, %add3A_161 : i32
          %mul3A_168 = arith.constant 128 : i32
          %mul3A_169 = arith.muli %add3A_167, %mul3A_168 : i32
          %dma_start3A_170 = tpu.memref_slice %arg5[%mul3A_169] : memref<327680xi32, #tpu.memory_space<hbm>> -> memref<128xi32, #tpu.memory_space<hbm>>
          %dma_start3A_171 = tpu.memref_slice %arg5[%mul3A_169] : memref<327680xi32, #tpu.memory_space<hbm>> -> memref<128xi32, #tpu.memory_space<hbm>>
          tpu.enqueue_dma source(%dma_start3A_171 : memref<128xi32, #tpu.memory_space<hbm>>) target(%arg13 : memref<128xi32, #tpu.memory_space<vmem>>) target_semaphore(%arg22 : memref<!tpu.dma_semaphore, #tpu.memory_space<semaphore_mem>>)
        } else {
        }
        %scan3A_159 = arith.constant 0 : i32
        scf.yield %scan3A_159 : i32
      }
      %scan3A_58 = arith.constant 40 : i32
      %dma_wait3A_59 = arith.constant 0 : i32
      %dma_wait3A_60 = arith.constant 0 : i32
      %dma_wait3A_61 = tpu.memref_slice %arg18[%dma_wait3A_59, %dma_wait3A_60] : memref<10240x128xf32, #tpu.memory_space<vmem_shared>> -> memref<10240x128xf32, #tpu.memory_space<vmem_shared>>
      tpu.wait_indirect_dma semaphore(%arg25 : memref<!tpu.dma_semaphore, #tpu.memory_space<semaphore_mem>>) src(%arg16 : memref<128x128xf32, #tpu.memory_space<vmem>>) dst(%dma_wait3A_61 : memref<10240x128xf32, #tpu.memory_space<vmem_shared>>)
      %dma_wait3A_62 = arith.constant 0 : i32
      %dma_wait3A_63 = arith.constant 0 : i32
      %dma_wait3A_64 = tpu.memref_slice %arg18[%dma_wait3A_62, %dma_wait3A_63] : memref<10240x128xf32, #tpu.memory_space<vmem_shared>> -> memref<10240x128xf32, #tpu.memory_space<vmem_shared>>
      tpu.wait_indirect_dma semaphore(%arg26 : memref<!tpu.dma_semaphore, #tpu.memory_space<semaphore_mem>>) src(%arg17 : memref<128x128xf32, #tpu.memory_space<vmem>>) dst(%dma_wait3A_64 : memref<10240x128xf32, #tpu.memory_space<vmem_shared>>)
      %barrier3A_65 = arith.constant 0 : index
      tpu.barrier barrier_id(%barrier3A_65)
      %mul3A_66 = arith.constant 640 : i32
      %mul3A_67 = arith.muli %arg1, %mul3A_66 : i32
      %mul3A_68 = arith.constant 640 : i32
      %mul3A_69 = arith.muli %arg1, %mul3A_68 : i32
      "tpu.region"() ({
        %run_scoped3A = tpu.sem_alloc : memref<!tpu.dma_semaphore, #tpu.memory_space<semaphore_mem>>
        %dma_start3A_70 = arith.constant 0 : i32
        %dma_start3A_71 = tpu.memref_slice %arg7[%mul3A_69, %dma_start3A_70] : memref<10240x128xf32, #tpu.memory_space<hbm>> -> memref<640x128xf32, #tpu.memory_space<hbm>>
        %dma_start3A_72 = arith.constant 0 : i32
        %dma_start3A_73 = tpu.memref_slice %arg18[%mul3A_67, %dma_start3A_72] : memref<10240x128xf32, #tpu.memory_space<vmem_shared>> -> memref<640x128xf32, #tpu.memory_space<vmem_shared>>
        tpu.enqueue_dma source(%dma_start3A_73 : memref<640x128xf32, #tpu.memory_space<vmem_shared>>) target(%dma_start3A_71 : memref<640x128xf32, #tpu.memory_space<hbm>>) target_semaphore(%run_scoped3A : memref<!tpu.dma_semaphore, #tpu.memory_space<semaphore_mem>>)
        %dma_wait3A_74 = arith.constant 0 : i32
        %dma_wait3A_75 = tpu.memref_slice %arg7[%mul3A_69, %dma_wait3A_74] : memref<10240x128xf32, #tpu.memory_space<hbm>> -> memref<640x128xf32, #tpu.memory_space<hbm>>
        %dma_wait3A_76 = arith.constant 0 : i32
        %dma_wait3A_77 = tpu.memref_slice %arg18[%mul3A_67, %dma_wait3A_76] : memref<10240x128xf32, #tpu.memory_space<vmem_shared>> -> memref<640x128xf32, #tpu.memory_space<vmem_shared>>
        tpu.wait_dma2 semaphore(%run_scoped3A : memref<!tpu.dma_semaphore, #tpu.memory_space<semaphore_mem>>) src(%dma_wait3A_77 : memref<640x128xf32, #tpu.memory_space<vmem_shared>>) dst(%dma_wait3A_75 : memref<640x128xf32, #tpu.memory_space<hbm>>)
        tpu.yield
      }) : () -> ()
    } else {
    }
    return
  }
}

#map = affine_map<(d0, d1) -> (0)>
#map1 = affine_map<(d0, d1) -> (0, 0, 0)>
module attributes {stable_mosaic.version = 14 : i64} {
  func.func @_deg_body(%arg0: i32, %arg1: i32, %arg2: memref<327680xi32, #tpu.memory_space<hbm>>, %arg3: memref<2x10240x128xf32, #tpu.memory_space<hbm>>, %arg4: memref<128xi32, #tpu.memory_space<vmem>>, %arg5: memref<128x128xf32, #tpu.memory_space<vmem>>, %arg6: memref<10240x128xf32, #tpu.memory_space<vmem_shared>>) attributes {dimension_semantics = [#tpu.dimension_semantics<core_parallel>, #tpu.dimension_semantics<subcore_parallel>], iteration_bounds = array<i64: 2, 16>, scalar_prefetch = 0 : i64, scratch_operands = 3 : i64, tpu.core_type = #tpu.core_type<sc_vector_subcore>, window_params = [{transform_indices = #map}, {transform_indices = #map1}]} {
    %scan3A = arith.constant 0 : i32
    %scan3A_0 = arith.constant 0 : i32
    %scan3A_1 = arith.constant 128 : i32
    %scan3A_2 = arith.addi %scan3A_0, %scan3A_1 : i32
    %scan3A_3 = arith.constant 1 : i32
    %scan3A_4 = scf.for %scan3A_36 = %scan3A_0 to %scan3A_2 step %scan3A_3 iter_args(%scan3A_37 = %scan3A) -> (i32)  : i32 {
      %broadcast_in_dim3A = arith.constant 1.000000e+00 : f32
      %broadcast_in_dim3A_38 = vector.broadcast %broadcast_in_dim3A : f32 to vector<16xf32>
      %swap3A = arith.index_cast %scan3A_36 : i32 to index
      %swap3A_39 = arith.constant 0 : index
      %swap3A_40 = tpu.vector_load %arg5[%swap3A, %swap3A_39] {strides = array<i32>} : memref<128x128xf32, #tpu.memory_space<vmem>>, vector<1x16xf32>,
      %swap3A_41 = vector.shape_cast %swap3A_40 : vector<1x16xf32> to vector<16xf32>
      %swap3A_42 = vector.shape_cast %broadcast_in_dim3A_38 : vector<16xf32> to vector<1x16xf32>
      tpu.vector_store %arg5[%swap3A, %swap3A_39], %swap3A_42 {strides = array<i32>} : memref<128x128xf32, #tpu.memory_space<vmem>>, vector<1x16xf32>,
      %broadcast_in_dim3A_43 = arith.constant 1.000000e+00 : f32
      %broadcast_in_dim3A_44 = vector.broadcast %broadcast_in_dim3A_43 : f32 to vector<16xf32>
      %swap3A_45 = arith.index_cast %scan3A_36 : i32 to index
      %swap3A_46 = arith.constant 16 : index
      %swap3A_47 = tpu.vector_load %arg5[%swap3A_45, %swap3A_46] {strides = array<i32>} : memref<128x128xf32, #tpu.memory_space<vmem>>, vector<1x16xf32>,
      %swap3A_48 = vector.shape_cast %swap3A_47 : vector<1x16xf32> to vector<16xf32>
      %swap3A_49 = vector.shape_cast %broadcast_in_dim3A_44 : vector<16xf32> to vector<1x16xf32>
      tpu.vector_store %arg5[%swap3A_45, %swap3A_46], %swap3A_49 {strides = array<i32>} : memref<128x128xf32, #tpu.memory_space<vmem>>, vector<1x16xf32>,
      %broadcast_in_dim3A_50 = arith.constant 1.000000e+00 : f32
      %broadcast_in_dim3A_51 = vector.broadcast %broadcast_in_dim3A_50 : f32 to vector<16xf32>
      %swap3A_52 = arith.index_cast %scan3A_36 : i32 to index
      %swap3A_53 = arith.constant 32 : index
      %swap3A_54 = tpu.vector_load %arg5[%swap3A_52, %swap3A_53] {strides = array<i32>} : memref<128x128xf32, #tpu.memory_space<vmem>>, vector<1x16xf32>,
      %swap3A_55 = vector.shape_cast %swap3A_54 : vector<1x16xf32> to vector<16xf32>
      %swap3A_56 = vector.shape_cast %broadcast_in_dim3A_51 : vector<16xf32> to vector<1x16xf32>
      tpu.vector_store %arg5[%swap3A_52, %swap3A_53], %swap3A_56 {strides = array<i32>} : memref<128x128xf32, #tpu.memory_space<vmem>>, vector<1x16xf32>,
      %broadcast_in_dim3A_57 = arith.constant 1.000000e+00 : f32
      %broadcast_in_dim3A_58 = vector.broadcast %broadcast_in_dim3A_57 : f32 to vector<16xf32>
      %swap3A_59 = arith.index_cast %scan3A_36 : i32 to index
      %swap3A_60 = arith.constant 48 : index
      %swap3A_61 = tpu.vector_load %arg5[%swap3A_59, %swap3A_60] {strides = array<i32>} : memref<128x128xf32, #tpu.memory_space<vmem>>, vector<1x16xf32>,
      %swap3A_62 = vector.shape_cast %swap3A_61 : vector<1x16xf32> to vector<16xf32>
      %swap3A_63 = vector.shape_cast %broadcast_in_dim3A_58 : vector<16xf32> to vector<1x16xf32>
      tpu.vector_store %arg5[%swap3A_59, %swap3A_60], %swap3A_63 {strides = array<i32>} : memref<128x128xf32, #tpu.memory_space<vmem>>, vector<1x16xf32>,
      %broadcast_in_dim3A_64 = arith.constant 1.000000e+00 : f32
      %broadcast_in_dim3A_65 = vector.broadcast %broadcast_in_dim3A_64 : f32 to vector<16xf32>
      %swap3A_66 = arith.index_cast %scan3A_36 : i32 to index
      %swap3A_67 = arith.constant 64 : index
      %swap3A_68 = tpu.vector_load %arg5[%swap3A_66, %swap3A_67] {strides = array<i32>} : memref<128x128xf32, #tpu.memory_space<vmem>>, vector<1x16xf32>,
      %swap3A_69 = vector.shape_cast %swap3A_68 : vector<1x16xf32> to vector<16xf32>
      %swap3A_70 = vector.shape_cast %broadcast_in_dim3A_65 : vector<16xf32> to vector<1x16xf32>
      tpu.vector_store %arg5[%swap3A_66, %swap3A_67], %swap3A_70 {strides = array<i32>} : memref<128x128xf32, #tpu.memory_space<vmem>>, vector<1x16xf32>,
      %broadcast_in_dim3A_71 = arith.constant 1.000000e+00 : f32
      %broadcast_in_dim3A_72 = vector.broadcast %broadcast_in_dim3A_71 : f32 to vector<16xf32>
      %swap3A_73 = arith.index_cast %scan3A_36 : i32 to index
      %swap3A_74 = arith.constant 80 : index
      %swap3A_75 = tpu.vector_load %arg5[%swap3A_73, %swap3A_74] {strides = array<i32>} : memref<128x128xf32, #tpu.memory_space<vmem>>, vector<1x16xf32>,
      %swap3A_76 = vector.shape_cast %swap3A_75 : vector<1x16xf32> to vector<16xf32>
      %swap3A_77 = vector.shape_cast %broadcast_in_dim3A_72 : vector<16xf32> to vector<1x16xf32>
      tpu.vector_store %arg5[%swap3A_73, %swap3A_74], %swap3A_77 {strides = array<i32>} : memref<128x128xf32, #tpu.memory_space<vmem>>, vector<1x16xf32>,
      %broadcast_in_dim3A_78 = arith.constant 1.000000e+00 : f32
      %broadcast_in_dim3A_79 = vector.broadcast %broadcast_in_dim3A_78 : f32 to vector<16xf32>
      %swap3A_80 = arith.index_cast %scan3A_36 : i32 to index
      %swap3A_81 = arith.constant 96 : index
      %swap3A_82 = tpu.vector_load %arg5[%swap3A_80, %swap3A_81] {strides = array<i32>} : memref<128x128xf32, #tpu.memory_space<vmem>>, vector<1x16xf32>,
      %swap3A_83 = vector.shape_cast %swap3A_82 : vector<1x16xf32> to vector<16xf32>
      %swap3A_84 = vector.shape_cast %broadcast_in_dim3A_79 : vector<16xf32> to vector<1x16xf32>
      tpu.vector_store %arg5[%swap3A_80, %swap3A_81], %swap3A_84 {strides = array<i32>} : memref<128x128xf32, #tpu.memory_space<vmem>>, vector<1x16xf32>,
      %broadcast_in_dim3A_85 = arith.constant 1.000000e+00 : f32
      %broadcast_in_dim3A_86 = vector.broadcast %broadcast_in_dim3A_85 : f32 to vector<16xf32>
      %swap3A_87 = arith.index_cast %scan3A_36 : i32 to index
      %swap3A_88 = arith.constant 112 : index
      %swap3A_89 = tpu.vector_load %arg5[%swap3A_87, %swap3A_88] {strides = array<i32>} : memref<128x128xf32, #tpu.memory_space<vmem>>, vector<1x16xf32>,
      %swap3A_90 = vector.shape_cast %swap3A_89 : vector<1x16xf32> to vector<16xf32>
      %swap3A_91 = vector.shape_cast %broadcast_in_dim3A_86 : vector<16xf32> to vector<1x16xf32>
      tpu.vector_store %arg5[%swap3A_87, %swap3A_88], %swap3A_91 {strides = array<i32>} : memref<128x128xf32, #tpu.memory_space<vmem>>, vector<1x16xf32>,
      %scan3A_92 = arith.constant 0 : i32
      scf.yield %scan3A_92 : i32
    }
    %scan3A_5 = arith.constant 128 : i32
    %mul3A = arith.constant 640 : i32
    %mul3A_6 = arith.muli %arg1, %mul3A : i32
    %add3A = arith.constant 0 : i32
    %add3A_7 = arith.addi %mul3A_6, %add3A : i32
    "tpu.region"() ({
      %run_scoped3A = tpu.sem_alloc : memref<!tpu.dma_semaphore, #tpu.memory_space<semaphore_mem>>
      %dma_start3A = arith.constant 0 : i32
      %dma_start3A_36 = tpu.memref_slice %arg6[%add3A_7, %dma_start3A] : memref<10240x128xf32, #tpu.memory_space<vmem_shared>> -> memref<128x128xf32, #tpu.memory_space<vmem_shared>>
      %dma_start3A_37 = arith.constant 0 : i32
      %dma_start3A_38 = tpu.memref_slice %arg6[%add3A_7, %dma_start3A_37] : memref<10240x128xf32, #tpu.memory_space<vmem_shared>> -> memref<128x128xf32, #tpu.memory_space<vmem_shared>>
      tpu.enqueue_dma source(%arg5 : memref<128x128xf32, #tpu.memory_space<vmem>>) target(%dma_start3A_38 : memref<128x128xf32, #tpu.memory_space<vmem_shared>>) target_semaphore(%run_scoped3A : memref<!tpu.dma_semaphore, #tpu.memory_space<semaphore_mem>>)
      %dma_wait3A = arith.constant 0 : i32
      %dma_wait3A_39 = tpu.memref_slice %arg6[%add3A_7, %dma_wait3A] : memref<10240x128xf32, #tpu.memory_space<vmem_shared>> -> memref<128x128xf32, #tpu.memory_space<vmem_shared>>
      %dma_wait3A_40 = arith.constant 0 : i32
      %dma_wait3A_41 = tpu.memref_slice %arg6[%add3A_7, %dma_wait3A_40] : memref<10240x128xf32, #tpu.memory_space<vmem_shared>> -> memref<128x128xf32, #tpu.memory_space<vmem_shared>>
      tpu.wait_dma2 semaphore(%run_scoped3A : memref<!tpu.dma_semaphore, #tpu.memory_space<semaphore_mem>>) src(%arg5 : memref<128x128xf32, #tpu.memory_space<vmem>>) dst(%dma_wait3A_41 : memref<128x128xf32, #tpu.memory_space<vmem_shared>>)
      tpu.yield
    }) : () -> ()
    %mul3A_8 = arith.constant 640 : i32
    %mul3A_9 = arith.muli %arg1, %mul3A_8 : i32
    %add3A_10 = arith.constant 128 : i32
    %add3A_11 = arith.addi %mul3A_9, %add3A_10 : i32
    "tpu.region"() ({
      %run_scoped3A = tpu.sem_alloc : memref<!tpu.dma_semaphore, #tpu.memory_space<semaphore_mem>>
      %dma_start3A = arith.constant 0 : i32
      %dma_start3A_36 = tpu.memref_slice %arg6[%add3A_11, %dma_start3A] : memref<10240x128xf32, #tpu.memory_space<vmem_shared>> -> memref<128x128xf32, #tpu.memory_space<vmem_shared>>
      %dma_start3A_37 = arith.constant 0 : i32
      %dma_start3A_38 = tpu.memref_slice %arg6[%add3A_11, %dma_start3A_37] : memref<10240x128xf32, #tpu.memory_space<vmem_shared>> -> memref<128x128xf32, #tpu.memory_space<vmem_shared>>
      tpu.enqueue_dma source(%arg5 : memref<128x128xf32, #tpu.memory_space<vmem>>) target(%dma_start3A_38 : memref<128x128xf32, #tpu.memory_space<vmem_shared>>) target_semaphore(%run_scoped3A : memref<!tpu.dma_semaphore, #tpu.memory_space<semaphore_mem>>)
      %dma_wait3A = arith.constant 0 : i32
      %dma_wait3A_39 = tpu.memref_slice %arg6[%add3A_11, %dma_wait3A] : memref<10240x128xf32, #tpu.memory_space<vmem_shared>> -> memref<128x128xf32, #tpu.memory_space<vmem_shared>>
      %dma_wait3A_40 = arith.constant 0 : i32
      %dma_wait3A_41 = tpu.memref_slice %arg6[%add3A_11, %dma_wait3A_40] : memref<10240x128xf32, #tpu.memory_space<vmem_shared>> -> memref<128x128xf32, #tpu.memory_space<vmem_shared>>
      tpu.wait_dma2 semaphore(%run_scoped3A : memref<!tpu.dma_semaphore, #tpu.memory_space<semaphore_mem>>) src(%arg5 : memref<128x128xf32, #tpu.memory_space<vmem>>) dst(%dma_wait3A_41 : memref<128x128xf32, #tpu.memory_space<vmem_shared>>)
      tpu.yield
    }) : () -> ()
    %mul3A_12 = arith.constant 640 : i32
    %mul3A_13 = arith.muli %arg1, %mul3A_12 : i32
    %add3A_14 = arith.constant 256 : i32
    %add3A_15 = arith.addi %mul3A_13, %add3A_14 : i32
    "tpu.region"() ({
      %run_scoped3A = tpu.sem_alloc : memref<!tpu.dma_semaphore, #tpu.memory_space<semaphore_mem>>
      %dma_start3A = arith.constant 0 : i32
      %dma_start3A_36 = tpu.memref_slice %arg6[%add3A_15, %dma_start3A] : memref<10240x128xf32, #tpu.memory_space<vmem_shared>> -> memref<128x128xf32, #tpu.memory_space<vmem_shared>>
      %dma_start3A_37 = arith.constant 0 : i32
      %dma_start3A_38 = tpu.memref_slice %arg6[%add3A_15, %dma_start3A_37] : memref<10240x128xf32, #tpu.memory_space<vmem_shared>> -> memref<128x128xf32, #tpu.memory_space<vmem_shared>>
      tpu.enqueue_dma source(%arg5 : memref<128x128xf32, #tpu.memory_space<vmem>>) target(%dma_start3A_38 : memref<128x128xf32, #tpu.memory_space<vmem_shared>>) target_semaphore(%run_scoped3A : memref<!tpu.dma_semaphore, #tpu.memory_space<semaphore_mem>>)
      %dma_wait3A = arith.constant 0 : i32
      %dma_wait3A_39 = tpu.memref_slice %arg6[%add3A_15, %dma_wait3A] : memref<10240x128xf32, #tpu.memory_space<vmem_shared>> -> memref<128x128xf32, #tpu.memory_space<vmem_shared>>
      %dma_wait3A_40 = arith.constant 0 : i32
      %dma_wait3A_41 = tpu.memref_slice %arg6[%add3A_15, %dma_wait3A_40] : memref<10240x128xf32, #tpu.memory_space<vmem_shared>> -> memref<128x128xf32, #tpu.memory_space<vmem_shared>>
      tpu.wait_dma2 semaphore(%run_scoped3A : memref<!tpu.dma_semaphore, #tpu.memory_space<semaphore_mem>>) src(%arg5 : memref<128x128xf32, #tpu.memory_space<vmem>>) dst(%dma_wait3A_41 : memref<128x128xf32, #tpu.memory_space<vmem_shared>>)
      tpu.yield
    }) : () -> ()
    %mul3A_16 = arith.constant 640 : i32
    %mul3A_17 = arith.muli %arg1, %mul3A_16 : i32
    %add3A_18 = arith.constant 384 : i32
    %add3A_19 = arith.addi %mul3A_17, %add3A_18 : i32
    "tpu.region"() ({
      %run_scoped3A = tpu.sem_alloc : memref<!tpu.dma_semaphore, #tpu.memory_space<semaphore_mem>>
      %dma_start3A = arith.constant 0 : i32
      %dma_start3A_36 = tpu.memref_slice %arg6[%add3A_19, %dma_start3A] : memref<10240x128xf32, #tpu.memory_space<vmem_shared>> -> memref<128x128xf32, #tpu.memory_space<vmem_shared>>
      %dma_start3A_37 = arith.constant 0 : i32
      %dma_start3A_38 = tpu.memref_slice %arg6[%add3A_19, %dma_start3A_37] : memref<10240x128xf32, #tpu.memory_space<vmem_shared>> -> memref<128x128xf32, #tpu.memory_space<vmem_shared>>
      tpu.enqueue_dma source(%arg5 : memref<128x128xf32, #tpu.memory_space<vmem>>) target(%dma_start3A_38 : memref<128x128xf32, #tpu.memory_space<vmem_shared>>) target_semaphore(%run_scoped3A : memref<!tpu.dma_semaphore, #tpu.memory_space<semaphore_mem>>)
      %dma_wait3A = arith.constant 0 : i32
      %dma_wait3A_39 = tpu.memref_slice %arg6[%add3A_19, %dma_wait3A] : memref<10240x128xf32, #tpu.memory_space<vmem_shared>> -> memref<128x128xf32, #tpu.memory_space<vmem_shared>>
      %dma_wait3A_40 = arith.constant 0 : i32
      %dma_wait3A_41 = tpu.memref_slice %arg6[%add3A_19, %dma_wait3A_40] : memref<10240x128xf32, #tpu.memory_space<vmem_shared>> -> memref<128x128xf32, #tpu.memory_space<vmem_shared>>
      tpu.wait_dma2 semaphore(%run_scoped3A : memref<!tpu.dma_semaphore, #tpu.memory_space<semaphore_mem>>) src(%arg5 : memref<128x128xf32, #tpu.memory_space<vmem>>) dst(%dma_wait3A_41 : memref<128x128xf32, #tpu.memory_space<vmem_shared>>)
      tpu.yield
    }) : () -> ()
    %mul3A_20 = arith.constant 640 : i32
    %mul3A_21 = arith.muli %arg1, %mul3A_20 : i32
    %add3A_22 = arith.constant 512 : i32
    %add3A_23 = arith.addi %mul3A_21, %add3A_22 : i32
    "tpu.region"() ({
      %run_scoped3A = tpu.sem_alloc : memref<!tpu.dma_semaphore, #tpu.memory_space<semaphore_mem>>
      %dma_start3A = arith.constant 0 : i32
      %dma_start3A_36 = tpu.memref_slice %arg6[%add3A_23, %dma_start3A] : memref<10240x128xf32, #tpu.memory_space<vmem_shared>> -> memref<128x128xf32, #tpu.memory_space<vmem_shared>>
      %dma_start3A_37 = arith.constant 0 : i32
      %dma_start3A_38 = tpu.memref_slice %arg6[%add3A_23, %dma_start3A_37] : memref<10240x128xf32, #tpu.memory_space<vmem_shared>> -> memref<128x128xf32, #tpu.memory_space<vmem_shared>>
      tpu.enqueue_dma source(%arg5 : memref<128x128xf32, #tpu.memory_space<vmem>>) target(%dma_start3A_38 : memref<128x128xf32, #tpu.memory_space<vmem_shared>>) target_semaphore(%run_scoped3A : memref<!tpu.dma_semaphore, #tpu.memory_space<semaphore_mem>>)
      %dma_wait3A = arith.constant 0 : i32
      %dma_wait3A_39 = tpu.memref_slice %arg6[%add3A_23, %dma_wait3A] : memref<10240x128xf32, #tpu.memory_space<vmem_shared>> -> memref<128x128xf32, #tpu.memory_space<vmem_shared>>
      %dma_wait3A_40 = arith.constant 0 : i32
      %dma_wait3A_41 = tpu.memref_slice %arg6[%add3A_23, %dma_wait3A_40] : memref<10240x128xf32, #tpu.memory_space<vmem_shared>> -> memref<128x128xf32, #tpu.memory_space<vmem_shared>>
      tpu.wait_dma2 semaphore(%run_scoped3A : memref<!tpu.dma_semaphore, #tpu.memory_space<semaphore_mem>>) src(%arg5 : memref<128x128xf32, #tpu.memory_space<vmem>>) dst(%dma_wait3A_41 : memref<128x128xf32, #tpu.memory_space<vmem_shared>>)
      tpu.yield
    }) : () -> ()
    %barrier3A = arith.constant 0 : index
    tpu.barrier barrier_id(%barrier3A)
    %scan3A_24 = arith.constant 0 : i32
    %scan3A_25 = arith.constant 0 : i32
    %scan3A_26 = arith.constant 80 : i32
    %scan3A_27 = arith.addi %scan3A_25, %scan3A_26 : i32
    %scan3A_28 = arith.constant 1 : i32
    %scan3A_29 = scf.for %scan3A_36 = %scan3A_25 to %scan3A_27 step %scan3A_28 iter_args(%scan3A_37 = %scan3A_24) -> (i32)  : i32 {
      %mul3A_38 = arith.constant 160 : i32
      %mul3A_39 = arith.muli %arg1, %mul3A_38 : i32
      %mul3A_40 = arith.constant 80 : i32
      %mul3A_41 = arith.muli %arg0, %mul3A_40 : i32
      %add3A_42 = arith.addi %mul3A_39, %mul3A_41 : i32
      %add3A_43 = arith.addi %add3A_42, %scan3A_36 : i32
      %mul3A_44 = arith.constant 128 : i32
      %mul3A_45 = arith.muli %add3A_43, %mul3A_44 : i32
      "tpu.region"() ({
        %run_scoped3A = tpu.sem_alloc : memref<!tpu.dma_semaphore, #tpu.memory_space<semaphore_mem>>
        %dma_start3A = tpu.memref_slice %arg2[%mul3A_45] : memref<327680xi32, #tpu.memory_space<hbm>> -> memref<128xi32, #tpu.memory_space<hbm>>
        %dma_start3A_47 = tpu.memref_slice %arg2[%mul3A_45] : memref<327680xi32, #tpu.memory_space<hbm>> -> memref<128xi32, #tpu.memory_space<hbm>>
        tpu.enqueue_dma source(%dma_start3A_47 : memref<128xi32, #tpu.memory_space<hbm>>) target(%arg4 : memref<128xi32, #tpu.memory_space<vmem>>) target_semaphore(%run_scoped3A : memref<!tpu.dma_semaphore, #tpu.memory_space<semaphore_mem>>)
        %dma_wait3A = tpu.memref_slice %arg2[%mul3A_45] : memref<327680xi32, #tpu.memory_space<hbm>> -> memref<128xi32, #tpu.memory_space<hbm>>
        %dma_wait3A_48 = tpu.memref_slice %arg2[%mul3A_45] : memref<327680xi32, #tpu.memory_space<hbm>> -> memref<128xi32, #tpu.memory_space<hbm>>
        tpu.wait_dma2 semaphore(%run_scoped3A : memref<!tpu.dma_semaphore, #tpu.memory_space<semaphore_mem>>) src(%dma_wait3A_48 : memref<128xi32, #tpu.memory_space<hbm>>) dst(%arg4 : memref<128xi32, #tpu.memory_space<vmem>>)
        tpu.yield
      }) : () -> ()
      "tpu.region"() ({
        %run_scoped3A = tpu.sem_alloc : memref<!tpu.dma_semaphore, #tpu.memory_space<semaphore_mem>>
        %dma_start3A = arith.constant 0 : i32
        %dma_start3A_47 = arith.constant 0 : i32
        %dma_start3A_48 = tpu.memref_slice %arg6[%dma_start3A, %dma_start3A_47] : memref<10240x128xf32, #tpu.memory_space<vmem_shared>> -> memref<10240x128xf32, #tpu.memory_space<vmem_shared>>
        tpu.enqueue_indirect_dma source(%arg5 : memref<128x128xf32, #tpu.memory_space<vmem>>) target(%dma_start3A_48 : memref<10240x128xf32, #tpu.memory_space<vmem_shared>>) offsets(%arg4 : memref<128xi32, #tpu.memory_space<vmem>>) semaphore(%run_scoped3A : memref<!tpu.dma_semaphore, #tpu.memory_space<semaphore_mem>>) {add = true}
        %dma_wait3A = arith.constant 0 : i32
        %dma_wait3A_49 = arith.constant 0 : i32
        %dma_wait3A_50 = tpu.memref_slice %arg6[%dma_wait3A, %dma_wait3A_49] : memref<10240x128xf32, #tpu.memory_space<vmem_shared>> -> memref<10240x128xf32, #tpu.memory_space<vmem_shared>>
        tpu.wait_indirect_dma semaphore(%run_scoped3A : memref<!tpu.dma_semaphore, #tpu.memory_space<semaphore_mem>>) src(%arg5 : memref<128x128xf32, #tpu.memory_space<vmem>>) dst(%dma_wait3A_50 : memref<10240x128xf32, #tpu.memory_space<vmem_shared>>)
        tpu.yield
      }) : () -> ()
      %scan3A_46 = arith.constant 0 : i32
      scf.yield %scan3A_46 : i32
    }
    %scan3A_30 = arith.constant 80 : i32
    %barrier3A_31 = arith.constant 0 : index
    tpu.barrier barrier_id(%barrier3A_31)
    %mul3A_32 = arith.constant 640 : i32
    %mul3A_33 = arith.muli %arg1, %mul3A_32 : i32
    %mul3A_34 = arith.constant 640 : i32
    %mul3A_35 = arith.muli %arg1, %mul3A_34 : i32
    "tpu.region"() ({
      %run_scoped3A = tpu.sem_alloc : memref<!tpu.dma_semaphore, #tpu.memory_space<semaphore_mem>>
      %dma_start3A = arith.constant 0 : i32
      %dma_start3A_36 = tpu.memref_slice %arg3[%arg0, %mul3A_35, %dma_start3A] : memref<2x10240x128xf32, #tpu.memory_space<hbm>> -> memref<1x640x128xf32, #tpu.memory_space<hbm>>
      %dma_start3A_37 = tpu.memref_squeeze %dma_start3A_36 : memref<1x640x128xf32, #tpu.memory_space<hbm>> -> memref<640x128xf32, #tpu.memory_space<hbm>>
      %dma_start3A_38 = arith.constant 0 : i32
      %dma_start3A_39 = tpu.memref_slice %arg6[%mul3A_33, %dma_start3A_38] : memref<10240x128xf32, #tpu.memory_space<vmem_shared>> -> memref<640x128xf32, #tpu.memory_space<vmem_shared>>
      tpu.enqueue_dma source(%dma_start3A_39 : memref<640x128xf32, #tpu.memory_space<vmem_shared>>) target(%dma_start3A_37 : memref<640x128xf32, #tpu.memory_space<hbm>>) target_semaphore(%run_scoped3A : memref<!tpu.dma_semaphore, #tpu.memory_space<semaphore_mem>>)
      %dma_wait3A = arith.constant 0 : i32
      %dma_wait3A_40 = tpu.memref_slice %arg3[%arg0, %mul3A_35, %dma_wait3A] : memref<2x10240x128xf32, #tpu.memory_space<hbm>> -> memref<1x640x128xf32, #tpu.memory_space<hbm>>
      %dma_wait3A_41 = tpu.memref_squeeze %dma_wait3A_40 : memref<1x640x128xf32, #tpu.memory_space<hbm>> -> memref<640x128xf32, #tpu.memory_space<hbm>>
      %dma_wait3A_42 = arith.constant 0 : i32
      %dma_wait3A_43 = tpu.memref_slice %arg6[%mul3A_33, %dma_wait3A_42] : memref<10240x128xf32, #tpu.memory_space<vmem_shared>> -> memref<640x128xf32, #tpu.memory_space<vmem_shared>>
      tpu.wait_dma2 semaphore(%run_scoped3A : memref<!tpu.dma_semaphore, #tpu.memory_space<semaphore_mem>>) src(%dma_wait3A_43 : memref<640x128xf32, #tpu.memory_space<vmem_shared>>) dst(%dma_wait3A_41 : memref<640x128xf32, #tpu.memory_space<hbm>>)
      tpu.yield
    }) : () -> ()
    return
  }
}

#map = affine_map<(d0, d1) -> (0, 0)>
#map1 = affine_map<(d0, d1) -> (0)>
module attributes {stable_mosaic.version = 14 : i64} {
  func.func @_scat_body(%arg0: i32, %arg1: i32, %arg2: memref<10000x128xf32, #tpu.memory_space<hbm>>, %arg3: memref<10000x128xf32, #tpu.memory_space<hbm>>, %arg4: memref<327680xi32, #tpu.memory_space<hbm>>, %arg5: memref<327680xi32, #tpu.memory_space<hbm>>, %arg6: memref<10240x128xf32, #tpu.memory_space<hbm>>, %arg7: memref<10240x128xf32, #tpu.memory_space<hbm>>, %arg8: memref<128xi32, #tpu.memory_space<vmem>>, %arg9: memref<128xi32, #tpu.memory_space<vmem>>, %arg10: memref<128xi32, #tpu.memory_space<vmem>>, %arg11: memref<128xi32, #tpu.memory_space<vmem>>, %arg12: memref<128xi32, #tpu.memory_space<vmem>>, %arg13: memref<128xi32, #tpu.memory_space<vmem>>, %arg14: memref<128xi32, #tpu.memory_space<vmem>>, %arg15: memref<128xi32, #tpu.memory_space<vmem>>, %arg16: memref<128x128xf32, #tpu.memory_space<vmem>>, %arg17: memref<128x128xf32, #tpu.memory_space<vmem>>, %arg18: memref<10240x128xf32, #tpu.memory_space<vmem_shared>>, %arg19: memref<!tpu.dma_semaphore, #tpu.memory_space<semaphore_mem>>, %arg20: memref<!tpu.dma_semaphore, #tpu.memory_space<semaphore_mem>>, %arg21: memref<!tpu.dma_semaphore, #tpu.memory_space<semaphore_mem>>, %arg22: memref<!tpu.dma_semaphore, #tpu.memory_space<semaphore_mem>>, %arg23: memref<!tpu.dma_semaphore, #tpu.memory_space<semaphore_mem>>, %arg24: memref<!tpu.dma_semaphore, #tpu.memory_space<semaphore_mem>>, %arg25: memref<!tpu.dma_semaphore, #tpu.memory_space<semaphore_mem>>, %arg26: memref<!tpu.dma_semaphore, #tpu.memory_space<semaphore_mem>>) attributes {dimension_semantics = [#tpu.dimension_semantics<core_parallel>, #tpu.dimension_semantics<subcore_parallel>], iteration_bounds = array<i64: 2, 16>, scalar_prefetch = 0 : i64, scratch_operands = 19 : i64, tpu.core_type = #tpu.core_type<sc_vector_subcore>, window_params = [{transform_indices = #map}, {transform_indices = #map}, {transform_indices = #map1}, {transform_indices = #map1}, {transform_indices = #map}, {transform_indices = #map}]} {
    %mul3A = arith.constant 160 : i32
    %mul3A_0 = arith.muli %arg1, %mul3A : i32
    %eq3A = arith.constant 0 : i32
    %eq3A_1 = arith.cmpi eq, %arg0, %eq3A : i32
    %convert_element_type3A = arith.extui %eq3A_1 : i1 to i32
    %cond3A = arith.constant 0 : i32
    %cond3A_2 = arith.cmpi ne, %convert_element_type3A, %cond3A : i32
    scf.if %cond3A_2 {
      %ne3A = arith.constant 15 : i32
      %ne3A_8 = arith.cmpi ne, %arg1, %ne3A : i32
      %convert_element_type3A_9 = arith.extui %ne3A_8 : i1 to i32
      %cond3A_10 = arith.constant 0 : i32
      %cond3A_11 = arith.cmpi ne, %convert_element_type3A_9, %cond3A_10 : i32
      scf.if %cond3A_11 {
        %mul3A_70 = arith.constant 640 : i32
        %mul3A_71 = arith.muli %arg1, %mul3A_70 : i32
        %mul3A_72 = arith.constant 640 : i32
        %mul3A_73 = arith.muli %arg1, %mul3A_72 : i32
        "tpu.region"() ({
          %run_scoped3A = tpu.sem_alloc : memref<!tpu.dma_semaphore, #tpu.memory_space<semaphore_mem>>
          %dma_start3A_74 = arith.constant 0 : i32
          %dma_start3A_75 = tpu.memref_slice %arg18[%mul3A_73, %dma_start3A_74] : memref<10240x128xf32, #tpu.memory_space<vmem_shared>> -> memref<640x128xf32, #tpu.memory_space<vmem_shared>>
          %dma_start3A_76 = arith.constant 0 : i32
          %dma_start3A_77 = tpu.memref_slice %arg2[%mul3A_71, %dma_start3A_76] : memref<10000x128xf32, #tpu.memory_space<hbm>> -> memref<640x128xf32, #tpu.memory_space<hbm>>
          tpu.enqueue_dma source(%dma_start3A_77 : memref<640x128xf32, #tpu.memory_space<hbm>>) target(%dma_start3A_75 : memref<640x128xf32, #tpu.memory_space<vmem_shared>>) target_semaphore(%run_scoped3A : memref<!tpu.dma_semaphore, #tpu.memory_space<semaphore_mem>>)
          %dma_wait3A_78 = arith.constant 0 : i32
          %dma_wait3A_79 = tpu.memref_slice %arg18[%mul3A_73, %dma_wait3A_78] : memref<10240x128xf32, #tpu.memory_space<vmem_shared>> -> memref<640x128xf32, #tpu.memory_space<vmem_shared>>
          %dma_wait3A_80 = arith.constant 0 : i32
          %dma_wait3A_81 = tpu.memref_slice %arg2[%mul3A_71, %dma_wait3A_80] : memref<10000x128xf32, #tpu.memory_space<hbm>> -> memref<640x128xf32, #tpu.memory_space<hbm>>
          tpu.wait_dma2 semaphore(%run_scoped3A : memref<!tpu.dma_semaphore, #tpu.memory_space<semaphore_mem>>) src(%dma_wait3A_81 : memref<640x128xf32, #tpu.memory_space<hbm>>) dst(%dma_wait3A_79 : memref<640x128xf32, #tpu.memory_space<vmem_shared>>)
          tpu.yield
        }) : () -> ()
      } else {
      }
      %eq3A_12 = arith.constant 15 : i32
      %eq3A_13 = arith.cmpi eq, %arg1, %eq3A_12 : i32
      %convert_element_type3A_14 = arith.extui %eq3A_13 : i1 to i32
      %cond3A_15 = arith.constant 0 : i32
      %cond3A_16 = arith.cmpi ne, %convert_element_type3A_14, %cond3A_15 : i32
      scf.if %cond3A_16 {
        "tpu.region"() ({
          %run_scoped3A = tpu.sem_alloc : memref<!tpu.dma_semaphore, #tpu.memory_space<semaphore_mem>>
          %dma_start3A_70 = arith.constant 9600 : i32
          %dma_start3A_71 = arith.constant 0 : i32
          %dma_start3A_72 = tpu.memref_slice %arg18[%dma_start3A_70, %dma_start3A_71] : memref<10240x128xf32, #tpu.memory_space<vmem_shared>> -> memref<400x128xf32, #tpu.memory_space<vmem_shared>>
          %dma_start3A_73 = arith.constant 9600 : i32
          %dma_start3A_74 = arith.constant 0 : i32
          %dma_start3A_75 = tpu.memref_slice %arg2[%dma_start3A_73, %dma_start3A_74] : memref<10000x128xf32, #tpu.memory_space<hbm>> -> memref<400x128xf32, #tpu.memory_space<hbm>>
          tpu.enqueue_dma source(%dma_start3A_75 : memref<400x128xf32, #tpu.memory_space<hbm>>) target(%dma_start3A_72 : memref<400x128xf32, #tpu.memory_space<vmem_shared>>) target_semaphore(%run_scoped3A : memref<!tpu.dma_semaphore, #tpu.memory_space<semaphore_mem>>)
          %dma_wait3A_76 = arith.constant 9600 : i32
          %dma_wait3A_77 = arith.constant 0 : i32
          %dma_wait3A_78 = tpu.memref_slice %arg18[%dma_wait3A_76, %dma_wait3A_77] : memref<10240x128xf32, #tpu.memory_space<vmem_shared>> -> memref<400x128xf32, #tpu.memory_space<vmem_shared>>
          %dma_wait3A_79 = arith.constant 9600 : i32
          %dma_wait3A_80 = arith.constant 0 : i32
          %dma_wait3A_81 = tpu.memref_slice %arg2[%dma_wait3A_79, %dma_wait3A_80] : memref<10000x128xf32, #tpu.memory_space<hbm>> -> memref<400x128xf32, #tpu.memory_space<hbm>>
          tpu.wait_dma2 semaphore(%run_scoped3A : memref<!tpu.dma_semaphore, #tpu.memory_space<semaphore_mem>>) src(%dma_wait3A_81 : memref<400x128xf32, #tpu.memory_space<hbm>>) dst(%dma_wait3A_78 : memref<400x128xf32, #tpu.memory_space<vmem_shared>>)
          tpu.yield
        }) : () -> ()
      } else {
      }
      %barrier3A = arith.constant 0 : index
      tpu.barrier barrier_id(%barrier3A)
      %add3A = arith.constant 0 : i32
      %add3A_17 = arith.addi %mul3A_0, %add3A : i32
      %mul3A_18 = arith.constant 128 : i32
      %mul3A_19 = arith.muli %add3A_17, %mul3A_18 : i32
      %dma_start3A = tpu.memref_slice %arg4[%mul3A_19] : memref<327680xi32, #tpu.memory_space<hbm>> -> memref<128xi32, #tpu.memory_space<hbm>>
      %dma_start3A_20 = tpu.memref_slice %arg4[%mul3A_19] : memref<327680xi32, #tpu.memory_space<hbm>> -> memref<128xi32, #tpu.memory_space<hbm>>
      tpu.enqueue_dma source(%dma_start3A_20 : memref<128xi32, #tpu.memory_space<hbm>>) target(%arg8 : memref<128xi32, #tpu.memory_space<vmem>>) target_semaphore(%arg21 : memref<!tpu.dma_semaphore, #tpu.memory_space<semaphore_mem>>)
      %add3A_21 = arith.constant 0 : i32
      %add3A_22 = arith.addi %mul3A_0, %add3A_21 : i32
      %mul3A_23 = arith.constant 128 : i32
      %mul3A_24 = arith.muli %add3A_22, %mul3A_23 : i32
      %dma_start3A_25 = tpu.memref_slice %arg5[%mul3A_24] : memref<327680xi32, #tpu.memory_space<hbm>> -> memref<128xi32, #tpu.memory_space<hbm>>
      %dma_start3A_26 = tpu.memref_slice %arg5[%mul3A_24] : memref<327680xi32, #tpu.memory_space<hbm>> -> memref<128xi32, #tpu.memory_space<hbm>>
      tpu.enqueue_dma source(%dma_start3A_26 : memref<128xi32, #tpu.memory_space<hbm>>) target(%arg12 : memref<128xi32, #tpu.memory_space<vmem>>) target_semaphore(%arg21 : memref<!tpu.dma_semaphore, #tpu.memory_space<semaphore_mem>>)
      %add3A_27 = arith.constant 0 : i32
      %add3A_28 = arith.addi %mul3A_0, %add3A_27 : i32
      %mul3A_29 = arith.constant 128 : i32
      %mul3A_30 = arith.muli %add3A_28, %mul3A_29 : i32
      %dma_wait3A = tpu.memref_slice %arg4[%mul3A_30] : memref<327680xi32, #tpu.memory_space<hbm>> -> memref<128xi32, #tpu.memory_space<hbm>>
      %dma_wait3A_31 = tpu.memref_slice %arg4[%mul3A_30] : memref<327680xi32, #tpu.memory_space<hbm>> -> memref<128xi32, #tpu.memory_space<hbm>>
      tpu.wait_dma2 semaphore(%arg21 : memref<!tpu.dma_semaphore, #tpu.memory_space<semaphore_mem>>) src(%dma_wait3A_31 : memref<128xi32, #tpu.memory_space<hbm>>) dst(%arg8 : memref<128xi32, #tpu.memory_space<vmem>>)
      %add3A_32 = arith.constant 0 : i32
      %add3A_33 = arith.addi %mul3A_0, %add3A_32 : i32
      %mul3A_34 = arith.constant 128 : i32
      %mul3A_35 = arith.muli %add3A_33, %mul3A_34 : i32
      %dma_wait3A_36 = tpu.memref_slice %arg5[%mul3A_35] : memref<327680xi32, #tpu.memory_space<hbm>> -> memref<128xi32, #tpu.memory_space<hbm>>
      %dma_wait3A_37 = tpu.memref_slice %arg5[%mul3A_35] : memref<327680xi32, #tpu.memory_space<hbm>> -> memref<128xi32, #tpu.memory_space<hbm>>
      tpu.wait_dma2 semaphore(%arg21 : memref<!tpu.dma_semaphore, #tpu.memory_space<semaphore_mem>>) src(%dma_wait3A_37 : memref<128xi32, #tpu.memory_space<hbm>>) dst(%arg12 : memref<128xi32, #tpu.memory_space<vmem>>)
      %dma_start3A_38 = arith.constant 0 : i32
      %dma_start3A_39 = arith.constant 0 : i32
      %dma_start3A_40 = tpu.memref_slice %arg2[%dma_start3A_38, %dma_start3A_39] : memref<10000x128xf32, #tpu.memory_space<hbm>> -> memref<10000x128xf32, #tpu.memory_space<hbm>>
      tpu.enqueue_indirect_dma source(%dma_start3A_40 : memref<10000x128xf32, #tpu.memory_space<hbm>>) target(%arg16 : memref<128x128xf32, #tpu.memory_space<vmem>>) offsets(%arg8 : memref<128xi32, #tpu.memory_space<vmem>>) semaphore(%arg19 : memref<!tpu.dma_semaphore, #tpu.memory_space<semaphore_mem>>)
      %add3A_41 = arith.constant 1 : i32
      %add3A_42 = arith.addi %mul3A_0, %add3A_41 : i32
      %mul3A_43 = arith.constant 128 : i32
      %mul3A_44 = arith.muli %add3A_42, %mul3A_43 : i32
      %dma_start3A_45 = tpu.memref_slice %arg4[%mul3A_44] : memref<327680xi32, #tpu.memory_space<hbm>> -> memref<128xi32, #tpu.memory_space<hbm>>
      %dma_start3A_46 = tpu.memref_slice %arg4[%mul3A_44] : memref<327680xi32, #tpu.memory_space<hbm>> -> memref<128xi32, #tpu.memory_space<hbm>>
      tpu.enqueue_dma source(%dma_start3A_46 : memref<128xi32, #tpu.memory_space<hbm>>) target(%arg9 : memref<128xi32, #tpu.memory_space<vmem>>) target_semaphore(%arg22 : memref<!tpu.dma_semaphore, #tpu.memory_space<semaphore_mem>>)
      %add3A_47 = arith.constant 1 : i32
      %add3A_48 = arith.addi %mul3A_0, %add3A_47 : i32
      %mul3A_49 = arith.constant 128 : i32
      %mul3A_50 = arith.muli %add3A_48, %mul3A_49 : i32
      %dma_start3A_51 = tpu.memref_slice %arg5[%mul3A_50] : memref<327680xi32, #tpu.memory_space<hbm>> -> memref<128xi32, #tpu.memory_space<hbm>>
      %dma_start3A_52 = tpu.memref_slice %arg5[%mul3A_50] : memref<327680xi32, #tpu.memory_space<hbm>> -> memref<128xi32, #tpu.memory_space<hbm>>
      tpu.enqueue_dma source(%dma_start3A_52 : memref<128xi32, #tpu.memory_space<hbm>>) target(%arg13 : memref<128xi32, #tpu.memory_space<vmem>>) target_semaphore(%arg22 : memref<!tpu.dma_semaphore, #tpu.memory_space<semaphore_mem>>)
      %scan3A = arith.constant 0 : i32
      %scan3A_53 = arith.constant 0 : i32
      %scan3A_54 = arith.constant 40 : i32
      %scan3A_55 = arith.addi %scan3A_53, %scan3A_54 : i32
      %scan3A_56 = arith.constant 1 : i32
      %scan3A_57 = scf.for %scan3A_70 = %scan3A_53 to %scan3A_55 step %scan3A_56 iter_args(%scan3A_71 = %scan3A) -> (i32)  : i32 {
        %mul3A_72 = arith.constant 4 : i32
        %mul3A_73 = arith.muli %mul3A_72, %scan3A_70 : i32
        %add3A_74 = arith.constant 1 : i32
        %add3A_75 = arith.addi %mul3A_73, %add3A_74 : i32
        %lt3A = arith.constant 160 : i32
        %lt3A_76 = arith.cmpi slt, %add3A_75, %lt3A : i32
        %convert_element_type3A_77 = arith.extui %lt3A_76 : i1 to i32
        %cond3A_78 = arith.constant 0 : i32
        %cond3A_79 = arith.cmpi ne, %convert_element_type3A_77, %cond3A_78 : i32
        scf.if %cond3A_79 {
          %add3A_160 = arith.constant 1 : i32
          %add3A_161 = arith.addi %mul3A_73, %add3A_160 : i32
          %add3A_162 = arith.addi %mul3A_0, %add3A_161 : i32
          %mul3A_163 = arith.constant 128 : i32
          %mul3A_164 = arith.muli %add3A_162, %mul3A_163 : i32
          %dma_wait3A_165 = tpu.memref_slice %arg4[%mul3A_164] : memref<327680xi32, #tpu.memory_space<hbm>> -> memref<128xi32, #tpu.memory_space<hbm>>
          %dma_wait3A_166 = tpu.memref_slice %arg4[%mul3A_164] : memref<327680xi32, #tpu.memory_space<hbm>> -> memref<128xi32, #tpu.memory_space<hbm>>
          tpu.wait_dma2 semaphore(%arg22 : memref<!tpu.dma_semaphore, #tpu.memory_space<semaphore_mem>>) src(%dma_wait3A_166 : memref<128xi32, #tpu.memory_space<hbm>>) dst(%arg9 : memref<128xi32, #tpu.memory_space<vmem>>)
          %add3A_167 = arith.addi %mul3A_0, %add3A_161 : i32
          %mul3A_168 = arith.constant 128 : i32
          %mul3A_169 = arith.muli %add3A_167, %mul3A_168 : i32
          %dma_wait3A_170 = tpu.memref_slice %arg5[%mul3A_169] : memref<327680xi32, #tpu.memory_space<hbm>> -> memref<128xi32, #tpu.memory_space<hbm>>
          %dma_wait3A_171 = tpu.memref_slice %arg5[%mul3A_169] : memref<327680xi32, #tpu.memory_space<hbm>> -> memref<128xi32, #tpu.memory_space<hbm>>
          tpu.wait_dma2 semaphore(%arg22 : memref<!tpu.dma_semaphore, #tpu.memory_space<semaphore_mem>>) src(%dma_wait3A_171 : memref<128xi32, #tpu.memory_space<hbm>>) dst(%arg13 : memref<128xi32, #tpu.memory_space<vmem>>)
          %ge3A = arith.constant 1 : i32
          %ge3A_172 = arith.cmpi sge, %mul3A_73, %ge3A : i32
          %convert_element_type3A_173 = arith.extui %ge3A_172 : i1 to i32
          %cond3A_174 = arith.constant 0 : i32
          %cond3A_175 = arith.cmpi ne, %convert_element_type3A_173, %cond3A_174 : i32
          scf.if %cond3A_175 {
            %dma_wait3A_179 = arith.constant 0 : i32
            %dma_wait3A_180 = arith.constant 0 : i32
            %dma_wait3A_181 = tpu.memref_slice %arg18[%dma_wait3A_179, %dma_wait3A_180] : memref<10240x128xf32, #tpu.memory_space<vmem_shared>> -> memref<10240x128xf32, #tpu.memory_space<vmem_shared>>
            tpu.wait_indirect_dma semaphore(%arg26 : memref<!tpu.dma_semaphore, #tpu.memory_space<semaphore_mem>>) src(%arg17 : memref<128x128xf32, #tpu.memory_space<vmem>>) dst(%dma_wait3A_181 : memref<10240x128xf32, #tpu.memory_space<vmem_shared>>)
          } else {
          }
          %dma_start3A_176 = arith.constant 0 : i32
          %dma_start3A_177 = arith.constant 0 : i32
          %dma_start3A_178 = tpu.memref_slice %arg2[%dma_start3A_176, %dma_start3A_177] : memref<10000x128xf32, #tpu.memory_space<hbm>> -> memref<10000x128xf32, #tpu.memory_space<hbm>>
          tpu.enqueue_indirect_dma source(%dma_start3A_178 : memref<10000x128xf32, #tpu.memory_space<hbm>>) target(%arg17 : memref<128x128xf32, #tpu.memory_space<vmem>>) offsets(%arg9 : memref<128xi32, #tpu.memory_space<vmem>>) semaphore(%arg20 : memref<!tpu.dma_semaphore, #tpu.memory_space<semaphore_mem>>)
        } else {
        }
        %dma_wait3A_80 = arith.constant 0 : i32
        %dma_wait3A_81 = arith.constant 0 : i32
        %dma_wait3A_82 = tpu.memref_slice %arg2[%dma_wait3A_80, %dma_wait3A_81] : memref<10000x128xf32, #tpu.memory_space<hbm>> -> memref<10000x128xf32, #tpu.memory_space<hbm>>
        tpu.wait_indirect_dma semaphore(%arg19 : memref<!tpu.dma_semaphore, #tpu.memory_space<semaphore_mem>>) src(%dma_wait3A_82 : memref<10000x128xf32, #tpu.memory_space<hbm>>) dst(%arg16 : memref<128x128xf32, #tpu.memory_space<vmem>>)
        %dma_start3A_83 = arith.constant 0 : i32
        %dma_start3A_84 = arith.constant 0 : i32
        %dma_start3A_85 = tpu.memref_slice %arg18[%dma_start3A_83, %dma_start3A_84] : memref<10240x128xf32, #tpu.memory_space<vmem_shared>> -> memref<10240x128xf32, #tpu.memory_space<vmem_shared>>
        tpu.enqueue_indirect_dma source(%arg16 : memref<128x128xf32, #tpu.memory_space<vmem>>) target(%dma_start3A_85 : memref<10240x128xf32, #tpu.memory_space<vmem_shared>>) offsets(%arg12 : memref<128xi32, #tpu.memory_space<vmem>>) semaphore(%arg25 : memref<!tpu.dma_semaphore, #tpu.memory_space<semaphore_mem>>) {add = true}
        %add3A_86 = arith.constant 2 : i32
        %add3A_87 = arith.addi %mul3A_73, %add3A_86 : i32
        %lt3A_88 = arith.constant 160 : i32
        %lt3A_89 = arith.cmpi slt, %add3A_87, %lt3A_88 : i32
        %convert_element_type3A_90 = arith.extui %lt3A_89 : i1 to i32
        %cond3A_91 = arith.constant 0 : i32
        %cond3A_92 = arith.cmpi ne, %convert_element_type3A_90, %cond3A_91 : i32
        scf.if %cond3A_92 {
          %add3A_160 = arith.constant 2 : i32
          %add3A_161 = arith.addi %mul3A_73, %add3A_160 : i32
          %add3A_162 = arith.addi %mul3A_0, %add3A_161 : i32
          %mul3A_163 = arith.constant 128 : i32
          %mul3A_164 = arith.muli %add3A_162, %mul3A_163 : i32
          %dma_start3A_165 = tpu.memref_slice %arg4[%mul3A_164] : memref<327680xi32, #tpu.memory_space<hbm>> -> memref<128xi32, #tpu.memory_space<hbm>>
          %dma_start3A_166 = tpu.memref_slice %arg4[%mul3A_164] : memref<327680xi32, #tpu.memory_space<hbm>> -> memref<128xi32, #tpu.memory_space<hbm>>
          tpu.enqueue_dma source(%dma_start3A_166 : memref<128xi32, #tpu.memory_space<hbm>>) target(%arg10 : memref<128xi32, #tpu.memory_space<vmem>>) target_semaphore(%arg23 : memref<!tpu.dma_semaphore, #tpu.memory_space<semaphore_mem>>)
          %add3A_167 = arith.addi %mul3A_0, %add3A_161 : i32
          %mul3A_168 = arith.constant 128 : i32
          %mul3A_169 = arith.muli %add3A_167, %mul3A_168 : i32
          %dma_start3A_170 = tpu.memref_slice %arg5[%mul3A_169] : memref<327680xi32, #tpu.memory_space<hbm>> -> memref<128xi32, #tpu.memory_space<hbm>>
          %dma_start3A_171 = tpu.memref_slice %arg5[%mul3A_169] : memref<327680xi32, #tpu.memory_space<hbm>> -> memref<128xi32, #tpu.memory_space<hbm>>
          tpu.enqueue_dma source(%dma_start3A_171 : memref<128xi32, #tpu.memory_space<hbm>>) target(%arg14 : memref<128xi32, #tpu.memory_space<vmem>>) target_semaphore(%arg23 : memref<!tpu.dma_semaphore, #tpu.memory_space<semaphore_mem>>)
        } else {
        }
        %add3A_93 = arith.constant 1 : i32
        %add3A_94 = arith.addi %mul3A_73, %add3A_93 : i32
        %add3A_95 = arith.constant 1 : i32
        %add3A_96 = arith.addi %add3A_94, %add3A_95 : i32
        %lt3A_97 = arith.constant 160 : i32
        %lt3A_98 = arith.cmpi slt, %add3A_96, %lt3A_97 : i32
        %convert_element_type3A_99 = arith.extui %lt3A_98 : i1 to i32
        %cond3A_100 = arith.constant 0 : i32
        %cond3A_101 = arith.cmpi ne, %convert_element_type3A_99, %cond3A_100 : i32
        scf.if %cond3A_101 {
          %add3A_160 = arith.constant 1 : i32
          %add3A_161 = arith.addi %add3A_94, %add3A_160 : i32
          %add3A_162 = arith.addi %mul3A_0, %add3A_161 : i32
          %mul3A_163 = arith.constant 128 : i32
          %mul3A_164 = arith.muli %add3A_162, %mul3A_163 : i32
          %dma_wait3A_165 = tpu.memref_slice %arg4[%mul3A_164] : memref<327680xi32, #tpu.memory_space<hbm>> -> memref<128xi32, #tpu.memory_space<hbm>>
          %dma_wait3A_166 = tpu.memref_slice %arg4[%mul3A_164] : memref<327680xi32, #tpu.memory_space<hbm>> -> memref<128xi32, #tpu.memory_space<hbm>>
          tpu.wait_dma2 semaphore(%arg23 : memref<!tpu.dma_semaphore, #tpu.memory_space<semaphore_mem>>) src(%dma_wait3A_166 : memref<128xi32, #tpu.memory_space<hbm>>) dst(%arg10 : memref<128xi32, #tpu.memory_space<vmem>>)
          %add3A_167 = arith.addi %mul3A_0, %add3A_161 : i32
          %mul3A_168 = arith.constant 128 : i32
          %mul3A_169 = arith.muli %add3A_167, %mul3A_168 : i32
          %dma_wait3A_170 = tpu.memref_slice %arg5[%mul3A_169] : memref<327680xi32, #tpu.memory_space<hbm>> -> memref<128xi32, #tpu.memory_space<hbm>>
          %dma_wait3A_171 = tpu.memref_slice %arg5[%mul3A_169] : memref<327680xi32, #tpu.memory_space<hbm>> -> memref<128xi32, #tpu.memory_space<hbm>>
          tpu.wait_dma2 semaphore(%arg23 : memref<!tpu.dma_semaphore, #tpu.memory_space<semaphore_mem>>) src(%dma_wait3A_171 : memref<128xi32, #tpu.memory_space<hbm>>) dst(%arg14 : memref<128xi32, #tpu.memory_space<vmem>>)
          %ge3A = arith.constant 1 : i32
          %ge3A_172 = arith.cmpi sge, %add3A_94, %ge3A : i32
          %convert_element_type3A_173 = arith.extui %ge3A_172 : i1 to i32
          %cond3A_174 = arith.constant 0 : i32
          %cond3A_175 = arith.cmpi ne, %convert_element_type3A_173, %cond3A_174 : i32
          scf.if %cond3A_175 {
            %dma_wait3A_179 = arith.constant 0 : i32
            %dma_wait3A_180 = arith.constant 0 : i32
            %dma_wait3A_181 = tpu.memref_slice %arg18[%dma_wait3A_179, %dma_wait3A_180] : memref<10240x128xf32, #tpu.memory_space<vmem_shared>> -> memref<10240x128xf32, #tpu.memory_space<vmem_shared>>
            tpu.wait_indirect_dma semaphore(%arg25 : memref<!tpu.dma_semaphore, #tpu.memory_space<semaphore_mem>>) src(%arg16 : memref<128x128xf32, #tpu.memory_space<vmem>>) dst(%dma_wait3A_181 : memref<10240x128xf32, #tpu.memory_space<vmem_shared>>)
          } else {
          }
          %dma_start3A_176 = arith.constant 0 : i32
          %dma_start3A_177 = arith.constant 0 : i32
          %dma_start3A_178 = tpu.memref_slice %arg2[%dma_start3A_176, %dma_start3A_177] : memref<10000x128xf32, #tpu.memory_space<hbm>> -> memref<10000x128xf32, #tpu.memory_space<hbm>>
          tpu.enqueue_indirect_dma source(%dma_start3A_178 : memref<10000x128xf32, #tpu.memory_space<hbm>>) target(%arg16 : memref<128x128xf32, #tpu.memory_space<vmem>>) offsets(%arg10 : memref<128xi32, #tpu.memory_space<vmem>>) semaphore(%arg19 : memref<!tpu.dma_semaphore, #tpu.memory_space<semaphore_mem>>)
        } else {
        }
        %dma_wait3A_102 = arith.constant 0 : i32
        %dma_wait3A_103 = arith.constant 0 : i32
        %dma_wait3A_104 = tpu.memref_slice %arg2[%dma_wait3A_102, %dma_wait3A_103] : memref<10000x128xf32, #tpu.memory_space<hbm>> -> memref<10000x128xf32, #tpu.memory_space<hbm>>
        tpu.wait_indirect_dma semaphore(%arg20 : memref<!tpu.dma_semaphore, #tpu.memory_space<semaphore_mem>>) src(%dma_wait3A_104 : memref<10000x128xf32, #tpu.memory_space<hbm>>) dst(%arg17 : memref<128x128xf32, #tpu.memory_space<vmem>>)
        %dma_start3A_105 = arith.constant 0 : i32
        %dma_start3A_106 = arith.constant 0 : i32
        %dma_start3A_107 = tpu.memref_slice %arg18[%dma_start3A_105, %dma_start3A_106] : memref<10240x128xf32, #tpu.memory_space<vmem_shared>> -> memref<10240x128xf32, #tpu.memory_space<vmem_shared>>
        tpu.enqueue_indirect_dma source(%arg17 : memref<128x128xf32, #tpu.memory_space<vmem>>) target(%dma_start3A_107 : memref<10240x128xf32, #tpu.memory_space<vmem_shared>>) offsets(%arg13 : memref<128xi32, #tpu.memory_space<vmem>>) semaphore(%arg26 : memref<!tpu.dma_semaphore, #tpu.memory_space<semaphore_mem>>) {add = true}
        %add3A_108 = arith.constant 2 : i32
        %add3A_109 = arith.addi %add3A_94, %add3A_108 : i32
        %lt3A_110 = arith.constant 160 : i32
        %lt3A_111 = arith.cmpi slt, %add3A_109, %lt3A_110 : i32
        %convert_element_type3A_112 = arith.extui %lt3A_111 : i1 to i32
        %cond3A_113 = arith.constant 0 : i32
        %cond3A_114 = arith.cmpi ne, %convert_element_type3A_112, %cond3A_113 : i32
        scf.if %cond3A_114 {
          %add3A_160 = arith.constant 2 : i32
          %add3A_161 = arith.addi %add3A_94, %add3A_160 : i32
          %add3A_162 = arith.addi %mul3A_0, %add3A_161 : i32
          %mul3A_163 = arith.constant 128 : i32
          %mul3A_164 = arith.muli %add3A_162, %mul3A_163 : i32
          %dma_start3A_165 = tpu.memref_slice %arg4[%mul3A_164] : memref<327680xi32, #tpu.memory_space<hbm>> -> memref<128xi32, #tpu.memory_space<hbm>>
          %dma_start3A_166 = tpu.memref_slice %arg4[%mul3A_164] : memref<327680xi32, #tpu.memory_space<hbm>> -> memref<128xi32, #tpu.memory_space<hbm>>
          tpu.enqueue_dma source(%dma_start3A_166 : memref<128xi32, #tpu.memory_space<hbm>>) target(%arg11 : memref<128xi32, #tpu.memory_space<vmem>>) target_semaphore(%arg24 : memref<!tpu.dma_semaphore, #tpu.memory_space<semaphore_mem>>)
          %add3A_167 = arith.addi %mul3A_0, %add3A_161 : i32
          %mul3A_168 = arith.constant 128 : i32
          %mul3A_169 = arith.muli %add3A_167, %mul3A_168 : i32
          %dma_start3A_170 = tpu.memref_slice %arg5[%mul3A_169] : memref<327680xi32, #tpu.memory_space<hbm>> -> memref<128xi32, #tpu.memory_space<hbm>>
          %dma_start3A_171 = tpu.memref_slice %arg5[%mul3A_169] : memref<327680xi32, #tpu.memory_space<hbm>> -> memref<128xi32, #tpu.memory_space<hbm>>
          tpu.enqueue_dma source(%dma_start3A_171 : memref<128xi32, #tpu.memory_space<hbm>>) target(%arg15 : memref<128xi32, #tpu.memory_space<vmem>>) target_semaphore(%arg24 : memref<!tpu.dma_semaphore, #tpu.memory_space<semaphore_mem>>)
        } else {
        }
        %add3A_115 = arith.constant 2 : i32
        %add3A_116 = arith.addi %mul3A_73, %add3A_115 : i32
        %add3A_117 = arith.constant 1 : i32
        %add3A_118 = arith.addi %add3A_116, %add3A_117 : i32
        %lt3A_119 = arith.constant 160 : i32
        %lt3A_120 = arith.cmpi slt, %add3A_118, %lt3A_119 : i32
        %convert_element_type3A_121 = arith.extui %lt3A_120 : i1 to i32
        %cond3A_122 = arith.constant 0 : i32
        %cond3A_123 = arith.cmpi ne, %convert_element_type3A_121, %cond3A_122 : i32
        scf.if %cond3A_123 {
          %add3A_160 = arith.constant 1 : i32
          %add3A_161 = arith.addi %add3A_116, %add3A_160 : i32
          %add3A_162 = arith.addi %mul3A_0, %add3A_161 : i32
          %mul3A_163 = arith.constant 128 : i32
          %mul3A_164 = arith.muli %add3A_162, %mul3A_163 : i32
          %dma_wait3A_165 = tpu.memref_slice %arg4[%mul3A_164] : memref<327680xi32, #tpu.memory_space<hbm>> -> memref<128xi32, #tpu.memory_space<hbm>>
          %dma_wait3A_166 = tpu.memref_slice %arg4[%mul3A_164] : memref<327680xi32, #tpu.memory_space<hbm>> -> memref<128xi32, #tpu.memory_space<hbm>>
          tpu.wait_dma2 semaphore(%arg24 : memref<!tpu.dma_semaphore, #tpu.memory_space<semaphore_mem>>) src(%dma_wait3A_166 : memref<128xi32, #tpu.memory_space<hbm>>) dst(%arg11 : memref<128xi32, #tpu.memory_space<vmem>>)
          %add3A_167 = arith.addi %mul3A_0, %add3A_161 : i32
          %mul3A_168 = arith.constant 128 : i32
          %mul3A_169 = arith.muli %add3A_167, %mul3A_168 : i32
          %dma_wait3A_170 = tpu.memref_slice %arg5[%mul3A_169] : memref<327680xi32, #tpu.memory_space<hbm>> -> memref<128xi32, #tpu.memory_space<hbm>>
          %dma_wait3A_171 = tpu.memref_slice %arg5[%mul3A_169] : memref<327680xi32, #tpu.memory_space<hbm>> -> memref<128xi32, #tpu.memory_space<hbm>>
          tpu.wait_dma2 semaphore(%arg24 : memref<!tpu.dma_semaphore, #tpu.memory_space<semaphore_mem>>) src(%dma_wait3A_171 : memref<128xi32, #tpu.memory_space<hbm>>) dst(%arg15 : memref<128xi32, #tpu.memory_space<vmem>>)
          %ge3A = arith.constant 1 : i32
          %ge3A_172 = arith.cmpi sge, %add3A_116, %ge3A : i32
          %convert_element_type3A_173 = arith.extui %ge3A_172 : i1 to i32
          %cond3A_174 = arith.constant 0 : i32
          %cond3A_175 = arith.cmpi ne, %convert_element_type3A_173, %cond3A_174 : i32
          scf.if %cond3A_175 {
            %dma_wait3A_179 = arith.constant 0 : i32
            %dma_wait3A_180 = arith.constant 0 : i32
            %dma_wait3A_181 = tpu.memref_slice %arg18[%dma_wait3A_179, %dma_wait3A_180] : memref<10240x128xf32, #tpu.memory_space<vmem_shared>> -> memref<10240x128xf32, #tpu.memory_space<vmem_shared>>
            tpu.wait_indirect_dma semaphore(%arg26 : memref<!tpu.dma_semaphore, #tpu.memory_space<semaphore_mem>>) src(%arg17 : memref<128x128xf32, #tpu.memory_space<vmem>>) dst(%dma_wait3A_181 : memref<10240x128xf32, #tpu.memory_space<vmem_shared>>)
          } else {
          }
          %dma_start3A_176 = arith.constant 0 : i32
          %dma_start3A_177 = arith.constant 0 : i32
          %dma_start3A_178 = tpu.memref_slice %arg2[%dma_start3A_176, %dma_start3A_177] : memref<10000x128xf32, #tpu.memory_space<hbm>> -> memref<10000x128xf32, #tpu.memory_space<hbm>>
          tpu.enqueue_indirect_dma source(%dma_start3A_178 : memref<10000x128xf32, #tpu.memory_space<hbm>>) target(%arg17 : memref<128x128xf32, #tpu.memory_space<vmem>>) offsets(%arg11 : memref<128xi32, #tpu.memory_space<vmem>>) semaphore(%arg20 : memref<!tpu.dma_semaphore, #tpu.memory_space<semaphore_mem>>)
        } else {
        }
        %dma_wait3A_124 = arith.constant 0 : i32
        %dma_wait3A_125 = arith.constant 0 : i32
        %dma_wait3A_126 = tpu.memref_slice %arg2[%dma_wait3A_124, %dma_wait3A_125] : memref<10000x128xf32, #tpu.memory_space<hbm>> -> memref<10000x128xf32, #tpu.memory_space<hbm>>
        tpu.wait_indirect_dma semaphore(%arg19 : memref<!tpu.dma_semaphore, #tpu.memory_space<semaphore_mem>>) src(%dma_wait3A_126 : memref<10000x128xf32, #tpu.memory_space<hbm>>) dst(%arg16 : memref<128x128xf32, #tpu.memory_space<vmem>>)
        %dma_start3A_127 = arith.constant 0 : i32
        %dma_start3A_128 = arith.constant 0 : i32
        %dma_start3A_129 = tpu.memref_slice %arg18[%dma_start3A_127, %dma_start3A_128] : memref<10240x128xf32, #tpu.memory_space<vmem_shared>> -> memref<10240x128xf32, #tpu.memory_space<vmem_shared>>
        tpu.enqueue_indirect_dma source(%arg16 : memref<128x128xf32, #tpu.memory_space<vmem>>) target(%dma_start3A_129 : memref<10240x128xf32, #tpu.memory_space<vmem_shared>>) offsets(%arg14 : memref<128xi32, #tpu.memory_space<vmem>>) semaphore(%arg25 : memref<!tpu.dma_semaphore, #tpu.memory_space<semaphore_mem>>) {add = true}
        %add3A_130 = arith.constant 2 : i32
        %add3A_131 = arith.addi %add3A_116, %add3A_130 : i32
        %lt3A_132 = arith.constant 160 : i32
        %lt3A_133 = arith.cmpi slt, %add3A_131, %lt3A_132 : i32
        %convert_element_type3A_134 = arith.extui %lt3A_133 : i1 to i32
        %cond3A_135 = arith.constant 0 : i32
        %cond3A_136 = arith.cmpi ne, %convert_element_type3A_134, %cond3A_135 : i32
        scf.if %cond3A_136 {
          %add3A_160 = arith.constant 2 : i32
          %add3A_161 = arith.addi %add3A_116, %add3A_160 : i32
          %add3A_162 = arith.addi %mul3A_0, %add3A_161 : i32
          %mul3A_163 = arith.constant 128 : i32
          %mul3A_164 = arith.muli %add3A_162, %mul3A_163 : i32
          %dma_start3A_165 = tpu.memref_slice %arg4[%mul3A_164] : memref<327680xi32, #tpu.memory_space<hbm>> -> memref<128xi32, #tpu.memory_space<hbm>>
          %dma_start3A_166 = tpu.memref_slice %arg4[%mul3A_164] : memref<327680xi32, #tpu.memory_space<hbm>> -> memref<128xi32, #tpu.memory_space<hbm>>
          tpu.enqueue_dma source(%dma_start3A_166 : memref<128xi32, #tpu.memory_space<hbm>>) target(%arg8 : memref<128xi32, #tpu.memory_space<vmem>>) target_semaphore(%arg21 : memref<!tpu.dma_semaphore, #tpu.memory_space<semaphore_mem>>)
          %add3A_167 = arith.addi %mul3A_0, %add3A_161 : i32
          %mul3A_168 = arith.constant 128 : i32
          %mul3A_169 = arith.muli %add3A_167, %mul3A_168 : i32
          %dma_start3A_170 = tpu.memref_slice %arg5[%mul3A_169] : memref<327680xi32, #tpu.memory_space<hbm>> -> memref<128xi32, #tpu.memory_space<hbm>>
          %dma_start3A_171 = tpu.memref_slice %arg5[%mul3A_169] : memref<327680xi32, #tpu.memory_space<hbm>> -> memref<128xi32, #tpu.memory_space<hbm>>
          tpu.enqueue_dma source(%dma_start3A_171 : memref<128xi32, #tpu.memory_space<hbm>>) target(%arg12 : memref<128xi32, #tpu.memory_space<vmem>>) target_semaphore(%arg21 : memref<!tpu.dma_semaphore, #tpu.memory_space<semaphore_mem>>)
        } else {
        }
        %add3A_137 = arith.constant 3 : i32
        %add3A_138 = arith.addi %mul3A_73, %add3A_137 : i32
        %add3A_139 = arith.constant 1 : i32
        %add3A_140 = arith.addi %add3A_138, %add3A_139 : i32
        %lt3A_141 = arith.constant 160 : i32
        %lt3A_142 = arith.cmpi slt, %add3A_140, %lt3A_141 : i32
        %convert_element_type3A_143 = arith.extui %lt3A_142 : i1 to i32
        %cond3A_144 = arith.constant 0 : i32
        %cond3A_145 = arith.cmpi ne, %convert_element_type3A_143, %cond3A_144 : i32
        scf.if %cond3A_145 {
          %add3A_160 = arith.constant 1 : i32
          %add3A_161 = arith.addi %add3A_138, %add3A_160 : i32
          %add3A_162 = arith.addi %mul3A_0, %add3A_161 : i32
          %mul3A_163 = arith.constant 128 : i32
          %mul3A_164 = arith.muli %add3A_162, %mul3A_163 : i32
          %dma_wait3A_165 = tpu.memref_slice %arg4[%mul3A_164] : memref<327680xi32, #tpu.memory_space<hbm>> -> memref<128xi32, #tpu.memory_space<hbm>>
          %dma_wait3A_166 = tpu.memref_slice %arg4[%mul3A_164] : memref<327680xi32, #tpu.memory_space<hbm>> -> memref<128xi32, #tpu.memory_space<hbm>>
          tpu.wait_dma2 semaphore(%arg21 : memref<!tpu.dma_semaphore, #tpu.memory_space<semaphore_mem>>) src(%dma_wait3A_166 : memref<128xi32, #tpu.memory_space<hbm>>) dst(%arg8 : memref<128xi32, #tpu.memory_space<vmem>>)
          %add3A_167 = arith.addi %mul3A_0, %add3A_161 : i32
          %mul3A_168 = arith.constant 128 : i32
          %mul3A_169 = arith.muli %add3A_167, %mul3A_168 : i32
          %dma_wait3A_170 = tpu.memref_slice %arg5[%mul3A_169] : memref<327680xi32, #tpu.memory_space<hbm>> -> memref<128xi32, #tpu.memory_space<hbm>>
          %dma_wait3A_171 = tpu.memref_slice %arg5[%mul3A_169] : memref<327680xi32, #tpu.memory_space<hbm>> -> memref<128xi32, #tpu.memory_space<hbm>>
          tpu.wait_dma2 semaphore(%arg21 : memref<!tpu.dma_semaphore, #tpu.memory_space<semaphore_mem>>) src(%dma_wait3A_171 : memref<128xi32, #tpu.memory_space<hbm>>) dst(%arg12 : memref<128xi32, #tpu.memory_space<vmem>>)
          %ge3A = arith.constant 1 : i32
          %ge3A_172 = arith.cmpi sge, %add3A_138, %ge3A : i32
          %convert_element_type3A_173 = arith.extui %ge3A_172 : i1 to i32
          %cond3A_174 = arith.constant 0 : i32
          %cond3A_175 = arith.cmpi ne, %convert_element_type3A_173, %cond3A_174 : i32
          scf.if %cond3A_175 {
            %dma_wait3A_179 = arith.constant 0 : i32
            %dma_wait3A_180 = arith.constant 0 : i32
            %dma_wait3A_181 = tpu.memref_slice %arg18[%dma_wait3A_179, %dma_wait3A_180] : memref<10240x128xf32, #tpu.memory_space<vmem_shared>> -> memref<10240x128xf32, #tpu.memory_space<vmem_shared>>
            tpu.wait_indirect_dma semaphore(%arg25 : memref<!tpu.dma_semaphore, #tpu.memory_space<semaphore_mem>>) src(%arg16 : memref<128x128xf32, #tpu.memory_space<vmem>>) dst(%dma_wait3A_181 : memref<10240x128xf32, #tpu.memory_space<vmem_shared>>)
          } else {
          }
          %dma_start3A_176 = arith.constant 0 : i32
          %dma_start3A_177 = arith.constant 0 : i32
          %dma_start3A_178 = tpu.memref_slice %arg2[%dma_start3A_176, %dma_start3A_177] : memref<10000x128xf32, #tpu.memory_space<hbm>> -> memref<10000x128xf32, #tpu.memory_space<hbm>>
          tpu.enqueue_indirect_dma source(%dma_start3A_178 : memref<10000x128xf32, #tpu.memory_space<hbm>>) target(%arg16 : memref<128x128xf32, #tpu.memory_space<vmem>>) offsets(%arg8 : memref<128xi32, #tpu.memory_space<vmem>>) semaphore(%arg19 : memref<!tpu.dma_semaphore, #tpu.memory_space<semaphore_mem>>)
        } else {
        }
        %dma_wait3A_146 = arith.constant 0 : i32
        %dma_wait3A_147 = arith.constant 0 : i32
        %dma_wait3A_148 = tpu.memref_slice %arg2[%dma_wait3A_146, %dma_wait3A_147] : memref<10000x128xf32, #tpu.memory_space<hbm>> -> memref<10000x128xf32, #tpu.memory_space<hbm>>
        tpu.wait_indirect_dma semaphore(%arg20 : memref<!tpu.dma_semaphore, #tpu.memory_space<semaphore_mem>>) src(%dma_wait3A_148 : memref<10000x128xf32, #tpu.memory_space<hbm>>) dst(%arg17 : memref<128x128xf32, #tpu.memory_space<vmem>>)
        %dma_start3A_149 = arith.constant 0 : i32
        %dma_start3A_150 = arith.constant 0 : i32
        %dma_start3A_151 = tpu.memref_slice %arg18[%dma_start3A_149, %dma_start3A_150] : memref<10240x128xf32, #tpu.memory_space<vmem_shared>> -> memref<10240x128xf32, #tpu.memory_space<vmem_shared>>
        tpu.enqueue_indirect_dma source(%arg17 : memref<128x128xf32, #tpu.memory_space<vmem>>) target(%dma_start3A_151 : memref<10240x128xf32, #tpu.memory_space<vmem_shared>>) offsets(%arg15 : memref<128xi32, #tpu.memory_space<vmem>>) semaphore(%arg26 : memref<!tpu.dma_semaphore, #tpu.memory_space<semaphore_mem>>) {add = true}
        %add3A_152 = arith.constant 2 : i32
        %add3A_153 = arith.addi %add3A_138, %add3A_152 : i32
        %lt3A_154 = arith.constant 160 : i32
        %lt3A_155 = arith.cmpi slt, %add3A_153, %lt3A_154 : i32
        %convert_element_type3A_156 = arith.extui %lt3A_155 : i1 to i32
        %cond3A_157 = arith.constant 0 : i32
        %cond3A_158 = arith.cmpi ne, %convert_element_type3A_156, %cond3A_157 : i32
        scf.if %cond3A_158 {
          %add3A_160 = arith.constant 2 : i32
          %add3A_161 = arith.addi %add3A_138, %add3A_160 : i32
          %add3A_162 = arith.addi %mul3A_0, %add3A_161 : i32
          %mul3A_163 = arith.constant 128 : i32
          %mul3A_164 = arith.muli %add3A_162, %mul3A_163 : i32
          %dma_start3A_165 = tpu.memref_slice %arg4[%mul3A_164] : memref<327680xi32, #tpu.memory_space<hbm>> -> memref<128xi32, #tpu.memory_space<hbm>>
          %dma_start3A_166 = tpu.memref_slice %arg4[%mul3A_164] : memref<327680xi32, #tpu.memory_space<hbm>> -> memref<128xi32, #tpu.memory_space<hbm>>
          tpu.enqueue_dma source(%dma_start3A_166 : memref<128xi32, #tpu.memory_space<hbm>>) target(%arg9 : memref<128xi32, #tpu.memory_space<vmem>>) target_semaphore(%arg22 : memref<!tpu.dma_semaphore, #tpu.memory_space<semaphore_mem>>)
          %add3A_167 = arith.addi %mul3A_0, %add3A_161 : i32
          %mul3A_168 = arith.constant 128 : i32
          %mul3A_169 = arith.muli %add3A_167, %mul3A_168 : i32
          %dma_start3A_170 = tpu.memref_slice %arg5[%mul3A_169] : memref<327680xi32, #tpu.memory_space<hbm>> -> memref<128xi32, #tpu.memory_space<hbm>>
          %dma_start3A_171 = tpu.memref_slice %arg5[%mul3A_169] : memref<327680xi32, #tpu.memory_space<hbm>> -> memref<128xi32, #tpu.memory_space<hbm>>
          tpu.enqueue_dma source(%dma_start3A_171 : memref<128xi32, #tpu.memory_space<hbm>>) target(%arg13 : memref<128xi32, #tpu.memory_space<vmem>>) target_semaphore(%arg22 : memref<!tpu.dma_semaphore, #tpu.memory_space<semaphore_mem>>)
        } else {
        }
        %scan3A_159 = arith.constant 0 : i32
        scf.yield %scan3A_159 : i32
      }
      %scan3A_58 = arith.constant 40 : i32
      %dma_wait3A_59 = arith.constant 0 : i32
      %dma_wait3A_60 = arith.constant 0 : i32
      %dma_wait3A_61 = tpu.memref_slice %arg18[%dma_wait3A_59, %dma_wait3A_60] : memref<10240x128xf32, #tpu.memory_space<vmem_shared>> -> memref<10240x128xf32, #tpu.memory_space<vmem_shared>>
      tpu.wait_indirect_dma semaphore(%arg25 : memref<!tpu.dma_semaphore, #tpu.memory_space<semaphore_mem>>) src(%arg16 : memref<128x128xf32, #tpu.memory_space<vmem>>) dst(%dma_wait3A_61 : memref<10240x128xf32, #tpu.memory_space<vmem_shared>>)
      %dma_wait3A_62 = arith.constant 0 : i32
      %dma_wait3A_63 = arith.constant 0 : i32
      %dma_wait3A_64 = tpu.memref_slice %arg18[%dma_wait3A_62, %dma_wait3A_63] : memref<10240x128xf32, #tpu.memory_space<vmem_shared>> -> memref<10240x128xf32, #tpu.memory_space<vmem_shared>>
      tpu.wait_indirect_dma semaphore(%arg26 : memref<!tpu.dma_semaphore, #tpu.memory_space<semaphore_mem>>) src(%arg17 : memref<128x128xf32, #tpu.memory_space<vmem>>) dst(%dma_wait3A_64 : memref<10240x128xf32, #tpu.memory_space<vmem_shared>>)
      %barrier3A_65 = arith.constant 0 : index
      tpu.barrier barrier_id(%barrier3A_65)
      %mul3A_66 = arith.constant 640 : i32
      %mul3A_67 = arith.muli %arg1, %mul3A_66 : i32
      %mul3A_68 = arith.constant 640 : i32
      %mul3A_69 = arith.muli %arg1, %mul3A_68 : i32
      "tpu.region"() ({
        %run_scoped3A = tpu.sem_alloc : memref<!tpu.dma_semaphore, #tpu.memory_space<semaphore_mem>>
        %dma_start3A_70 = arith.constant 0 : i32
        %dma_start3A_71 = tpu.memref_slice %arg6[%mul3A_69, %dma_start3A_70] : memref<10240x128xf32, #tpu.memory_space<hbm>> -> memref<640x128xf32, #tpu.memory_space<hbm>>
        %dma_start3A_72 = arith.constant 0 : i32
        %dma_start3A_73 = tpu.memref_slice %arg18[%mul3A_67, %dma_start3A_72] : memref<10240x128xf32, #tpu.memory_space<vmem_shared>> -> memref<640x128xf32, #tpu.memory_space<vmem_shared>>
        tpu.enqueue_dma source(%dma_start3A_73 : memref<640x128xf32, #tpu.memory_space<vmem_shared>>) target(%dma_start3A_71 : memref<640x128xf32, #tpu.memory_space<hbm>>) target_semaphore(%run_scoped3A : memref<!tpu.dma_semaphore, #tpu.memory_space<semaphore_mem>>)
        %dma_wait3A_74 = arith.constant 0 : i32
        %dma_wait3A_75 = tpu.memref_slice %arg6[%mul3A_69, %dma_wait3A_74] : memref<10240x128xf32, #tpu.memory_space<hbm>> -> memref<640x128xf32, #tpu.memory_space<hbm>>
        %dma_wait3A_76 = arith.constant 0 : i32
        %dma_wait3A_77 = tpu.memref_slice %arg18[%mul3A_67, %dma_wait3A_76] : memref<10240x128xf32, #tpu.memory_space<vmem_shared>> -> memref<640x128xf32, #tpu.memory_space<vmem_shared>>
        tpu.wait_dma2 semaphore(%run_scoped3A : memref<!tpu.dma_semaphore, #tpu.memory_space<semaphore_mem>>) src(%dma_wait3A_77 : memref<640x128xf32, #tpu.memory_space<vmem_shared>>) dst(%dma_wait3A_75 : memref<640x128xf32, #tpu.memory_space<hbm>>)
        tpu.yield
      }) : () -> ()
    } else {
    }
    %eq3A_3 = arith.constant 1 : i32
    %eq3A_4 = arith.cmpi eq, %arg0, %eq3A_3 : i32
    %convert_element_type3A_5 = arith.extui %eq3A_4 : i1 to i32
    %cond3A_6 = arith.constant 0 : i32
    %cond3A_7 = arith.cmpi ne, %convert_element_type3A_5, %cond3A_6 : i32
    scf.if %cond3A_7 {
      %ne3A = arith.constant 15 : i32
      %ne3A_8 = arith.cmpi ne, %arg1, %ne3A : i32
      %convert_element_type3A_9 = arith.extui %ne3A_8 : i1 to i32
      %cond3A_10 = arith.constant 0 : i32
      %cond3A_11 = arith.cmpi ne, %convert_element_type3A_9, %cond3A_10 : i32
      scf.if %cond3A_11 {
        %mul3A_70 = arith.constant 640 : i32
        %mul3A_71 = arith.muli %arg1, %mul3A_70 : i32
        %mul3A_72 = arith.constant 640 : i32
        %mul3A_73 = arith.muli %arg1, %mul3A_72 : i32
        "tpu.region"() ({
          %run_scoped3A = tpu.sem_alloc : memref<!tpu.dma_semaphore, #tpu.memory_space<semaphore_mem>>
          %dma_start3A_74 = arith.constant 0 : i32
          %dma_start3A_75 = tpu.memref_slice %arg18[%mul3A_73, %dma_start3A_74] : memref<10240x128xf32, #tpu.memory_space<vmem_shared>> -> memref<640x128xf32, #tpu.memory_space<vmem_shared>>
          %dma_start3A_76 = arith.constant 0 : i32
          %dma_start3A_77 = tpu.memref_slice %arg3[%mul3A_71, %dma_start3A_76] : memref<10000x128xf32, #tpu.memory_space<hbm>> -> memref<640x128xf32, #tpu.memory_space<hbm>>
          tpu.enqueue_dma source(%dma_start3A_77 : memref<640x128xf32, #tpu.memory_space<hbm>>) target(%dma_start3A_75 : memref<640x128xf32, #tpu.memory_space<vmem_shared>>) target_semaphore(%run_scoped3A : memref<!tpu.dma_semaphore, #tpu.memory_space<semaphore_mem>>)
          %dma_wait3A_78 = arith.constant 0 : i32
          %dma_wait3A_79 = tpu.memref_slice %arg18[%mul3A_73, %dma_wait3A_78] : memref<10240x128xf32, #tpu.memory_space<vmem_shared>> -> memref<640x128xf32, #tpu.memory_space<vmem_shared>>
          %dma_wait3A_80 = arith.constant 0 : i32
          %dma_wait3A_81 = tpu.memref_slice %arg3[%mul3A_71, %dma_wait3A_80] : memref<10000x128xf32, #tpu.memory_space<hbm>> -> memref<640x128xf32, #tpu.memory_space<hbm>>
          tpu.wait_dma2 semaphore(%run_scoped3A : memref<!tpu.dma_semaphore, #tpu.memory_space<semaphore_mem>>) src(%dma_wait3A_81 : memref<640x128xf32, #tpu.memory_space<hbm>>) dst(%dma_wait3A_79 : memref<640x128xf32, #tpu.memory_space<vmem_shared>>)
          tpu.yield
        }) : () -> ()
      } else {
      }
      %eq3A_12 = arith.constant 15 : i32
      %eq3A_13 = arith.cmpi eq, %arg1, %eq3A_12 : i32
      %convert_element_type3A_14 = arith.extui %eq3A_13 : i1 to i32
      %cond3A_15 = arith.constant 0 : i32
      %cond3A_16 = arith.cmpi ne, %convert_element_type3A_14, %cond3A_15 : i32
      scf.if %cond3A_16 {
        "tpu.region"() ({
          %run_scoped3A = tpu.sem_alloc : memref<!tpu.dma_semaphore, #tpu.memory_space<semaphore_mem>>
          %dma_start3A_70 = arith.constant 9600 : i32
          %dma_start3A_71 = arith.constant 0 : i32
          %dma_start3A_72 = tpu.memref_slice %arg18[%dma_start3A_70, %dma_start3A_71] : memref<10240x128xf32, #tpu.memory_space<vmem_shared>> -> memref<400x128xf32, #tpu.memory_space<vmem_shared>>
          %dma_start3A_73 = arith.constant 9600 : i32
          %dma_start3A_74 = arith.constant 0 : i32
          %dma_start3A_75 = tpu.memref_slice %arg3[%dma_start3A_73, %dma_start3A_74] : memref<10000x128xf32, #tpu.memory_space<hbm>> -> memref<400x128xf32, #tpu.memory_space<hbm>>
          tpu.enqueue_dma source(%dma_start3A_75 : memref<400x128xf32, #tpu.memory_space<hbm>>) target(%dma_start3A_72 : memref<400x128xf32, #tpu.memory_space<vmem_shared>>) target_semaphore(%run_scoped3A : memref<!tpu.dma_semaphore, #tpu.memory_space<semaphore_mem>>)
          %dma_wait3A_76 = arith.constant 9600 : i32
          %dma_wait3A_77 = arith.constant 0 : i32
          %dma_wait3A_78 = tpu.memref_slice %arg18[%dma_wait3A_76, %dma_wait3A_77] : memref<10240x128xf32, #tpu.memory_space<vmem_shared>> -> memref<400x128xf32, #tpu.memory_space<vmem_shared>>
          %dma_wait3A_79 = arith.constant 9600 : i32
          %dma_wait3A_80 = arith.constant 0 : i32
          %dma_wait3A_81 = tpu.memref_slice %arg3[%dma_wait3A_79, %dma_wait3A_80] : memref<10000x128xf32, #tpu.memory_space<hbm>> -> memref<400x128xf32, #tpu.memory_space<hbm>>
          tpu.wait_dma2 semaphore(%run_scoped3A : memref<!tpu.dma_semaphore, #tpu.memory_space<semaphore_mem>>) src(%dma_wait3A_81 : memref<400x128xf32, #tpu.memory_space<hbm>>) dst(%dma_wait3A_78 : memref<400x128xf32, #tpu.memory_space<vmem_shared>>)
          tpu.yield
        }) : () -> ()
      } else {
      }
      %barrier3A = arith.constant 0 : index
      tpu.barrier barrier_id(%barrier3A)
      %add3A = arith.constant 0 : i32
      %add3A_17 = arith.addi %mul3A_0, %add3A : i32
      %mul3A_18 = arith.constant 128 : i32
      %mul3A_19 = arith.muli %add3A_17, %mul3A_18 : i32
      %dma_start3A = tpu.memref_slice %arg4[%mul3A_19] : memref<327680xi32, #tpu.memory_space<hbm>> -> memref<128xi32, #tpu.memory_space<hbm>>
      %dma_start3A_20 = tpu.memref_slice %arg4[%mul3A_19] : memref<327680xi32, #tpu.memory_space<hbm>> -> memref<128xi32, #tpu.memory_space<hbm>>
      tpu.enqueue_dma source(%dma_start3A_20 : memref<128xi32, #tpu.memory_space<hbm>>) target(%arg8 : memref<128xi32, #tpu.memory_space<vmem>>) target_semaphore(%arg21 : memref<!tpu.dma_semaphore, #tpu.memory_space<semaphore_mem>>)
      %add3A_21 = arith.constant 0 : i32
      %add3A_22 = arith.addi %mul3A_0, %add3A_21 : i32
      %mul3A_23 = arith.constant 128 : i32
      %mul3A_24 = arith.muli %add3A_22, %mul3A_23 : i32
      %dma_start3A_25 = tpu.memref_slice %arg5[%mul3A_24] : memref<327680xi32, #tpu.memory_space<hbm>> -> memref<128xi32, #tpu.memory_space<hbm>>
      %dma_start3A_26 = tpu.memref_slice %arg5[%mul3A_24] : memref<327680xi32, #tpu.memory_space<hbm>> -> memref<128xi32, #tpu.memory_space<hbm>>
      tpu.enqueue_dma source(%dma_start3A_26 : memref<128xi32, #tpu.memory_space<hbm>>) target(%arg12 : memref<128xi32, #tpu.memory_space<vmem>>) target_semaphore(%arg21 : memref<!tpu.dma_semaphore, #tpu.memory_space<semaphore_mem>>)
      %add3A_27 = arith.constant 0 : i32
      %add3A_28 = arith.addi %mul3A_0, %add3A_27 : i32
      %mul3A_29 = arith.constant 128 : i32
      %mul3A_30 = arith.muli %add3A_28, %mul3A_29 : i32
      %dma_wait3A = tpu.memref_slice %arg4[%mul3A_30] : memref<327680xi32, #tpu.memory_space<hbm>> -> memref<128xi32, #tpu.memory_space<hbm>>
      %dma_wait3A_31 = tpu.memref_slice %arg4[%mul3A_30] : memref<327680xi32, #tpu.memory_space<hbm>> -> memref<128xi32, #tpu.memory_space<hbm>>
      tpu.wait_dma2 semaphore(%arg21 : memref<!tpu.dma_semaphore, #tpu.memory_space<semaphore_mem>>) src(%dma_wait3A_31 : memref<128xi32, #tpu.memory_space<hbm>>) dst(%arg8 : memref<128xi32, #tpu.memory_space<vmem>>)
      %add3A_32 = arith.constant 0 : i32
      %add3A_33 = arith.addi %mul3A_0, %add3A_32 : i32
      %mul3A_34 = arith.constant 128 : i32
      %mul3A_35 = arith.muli %add3A_33, %mul3A_34 : i32
      %dma_wait3A_36 = tpu.memref_slice %arg5[%mul3A_35] : memref<327680xi32, #tpu.memory_space<hbm>> -> memref<128xi32, #tpu.memory_space<hbm>>
      %dma_wait3A_37 = tpu.memref_slice %arg5[%mul3A_35] : memref<327680xi32, #tpu.memory_space<hbm>> -> memref<128xi32, #tpu.memory_space<hbm>>
      tpu.wait_dma2 semaphore(%arg21 : memref<!tpu.dma_semaphore, #tpu.memory_space<semaphore_mem>>) src(%dma_wait3A_37 : memref<128xi32, #tpu.memory_space<hbm>>) dst(%arg12 : memref<128xi32, #tpu.memory_space<vmem>>)
      %dma_start3A_38 = arith.constant 0 : i32
      %dma_start3A_39 = arith.constant 0 : i32
      %dma_start3A_40 = tpu.memref_slice %arg3[%dma_start3A_38, %dma_start3A_39] : memref<10000x128xf32, #tpu.memory_space<hbm>> -> memref<10000x128xf32, #tpu.memory_space<hbm>>
      tpu.enqueue_indirect_dma source(%dma_start3A_40 : memref<10000x128xf32, #tpu.memory_space<hbm>>) target(%arg16 : memref<128x128xf32, #tpu.memory_space<vmem>>) offsets(%arg8 : memref<128xi32, #tpu.memory_space<vmem>>) semaphore(%arg19 : memref<!tpu.dma_semaphore, #tpu.memory_space<semaphore_mem>>)
      %add3A_41 = arith.constant 1 : i32
      %add3A_42 = arith.addi %mul3A_0, %add3A_41 : i32
      %mul3A_43 = arith.constant 128 : i32
      %mul3A_44 = arith.muli %add3A_42, %mul3A_43 : i32
      %dma_start3A_45 = tpu.memref_slice %arg4[%mul3A_44] : memref<327680xi32, #tpu.memory_space<hbm>> -> memref<128xi32, #tpu.memory_space<hbm>>
      %dma_start3A_46 = tpu.memref_slice %arg4[%mul3A_44] : memref<327680xi32, #tpu.memory_space<hbm>> -> memref<128xi32, #tpu.memory_space<hbm>>
      tpu.enqueue_dma source(%dma_start3A_46 : memref<128xi32, #tpu.memory_space<hbm>>) target(%arg9 : memref<128xi32, #tpu.memory_space<vmem>>) target_semaphore(%arg22 : memref<!tpu.dma_semaphore, #tpu.memory_space<semaphore_mem>>)
      %add3A_47 = arith.constant 1 : i32
      %add3A_48 = arith.addi %mul3A_0, %add3A_47 : i32
      %mul3A_49 = arith.constant 128 : i32
      %mul3A_50 = arith.muli %add3A_48, %mul3A_49 : i32
      %dma_start3A_51 = tpu.memref_slice %arg5[%mul3A_50] : memref<327680xi32, #tpu.memory_space<hbm>> -> memref<128xi32, #tpu.memory_space<hbm>>
      %dma_start3A_52 = tpu.memref_slice %arg5[%mul3A_50] : memref<327680xi32, #tpu.memory_space<hbm>> -> memref<128xi32, #tpu.memory_space<hbm>>
      tpu.enqueue_dma source(%dma_start3A_52 : memref<128xi32, #tpu.memory_space<hbm>>) target(%arg13 : memref<128xi32, #tpu.memory_space<vmem>>) target_semaphore(%arg22 : memref<!tpu.dma_semaphore, #tpu.memory_space<semaphore_mem>>)
      %scan3A = arith.constant 0 : i32
      %scan3A_53 = arith.constant 0 : i32
      %scan3A_54 = arith.constant 40 : i32
      %scan3A_55 = arith.addi %scan3A_53, %scan3A_54 : i32
      %scan3A_56 = arith.constant 1 : i32
      %scan3A_57 = scf.for %scan3A_70 = %scan3A_53 to %scan3A_55 step %scan3A_56 iter_args(%scan3A_71 = %scan3A) -> (i32)  : i32 {
        %mul3A_72 = arith.constant 4 : i32
        %mul3A_73 = arith.muli %mul3A_72, %scan3A_70 : i32
        %add3A_74 = arith.constant 1 : i32
        %add3A_75 = arith.addi %mul3A_73, %add3A_74 : i32
        %lt3A = arith.constant 160 : i32
        %lt3A_76 = arith.cmpi slt, %add3A_75, %lt3A : i32
        %convert_element_type3A_77 = arith.extui %lt3A_76 : i1 to i32
        %cond3A_78 = arith.constant 0 : i32
        %cond3A_79 = arith.cmpi ne, %convert_element_type3A_77, %cond3A_78 : i32
        scf.if %cond3A_79 {
          %add3A_160 = arith.constant 1 : i32
          %add3A_161 = arith.addi %mul3A_73, %add3A_160 : i32
          %add3A_162 = arith.addi %mul3A_0, %add3A_161 : i32
          %mul3A_163 = arith.constant 128 : i32
          %mul3A_164 = arith.muli %add3A_162, %mul3A_163 : i32
          %dma_wait3A_165 = tpu.memref_slice %arg4[%mul3A_164] : memref<327680xi32, #tpu.memory_space<hbm>> -> memref<128xi32, #tpu.memory_space<hbm>>
          %dma_wait3A_166 = tpu.memref_slice %arg4[%mul3A_164] : memref<327680xi32, #tpu.memory_space<hbm>> -> memref<128xi32, #tpu.memory_space<hbm>>
          tpu.wait_dma2 semaphore(%arg22 : memref<!tpu.dma_semaphore, #tpu.memory_space<semaphore_mem>>) src(%dma_wait3A_166 : memref<128xi32, #tpu.memory_space<hbm>>) dst(%arg9 : memref<128xi32, #tpu.memory_space<vmem>>)
          %add3A_167 = arith.addi %mul3A_0, %add3A_161 : i32
          %mul3A_168 = arith.constant 128 : i32
          %mul3A_169 = arith.muli %add3A_167, %mul3A_168 : i32
          %dma_wait3A_170 = tpu.memref_slice %arg5[%mul3A_169] : memref<327680xi32, #tpu.memory_space<hbm>> -> memref<128xi32, #tpu.memory_space<hbm>>
          %dma_wait3A_171 = tpu.memref_slice %arg5[%mul3A_169] : memref<327680xi32, #tpu.memory_space<hbm>> -> memref<128xi32, #tpu.memory_space<hbm>>
          tpu.wait_dma2 semaphore(%arg22 : memref<!tpu.dma_semaphore, #tpu.memory_space<semaphore_mem>>) src(%dma_wait3A_171 : memref<128xi32, #tpu.memory_space<hbm>>) dst(%arg13 : memref<128xi32, #tpu.memory_space<vmem>>)
          %ge3A = arith.constant 1 : i32
          %ge3A_172 = arith.cmpi sge, %mul3A_73, %ge3A : i32
          %convert_element_type3A_173 = arith.extui %ge3A_172 : i1 to i32
          %cond3A_174 = arith.constant 0 : i32
          %cond3A_175 = arith.cmpi ne, %convert_element_type3A_173, %cond3A_174 : i32
          scf.if %cond3A_175 {
            %dma_wait3A_179 = arith.constant 0 : i32
            %dma_wait3A_180 = arith.constant 0 : i32
            %dma_wait3A_181 = tpu.memref_slice %arg18[%dma_wait3A_179, %dma_wait3A_180] : memref<10240x128xf32, #tpu.memory_space<vmem_shared>> -> memref<10240x128xf32, #tpu.memory_space<vmem_shared>>
            tpu.wait_indirect_dma semaphore(%arg26 : memref<!tpu.dma_semaphore, #tpu.memory_space<semaphore_mem>>) src(%arg17 : memref<128x128xf32, #tpu.memory_space<vmem>>) dst(%dma_wait3A_181 : memref<10240x128xf32, #tpu.memory_space<vmem_shared>>)
          } else {
          }
          %dma_start3A_176 = arith.constant 0 : i32
          %dma_start3A_177 = arith.constant 0 : i32
          %dma_start3A_178 = tpu.memref_slice %arg3[%dma_start3A_176, %dma_start3A_177] : memref<10000x128xf32, #tpu.memory_space<hbm>> -> memref<10000x128xf32, #tpu.memory_space<hbm>>
          tpu.enqueue_indirect_dma source(%dma_start3A_178 : memref<10000x128xf32, #tpu.memory_space<hbm>>) target(%arg17 : memref<128x128xf32, #tpu.memory_space<vmem>>) offsets(%arg9 : memref<128xi32, #tpu.memory_space<vmem>>) semaphore(%arg20 : memref<!tpu.dma_semaphore, #tpu.memory_space<semaphore_mem>>)
        } else {
        }
        %dma_wait3A_80 = arith.constant 0 : i32
        %dma_wait3A_81 = arith.constant 0 : i32
        %dma_wait3A_82 = tpu.memref_slice %arg3[%dma_wait3A_80, %dma_wait3A_81] : memref<10000x128xf32, #tpu.memory_space<hbm>> -> memref<10000x128xf32, #tpu.memory_space<hbm>>
        tpu.wait_indirect_dma semaphore(%arg19 : memref<!tpu.dma_semaphore, #tpu.memory_space<semaphore_mem>>) src(%dma_wait3A_82 : memref<10000x128xf32, #tpu.memory_space<hbm>>) dst(%arg16 : memref<128x128xf32, #tpu.memory_space<vmem>>)
        %dma_start3A_83 = arith.constant 0 : i32
        %dma_start3A_84 = arith.constant 0 : i32
        %dma_start3A_85 = tpu.memref_slice %arg18[%dma_start3A_83, %dma_start3A_84] : memref<10240x128xf32, #tpu.memory_space<vmem_shared>> -> memref<10240x128xf32, #tpu.memory_space<vmem_shared>>
        tpu.enqueue_indirect_dma source(%arg16 : memref<128x128xf32, #tpu.memory_space<vmem>>) target(%dma_start3A_85 : memref<10240x128xf32, #tpu.memory_space<vmem_shared>>) offsets(%arg12 : memref<128xi32, #tpu.memory_space<vmem>>) semaphore(%arg25 : memref<!tpu.dma_semaphore, #tpu.memory_space<semaphore_mem>>) {add = true}
        %add3A_86 = arith.constant 2 : i32
        %add3A_87 = arith.addi %mul3A_73, %add3A_86 : i32
        %lt3A_88 = arith.constant 160 : i32
        %lt3A_89 = arith.cmpi slt, %add3A_87, %lt3A_88 : i32
        %convert_element_type3A_90 = arith.extui %lt3A_89 : i1 to i32
        %cond3A_91 = arith.constant 0 : i32
        %cond3A_92 = arith.cmpi ne, %convert_element_type3A_90, %cond3A_91 : i32
        scf.if %cond3A_92 {
          %add3A_160 = arith.constant 2 : i32
          %add3A_161 = arith.addi %mul3A_73, %add3A_160 : i32
          %add3A_162 = arith.addi %mul3A_0, %add3A_161 : i32
          %mul3A_163 = arith.constant 128 : i32
          %mul3A_164 = arith.muli %add3A_162, %mul3A_163 : i32
          %dma_start3A_165 = tpu.memref_slice %arg4[%mul3A_164] : memref<327680xi32, #tpu.memory_space<hbm>> -> memref<128xi32, #tpu.memory_space<hbm>>
          %dma_start3A_166 = tpu.memref_slice %arg4[%mul3A_164] : memref<327680xi32, #tpu.memory_space<hbm>> -> memref<128xi32, #tpu.memory_space<hbm>>
          tpu.enqueue_dma source(%dma_start3A_166 : memref<128xi32, #tpu.memory_space<hbm>>) target(%arg10 : memref<128xi32, #tpu.memory_space<vmem>>) target_semaphore(%arg23 : memref<!tpu.dma_semaphore, #tpu.memory_space<semaphore_mem>>)
          %add3A_167 = arith.addi %mul3A_0, %add3A_161 : i32
          %mul3A_168 = arith.constant 128 : i32
          %mul3A_169 = arith.muli %add3A_167, %mul3A_168 : i32
          %dma_start3A_170 = tpu.memref_slice %arg5[%mul3A_169] : memref<327680xi32, #tpu.memory_space<hbm>> -> memref<128xi32, #tpu.memory_space<hbm>>
          %dma_start3A_171 = tpu.memref_slice %arg5[%mul3A_169] : memref<327680xi32, #tpu.memory_space<hbm>> -> memref<128xi32, #tpu.memory_space<hbm>>
          tpu.enqueue_dma source(%dma_start3A_171 : memref<128xi32, #tpu.memory_space<hbm>>) target(%arg14 : memref<128xi32, #tpu.memory_space<vmem>>) target_semaphore(%arg23 : memref<!tpu.dma_semaphore, #tpu.memory_space<semaphore_mem>>)
        } else {
        }
        %add3A_93 = arith.constant 1 : i32
        %add3A_94 = arith.addi %mul3A_73, %add3A_93 : i32
        %add3A_95 = arith.constant 1 : i32
        %add3A_96 = arith.addi %add3A_94, %add3A_95 : i32
        %lt3A_97 = arith.constant 160 : i32
        %lt3A_98 = arith.cmpi slt, %add3A_96, %lt3A_97 : i32
        %convert_element_type3A_99 = arith.extui %lt3A_98 : i1 to i32
        %cond3A_100 = arith.constant 0 : i32
        %cond3A_101 = arith.cmpi ne, %convert_element_type3A_99, %cond3A_100 : i32
        scf.if %cond3A_101 {
          %add3A_160 = arith.constant 1 : i32
          %add3A_161 = arith.addi %add3A_94, %add3A_160 : i32
          %add3A_162 = arith.addi %mul3A_0, %add3A_161 : i32
          %mul3A_163 = arith.constant 128 : i32
          %mul3A_164 = arith.muli %add3A_162, %mul3A_163 : i32
          %dma_wait3A_165 = tpu.memref_slice %arg4[%mul3A_164] : memref<327680xi32, #tpu.memory_space<hbm>> -> memref<128xi32, #tpu.memory_space<hbm>>
          %dma_wait3A_166 = tpu.memref_slice %arg4[%mul3A_164] : memref<327680xi32, #tpu.memory_space<hbm>> -> memref<128xi32, #tpu.memory_space<hbm>>
          tpu.wait_dma2 semaphore(%arg23 : memref<!tpu.dma_semaphore, #tpu.memory_space<semaphore_mem>>) src(%dma_wait3A_166 : memref<128xi32, #tpu.memory_space<hbm>>) dst(%arg10 : memref<128xi32, #tpu.memory_space<vmem>>)
          %add3A_167 = arith.addi %mul3A_0, %add3A_161 : i32
          %mul3A_168 = arith.constant 128 : i32
          %mul3A_169 = arith.muli %add3A_167, %mul3A_168 : i32
          %dma_wait3A_170 = tpu.memref_slice %arg5[%mul3A_169] : memref<327680xi32, #tpu.memory_space<hbm>> -> memref<128xi32, #tpu.memory_space<hbm>>
          %dma_wait3A_171 = tpu.memref_slice %arg5[%mul3A_169] : memref<327680xi32, #tpu.memory_space<hbm>> -> memref<128xi32, #tpu.memory_space<hbm>>
          tpu.wait_dma2 semaphore(%arg23 : memref<!tpu.dma_semaphore, #tpu.memory_space<semaphore_mem>>) src(%dma_wait3A_171 : memref<128xi32, #tpu.memory_space<hbm>>) dst(%arg14 : memref<128xi32, #tpu.memory_space<vmem>>)
          %ge3A = arith.constant 1 : i32
          %ge3A_172 = arith.cmpi sge, %add3A_94, %ge3A : i32
          %convert_element_type3A_173 = arith.extui %ge3A_172 : i1 to i32
          %cond3A_174 = arith.constant 0 : i32
          %cond3A_175 = arith.cmpi ne, %convert_element_type3A_173, %cond3A_174 : i32
          scf.if %cond3A_175 {
            %dma_wait3A_179 = arith.constant 0 : i32
            %dma_wait3A_180 = arith.constant 0 : i32
            %dma_wait3A_181 = tpu.memref_slice %arg18[%dma_wait3A_179, %dma_wait3A_180] : memref<10240x128xf32, #tpu.memory_space<vmem_shared>> -> memref<10240x128xf32, #tpu.memory_space<vmem_shared>>
            tpu.wait_indirect_dma semaphore(%arg25 : memref<!tpu.dma_semaphore, #tpu.memory_space<semaphore_mem>>) src(%arg16 : memref<128x128xf32, #tpu.memory_space<vmem>>) dst(%dma_wait3A_181 : memref<10240x128xf32, #tpu.memory_space<vmem_shared>>)
          } else {
          }
          %dma_start3A_176 = arith.constant 0 : i32
          %dma_start3A_177 = arith.constant 0 : i32
          %dma_start3A_178 = tpu.memref_slice %arg3[%dma_start3A_176, %dma_start3A_177] : memref<10000x128xf32, #tpu.memory_space<hbm>> -> memref<10000x128xf32, #tpu.memory_space<hbm>>
          tpu.enqueue_indirect_dma source(%dma_start3A_178 : memref<10000x128xf32, #tpu.memory_space<hbm>>) target(%arg16 : memref<128x128xf32, #tpu.memory_space<vmem>>) offsets(%arg10 : memref<128xi32, #tpu.memory_space<vmem>>) semaphore(%arg19 : memref<!tpu.dma_semaphore, #tpu.memory_space<semaphore_mem>>)
        } else {
        }
        %dma_wait3A_102 = arith.constant 0 : i32
        %dma_wait3A_103 = arith.constant 0 : i32
        %dma_wait3A_104 = tpu.memref_slice %arg3[%dma_wait3A_102, %dma_wait3A_103] : memref<10000x128xf32, #tpu.memory_space<hbm>> -> memref<10000x128xf32, #tpu.memory_space<hbm>>
        tpu.wait_indirect_dma semaphore(%arg20 : memref<!tpu.dma_semaphore, #tpu.memory_space<semaphore_mem>>) src(%dma_wait3A_104 : memref<10000x128xf32, #tpu.memory_space<hbm>>) dst(%arg17 : memref<128x128xf32, #tpu.memory_space<vmem>>)
        %dma_start3A_105 = arith.constant 0 : i32
        %dma_start3A_106 = arith.constant 0 : i32
        %dma_start3A_107 = tpu.memref_slice %arg18[%dma_start3A_105, %dma_start3A_106] : memref<10240x128xf32, #tpu.memory_space<vmem_shared>> -> memref<10240x128xf32, #tpu.memory_space<vmem_shared>>
        tpu.enqueue_indirect_dma source(%arg17 : memref<128x128xf32, #tpu.memory_space<vmem>>) target(%dma_start3A_107 : memref<10240x128xf32, #tpu.memory_space<vmem_shared>>) offsets(%arg13 : memref<128xi32, #tpu.memory_space<vmem>>) semaphore(%arg26 : memref<!tpu.dma_semaphore, #tpu.memory_space<semaphore_mem>>) {add = true}
        %add3A_108 = arith.constant 2 : i32
        %add3A_109 = arith.addi %add3A_94, %add3A_108 : i32
        %lt3A_110 = arith.constant 160 : i32
        %lt3A_111 = arith.cmpi slt, %add3A_109, %lt3A_110 : i32
        %convert_element_type3A_112 = arith.extui %lt3A_111 : i1 to i32
        %cond3A_113 = arith.constant 0 : i32
        %cond3A_114 = arith.cmpi ne, %convert_element_type3A_112, %cond3A_113 : i32
        scf.if %cond3A_114 {
          %add3A_160 = arith.constant 2 : i32
          %add3A_161 = arith.addi %add3A_94, %add3A_160 : i32
          %add3A_162 = arith.addi %mul3A_0, %add3A_161 : i32
          %mul3A_163 = arith.constant 128 : i32
          %mul3A_164 = arith.muli %add3A_162, %mul3A_163 : i32
          %dma_start3A_165 = tpu.memref_slice %arg4[%mul3A_164] : memref<327680xi32, #tpu.memory_space<hbm>> -> memref<128xi32, #tpu.memory_space<hbm>>
          %dma_start3A_166 = tpu.memref_slice %arg4[%mul3A_164] : memref<327680xi32, #tpu.memory_space<hbm>> -> memref<128xi32, #tpu.memory_space<hbm>>
          tpu.enqueue_dma source(%dma_start3A_166 : memref<128xi32, #tpu.memory_space<hbm>>) target(%arg11 : memref<128xi32, #tpu.memory_space<vmem>>) target_semaphore(%arg24 : memref<!tpu.dma_semaphore, #tpu.memory_space<semaphore_mem>>)
          %add3A_167 = arith.addi %mul3A_0, %add3A_161 : i32
          %mul3A_168 = arith.constant 128 : i32
          %mul3A_169 = arith.muli %add3A_167, %mul3A_168 : i32
          %dma_start3A_170 = tpu.memref_slice %arg5[%mul3A_169] : memref<327680xi32, #tpu.memory_space<hbm>> -> memref<128xi32, #tpu.memory_space<hbm>>
          %dma_start3A_171 = tpu.memref_slice %arg5[%mul3A_169] : memref<327680xi32, #tpu.memory_space<hbm>> -> memref<128xi32, #tpu.memory_space<hbm>>
          tpu.enqueue_dma source(%dma_start3A_171 : memref<128xi32, #tpu.memory_space<hbm>>) target(%arg15 : memref<128xi32, #tpu.memory_space<vmem>>) target_semaphore(%arg24 : memref<!tpu.dma_semaphore, #tpu.memory_space<semaphore_mem>>)
        } else {
        }
        %add3A_115 = arith.constant 2 : i32
        %add3A_116 = arith.addi %mul3A_73, %add3A_115 : i32
        %add3A_117 = arith.constant 1 : i32
        %add3A_118 = arith.addi %add3A_116, %add3A_117 : i32
        %lt3A_119 = arith.constant 160 : i32
        %lt3A_120 = arith.cmpi slt, %add3A_118, %lt3A_119 : i32
        %convert_element_type3A_121 = arith.extui %lt3A_120 : i1 to i32
        %cond3A_122 = arith.constant 0 : i32
        %cond3A_123 = arith.cmpi ne, %convert_element_type3A_121, %cond3A_122 : i32
        scf.if %cond3A_123 {
          %add3A_160 = arith.constant 1 : i32
          %add3A_161 = arith.addi %add3A_116, %add3A_160 : i32
          %add3A_162 = arith.addi %mul3A_0, %add3A_161 : i32
          %mul3A_163 = arith.constant 128 : i32
          %mul3A_164 = arith.muli %add3A_162, %mul3A_163 : i32
          %dma_wait3A_165 = tpu.memref_slice %arg4[%mul3A_164] : memref<327680xi32, #tpu.memory_space<hbm>> -> memref<128xi32, #tpu.memory_space<hbm>>
          %dma_wait3A_166 = tpu.memref_slice %arg4[%mul3A_164] : memref<327680xi32, #tpu.memory_space<hbm>> -> memref<128xi32, #tpu.memory_space<hbm>>
          tpu.wait_dma2 semaphore(%arg24 : memref<!tpu.dma_semaphore, #tpu.memory_space<semaphore_mem>>) src(%dma_wait3A_166 : memref<128xi32, #tpu.memory_space<hbm>>) dst(%arg11 : memref<128xi32, #tpu.memory_space<vmem>>)
          %add3A_167 = arith.addi %mul3A_0, %add3A_161 : i32
          %mul3A_168 = arith.constant 128 : i32
          %mul3A_169 = arith.muli %add3A_167, %mul3A_168 : i32
          %dma_wait3A_170 = tpu.memref_slice %arg5[%mul3A_169] : memref<327680xi32, #tpu.memory_space<hbm>> -> memref<128xi32, #tpu.memory_space<hbm>>
          %dma_wait3A_171 = tpu.memref_slice %arg5[%mul3A_169] : memref<327680xi32, #tpu.memory_space<hbm>> -> memref<128xi32, #tpu.memory_space<hbm>>
          tpu.wait_dma2 semaphore(%arg24 : memref<!tpu.dma_semaphore, #tpu.memory_space<semaphore_mem>>) src(%dma_wait3A_171 : memref<128xi32, #tpu.memory_space<hbm>>) dst(%arg15 : memref<128xi32, #tpu.memory_space<vmem>>)
          %ge3A = arith.constant 1 : i32
          %ge3A_172 = arith.cmpi sge, %add3A_116, %ge3A : i32
          %convert_element_type3A_173 = arith.extui %ge3A_172 : i1 to i32
          %cond3A_174 = arith.constant 0 : i32
          %cond3A_175 = arith.cmpi ne, %convert_element_type3A_173, %cond3A_174 : i32
          scf.if %cond3A_175 {
            %dma_wait3A_179 = arith.constant 0 : i32
            %dma_wait3A_180 = arith.constant 0 : i32
            %dma_wait3A_181 = tpu.memref_slice %arg18[%dma_wait3A_179, %dma_wait3A_180] : memref<10240x128xf32, #tpu.memory_space<vmem_shared>> -> memref<10240x128xf32, #tpu.memory_space<vmem_shared>>
            tpu.wait_indirect_dma semaphore(%arg26 : memref<!tpu.dma_semaphore, #tpu.memory_space<semaphore_mem>>) src(%arg17 : memref<128x128xf32, #tpu.memory_space<vmem>>) dst(%dma_wait3A_181 : memref<10240x128xf32, #tpu.memory_space<vmem_shared>>)
          } else {
          }
          %dma_start3A_176 = arith.constant 0 : i32
          %dma_start3A_177 = arith.constant 0 : i32
          %dma_start3A_178 = tpu.memref_slice %arg3[%dma_start3A_176, %dma_start3A_177] : memref<10000x128xf32, #tpu.memory_space<hbm>> -> memref<10000x128xf32, #tpu.memory_space<hbm>>
          tpu.enqueue_indirect_dma source(%dma_start3A_178 : memref<10000x128xf32, #tpu.memory_space<hbm>>) target(%arg17 : memref<128x128xf32, #tpu.memory_space<vmem>>) offsets(%arg11 : memref<128xi32, #tpu.memory_space<vmem>>) semaphore(%arg20 : memref<!tpu.dma_semaphore, #tpu.memory_space<semaphore_mem>>)
        } else {
        }
        %dma_wait3A_124 = arith.constant 0 : i32
        %dma_wait3A_125 = arith.constant 0 : i32
        %dma_wait3A_126 = tpu.memref_slice %arg3[%dma_wait3A_124, %dma_wait3A_125] : memref<10000x128xf32, #tpu.memory_space<hbm>> -> memref<10000x128xf32, #tpu.memory_space<hbm>>
        tpu.wait_indirect_dma semaphore(%arg19 : memref<!tpu.dma_semaphore, #tpu.memory_space<semaphore_mem>>) src(%dma_wait3A_126 : memref<10000x128xf32, #tpu.memory_space<hbm>>) dst(%arg16 : memref<128x128xf32, #tpu.memory_space<vmem>>)
        %dma_start3A_127 = arith.constant 0 : i32
        %dma_start3A_128 = arith.constant 0 : i32
        %dma_start3A_129 = tpu.memref_slice %arg18[%dma_start3A_127, %dma_start3A_128] : memref<10240x128xf32, #tpu.memory_space<vmem_shared>> -> memref<10240x128xf32, #tpu.memory_space<vmem_shared>>
        tpu.enqueue_indirect_dma source(%arg16 : memref<128x128xf32, #tpu.memory_space<vmem>>) target(%dma_start3A_129 : memref<10240x128xf32, #tpu.memory_space<vmem_shared>>) offsets(%arg14 : memref<128xi32, #tpu.memory_space<vmem>>) semaphore(%arg25 : memref<!tpu.dma_semaphore, #tpu.memory_space<semaphore_mem>>) {add = true}
        %add3A_130 = arith.constant 2 : i32
        %add3A_131 = arith.addi %add3A_116, %add3A_130 : i32
        %lt3A_132 = arith.constant 160 : i32
        %lt3A_133 = arith.cmpi slt, %add3A_131, %lt3A_132 : i32
        %convert_element_type3A_134 = arith.extui %lt3A_133 : i1 to i32
        %cond3A_135 = arith.constant 0 : i32
        %cond3A_136 = arith.cmpi ne, %convert_element_type3A_134, %cond3A_135 : i32
        scf.if %cond3A_136 {
          %add3A_160 = arith.constant 2 : i32
          %add3A_161 = arith.addi %add3A_116, %add3A_160 : i32
          %add3A_162 = arith.addi %mul3A_0, %add3A_161 : i32
          %mul3A_163 = arith.constant 128 : i32
          %mul3A_164 = arith.muli %add3A_162, %mul3A_163 : i32
          %dma_start3A_165 = tpu.memref_slice %arg4[%mul3A_164] : memref<327680xi32, #tpu.memory_space<hbm>> -> memref<128xi32, #tpu.memory_space<hbm>>
          %dma_start3A_166 = tpu.memref_slice %arg4[%mul3A_164] : memref<327680xi32, #tpu.memory_space<hbm>> -> memref<128xi32, #tpu.memory_space<hbm>>
          tpu.enqueue_dma source(%dma_start3A_166 : memref<128xi32, #tpu.memory_space<hbm>>) target(%arg8 : memref<128xi32, #tpu.memory_space<vmem>>) target_semaphore(%arg21 : memref<!tpu.dma_semaphore, #tpu.memory_space<semaphore_mem>>)
          %add3A_167 = arith.addi %mul3A_0, %add3A_161 : i32
          %mul3A_168 = arith.constant 128 : i32
          %mul3A_169 = arith.muli %add3A_167, %mul3A_168 : i32
          %dma_start3A_170 = tpu.memref_slice %arg5[%mul3A_169] : memref<327680xi32, #tpu.memory_space<hbm>> -> memref<128xi32, #tpu.memory_space<hbm>>
          %dma_start3A_171 = tpu.memref_slice %arg5[%mul3A_169] : memref<327680xi32, #tpu.memory_space<hbm>> -> memref<128xi32, #tpu.memory_space<hbm>>
          tpu.enqueue_dma source(%dma_start3A_171 : memref<128xi32, #tpu.memory_space<hbm>>) target(%arg12 : memref<128xi32, #tpu.memory_space<vmem>>) target_semaphore(%arg21 : memref<!tpu.dma_semaphore, #tpu.memory_space<semaphore_mem>>)
        } else {
        }
        %add3A_137 = arith.constant 3 : i32
        %add3A_138 = arith.addi %mul3A_73, %add3A_137 : i32
        %add3A_139 = arith.constant 1 : i32
        %add3A_140 = arith.addi %add3A_138, %add3A_139 : i32
        %lt3A_141 = arith.constant 160 : i32
        %lt3A_142 = arith.cmpi slt, %add3A_140, %lt3A_141 : i32
        %convert_element_type3A_143 = arith.extui %lt3A_142 : i1 to i32
        %cond3A_144 = arith.constant 0 : i32
        %cond3A_145 = arith.cmpi ne, %convert_element_type3A_143, %cond3A_144 : i32
        scf.if %cond3A_145 {
          %add3A_160 = arith.constant 1 : i32
          %add3A_161 = arith.addi %add3A_138, %add3A_160 : i32
          %add3A_162 = arith.addi %mul3A_0, %add3A_161 : i32
          %mul3A_163 = arith.constant 128 : i32
          %mul3A_164 = arith.muli %add3A_162, %mul3A_163 : i32
          %dma_wait3A_165 = tpu.memref_slice %arg4[%mul3A_164] : memref<327680xi32, #tpu.memory_space<hbm>> -> memref<128xi32, #tpu.memory_space<hbm>>
          %dma_wait3A_166 = tpu.memref_slice %arg4[%mul3A_164] : memref<327680xi32, #tpu.memory_space<hbm>> -> memref<128xi32, #tpu.memory_space<hbm>>
          tpu.wait_dma2 semaphore(%arg21 : memref<!tpu.dma_semaphore, #tpu.memory_space<semaphore_mem>>) src(%dma_wait3A_166 : memref<128xi32, #tpu.memory_space<hbm>>) dst(%arg8 : memref<128xi32, #tpu.memory_space<vmem>>)
          %add3A_167 = arith.addi %mul3A_0, %add3A_161 : i32
          %mul3A_168 = arith.constant 128 : i32
          %mul3A_169 = arith.muli %add3A_167, %mul3A_168 : i32
          %dma_wait3A_170 = tpu.memref_slice %arg5[%mul3A_169] : memref<327680xi32, #tpu.memory_space<hbm>> -> memref<128xi32, #tpu.memory_space<hbm>>
          %dma_wait3A_171 = tpu.memref_slice %arg5[%mul3A_169] : memref<327680xi32, #tpu.memory_space<hbm>> -> memref<128xi32, #tpu.memory_space<hbm>>
          tpu.wait_dma2 semaphore(%arg21 : memref<!tpu.dma_semaphore, #tpu.memory_space<semaphore_mem>>) src(%dma_wait3A_171 : memref<128xi32, #tpu.memory_space<hbm>>) dst(%arg12 : memref<128xi32, #tpu.memory_space<vmem>>)
          %ge3A = arith.constant 1 : i32
          %ge3A_172 = arith.cmpi sge, %add3A_138, %ge3A : i32
          %convert_element_type3A_173 = arith.extui %ge3A_172 : i1 to i32
          %cond3A_174 = arith.constant 0 : i32
          %cond3A_175 = arith.cmpi ne, %convert_element_type3A_173, %cond3A_174 : i32
          scf.if %cond3A_175 {
            %dma_wait3A_179 = arith.constant 0 : i32
            %dma_wait3A_180 = arith.constant 0 : i32
            %dma_wait3A_181 = tpu.memref_slice %arg18[%dma_wait3A_179, %dma_wait3A_180] : memref<10240x128xf32, #tpu.memory_space<vmem_shared>> -> memref<10240x128xf32, #tpu.memory_space<vmem_shared>>
            tpu.wait_indirect_dma semaphore(%arg25 : memref<!tpu.dma_semaphore, #tpu.memory_space<semaphore_mem>>) src(%arg16 : memref<128x128xf32, #tpu.memory_space<vmem>>) dst(%dma_wait3A_181 : memref<10240x128xf32, #tpu.memory_space<vmem_shared>>)
          } else {
          }
          %dma_start3A_176 = arith.constant 0 : i32
          %dma_start3A_177 = arith.constant 0 : i32
          %dma_start3A_178 = tpu.memref_slice %arg3[%dma_start3A_176, %dma_start3A_177] : memref<10000x128xf32, #tpu.memory_space<hbm>> -> memref<10000x128xf32, #tpu.memory_space<hbm>>
          tpu.enqueue_indirect_dma source(%dma_start3A_178 : memref<10000x128xf32, #tpu.memory_space<hbm>>) target(%arg16 : memref<128x128xf32, #tpu.memory_space<vmem>>) offsets(%arg8 : memref<128xi32, #tpu.memory_space<vmem>>) semaphore(%arg19 : memref<!tpu.dma_semaphore, #tpu.memory_space<semaphore_mem>>)
        } else {
        }
        %dma_wait3A_146 = arith.constant 0 : i32
        %dma_wait3A_147 = arith.constant 0 : i32
        %dma_wait3A_148 = tpu.memref_slice %arg3[%dma_wait3A_146, %dma_wait3A_147] : memref<10000x128xf32, #tpu.memory_space<hbm>> -> memref<10000x128xf32, #tpu.memory_space<hbm>>
        tpu.wait_indirect_dma semaphore(%arg20 : memref<!tpu.dma_semaphore, #tpu.memory_space<semaphore_mem>>) src(%dma_wait3A_148 : memref<10000x128xf32, #tpu.memory_space<hbm>>) dst(%arg17 : memref<128x128xf32, #tpu.memory_space<vmem>>)
        %dma_start3A_149 = arith.constant 0 : i32
        %dma_start3A_150 = arith.constant 0 : i32
        %dma_start3A_151 = tpu.memref_slice %arg18[%dma_start3A_149, %dma_start3A_150] : memref<10240x128xf32, #tpu.memory_space<vmem_shared>> -> memref<10240x128xf32, #tpu.memory_space<vmem_shared>>
        tpu.enqueue_indirect_dma source(%arg17 : memref<128x128xf32, #tpu.memory_space<vmem>>) target(%dma_start3A_151 : memref<10240x128xf32, #tpu.memory_space<vmem_shared>>) offsets(%arg15 : memref<128xi32, #tpu.memory_space<vmem>>) semaphore(%arg26 : memref<!tpu.dma_semaphore, #tpu.memory_space<semaphore_mem>>) {add = true}
        %add3A_152 = arith.constant 2 : i32
        %add3A_153 = arith.addi %add3A_138, %add3A_152 : i32
        %lt3A_154 = arith.constant 160 : i32
        %lt3A_155 = arith.cmpi slt, %add3A_153, %lt3A_154 : i32
        %convert_element_type3A_156 = arith.extui %lt3A_155 : i1 to i32
        %cond3A_157 = arith.constant 0 : i32
        %cond3A_158 = arith.cmpi ne, %convert_element_type3A_156, %cond3A_157 : i32
        scf.if %cond3A_158 {
          %add3A_160 = arith.constant 2 : i32
          %add3A_161 = arith.addi %add3A_138, %add3A_160 : i32
          %add3A_162 = arith.addi %mul3A_0, %add3A_161 : i32
          %mul3A_163 = arith.constant 128 : i32
          %mul3A_164 = arith.muli %add3A_162, %mul3A_163 : i32
          %dma_start3A_165 = tpu.memref_slice %arg4[%mul3A_164] : memref<327680xi32, #tpu.memory_space<hbm>> -> memref<128xi32, #tpu.memory_space<hbm>>
          %dma_start3A_166 = tpu.memref_slice %arg4[%mul3A_164] : memref<327680xi32, #tpu.memory_space<hbm>> -> memref<128xi32, #tpu.memory_space<hbm>>
          tpu.enqueue_dma source(%dma_start3A_166 : memref<128xi32, #tpu.memory_space<hbm>>) target(%arg9 : memref<128xi32, #tpu.memory_space<vmem>>) target_semaphore(%arg22 : memref<!tpu.dma_semaphore, #tpu.memory_space<semaphore_mem>>)
          %add3A_167 = arith.addi %mul3A_0, %add3A_161 : i32
          %mul3A_168 = arith.constant 128 : i32
          %mul3A_169 = arith.muli %add3A_167, %mul3A_168 : i32
          %dma_start3A_170 = tpu.memref_slice %arg5[%mul3A_169] : memref<327680xi32, #tpu.memory_space<hbm>> -> memref<128xi32, #tpu.memory_space<hbm>>
          %dma_start3A_171 = tpu.memref_slice %arg5[%mul3A_169] : memref<327680xi32, #tpu.memory_space<hbm>> -> memref<128xi32, #tpu.memory_space<hbm>>
          tpu.enqueue_dma source(%dma_start3A_171 : memref<128xi32, #tpu.memory_space<hbm>>) target(%arg13 : memref<128xi32, #tpu.memory_space<vmem>>) target_semaphore(%arg22 : memref<!tpu.dma_semaphore, #tpu.memory_space<semaphore_mem>>)
        } else {
        }
        %scan3A_159 = arith.constant 0 : i32
        scf.yield %scan3A_159 : i32
      }
      %scan3A_58 = arith.constant 40 : i32
      %dma_wait3A_59 = arith.constant 0 : i32
      %dma_wait3A_60 = arith.constant 0 : i32
      %dma_wait3A_61 = tpu.memref_slice %arg18[%dma_wait3A_59, %dma_wait3A_60] : memref<10240x128xf32, #tpu.memory_space<vmem_shared>> -> memref<10240x128xf32, #tpu.memory_space<vmem_shared>>
      tpu.wait_indirect_dma semaphore(%arg25 : memref<!tpu.dma_semaphore, #tpu.memory_space<semaphore_mem>>) src(%arg16 : memref<128x128xf32, #tpu.memory_space<vmem>>) dst(%dma_wait3A_61 : memref<10240x128xf32, #tpu.memory_space<vmem_shared>>)
      %dma_wait3A_62 = arith.constant 0 : i32
      %dma_wait3A_63 = arith.constant 0 : i32
      %dma_wait3A_64 = tpu.memref_slice %arg18[%dma_wait3A_62, %dma_wait3A_63] : memref<10240x128xf32, #tpu.memory_space<vmem_shared>> -> memref<10240x128xf32, #tpu.memory_space<vmem_shared>>
      tpu.wait_indirect_dma semaphore(%arg26 : memref<!tpu.dma_semaphore, #tpu.memory_space<semaphore_mem>>) src(%arg17 : memref<128x128xf32, #tpu.memory_space<vmem>>) dst(%dma_wait3A_64 : memref<10240x128xf32, #tpu.memory_space<vmem_shared>>)
      %barrier3A_65 = arith.constant 0 : index
      tpu.barrier barrier_id(%barrier3A_65)
      %mul3A_66 = arith.constant 640 : i32
      %mul3A_67 = arith.muli %arg1, %mul3A_66 : i32
      %mul3A_68 = arith.constant 640 : i32
      %mul3A_69 = arith.muli %arg1, %mul3A_68 : i32
      "tpu.region"() ({
        %run_scoped3A = tpu.sem_alloc : memref<!tpu.dma_semaphore, #tpu.memory_space<semaphore_mem>>
        %dma_start3A_70 = arith.constant 0 : i32
        %dma_start3A_71 = tpu.memref_slice %arg7[%mul3A_69, %dma_start3A_70] : memref<10240x128xf32, #tpu.memory_space<hbm>> -> memref<640x128xf32, #tpu.memory_space<hbm>>
        %dma_start3A_72 = arith.constant 0 : i32
        %dma_start3A_73 = tpu.memref_slice %arg18[%mul3A_67, %dma_start3A_72] : memref<10240x128xf32, #tpu.memory_space<vmem_shared>> -> memref<640x128xf32, #tpu.memory_space<vmem_shared>>
        tpu.enqueue_dma source(%dma_start3A_73 : memref<640x128xf32, #tpu.memory_space<vmem_shared>>) target(%dma_start3A_71 : memref<640x128xf32, #tpu.memory_space<hbm>>) target_semaphore(%run_scoped3A : memref<!tpu.dma_semaphore, #tpu.memory_space<semaphore_mem>>)
        %dma_wait3A_74 = arith.constant 0 : i32
        %dma_wait3A_75 = tpu.memref_slice %arg7[%mul3A_69, %dma_wait3A_74] : memref<10240x128xf32, #tpu.memory_space<hbm>> -> memref<640x128xf32, #tpu.memory_space<hbm>>
        %dma_wait3A_76 = arith.constant 0 : i32
        %dma_wait3A_77 = tpu.memref_slice %arg18[%mul3A_67, %dma_wait3A_76] : memref<10240x128xf32, #tpu.memory_space<vmem_shared>> -> memref<640x128xf32, #tpu.memory_space<vmem_shared>>
        tpu.wait_dma2 semaphore(%run_scoped3A : memref<!tpu.dma_semaphore, #tpu.memory_space<semaphore_mem>>) src(%dma_wait3A_77 : memref<640x128xf32, #tpu.memory_space<vmem_shared>>) dst(%dma_wait3A_75 : memref<640x128xf32, #tpu.memory_space<hbm>>)
        tpu.yield
      }) : () -> ()
    } else {
    }
    return
  }
}

#map = affine_map<(d0, d1) -> (0, 0)>
#map1 = affine_map<(d0, d1) -> (0)>
module attributes {stable_mosaic.version = 14 : i64} {
  func.func @_scat_body(%arg0: i32, %arg1: i32, %arg2: memref<10000x128xf32, #tpu.memory_space<hbm>>, %arg3: memref<10000x128xf32, #tpu.memory_space<hbm>>, %arg4: memref<327680xi32, #tpu.memory_space<hbm>>, %arg5: memref<327680xi32, #tpu.memory_space<hbm>>, %arg6: memref<10240x128xf32, #tpu.memory_space<hbm>>, %arg7: memref<10240x128xf32, #tpu.memory_space<hbm>>, %arg8: memref<128xi32, #tpu.memory_space<vmem>>, %arg9: memref<128xi32, #tpu.memory_space<vmem>>, %arg10: memref<128xi32, #tpu.memory_space<vmem>>, %arg11: memref<128xi32, #tpu.memory_space<vmem>>, %arg12: memref<128xi32, #tpu.memory_space<vmem>>, %arg13: memref<128xi32, #tpu.memory_space<vmem>>, %arg14: memref<128xi32, #tpu.memory_space<vmem>>, %arg15: memref<128xi32, #tpu.memory_space<vmem>>, %arg16: memref<128x128xf32, #tpu.memory_space<vmem>>, %arg17: memref<128x128xf32, #tpu.memory_space<vmem>>, %arg18: memref<10240x128xf32, #tpu.memory_space<vmem_shared>>, %arg19: memref<!tpu.dma_semaphore, #tpu.memory_space<semaphore_mem>>, %arg20: memref<!tpu.dma_semaphore, #tpu.memory_space<semaphore_mem>>, %arg21: memref<!tpu.dma_semaphore, #tpu.memory_space<semaphore_mem>>, %arg22: memref<!tpu.dma_semaphore, #tpu.memory_space<semaphore_mem>>, %arg23: memref<!tpu.dma_semaphore, #tpu.memory_space<semaphore_mem>>, %arg24: memref<!tpu.dma_semaphore, #tpu.memory_space<semaphore_mem>>, %arg25: memref<!tpu.dma_semaphore, #tpu.memory_space<semaphore_mem>>, %arg26: memref<!tpu.dma_semaphore, #tpu.memory_space<semaphore_mem>>) attributes {dimension_semantics = [#tpu.dimension_semantics<core_parallel>, #tpu.dimension_semantics<subcore_parallel>], iteration_bounds = array<i64: 2, 16>, scalar_prefetch = 0 : i64, scratch_operands = 19 : i64, tpu.core_type = #tpu.core_type<sc_vector_subcore>, window_params = [{transform_indices = #map}, {transform_indices = #map}, {transform_indices = #map1}, {transform_indices = #map1}, {transform_indices = #map}, {transform_indices = #map}]} {
    %mul3A = arith.constant 160 : i32
    %mul3A_0 = arith.muli %arg1, %mul3A : i32
    %eq3A = arith.constant 0 : i32
    %eq3A_1 = arith.cmpi eq, %arg0, %eq3A : i32
    %convert_element_type3A = arith.extui %eq3A_1 : i1 to i32
    %cond3A = arith.constant 0 : i32
    %cond3A_2 = arith.cmpi ne, %convert_element_type3A, %cond3A : i32
    scf.if %cond3A_2 {
      %ne3A = arith.constant 15 : i32
      %ne3A_8 = arith.cmpi ne, %arg1, %ne3A : i32
      %convert_element_type3A_9 = arith.extui %ne3A_8 : i1 to i32
      %cond3A_10 = arith.constant 0 : i32
      %cond3A_11 = arith.cmpi ne, %convert_element_type3A_9, %cond3A_10 : i32
      scf.if %cond3A_11 {
        %mul3A_70 = arith.constant 640 : i32
        %mul3A_71 = arith.muli %arg1, %mul3A_70 : i32
        %mul3A_72 = arith.constant 640 : i32
        %mul3A_73 = arith.muli %arg1, %mul3A_72 : i32
        "tpu.region"() ({
          %run_scoped3A = tpu.sem_alloc : memref<!tpu.dma_semaphore, #tpu.memory_space<semaphore_mem>>
          %dma_start3A_74 = arith.constant 0 : i32
          %dma_start3A_75 = tpu.memref_slice %arg18[%mul3A_73, %dma_start3A_74] : memref<10240x128xf32, #tpu.memory_space<vmem_shared>> -> memref<640x128xf32, #tpu.memory_space<vmem_shared>>
          %dma_start3A_76 = arith.constant 0 : i32
          %dma_start3A_77 = tpu.memref_slice %arg2[%mul3A_71, %dma_start3A_76] : memref<10000x128xf32, #tpu.memory_space<hbm>> -> memref<640x128xf32, #tpu.memory_space<hbm>>
          tpu.enqueue_dma source(%dma_start3A_77 : memref<640x128xf32, #tpu.memory_space<hbm>>) target(%dma_start3A_75 : memref<640x128xf32, #tpu.memory_space<vmem_shared>>) target_semaphore(%run_scoped3A : memref<!tpu.dma_semaphore, #tpu.memory_space<semaphore_mem>>)
          %dma_wait3A_78 = arith.constant 0 : i32
          %dma_wait3A_79 = tpu.memref_slice %arg18[%mul3A_73, %dma_wait3A_78] : memref<10240x128xf32, #tpu.memory_space<vmem_shared>> -> memref<640x128xf32, #tpu.memory_space<vmem_shared>>
          %dma_wait3A_80 = arith.constant 0 : i32
          %dma_wait3A_81 = tpu.memref_slice %arg2[%mul3A_71, %dma_wait3A_80] : memref<10000x128xf32, #tpu.memory_space<hbm>> -> memref<640x128xf32, #tpu.memory_space<hbm>>
          tpu.wait_dma2 semaphore(%run_scoped3A : memref<!tpu.dma_semaphore, #tpu.memory_space<semaphore_mem>>) src(%dma_wait3A_81 : memref<640x128xf32, #tpu.memory_space<hbm>>) dst(%dma_wait3A_79 : memref<640x128xf32, #tpu.memory_space<vmem_shared>>)
          tpu.yield
        }) : () -> ()
      } else {
      }
      %eq3A_12 = arith.constant 15 : i32
      %eq3A_13 = arith.cmpi eq, %arg1, %eq3A_12 : i32
      %convert_element_type3A_14 = arith.extui %eq3A_13 : i1 to i32
      %cond3A_15 = arith.constant 0 : i32
      %cond3A_16 = arith.cmpi ne, %convert_element_type3A_14, %cond3A_15 : i32
      scf.if %cond3A_16 {
        "tpu.region"() ({
          %run_scoped3A = tpu.sem_alloc : memref<!tpu.dma_semaphore, #tpu.memory_space<semaphore_mem>>
          %dma_start3A_70 = arith.constant 9600 : i32
          %dma_start3A_71 = arith.constant 0 : i32
          %dma_start3A_72 = tpu.memref_slice %arg18[%dma_start3A_70, %dma_start3A_71] : memref<10240x128xf32, #tpu.memory_space<vmem_shared>> -> memref<400x128xf32, #tpu.memory_space<vmem_shared>>
          %dma_start3A_73 = arith.constant 9600 : i32
          %dma_start3A_74 = arith.constant 0 : i32
          %dma_start3A_75 = tpu.memref_slice %arg2[%dma_start3A_73, %dma_start3A_74] : memref<10000x128xf32, #tpu.memory_space<hbm>> -> memref<400x128xf32, #tpu.memory_space<hbm>>
          tpu.enqueue_dma source(%dma_start3A_75 : memref<400x128xf32, #tpu.memory_space<hbm>>) target(%dma_start3A_72 : memref<400x128xf32, #tpu.memory_space<vmem_shared>>) target_semaphore(%run_scoped3A : memref<!tpu.dma_semaphore, #tpu.memory_space<semaphore_mem>>)
          %dma_wait3A_76 = arith.constant 9600 : i32
          %dma_wait3A_77 = arith.constant 0 : i32
          %dma_wait3A_78 = tpu.memref_slice %arg18[%dma_wait3A_76, %dma_wait3A_77] : memref<10240x128xf32, #tpu.memory_space<vmem_shared>> -> memref<400x128xf32, #tpu.memory_space<vmem_shared>>
          %dma_wait3A_79 = arith.constant 9600 : i32
          %dma_wait3A_80 = arith.constant 0 : i32
          %dma_wait3A_81 = tpu.memref_slice %arg2[%dma_wait3A_79, %dma_wait3A_80] : memref<10000x128xf32, #tpu.memory_space<hbm>> -> memref<400x128xf32, #tpu.memory_space<hbm>>
          tpu.wait_dma2 semaphore(%run_scoped3A : memref<!tpu.dma_semaphore, #tpu.memory_space<semaphore_mem>>) src(%dma_wait3A_81 : memref<400x128xf32, #tpu.memory_space<hbm>>) dst(%dma_wait3A_78 : memref<400x128xf32, #tpu.memory_space<vmem_shared>>)
          tpu.yield
        }) : () -> ()
      } else {
      }
      %barrier3A = arith.constant 0 : index
      tpu.barrier barrier_id(%barrier3A)
      %add3A = arith.constant 0 : i32
      %add3A_17 = arith.addi %mul3A_0, %add3A : i32
      %mul3A_18 = arith.constant 128 : i32
      %mul3A_19 = arith.muli %add3A_17, %mul3A_18 : i32
      %dma_start3A = tpu.memref_slice %arg4[%mul3A_19] : memref<327680xi32, #tpu.memory_space<hbm>> -> memref<128xi32, #tpu.memory_space<hbm>>
      %dma_start3A_20 = tpu.memref_slice %arg4[%mul3A_19] : memref<327680xi32, #tpu.memory_space<hbm>> -> memref<128xi32, #tpu.memory_space<hbm>>
      tpu.enqueue_dma source(%dma_start3A_20 : memref<128xi32, #tpu.memory_space<hbm>>) target(%arg8 : memref<128xi32, #tpu.memory_space<vmem>>) target_semaphore(%arg21 : memref<!tpu.dma_semaphore, #tpu.memory_space<semaphore_mem>>)
      %add3A_21 = arith.constant 0 : i32
      %add3A_22 = arith.addi %mul3A_0, %add3A_21 : i32
      %mul3A_23 = arith.constant 128 : i32
      %mul3A_24 = arith.muli %add3A_22, %mul3A_23 : i32
      %dma_start3A_25 = tpu.memref_slice %arg5[%mul3A_24] : memref<327680xi32, #tpu.memory_space<hbm>> -> memref<128xi32, #tpu.memory_space<hbm>>
      %dma_start3A_26 = tpu.memref_slice %arg5[%mul3A_24] : memref<327680xi32, #tpu.memory_space<hbm>> -> memref<128xi32, #tpu.memory_space<hbm>>
      tpu.enqueue_dma source(%dma_start3A_26 : memref<128xi32, #tpu.memory_space<hbm>>) target(%arg12 : memref<128xi32, #tpu.memory_space<vmem>>) target_semaphore(%arg21 : memref<!tpu.dma_semaphore, #tpu.memory_space<semaphore_mem>>)
      %add3A_27 = arith.constant 0 : i32
      %add3A_28 = arith.addi %mul3A_0, %add3A_27 : i32
      %mul3A_29 = arith.constant 128 : i32
      %mul3A_30 = arith.muli %add3A_28, %mul3A_29 : i32
      %dma_wait3A = tpu.memref_slice %arg4[%mul3A_30] : memref<327680xi32, #tpu.memory_space<hbm>> -> memref<128xi32, #tpu.memory_space<hbm>>
      %dma_wait3A_31 = tpu.memref_slice %arg4[%mul3A_30] : memref<327680xi32, #tpu.memory_space<hbm>> -> memref<128xi32, #tpu.memory_space<hbm>>
      tpu.wait_dma2 semaphore(%arg21 : memref<!tpu.dma_semaphore, #tpu.memory_space<semaphore_mem>>) src(%dma_wait3A_31 : memref<128xi32, #tpu.memory_space<hbm>>) dst(%arg8 : memref<128xi32, #tpu.memory_space<vmem>>)
      %add3A_32 = arith.constant 0 : i32
      %add3A_33 = arith.addi %mul3A_0, %add3A_32 : i32
      %mul3A_34 = arith.constant 128 : i32
      %mul3A_35 = arith.muli %add3A_33, %mul3A_34 : i32
      %dma_wait3A_36 = tpu.memref_slice %arg5[%mul3A_35] : memref<327680xi32, #tpu.memory_space<hbm>> -> memref<128xi32, #tpu.memory_space<hbm>>
      %dma_wait3A_37 = tpu.memref_slice %arg5[%mul3A_35] : memref<327680xi32, #tpu.memory_space<hbm>> -> memref<128xi32, #tpu.memory_space<hbm>>
      tpu.wait_dma2 semaphore(%arg21 : memref<!tpu.dma_semaphore, #tpu.memory_space<semaphore_mem>>) src(%dma_wait3A_37 : memref<128xi32, #tpu.memory_space<hbm>>) dst(%arg12 : memref<128xi32, #tpu.memory_space<vmem>>)
      %dma_start3A_38 = arith.constant 0 : i32
      %dma_start3A_39 = arith.constant 0 : i32
      %dma_start3A_40 = tpu.memref_slice %arg2[%dma_start3A_38, %dma_start3A_39] : memref<10000x128xf32, #tpu.memory_space<hbm>> -> memref<10000x128xf32, #tpu.memory_space<hbm>>
      tpu.enqueue_indirect_dma source(%dma_start3A_40 : memref<10000x128xf32, #tpu.memory_space<hbm>>) target(%arg16 : memref<128x128xf32, #tpu.memory_space<vmem>>) offsets(%arg8 : memref<128xi32, #tpu.memory_space<vmem>>) semaphore(%arg19 : memref<!tpu.dma_semaphore, #tpu.memory_space<semaphore_mem>>)
      %add3A_41 = arith.constant 1 : i32
      %add3A_42 = arith.addi %mul3A_0, %add3A_41 : i32
      %mul3A_43 = arith.constant 128 : i32
      %mul3A_44 = arith.muli %add3A_42, %mul3A_43 : i32
      %dma_start3A_45 = tpu.memref_slice %arg4[%mul3A_44] : memref<327680xi32, #tpu.memory_space<hbm>> -> memref<128xi32, #tpu.memory_space<hbm>>
      %dma_start3A_46 = tpu.memref_slice %arg4[%mul3A_44] : memref<327680xi32, #tpu.memory_space<hbm>> -> memref<128xi32, #tpu.memory_space<hbm>>
      tpu.enqueue_dma source(%dma_start3A_46 : memref<128xi32, #tpu.memory_space<hbm>>) target(%arg9 : memref<128xi32, #tpu.memory_space<vmem>>) target_semaphore(%arg22 : memref<!tpu.dma_semaphore, #tpu.memory_space<semaphore_mem>>)
      %add3A_47 = arith.constant 1 : i32
      %add3A_48 = arith.addi %mul3A_0, %add3A_47 : i32
      %mul3A_49 = arith.constant 128 : i32
      %mul3A_50 = arith.muli %add3A_48, %mul3A_49 : i32
      %dma_start3A_51 = tpu.memref_slice %arg5[%mul3A_50] : memref<327680xi32, #tpu.memory_space<hbm>> -> memref<128xi32, #tpu.memory_space<hbm>>
      %dma_start3A_52 = tpu.memref_slice %arg5[%mul3A_50] : memref<327680xi32, #tpu.memory_space<hbm>> -> memref<128xi32, #tpu.memory_space<hbm>>
      tpu.enqueue_dma source(%dma_start3A_52 : memref<128xi32, #tpu.memory_space<hbm>>) target(%arg13 : memref<128xi32, #tpu.memory_space<vmem>>) target_semaphore(%arg22 : memref<!tpu.dma_semaphore, #tpu.memory_space<semaphore_mem>>)
      %scan3A = arith.constant 0 : i32
      %scan3A_53 = arith.constant 0 : i32
      %scan3A_54 = arith.constant 40 : i32
      %scan3A_55 = arith.addi %scan3A_53, %scan3A_54 : i32
      %scan3A_56 = arith.constant 1 : i32
      %scan3A_57 = scf.for %scan3A_70 = %scan3A_53 to %scan3A_55 step %scan3A_56 iter_args(%scan3A_71 = %scan3A) -> (i32)  : i32 {
        %mul3A_72 = arith.constant 4 : i32
        %mul3A_73 = arith.muli %mul3A_72, %scan3A_70 : i32
        %add3A_74 = arith.constant 1 : i32
        %add3A_75 = arith.addi %mul3A_73, %add3A_74 : i32
        %lt3A = arith.constant 160 : i32
        %lt3A_76 = arith.cmpi slt, %add3A_75, %lt3A : i32
        %convert_element_type3A_77 = arith.extui %lt3A_76 : i1 to i32
        %cond3A_78 = arith.constant 0 : i32
        %cond3A_79 = arith.cmpi ne, %convert_element_type3A_77, %cond3A_78 : i32
        scf.if %cond3A_79 {
          %add3A_160 = arith.constant 1 : i32
          %add3A_161 = arith.addi %mul3A_73, %add3A_160 : i32
          %add3A_162 = arith.addi %mul3A_0, %add3A_161 : i32
          %mul3A_163 = arith.constant 128 : i32
          %mul3A_164 = arith.muli %add3A_162, %mul3A_163 : i32
          %dma_wait3A_165 = tpu.memref_slice %arg4[%mul3A_164] : memref<327680xi32, #tpu.memory_space<hbm>> -> memref<128xi32, #tpu.memory_space<hbm>>
          %dma_wait3A_166 = tpu.memref_slice %arg4[%mul3A_164] : memref<327680xi32, #tpu.memory_space<hbm>> -> memref<128xi32, #tpu.memory_space<hbm>>
          tpu.wait_dma2 semaphore(%arg22 : memref<!tpu.dma_semaphore, #tpu.memory_space<semaphore_mem>>) src(%dma_wait3A_166 : memref<128xi32, #tpu.memory_space<hbm>>) dst(%arg9 : memref<128xi32, #tpu.memory_space<vmem>>)
          %add3A_167 = arith.addi %mul3A_0, %add3A_161 : i32
          %mul3A_168 = arith.constant 128 : i32
          %mul3A_169 = arith.muli %add3A_167, %mul3A_168 : i32
          %dma_wait3A_170 = tpu.memref_slice %arg5[%mul3A_169] : memref<327680xi32, #tpu.memory_space<hbm>> -> memref<128xi32, #tpu.memory_space<hbm>>
          %dma_wait3A_171 = tpu.memref_slice %arg5[%mul3A_169] : memref<327680xi32, #tpu.memory_space<hbm>> -> memref<128xi32, #tpu.memory_space<hbm>>
          tpu.wait_dma2 semaphore(%arg22 : memref<!tpu.dma_semaphore, #tpu.memory_space<semaphore_mem>>) src(%dma_wait3A_171 : memref<128xi32, #tpu.memory_space<hbm>>) dst(%arg13 : memref<128xi32, #tpu.memory_space<vmem>>)
          %ge3A = arith.constant 1 : i32
          %ge3A_172 = arith.cmpi sge, %mul3A_73, %ge3A : i32
          %convert_element_type3A_173 = arith.extui %ge3A_172 : i1 to i32
          %cond3A_174 = arith.constant 0 : i32
          %cond3A_175 = arith.cmpi ne, %convert_element_type3A_173, %cond3A_174 : i32
          scf.if %cond3A_175 {
            %dma_wait3A_179 = arith.constant 0 : i32
            %dma_wait3A_180 = arith.constant 0 : i32
            %dma_wait3A_181 = tpu.memref_slice %arg18[%dma_wait3A_179, %dma_wait3A_180] : memref<10240x128xf32, #tpu.memory_space<vmem_shared>> -> memref<10240x128xf32, #tpu.memory_space<vmem_shared>>
            tpu.wait_indirect_dma semaphore(%arg26 : memref<!tpu.dma_semaphore, #tpu.memory_space<semaphore_mem>>) src(%arg17 : memref<128x128xf32, #tpu.memory_space<vmem>>) dst(%dma_wait3A_181 : memref<10240x128xf32, #tpu.memory_space<vmem_shared>>)
          } else {
          }
          %dma_start3A_176 = arith.constant 0 : i32
          %dma_start3A_177 = arith.constant 0 : i32
          %dma_start3A_178 = tpu.memref_slice %arg2[%dma_start3A_176, %dma_start3A_177] : memref<10000x128xf32, #tpu.memory_space<hbm>> -> memref<10000x128xf32, #tpu.memory_space<hbm>>
          tpu.enqueue_indirect_dma source(%dma_start3A_178 : memref<10000x128xf32, #tpu.memory_space<hbm>>) target(%arg17 : memref<128x128xf32, #tpu.memory_space<vmem>>) offsets(%arg9 : memref<128xi32, #tpu.memory_space<vmem>>) semaphore(%arg20 : memref<!tpu.dma_semaphore, #tpu.memory_space<semaphore_mem>>)
        } else {
        }
        %dma_wait3A_80 = arith.constant 0 : i32
        %dma_wait3A_81 = arith.constant 0 : i32
        %dma_wait3A_82 = tpu.memref_slice %arg2[%dma_wait3A_80, %dma_wait3A_81] : memref<10000x128xf32, #tpu.memory_space<hbm>> -> memref<10000x128xf32, #tpu.memory_space<hbm>>
        tpu.wait_indirect_dma semaphore(%arg19 : memref<!tpu.dma_semaphore, #tpu.memory_space<semaphore_mem>>) src(%dma_wait3A_82 : memref<10000x128xf32, #tpu.memory_space<hbm>>) dst(%arg16 : memref<128x128xf32, #tpu.memory_space<vmem>>)
        %dma_start3A_83 = arith.constant 0 : i32
        %dma_start3A_84 = arith.constant 0 : i32
        %dma_start3A_85 = tpu.memref_slice %arg18[%dma_start3A_83, %dma_start3A_84] : memref<10240x128xf32, #tpu.memory_space<vmem_shared>> -> memref<10240x128xf32, #tpu.memory_space<vmem_shared>>
        tpu.enqueue_indirect_dma source(%arg16 : memref<128x128xf32, #tpu.memory_space<vmem>>) target(%dma_start3A_85 : memref<10240x128xf32, #tpu.memory_space<vmem_shared>>) offsets(%arg12 : memref<128xi32, #tpu.memory_space<vmem>>) semaphore(%arg25 : memref<!tpu.dma_semaphore, #tpu.memory_space<semaphore_mem>>) {add = true}
        %add3A_86 = arith.constant 2 : i32
        %add3A_87 = arith.addi %mul3A_73, %add3A_86 : i32
        %lt3A_88 = arith.constant 160 : i32
        %lt3A_89 = arith.cmpi slt, %add3A_87, %lt3A_88 : i32
        %convert_element_type3A_90 = arith.extui %lt3A_89 : i1 to i32
        %cond3A_91 = arith.constant 0 : i32
        %cond3A_92 = arith.cmpi ne, %convert_element_type3A_90, %cond3A_91 : i32
        scf.if %cond3A_92 {
          %add3A_160 = arith.constant 2 : i32
          %add3A_161 = arith.addi %mul3A_73, %add3A_160 : i32
          %add3A_162 = arith.addi %mul3A_0, %add3A_161 : i32
          %mul3A_163 = arith.constant 128 : i32
          %mul3A_164 = arith.muli %add3A_162, %mul3A_163 : i32
          %dma_start3A_165 = tpu.memref_slice %arg4[%mul3A_164] : memref<327680xi32, #tpu.memory_space<hbm>> -> memref<128xi32, #tpu.memory_space<hbm>>
          %dma_start3A_166 = tpu.memref_slice %arg4[%mul3A_164] : memref<327680xi32, #tpu.memory_space<hbm>> -> memref<128xi32, #tpu.memory_space<hbm>>
          tpu.enqueue_dma source(%dma_start3A_166 : memref<128xi32, #tpu.memory_space<hbm>>) target(%arg10 : memref<128xi32, #tpu.memory_space<vmem>>) target_semaphore(%arg23 : memref<!tpu.dma_semaphore, #tpu.memory_space<semaphore_mem>>)
          %add3A_167 = arith.addi %mul3A_0, %add3A_161 : i32
          %mul3A_168 = arith.constant 128 : i32
          %mul3A_169 = arith.muli %add3A_167, %mul3A_168 : i32
          %dma_start3A_170 = tpu.memref_slice %arg5[%mul3A_169] : memref<327680xi32, #tpu.memory_space<hbm>> -> memref<128xi32, #tpu.memory_space<hbm>>
          %dma_start3A_171 = tpu.memref_slice %arg5[%mul3A_169] : memref<327680xi32, #tpu.memory_space<hbm>> -> memref<128xi32, #tpu.memory_space<hbm>>
          tpu.enqueue_dma source(%dma_start3A_171 : memref<128xi32, #tpu.memory_space<hbm>>) target(%arg14 : memref<128xi32, #tpu.memory_space<vmem>>) target_semaphore(%arg23 : memref<!tpu.dma_semaphore, #tpu.memory_space<semaphore_mem>>)
        } else {
        }
        %add3A_93 = arith.constant 1 : i32
        %add3A_94 = arith.addi %mul3A_73, %add3A_93 : i32
        %add3A_95 = arith.constant 1 : i32
        %add3A_96 = arith.addi %add3A_94, %add3A_95 : i32
        %lt3A_97 = arith.constant 160 : i32
        %lt3A_98 = arith.cmpi slt, %add3A_96, %lt3A_97 : i32
        %convert_element_type3A_99 = arith.extui %lt3A_98 : i1 to i32
        %cond3A_100 = arith.constant 0 : i32
        %cond3A_101 = arith.cmpi ne, %convert_element_type3A_99, %cond3A_100 : i32
        scf.if %cond3A_101 {
          %add3A_160 = arith.constant 1 : i32
          %add3A_161 = arith.addi %add3A_94, %add3A_160 : i32
          %add3A_162 = arith.addi %mul3A_0, %add3A_161 : i32
          %mul3A_163 = arith.constant 128 : i32
          %mul3A_164 = arith.muli %add3A_162, %mul3A_163 : i32
          %dma_wait3A_165 = tpu.memref_slice %arg4[%mul3A_164] : memref<327680xi32, #tpu.memory_space<hbm>> -> memref<128xi32, #tpu.memory_space<hbm>>
          %dma_wait3A_166 = tpu.memref_slice %arg4[%mul3A_164] : memref<327680xi32, #tpu.memory_space<hbm>> -> memref<128xi32, #tpu.memory_space<hbm>>
          tpu.wait_dma2 semaphore(%arg23 : memref<!tpu.dma_semaphore, #tpu.memory_space<semaphore_mem>>) src(%dma_wait3A_166 : memref<128xi32, #tpu.memory_space<hbm>>) dst(%arg10 : memref<128xi32, #tpu.memory_space<vmem>>)
          %add3A_167 = arith.addi %mul3A_0, %add3A_161 : i32
          %mul3A_168 = arith.constant 128 : i32
          %mul3A_169 = arith.muli %add3A_167, %mul3A_168 : i32
          %dma_wait3A_170 = tpu.memref_slice %arg5[%mul3A_169] : memref<327680xi32, #tpu.memory_space<hbm>> -> memref<128xi32, #tpu.memory_space<hbm>>
          %dma_wait3A_171 = tpu.memref_slice %arg5[%mul3A_169] : memref<327680xi32, #tpu.memory_space<hbm>> -> memref<128xi32, #tpu.memory_space<hbm>>
          tpu.wait_dma2 semaphore(%arg23 : memref<!tpu.dma_semaphore, #tpu.memory_space<semaphore_mem>>) src(%dma_wait3A_171 : memref<128xi32, #tpu.memory_space<hbm>>) dst(%arg14 : memref<128xi32, #tpu.memory_space<vmem>>)
          %ge3A = arith.constant 1 : i32
          %ge3A_172 = arith.cmpi sge, %add3A_94, %ge3A : i32
          %convert_element_type3A_173 = arith.extui %ge3A_172 : i1 to i32
          %cond3A_174 = arith.constant 0 : i32
          %cond3A_175 = arith.cmpi ne, %convert_element_type3A_173, %cond3A_174 : i32
          scf.if %cond3A_175 {
            %dma_wait3A_179 = arith.constant 0 : i32
            %dma_wait3A_180 = arith.constant 0 : i32
            %dma_wait3A_181 = tpu.memref_slice %arg18[%dma_wait3A_179, %dma_wait3A_180] : memref<10240x128xf32, #tpu.memory_space<vmem_shared>> -> memref<10240x128xf32, #tpu.memory_space<vmem_shared>>
            tpu.wait_indirect_dma semaphore(%arg25 : memref<!tpu.dma_semaphore, #tpu.memory_space<semaphore_mem>>) src(%arg16 : memref<128x128xf32, #tpu.memory_space<vmem>>) dst(%dma_wait3A_181 : memref<10240x128xf32, #tpu.memory_space<vmem_shared>>)
          } else {
          }
          %dma_start3A_176 = arith.constant 0 : i32
          %dma_start3A_177 = arith.constant 0 : i32
          %dma_start3A_178 = tpu.memref_slice %arg2[%dma_start3A_176, %dma_start3A_177] : memref<10000x128xf32, #tpu.memory_space<hbm>> -> memref<10000x128xf32, #tpu.memory_space<hbm>>
          tpu.enqueue_indirect_dma source(%dma_start3A_178 : memref<10000x128xf32, #tpu.memory_space<hbm>>) target(%arg16 : memref<128x128xf32, #tpu.memory_space<vmem>>) offsets(%arg10 : memref<128xi32, #tpu.memory_space<vmem>>) semaphore(%arg19 : memref<!tpu.dma_semaphore, #tpu.memory_space<semaphore_mem>>)
        } else {
        }
        %dma_wait3A_102 = arith.constant 0 : i32
        %dma_wait3A_103 = arith.constant 0 : i32
        %dma_wait3A_104 = tpu.memref_slice %arg2[%dma_wait3A_102, %dma_wait3A_103] : memref<10000x128xf32, #tpu.memory_space<hbm>> -> memref<10000x128xf32, #tpu.memory_space<hbm>>
        tpu.wait_indirect_dma semaphore(%arg20 : memref<!tpu.dma_semaphore, #tpu.memory_space<semaphore_mem>>) src(%dma_wait3A_104 : memref<10000x128xf32, #tpu.memory_space<hbm>>) dst(%arg17 : memref<128x128xf32, #tpu.memory_space<vmem>>)
        %dma_start3A_105 = arith.constant 0 : i32
        %dma_start3A_106 = arith.constant 0 : i32
        %dma_start3A_107 = tpu.memref_slice %arg18[%dma_start3A_105, %dma_start3A_106] : memref<10240x128xf32, #tpu.memory_space<vmem_shared>> -> memref<10240x128xf32, #tpu.memory_space<vmem_shared>>
        tpu.enqueue_indirect_dma source(%arg17 : memref<128x128xf32, #tpu.memory_space<vmem>>) target(%dma_start3A_107 : memref<10240x128xf32, #tpu.memory_space<vmem_shared>>) offsets(%arg13 : memref<128xi32, #tpu.memory_space<vmem>>) semaphore(%arg26 : memref<!tpu.dma_semaphore, #tpu.memory_space<semaphore_mem>>) {add = true}
        %add3A_108 = arith.constant 2 : i32
        %add3A_109 = arith.addi %add3A_94, %add3A_108 : i32
        %lt3A_110 = arith.constant 160 : i32
        %lt3A_111 = arith.cmpi slt, %add3A_109, %lt3A_110 : i32
        %convert_element_type3A_112 = arith.extui %lt3A_111 : i1 to i32
        %cond3A_113 = arith.constant 0 : i32
        %cond3A_114 = arith.cmpi ne, %convert_element_type3A_112, %cond3A_113 : i32
        scf.if %cond3A_114 {
          %add3A_160 = arith.constant 2 : i32
          %add3A_161 = arith.addi %add3A_94, %add3A_160 : i32
          %add3A_162 = arith.addi %mul3A_0, %add3A_161 : i32
          %mul3A_163 = arith.constant 128 : i32
          %mul3A_164 = arith.muli %add3A_162, %mul3A_163 : i32
          %dma_start3A_165 = tpu.memref_slice %arg4[%mul3A_164] : memref<327680xi32, #tpu.memory_space<hbm>> -> memref<128xi32, #tpu.memory_space<hbm>>
          %dma_start3A_166 = tpu.memref_slice %arg4[%mul3A_164] : memref<327680xi32, #tpu.memory_space<hbm>> -> memref<128xi32, #tpu.memory_space<hbm>>
          tpu.enqueue_dma source(%dma_start3A_166 : memref<128xi32, #tpu.memory_space<hbm>>) target(%arg11 : memref<128xi32, #tpu.memory_space<vmem>>) target_semaphore(%arg24 : memref<!tpu.dma_semaphore, #tpu.memory_space<semaphore_mem>>)
          %add3A_167 = arith.addi %mul3A_0, %add3A_161 : i32
          %mul3A_168 = arith.constant 128 : i32
          %mul3A_169 = arith.muli %add3A_167, %mul3A_168 : i32
          %dma_start3A_170 = tpu.memref_slice %arg5[%mul3A_169] : memref<327680xi32, #tpu.memory_space<hbm>> -> memref<128xi32, #tpu.memory_space<hbm>>
          %dma_start3A_171 = tpu.memref_slice %arg5[%mul3A_169] : memref<327680xi32, #tpu.memory_space<hbm>> -> memref<128xi32, #tpu.memory_space<hbm>>
          tpu.enqueue_dma source(%dma_start3A_171 : memref<128xi32, #tpu.memory_space<hbm>>) target(%arg15 : memref<128xi32, #tpu.memory_space<vmem>>) target_semaphore(%arg24 : memref<!tpu.dma_semaphore, #tpu.memory_space<semaphore_mem>>)
        } else {
        }
        %add3A_115 = arith.constant 2 : i32
        %add3A_116 = arith.addi %mul3A_73, %add3A_115 : i32
        %add3A_117 = arith.constant 1 : i32
        %add3A_118 = arith.addi %add3A_116, %add3A_117 : i32
        %lt3A_119 = arith.constant 160 : i32
        %lt3A_120 = arith.cmpi slt, %add3A_118, %lt3A_119 : i32
        %convert_element_type3A_121 = arith.extui %lt3A_120 : i1 to i32
        %cond3A_122 = arith.constant 0 : i32
        %cond3A_123 = arith.cmpi ne, %convert_element_type3A_121, %cond3A_122 : i32
        scf.if %cond3A_123 {
          %add3A_160 = arith.constant 1 : i32
          %add3A_161 = arith.addi %add3A_116, %add3A_160 : i32
          %add3A_162 = arith.addi %mul3A_0, %add3A_161 : i32
          %mul3A_163 = arith.constant 128 : i32
          %mul3A_164 = arith.muli %add3A_162, %mul3A_163 : i32
          %dma_wait3A_165 = tpu.memref_slice %arg4[%mul3A_164] : memref<327680xi32, #tpu.memory_space<hbm>> -> memref<128xi32, #tpu.memory_space<hbm>>
          %dma_wait3A_166 = tpu.memref_slice %arg4[%mul3A_164] : memref<327680xi32, #tpu.memory_space<hbm>> -> memref<128xi32, #tpu.memory_space<hbm>>
          tpu.wait_dma2 semaphore(%arg24 : memref<!tpu.dma_semaphore, #tpu.memory_space<semaphore_mem>>) src(%dma_wait3A_166 : memref<128xi32, #tpu.memory_space<hbm>>) dst(%arg11 : memref<128xi32, #tpu.memory_space<vmem>>)
          %add3A_167 = arith.addi %mul3A_0, %add3A_161 : i32
          %mul3A_168 = arith.constant 128 : i32
          %mul3A_169 = arith.muli %add3A_167, %mul3A_168 : i32
          %dma_wait3A_170 = tpu.memref_slice %arg5[%mul3A_169] : memref<327680xi32, #tpu.memory_space<hbm>> -> memref<128xi32, #tpu.memory_space<hbm>>
          %dma_wait3A_171 = tpu.memref_slice %arg5[%mul3A_169] : memref<327680xi32, #tpu.memory_space<hbm>> -> memref<128xi32, #tpu.memory_space<hbm>>
          tpu.wait_dma2 semaphore(%arg24 : memref<!tpu.dma_semaphore, #tpu.memory_space<semaphore_mem>>) src(%dma_wait3A_171 : memref<128xi32, #tpu.memory_space<hbm>>) dst(%arg15 : memref<128xi32, #tpu.memory_space<vmem>>)
          %ge3A = arith.constant 1 : i32
          %ge3A_172 = arith.cmpi sge, %add3A_116, %ge3A : i32
          %convert_element_type3A_173 = arith.extui %ge3A_172 : i1 to i32
          %cond3A_174 = arith.constant 0 : i32
          %cond3A_175 = arith.cmpi ne, %convert_element_type3A_173, %cond3A_174 : i32
          scf.if %cond3A_175 {
            %dma_wait3A_179 = arith.constant 0 : i32
            %dma_wait3A_180 = arith.constant 0 : i32
            %dma_wait3A_181 = tpu.memref_slice %arg18[%dma_wait3A_179, %dma_wait3A_180] : memref<10240x128xf32, #tpu.memory_space<vmem_shared>> -> memref<10240x128xf32, #tpu.memory_space<vmem_shared>>
            tpu.wait_indirect_dma semaphore(%arg26 : memref<!tpu.dma_semaphore, #tpu.memory_space<semaphore_mem>>) src(%arg17 : memref<128x128xf32, #tpu.memory_space<vmem>>) dst(%dma_wait3A_181 : memref<10240x128xf32, #tpu.memory_space<vmem_shared>>)
          } else {
          }
          %dma_start3A_176 = arith.constant 0 : i32
          %dma_start3A_177 = arith.constant 0 : i32
          %dma_start3A_178 = tpu.memref_slice %arg2[%dma_start3A_176, %dma_start3A_177] : memref<10000x128xf32, #tpu.memory_space<hbm>> -> memref<10000x128xf32, #tpu.memory_space<hbm>>
          tpu.enqueue_indirect_dma source(%dma_start3A_178 : memref<10000x128xf32, #tpu.memory_space<hbm>>) target(%arg17 : memref<128x128xf32, #tpu.memory_space<vmem>>) offsets(%arg11 : memref<128xi32, #tpu.memory_space<vmem>>) semaphore(%arg20 : memref<!tpu.dma_semaphore, #tpu.memory_space<semaphore_mem>>)
        } else {
        }
        %dma_wait3A_124 = arith.constant 0 : i32
        %dma_wait3A_125 = arith.constant 0 : i32
        %dma_wait3A_126 = tpu.memref_slice %arg2[%dma_wait3A_124, %dma_wait3A_125] : memref<10000x128xf32, #tpu.memory_space<hbm>> -> memref<10000x128xf32, #tpu.memory_space<hbm>>
        tpu.wait_indirect_dma semaphore(%arg19 : memref<!tpu.dma_semaphore, #tpu.memory_space<semaphore_mem>>) src(%dma_wait3A_126 : memref<10000x128xf32, #tpu.memory_space<hbm>>) dst(%arg16 : memref<128x128xf32, #tpu.memory_space<vmem>>)
        %dma_start3A_127 = arith.constant 0 : i32
        %dma_start3A_128 = arith.constant 0 : i32
        %dma_start3A_129 = tpu.memref_slice %arg18[%dma_start3A_127, %dma_start3A_128] : memref<10240x128xf32, #tpu.memory_space<vmem_shared>> -> memref<10240x128xf32, #tpu.memory_space<vmem_shared>>
        tpu.enqueue_indirect_dma source(%arg16 : memref<128x128xf32, #tpu.memory_space<vmem>>) target(%dma_start3A_129 : memref<10240x128xf32, #tpu.memory_space<vmem_shared>>) offsets(%arg14 : memref<128xi32, #tpu.memory_space<vmem>>) semaphore(%arg25 : memref<!tpu.dma_semaphore, #tpu.memory_space<semaphore_mem>>) {add = true}
        %add3A_130 = arith.constant 2 : i32
        %add3A_131 = arith.addi %add3A_116, %add3A_130 : i32
        %lt3A_132 = arith.constant 160 : i32
        %lt3A_133 = arith.cmpi slt, %add3A_131, %lt3A_132 : i32
        %convert_element_type3A_134 = arith.extui %lt3A_133 : i1 to i32
        %cond3A_135 = arith.constant 0 : i32
        %cond3A_136 = arith.cmpi ne, %convert_element_type3A_134, %cond3A_135 : i32
        scf.if %cond3A_136 {
          %add3A_160 = arith.constant 2 : i32
          %add3A_161 = arith.addi %add3A_116, %add3A_160 : i32
          %add3A_162 = arith.addi %mul3A_0, %add3A_161 : i32
          %mul3A_163 = arith.constant 128 : i32
          %mul3A_164 = arith.muli %add3A_162, %mul3A_163 : i32
          %dma_start3A_165 = tpu.memref_slice %arg4[%mul3A_164] : memref<327680xi32, #tpu.memory_space<hbm>> -> memref<128xi32, #tpu.memory_space<hbm>>
          %dma_start3A_166 = tpu.memref_slice %arg4[%mul3A_164] : memref<327680xi32, #tpu.memory_space<hbm>> -> memref<128xi32, #tpu.memory_space<hbm>>
          tpu.enqueue_dma source(%dma_start3A_166 : memref<128xi32, #tpu.memory_space<hbm>>) target(%arg8 : memref<128xi32, #tpu.memory_space<vmem>>) target_semaphore(%arg21 : memref<!tpu.dma_semaphore, #tpu.memory_space<semaphore_mem>>)
          %add3A_167 = arith.addi %mul3A_0, %add3A_161 : i32
          %mul3A_168 = arith.constant 128 : i32
          %mul3A_169 = arith.muli %add3A_167, %mul3A_168 : i32
          %dma_start3A_170 = tpu.memref_slice %arg5[%mul3A_169] : memref<327680xi32, #tpu.memory_space<hbm>> -> memref<128xi32, #tpu.memory_space<hbm>>
          %dma_start3A_171 = tpu.memref_slice %arg5[%mul3A_169] : memref<327680xi32, #tpu.memory_space<hbm>> -> memref<128xi32, #tpu.memory_space<hbm>>
          tpu.enqueue_dma source(%dma_start3A_171 : memref<128xi32, #tpu.memory_space<hbm>>) target(%arg12 : memref<128xi32, #tpu.memory_space<vmem>>) target_semaphore(%arg21 : memref<!tpu.dma_semaphore, #tpu.memory_space<semaphore_mem>>)
        } else {
        }
        %add3A_137 = arith.constant 3 : i32
        %add3A_138 = arith.addi %mul3A_73, %add3A_137 : i32
        %add3A_139 = arith.constant 1 : i32
        %add3A_140 = arith.addi %add3A_138, %add3A_139 : i32
        %lt3A_141 = arith.constant 160 : i32
        %lt3A_142 = arith.cmpi slt, %add3A_140, %lt3A_141 : i32
        %convert_element_type3A_143 = arith.extui %lt3A_142 : i1 to i32
        %cond3A_144 = arith.constant 0 : i32
        %cond3A_145 = arith.cmpi ne, %convert_element_type3A_143, %cond3A_144 : i32
        scf.if %cond3A_145 {
          %add3A_160 = arith.constant 1 : i32
          %add3A_161 = arith.addi %add3A_138, %add3A_160 : i32
          %add3A_162 = arith.addi %mul3A_0, %add3A_161 : i32
          %mul3A_163 = arith.constant 128 : i32
          %mul3A_164 = arith.muli %add3A_162, %mul3A_163 : i32
          %dma_wait3A_165 = tpu.memref_slice %arg4[%mul3A_164] : memref<327680xi32, #tpu.memory_space<hbm>> -> memref<128xi32, #tpu.memory_space<hbm>>
          %dma_wait3A_166 = tpu.memref_slice %arg4[%mul3A_164] : memref<327680xi32, #tpu.memory_space<hbm>> -> memref<128xi32, #tpu.memory_space<hbm>>
          tpu.wait_dma2 semaphore(%arg21 : memref<!tpu.dma_semaphore, #tpu.memory_space<semaphore_mem>>) src(%dma_wait3A_166 : memref<128xi32, #tpu.memory_space<hbm>>) dst(%arg8 : memref<128xi32, #tpu.memory_space<vmem>>)
          %add3A_167 = arith.addi %mul3A_0, %add3A_161 : i32
          %mul3A_168 = arith.constant 128 : i32
          %mul3A_169 = arith.muli %add3A_167, %mul3A_168 : i32
          %dma_wait3A_170 = tpu.memref_slice %arg5[%mul3A_169] : memref<327680xi32, #tpu.memory_space<hbm>> -> memref<128xi32, #tpu.memory_space<hbm>>
          %dma_wait3A_171 = tpu.memref_slice %arg5[%mul3A_169] : memref<327680xi32, #tpu.memory_space<hbm>> -> memref<128xi32, #tpu.memory_space<hbm>>
          tpu.wait_dma2 semaphore(%arg21 : memref<!tpu.dma_semaphore, #tpu.memory_space<semaphore_mem>>) src(%dma_wait3A_171 : memref<128xi32, #tpu.memory_space<hbm>>) dst(%arg12 : memref<128xi32, #tpu.memory_space<vmem>>)
          %ge3A = arith.constant 1 : i32
          %ge3A_172 = arith.cmpi sge, %add3A_138, %ge3A : i32
          %convert_element_type3A_173 = arith.extui %ge3A_172 : i1 to i32
          %cond3A_174 = arith.constant 0 : i32
          %cond3A_175 = arith.cmpi ne, %convert_element_type3A_173, %cond3A_174 : i32
          scf.if %cond3A_175 {
            %dma_wait3A_179 = arith.constant 0 : i32
            %dma_wait3A_180 = arith.constant 0 : i32
            %dma_wait3A_181 = tpu.memref_slice %arg18[%dma_wait3A_179, %dma_wait3A_180] : memref<10240x128xf32, #tpu.memory_space<vmem_shared>> -> memref<10240x128xf32, #tpu.memory_space<vmem_shared>>
            tpu.wait_indirect_dma semaphore(%arg25 : memref<!tpu.dma_semaphore, #tpu.memory_space<semaphore_mem>>) src(%arg16 : memref<128x128xf32, #tpu.memory_space<vmem>>) dst(%dma_wait3A_181 : memref<10240x128xf32, #tpu.memory_space<vmem_shared>>)
          } else {
          }
          %dma_start3A_176 = arith.constant 0 : i32
          %dma_start3A_177 = arith.constant 0 : i32
          %dma_start3A_178 = tpu.memref_slice %arg2[%dma_start3A_176, %dma_start3A_177] : memref<10000x128xf32, #tpu.memory_space<hbm>> -> memref<10000x128xf32, #tpu.memory_space<hbm>>
          tpu.enqueue_indirect_dma source(%dma_start3A_178 : memref<10000x128xf32, #tpu.memory_space<hbm>>) target(%arg16 : memref<128x128xf32, #tpu.memory_space<vmem>>) offsets(%arg8 : memref<128xi32, #tpu.memory_space<vmem>>) semaphore(%arg19 : memref<!tpu.dma_semaphore, #tpu.memory_space<semaphore_mem>>)
        } else {
        }
        %dma_wait3A_146 = arith.constant 0 : i32
        %dma_wait3A_147 = arith.constant 0 : i32
        %dma_wait3A_148 = tpu.memref_slice %arg2[%dma_wait3A_146, %dma_wait3A_147] : memref<10000x128xf32, #tpu.memory_space<hbm>> -> memref<10000x128xf32, #tpu.memory_space<hbm>>
        tpu.wait_indirect_dma semaphore(%arg20 : memref<!tpu.dma_semaphore, #tpu.memory_space<semaphore_mem>>) src(%dma_wait3A_148 : memref<10000x128xf32, #tpu.memory_space<hbm>>) dst(%arg17 : memref<128x128xf32, #tpu.memory_space<vmem>>)
        %dma_start3A_149 = arith.constant 0 : i32
        %dma_start3A_150 = arith.constant 0 : i32
        %dma_start3A_151 = tpu.memref_slice %arg18[%dma_start3A_149, %dma_start3A_150] : memref<10240x128xf32, #tpu.memory_space<vmem_shared>> -> memref<10240x128xf32, #tpu.memory_space<vmem_shared>>
        tpu.enqueue_indirect_dma source(%arg17 : memref<128x128xf32, #tpu.memory_space<vmem>>) target(%dma_start3A_151 : memref<10240x128xf32, #tpu.memory_space<vmem_shared>>) offsets(%arg15 : memref<128xi32, #tpu.memory_space<vmem>>) semaphore(%arg26 : memref<!tpu.dma_semaphore, #tpu.memory_space<semaphore_mem>>) {add = true}
        %add3A_152 = arith.constant 2 : i32
        %add3A_153 = arith.addi %add3A_138, %add3A_152 : i32
        %lt3A_154 = arith.constant 160 : i32
        %lt3A_155 = arith.cmpi slt, %add3A_153, %lt3A_154 : i32
        %convert_element_type3A_156 = arith.extui %lt3A_155 : i1 to i32
        %cond3A_157 = arith.constant 0 : i32
        %cond3A_158 = arith.cmpi ne, %convert_element_type3A_156, %cond3A_157 : i32
        scf.if %cond3A_158 {
          %add3A_160 = arith.constant 2 : i32
          %add3A_161 = arith.addi %add3A_138, %add3A_160 : i32
          %add3A_162 = arith.addi %mul3A_0, %add3A_161 : i32
          %mul3A_163 = arith.constant 128 : i32
          %mul3A_164 = arith.muli %add3A_162, %mul3A_163 : i32
          %dma_start3A_165 = tpu.memref_slice %arg4[%mul3A_164] : memref<327680xi32, #tpu.memory_space<hbm>> -> memref<128xi32, #tpu.memory_space<hbm>>
          %dma_start3A_166 = tpu.memref_slice %arg4[%mul3A_164] : memref<327680xi32, #tpu.memory_space<hbm>> -> memref<128xi32, #tpu.memory_space<hbm>>
          tpu.enqueue_dma source(%dma_start3A_166 : memref<128xi32, #tpu.memory_space<hbm>>) target(%arg9 : memref<128xi32, #tpu.memory_space<vmem>>) target_semaphore(%arg22 : memref<!tpu.dma_semaphore, #tpu.memory_space<semaphore_mem>>)
          %add3A_167 = arith.addi %mul3A_0, %add3A_161 : i32
          %mul3A_168 = arith.constant 128 : i32
          %mul3A_169 = arith.muli %add3A_167, %mul3A_168 : i32
          %dma_start3A_170 = tpu.memref_slice %arg5[%mul3A_169] : memref<327680xi32, #tpu.memory_space<hbm>> -> memref<128xi32, #tpu.memory_space<hbm>>
          %dma_start3A_171 = tpu.memref_slice %arg5[%mul3A_169] : memref<327680xi32, #tpu.memory_space<hbm>> -> memref<128xi32, #tpu.memory_space<hbm>>
          tpu.enqueue_dma source(%dma_start3A_171 : memref<128xi32, #tpu.memory_space<hbm>>) target(%arg13 : memref<128xi32, #tpu.memory_space<vmem>>) target_semaphore(%arg22 : memref<!tpu.dma_semaphore, #tpu.memory_space<semaphore_mem>>)
        } else {
        }
        %scan3A_159 = arith.constant 0 : i32
        scf.yield %scan3A_159 : i32
      }
      %scan3A_58 = arith.constant 40 : i32
      %dma_wait3A_59 = arith.constant 0 : i32
      %dma_wait3A_60 = arith.constant 0 : i32
      %dma_wait3A_61 = tpu.memref_slice %arg18[%dma_wait3A_59, %dma_wait3A_60] : memref<10240x128xf32, #tpu.memory_space<vmem_shared>> -> memref<10240x128xf32, #tpu.memory_space<vmem_shared>>
      tpu.wait_indirect_dma semaphore(%arg25 : memref<!tpu.dma_semaphore, #tpu.memory_space<semaphore_mem>>) src(%arg16 : memref<128x128xf32, #tpu.memory_space<vmem>>) dst(%dma_wait3A_61 : memref<10240x128xf32, #tpu.memory_space<vmem_shared>>)
      %dma_wait3A_62 = arith.constant 0 : i32
      %dma_wait3A_63 = arith.constant 0 : i32
      %dma_wait3A_64 = tpu.memref_slice %arg18[%dma_wait3A_62, %dma_wait3A_63] : memref<10240x128xf32, #tpu.memory_space<vmem_shared>> -> memref<10240x128xf32, #tpu.memory_space<vmem_shared>>
      tpu.wait_indirect_dma semaphore(%arg26 : memref<!tpu.dma_semaphore, #tpu.memory_space<semaphore_mem>>) src(%arg17 : memref<128x128xf32, #tpu.memory_space<vmem>>) dst(%dma_wait3A_64 : memref<10240x128xf32, #tpu.memory_space<vmem_shared>>)
      %barrier3A_65 = arith.constant 0 : index
      tpu.barrier barrier_id(%barrier3A_65)
      %mul3A_66 = arith.constant 640 : i32
      %mul3A_67 = arith.muli %arg1, %mul3A_66 : i32
      %mul3A_68 = arith.constant 640 : i32
      %mul3A_69 = arith.muli %arg1, %mul3A_68 : i32
      "tpu.region"() ({
        %run_scoped3A = tpu.sem_alloc : memref<!tpu.dma_semaphore, #tpu.memory_space<semaphore_mem>>
        %dma_start3A_70 = arith.constant 0 : i32
        %dma_start3A_71 = tpu.memref_slice %arg6[%mul3A_69, %dma_start3A_70] : memref<10240x128xf32, #tpu.memory_space<hbm>> -> memref<640x128xf32, #tpu.memory_space<hbm>>
        %dma_start3A_72 = arith.constant 0 : i32
        %dma_start3A_73 = tpu.memref_slice %arg18[%mul3A_67, %dma_start3A_72] : memref<10240x128xf32, #tpu.memory_space<vmem_shared>> -> memref<640x128xf32, #tpu.memory_space<vmem_shared>>
        tpu.enqueue_dma source(%dma_start3A_73 : memref<640x128xf32, #tpu.memory_space<vmem_shared>>) target(%dma_start3A_71 : memref<640x128xf32, #tpu.memory_space<hbm>>) target_semaphore(%run_scoped3A : memref<!tpu.dma_semaphore, #tpu.memory_space<semaphore_mem>>)
        %dma_wait3A_74 = arith.constant 0 : i32
        %dma_wait3A_75 = tpu.memref_slice %arg6[%mul3A_69, %dma_wait3A_74] : memref<10240x128xf32, #tpu.memory_space<hbm>> -> memref<640x128xf32, #tpu.memory_space<hbm>>
        %dma_wait3A_76 = arith.constant 0 : i32
        %dma_wait3A_77 = tpu.memref_slice %arg18[%mul3A_67, %dma_wait3A_76] : memref<10240x128xf32, #tpu.memory_space<vmem_shared>> -> memref<640x128xf32, #tpu.memory_space<vmem_shared>>
        tpu.wait_dma2 semaphore(%run_scoped3A : memref<!tpu.dma_semaphore, #tpu.memory_space<semaphore_mem>>) src(%dma_wait3A_77 : memref<640x128xf32, #tpu.memory_space<vmem_shared>>) dst(%dma_wait3A_75 : memref<640x128xf32, #tpu.memory_space<hbm>>)
        tpu.yield
      }) : () -> ()
    } else {
    }
    %eq3A_3 = arith.constant 1 : i32
    %eq3A_4 = arith.cmpi eq, %arg0, %eq3A_3 : i32
    %convert_element_type3A_5 = arith.extui %eq3A_4 : i1 to i32
    %cond3A_6 = arith.constant 0 : i32
    %cond3A_7 = arith.cmpi ne, %convert_element_type3A_5, %cond3A_6 : i32
    scf.if %cond3A_7 {
      %ne3A = arith.constant 15 : i32
      %ne3A_8 = arith.cmpi ne, %arg1, %ne3A : i32
      %convert_element_type3A_9 = arith.extui %ne3A_8 : i1 to i32
      %cond3A_10 = arith.constant 0 : i32
      %cond3A_11 = arith.cmpi ne, %convert_element_type3A_9, %cond3A_10 : i32
      scf.if %cond3A_11 {
        %mul3A_70 = arith.constant 640 : i32
        %mul3A_71 = arith.muli %arg1, %mul3A_70 : i32
        %mul3A_72 = arith.constant 640 : i32
        %mul3A_73 = arith.muli %arg1, %mul3A_72 : i32
        "tpu.region"() ({
          %run_scoped3A = tpu.sem_alloc : memref<!tpu.dma_semaphore, #tpu.memory_space<semaphore_mem>>
          %dma_start3A_74 = arith.constant 0 : i32
          %dma_start3A_75 = tpu.memref_slice %arg18[%mul3A_73, %dma_start3A_74] : memref<10240x128xf32, #tpu.memory_space<vmem_shared>> -> memref<640x128xf32, #tpu.memory_space<vmem_shared>>
          %dma_start3A_76 = arith.constant 0 : i32
          %dma_start3A_77 = tpu.memref_slice %arg3[%mul3A_71, %dma_start3A_76] : memref<10000x128xf32, #tpu.memory_space<hbm>> -> memref<640x128xf32, #tpu.memory_space<hbm>>
          tpu.enqueue_dma source(%dma_start3A_77 : memref<640x128xf32, #tpu.memory_space<hbm>>) target(%dma_start3A_75 : memref<640x128xf32, #tpu.memory_space<vmem_shared>>) target_semaphore(%run_scoped3A : memref<!tpu.dma_semaphore, #tpu.memory_space<semaphore_mem>>)
          %dma_wait3A_78 = arith.constant 0 : i32
          %dma_wait3A_79 = tpu.memref_slice %arg18[%mul3A_73, %dma_wait3A_78] : memref<10240x128xf32, #tpu.memory_space<vmem_shared>> -> memref<640x128xf32, #tpu.memory_space<vmem_shared>>
          %dma_wait3A_80 = arith.constant 0 : i32
          %dma_wait3A_81 = tpu.memref_slice %arg3[%mul3A_71, %dma_wait3A_80] : memref<10000x128xf32, #tpu.memory_space<hbm>> -> memref<640x128xf32, #tpu.memory_space<hbm>>
          tpu.wait_dma2 semaphore(%run_scoped3A : memref<!tpu.dma_semaphore, #tpu.memory_space<semaphore_mem>>) src(%dma_wait3A_81 : memref<640x128xf32, #tpu.memory_space<hbm>>) dst(%dma_wait3A_79 : memref<640x128xf32, #tpu.memory_space<vmem_shared>>)
          tpu.yield
        }) : () -> ()
      } else {
      }
      %eq3A_12 = arith.constant 15 : i32
      %eq3A_13 = arith.cmpi eq, %arg1, %eq3A_12 : i32
      %convert_element_type3A_14 = arith.extui %eq3A_13 : i1 to i32
      %cond3A_15 = arith.constant 0 : i32
      %cond3A_16 = arith.cmpi ne, %convert_element_type3A_14, %cond3A_15 : i32
      scf.if %cond3A_16 {
        "tpu.region"() ({
          %run_scoped3A = tpu.sem_alloc : memref<!tpu.dma_semaphore, #tpu.memory_space<semaphore_mem>>
          %dma_start3A_70 = arith.constant 9600 : i32
          %dma_start3A_71 = arith.constant 0 : i32
          %dma_start3A_72 = tpu.memref_slice %arg18[%dma_start3A_70, %dma_start3A_71] : memref<10240x128xf32, #tpu.memory_space<vmem_shared>> -> memref<400x128xf32, #tpu.memory_space<vmem_shared>>
          %dma_start3A_73 = arith.constant 9600 : i32
          %dma_start3A_74 = arith.constant 0 : i32
          %dma_start3A_75 = tpu.memref_slice %arg3[%dma_start3A_73, %dma_start3A_74] : memref<10000x128xf32, #tpu.memory_space<hbm>> -> memref<400x128xf32, #tpu.memory_space<hbm>>
          tpu.enqueue_dma source(%dma_start3A_75 : memref<400x128xf32, #tpu.memory_space<hbm>>) target(%dma_start3A_72 : memref<400x128xf32, #tpu.memory_space<vmem_shared>>) target_semaphore(%run_scoped3A : memref<!tpu.dma_semaphore, #tpu.memory_space<semaphore_mem>>)
          %dma_wait3A_76 = arith.constant 9600 : i32
          %dma_wait3A_77 = arith.constant 0 : i32
          %dma_wait3A_78 = tpu.memref_slice %arg18[%dma_wait3A_76, %dma_wait3A_77] : memref<10240x128xf32, #tpu.memory_space<vmem_shared>> -> memref<400x128xf32, #tpu.memory_space<vmem_shared>>
          %dma_wait3A_79 = arith.constant 9600 : i32
          %dma_wait3A_80 = arith.constant 0 : i32
          %dma_wait3A_81 = tpu.memref_slice %arg3[%dma_wait3A_79, %dma_wait3A_80] : memref<10000x128xf32, #tpu.memory_space<hbm>> -> memref<400x128xf32, #tpu.memory_space<hbm>>
          tpu.wait_dma2 semaphore(%run_scoped3A : memref<!tpu.dma_semaphore, #tpu.memory_space<semaphore_mem>>) src(%dma_wait3A_81 : memref<400x128xf32, #tpu.memory_space<hbm>>) dst(%dma_wait3A_78 : memref<400x128xf32, #tpu.memory_space<vmem_shared>>)
          tpu.yield
        }) : () -> ()
      } else {
      }
      %barrier3A = arith.constant 0 : index
      tpu.barrier barrier_id(%barrier3A)
      %add3A = arith.constant 0 : i32
      %add3A_17 = arith.addi %mul3A_0, %add3A : i32
      %mul3A_18 = arith.constant 128 : i32
      %mul3A_19 = arith.muli %add3A_17, %mul3A_18 : i32
      %dma_start3A = tpu.memref_slice %arg4[%mul3A_19] : memref<327680xi32, #tpu.memory_space<hbm>> -> memref<128xi32, #tpu.memory_space<hbm>>
      %dma_start3A_20 = tpu.memref_slice %arg4[%mul3A_19] : memref<327680xi32, #tpu.memory_space<hbm>> -> memref<128xi32, #tpu.memory_space<hbm>>
      tpu.enqueue_dma source(%dma_start3A_20 : memref<128xi32, #tpu.memory_space<hbm>>) target(%arg8 : memref<128xi32, #tpu.memory_space<vmem>>) target_semaphore(%arg21 : memref<!tpu.dma_semaphore, #tpu.memory_space<semaphore_mem>>)
      %add3A_21 = arith.constant 0 : i32
      %add3A_22 = arith.addi %mul3A_0, %add3A_21 : i32
      %mul3A_23 = arith.constant 128 : i32
      %mul3A_24 = arith.muli %add3A_22, %mul3A_23 : i32
      %dma_start3A_25 = tpu.memref_slice %arg5[%mul3A_24] : memref<327680xi32, #tpu.memory_space<hbm>> -> memref<128xi32, #tpu.memory_space<hbm>>
      %dma_start3A_26 = tpu.memref_slice %arg5[%mul3A_24] : memref<327680xi32, #tpu.memory_space<hbm>> -> memref<128xi32, #tpu.memory_space<hbm>>
      tpu.enqueue_dma source(%dma_start3A_26 : memref<128xi32, #tpu.memory_space<hbm>>) target(%arg12 : memref<128xi32, #tpu.memory_space<vmem>>) target_semaphore(%arg21 : memref<!tpu.dma_semaphore, #tpu.memory_space<semaphore_mem>>)
      %add3A_27 = arith.constant 0 : i32
      %add3A_28 = arith.addi %mul3A_0, %add3A_27 : i32
      %mul3A_29 = arith.constant 128 : i32
      %mul3A_30 = arith.muli %add3A_28, %mul3A_29 : i32
      %dma_wait3A = tpu.memref_slice %arg4[%mul3A_30] : memref<327680xi32, #tpu.memory_space<hbm>> -> memref<128xi32, #tpu.memory_space<hbm>>
      %dma_wait3A_31 = tpu.memref_slice %arg4[%mul3A_30] : memref<327680xi32, #tpu.memory_space<hbm>> -> memref<128xi32, #tpu.memory_space<hbm>>
      tpu.wait_dma2 semaphore(%arg21 : memref<!tpu.dma_semaphore, #tpu.memory_space<semaphore_mem>>) src(%dma_wait3A_31 : memref<128xi32, #tpu.memory_space<hbm>>) dst(%arg8 : memref<128xi32, #tpu.memory_space<vmem>>)
      %add3A_32 = arith.constant 0 : i32
      %add3A_33 = arith.addi %mul3A_0, %add3A_32 : i32
      %mul3A_34 = arith.constant 128 : i32
      %mul3A_35 = arith.muli %add3A_33, %mul3A_34 : i32
      %dma_wait3A_36 = tpu.memref_slice %arg5[%mul3A_35] : memref<327680xi32, #tpu.memory_space<hbm>> -> memref<128xi32, #tpu.memory_space<hbm>>
      %dma_wait3A_37 = tpu.memref_slice %arg5[%mul3A_35] : memref<327680xi32, #tpu.memory_space<hbm>> -> memref<128xi32, #tpu.memory_space<hbm>>
      tpu.wait_dma2 semaphore(%arg21 : memref<!tpu.dma_semaphore, #tpu.memory_space<semaphore_mem>>) src(%dma_wait3A_37 : memref<128xi32, #tpu.memory_space<hbm>>) dst(%arg12 : memref<128xi32, #tpu.memory_space<vmem>>)
      %dma_start3A_38 = arith.constant 0 : i32
      %dma_start3A_39 = arith.constant 0 : i32
      %dma_start3A_40 = tpu.memref_slice %arg3[%dma_start3A_38, %dma_start3A_39] : memref<10000x128xf32, #tpu.memory_space<hbm>> -> memref<10000x128xf32, #tpu.memory_space<hbm>>
      tpu.enqueue_indirect_dma source(%dma_start3A_40 : memref<10000x128xf32, #tpu.memory_space<hbm>>) target(%arg16 : memref<128x128xf32, #tpu.memory_space<vmem>>) offsets(%arg8 : memref<128xi32, #tpu.memory_space<vmem>>) semaphore(%arg19 : memref<!tpu.dma_semaphore, #tpu.memory_space<semaphore_mem>>)
      %add3A_41 = arith.constant 1 : i32
      %add3A_42 = arith.addi %mul3A_0, %add3A_41 : i32
      %mul3A_43 = arith.constant 128 : i32
      %mul3A_44 = arith.muli %add3A_42, %mul3A_43 : i32
      %dma_start3A_45 = tpu.memref_slice %arg4[%mul3A_44] : memref<327680xi32, #tpu.memory_space<hbm>> -> memref<128xi32, #tpu.memory_space<hbm>>
      %dma_start3A_46 = tpu.memref_slice %arg4[%mul3A_44] : memref<327680xi32, #tpu.memory_space<hbm>> -> memref<128xi32, #tpu.memory_space<hbm>>
      tpu.enqueue_dma source(%dma_start3A_46 : memref<128xi32, #tpu.memory_space<hbm>>) target(%arg9 : memref<128xi32, #tpu.memory_space<vmem>>) target_semaphore(%arg22 : memref<!tpu.dma_semaphore, #tpu.memory_space<semaphore_mem>>)
      %add3A_47 = arith.constant 1 : i32
      %add3A_48 = arith.addi %mul3A_0, %add3A_47 : i32
      %mul3A_49 = arith.constant 128 : i32
      %mul3A_50 = arith.muli %add3A_48, %mul3A_49 : i32
      %dma_start3A_51 = tpu.memref_slice %arg5[%mul3A_50] : memref<327680xi32, #tpu.memory_space<hbm>> -> memref<128xi32, #tpu.memory_space<hbm>>
      %dma_start3A_52 = tpu.memref_slice %arg5[%mul3A_50] : memref<327680xi32, #tpu.memory_space<hbm>> -> memref<128xi32, #tpu.memory_space<hbm>>
      tpu.enqueue_dma source(%dma_start3A_52 : memref<128xi32, #tpu.memory_space<hbm>>) target(%arg13 : memref<128xi32, #tpu.memory_space<vmem>>) target_semaphore(%arg22 : memref<!tpu.dma_semaphore, #tpu.memory_space<semaphore_mem>>)
      %scan3A = arith.constant 0 : i32
      %scan3A_53 = arith.constant 0 : i32
      %scan3A_54 = arith.constant 40 : i32
      %scan3A_55 = arith.addi %scan3A_53, %scan3A_54 : i32
      %scan3A_56 = arith.constant 1 : i32
      %scan3A_57 = scf.for %scan3A_70 = %scan3A_53 to %scan3A_55 step %scan3A_56 iter_args(%scan3A_71 = %scan3A) -> (i32)  : i32 {
        %mul3A_72 = arith.constant 4 : i32
        %mul3A_73 = arith.muli %mul3A_72, %scan3A_70 : i32
        %add3A_74 = arith.constant 1 : i32
        %add3A_75 = arith.addi %mul3A_73, %add3A_74 : i32
        %lt3A = arith.constant 160 : i32
        %lt3A_76 = arith.cmpi slt, %add3A_75, %lt3A : i32
        %convert_element_type3A_77 = arith.extui %lt3A_76 : i1 to i32
        %cond3A_78 = arith.constant 0 : i32
        %cond3A_79 = arith.cmpi ne, %convert_element_type3A_77, %cond3A_78 : i32
        scf.if %cond3A_79 {
          %add3A_160 = arith.constant 1 : i32
          %add3A_161 = arith.addi %mul3A_73, %add3A_160 : i32
          %add3A_162 = arith.addi %mul3A_0, %add3A_161 : i32
          %mul3A_163 = arith.constant 128 : i32
          %mul3A_164 = arith.muli %add3A_162, %mul3A_163 : i32
          %dma_wait3A_165 = tpu.memref_slice %arg4[%mul3A_164] : memref<327680xi32, #tpu.memory_space<hbm>> -> memref<128xi32, #tpu.memory_space<hbm>>
          %dma_wait3A_166 = tpu.memref_slice %arg4[%mul3A_164] : memref<327680xi32, #tpu.memory_space<hbm>> -> memref<128xi32, #tpu.memory_space<hbm>>
          tpu.wait_dma2 semaphore(%arg22 : memref<!tpu.dma_semaphore, #tpu.memory_space<semaphore_mem>>) src(%dma_wait3A_166 : memref<128xi32, #tpu.memory_space<hbm>>) dst(%arg9 : memref<128xi32, #tpu.memory_space<vmem>>)
          %add3A_167 = arith.addi %mul3A_0, %add3A_161 : i32
          %mul3A_168 = arith.constant 128 : i32
          %mul3A_169 = arith.muli %add3A_167, %mul3A_168 : i32
          %dma_wait3A_170 = tpu.memref_slice %arg5[%mul3A_169] : memref<327680xi32, #tpu.memory_space<hbm>> -> memref<128xi32, #tpu.memory_space<hbm>>
          %dma_wait3A_171 = tpu.memref_slice %arg5[%mul3A_169] : memref<327680xi32, #tpu.memory_space<hbm>> -> memref<128xi32, #tpu.memory_space<hbm>>
          tpu.wait_dma2 semaphore(%arg22 : memref<!tpu.dma_semaphore, #tpu.memory_space<semaphore_mem>>) src(%dma_wait3A_171 : memref<128xi32, #tpu.memory_space<hbm>>) dst(%arg13 : memref<128xi32, #tpu.memory_space<vmem>>)
          %ge3A = arith.constant 1 : i32
          %ge3A_172 = arith.cmpi sge, %mul3A_73, %ge3A : i32
          %convert_element_type3A_173 = arith.extui %ge3A_172 : i1 to i32
          %cond3A_174 = arith.constant 0 : i32
          %cond3A_175 = arith.cmpi ne, %convert_element_type3A_173, %cond3A_174 : i32
          scf.if %cond3A_175 {
            %dma_wait3A_179 = arith.constant 0 : i32
            %dma_wait3A_180 = arith.constant 0 : i32
            %dma_wait3A_181 = tpu.memref_slice %arg18[%dma_wait3A_179, %dma_wait3A_180] : memref<10240x128xf32, #tpu.memory_space<vmem_shared>> -> memref<10240x128xf32, #tpu.memory_space<vmem_shared>>
            tpu.wait_indirect_dma semaphore(%arg26 : memref<!tpu.dma_semaphore, #tpu.memory_space<semaphore_mem>>) src(%arg17 : memref<128x128xf32, #tpu.memory_space<vmem>>) dst(%dma_wait3A_181 : memref<10240x128xf32, #tpu.memory_space<vmem_shared>>)
          } else {
          }
          %dma_start3A_176 = arith.constant 0 : i32
          %dma_start3A_177 = arith.constant 0 : i32
          %dma_start3A_178 = tpu.memref_slice %arg3[%dma_start3A_176, %dma_start3A_177] : memref<10000x128xf32, #tpu.memory_space<hbm>> -> memref<10000x128xf32, #tpu.memory_space<hbm>>
          tpu.enqueue_indirect_dma source(%dma_start3A_178 : memref<10000x128xf32, #tpu.memory_space<hbm>>) target(%arg17 : memref<128x128xf32, #tpu.memory_space<vmem>>) offsets(%arg9 : memref<128xi32, #tpu.memory_space<vmem>>) semaphore(%arg20 : memref<!tpu.dma_semaphore, #tpu.memory_space<semaphore_mem>>)
        } else {
        }
        %dma_wait3A_80 = arith.constant 0 : i32
        %dma_wait3A_81 = arith.constant 0 : i32
        %dma_wait3A_82 = tpu.memref_slice %arg3[%dma_wait3A_80, %dma_wait3A_81] : memref<10000x128xf32, #tpu.memory_space<hbm>> -> memref<10000x128xf32, #tpu.memory_space<hbm>>
        tpu.wait_indirect_dma semaphore(%arg19 : memref<!tpu.dma_semaphore, #tpu.memory_space<semaphore_mem>>) src(%dma_wait3A_82 : memref<10000x128xf32, #tpu.memory_space<hbm>>) dst(%arg16 : memref<128x128xf32, #tpu.memory_space<vmem>>)
        %dma_start3A_83 = arith.constant 0 : i32
        %dma_start3A_84 = arith.constant 0 : i32
        %dma_start3A_85 = tpu.memref_slice %arg18[%dma_start3A_83, %dma_start3A_84] : memref<10240x128xf32, #tpu.memory_space<vmem_shared>> -> memref<10240x128xf32, #tpu.memory_space<vmem_shared>>
        tpu.enqueue_indirect_dma source(%arg16 : memref<128x128xf32, #tpu.memory_space<vmem>>) target(%dma_start3A_85 : memref<10240x128xf32, #tpu.memory_space<vmem_shared>>) offsets(%arg12 : memref<128xi32, #tpu.memory_space<vmem>>) semaphore(%arg25 : memref<!tpu.dma_semaphore, #tpu.memory_space<semaphore_mem>>) {add = true}
        %add3A_86 = arith.constant 2 : i32
        %add3A_87 = arith.addi %mul3A_73, %add3A_86 : i32
        %lt3A_88 = arith.constant 160 : i32
        %lt3A_89 = arith.cmpi slt, %add3A_87, %lt3A_88 : i32
        %convert_element_type3A_90 = arith.extui %lt3A_89 : i1 to i32
        %cond3A_91 = arith.constant 0 : i32
        %cond3A_92 = arith.cmpi ne, %convert_element_type3A_90, %cond3A_91 : i32
        scf.if %cond3A_92 {
          %add3A_160 = arith.constant 2 : i32
          %add3A_161 = arith.addi %mul3A_73, %add3A_160 : i32
          %add3A_162 = arith.addi %mul3A_0, %add3A_161 : i32
          %mul3A_163 = arith.constant 128 : i32
          %mul3A_164 = arith.muli %add3A_162, %mul3A_163 : i32
          %dma_start3A_165 = tpu.memref_slice %arg4[%mul3A_164] : memref<327680xi32, #tpu.memory_space<hbm>> -> memref<128xi32, #tpu.memory_space<hbm>>
          %dma_start3A_166 = tpu.memref_slice %arg4[%mul3A_164] : memref<327680xi32, #tpu.memory_space<hbm>> -> memref<128xi32, #tpu.memory_space<hbm>>
          tpu.enqueue_dma source(%dma_start3A_166 : memref<128xi32, #tpu.memory_space<hbm>>) target(%arg10 : memref<128xi32, #tpu.memory_space<vmem>>) target_semaphore(%arg23 : memref<!tpu.dma_semaphore, #tpu.memory_space<semaphore_mem>>)
          %add3A_167 = arith.addi %mul3A_0, %add3A_161 : i32
          %mul3A_168 = arith.constant 128 : i32
          %mul3A_169 = arith.muli %add3A_167, %mul3A_168 : i32
          %dma_start3A_170 = tpu.memref_slice %arg5[%mul3A_169] : memref<327680xi32, #tpu.memory_space<hbm>> -> memref<128xi32, #tpu.memory_space<hbm>>
          %dma_start3A_171 = tpu.memref_slice %arg5[%mul3A_169] : memref<327680xi32, #tpu.memory_space<hbm>> -> memref<128xi32, #tpu.memory_space<hbm>>
          tpu.enqueue_dma source(%dma_start3A_171 : memref<128xi32, #tpu.memory_space<hbm>>) target(%arg14 : memref<128xi32, #tpu.memory_space<vmem>>) target_semaphore(%arg23 : memref<!tpu.dma_semaphore, #tpu.memory_space<semaphore_mem>>)
        } else {
        }
        %add3A_93 = arith.constant 1 : i32
        %add3A_94 = arith.addi %mul3A_73, %add3A_93 : i32
        %add3A_95 = arith.constant 1 : i32
        %add3A_96 = arith.addi %add3A_94, %add3A_95 : i32
        %lt3A_97 = arith.constant 160 : i32
        %lt3A_98 = arith.cmpi slt, %add3A_96, %lt3A_97 : i32
        %convert_element_type3A_99 = arith.extui %lt3A_98 : i1 to i32
        %cond3A_100 = arith.constant 0 : i32
        %cond3A_101 = arith.cmpi ne, %convert_element_type3A_99, %cond3A_100 : i32
        scf.if %cond3A_101 {
          %add3A_160 = arith.constant 1 : i32
          %add3A_161 = arith.addi %add3A_94, %add3A_160 : i32
          %add3A_162 = arith.addi %mul3A_0, %add3A_161 : i32
          %mul3A_163 = arith.constant 128 : i32
          %mul3A_164 = arith.muli %add3A_162, %mul3A_163 : i32
          %dma_wait3A_165 = tpu.memref_slice %arg4[%mul3A_164] : memref<327680xi32, #tpu.memory_space<hbm>> -> memref<128xi32, #tpu.memory_space<hbm>>
          %dma_wait3A_166 = tpu.memref_slice %arg4[%mul3A_164] : memref<327680xi32, #tpu.memory_space<hbm>> -> memref<128xi32, #tpu.memory_space<hbm>>
          tpu.wait_dma2 semaphore(%arg23 : memref<!tpu.dma_semaphore, #tpu.memory_space<semaphore_mem>>) src(%dma_wait3A_166 : memref<128xi32, #tpu.memory_space<hbm>>) dst(%arg10 : memref<128xi32, #tpu.memory_space<vmem>>)
          %add3A_167 = arith.addi %mul3A_0, %add3A_161 : i32
          %mul3A_168 = arith.constant 128 : i32
          %mul3A_169 = arith.muli %add3A_167, %mul3A_168 : i32
          %dma_wait3A_170 = tpu.memref_slice %arg5[%mul3A_169] : memref<327680xi32, #tpu.memory_space<hbm>> -> memref<128xi32, #tpu.memory_space<hbm>>
          %dma_wait3A_171 = tpu.memref_slice %arg5[%mul3A_169] : memref<327680xi32, #tpu.memory_space<hbm>> -> memref<128xi32, #tpu.memory_space<hbm>>
          tpu.wait_dma2 semaphore(%arg23 : memref<!tpu.dma_semaphore, #tpu.memory_space<semaphore_mem>>) src(%dma_wait3A_171 : memref<128xi32, #tpu.memory_space<hbm>>) dst(%arg14 : memref<128xi32, #tpu.memory_space<vmem>>)
          %ge3A = arith.constant 1 : i32
          %ge3A_172 = arith.cmpi sge, %add3A_94, %ge3A : i32
          %convert_element_type3A_173 = arith.extui %ge3A_172 : i1 to i32
          %cond3A_174 = arith.constant 0 : i32
          %cond3A_175 = arith.cmpi ne, %convert_element_type3A_173, %cond3A_174 : i32
          scf.if %cond3A_175 {
            %dma_wait3A_179 = arith.constant 0 : i32
            %dma_wait3A_180 = arith.constant 0 : i32
            %dma_wait3A_181 = tpu.memref_slice %arg18[%dma_wait3A_179, %dma_wait3A_180] : memref<10240x128xf32, #tpu.memory_space<vmem_shared>> -> memref<10240x128xf32, #tpu.memory_space<vmem_shared>>
            tpu.wait_indirect_dma semaphore(%arg25 : memref<!tpu.dma_semaphore, #tpu.memory_space<semaphore_mem>>) src(%arg16 : memref<128x128xf32, #tpu.memory_space<vmem>>) dst(%dma_wait3A_181 : memref<10240x128xf32, #tpu.memory_space<vmem_shared>>)
          } else {
          }
          %dma_start3A_176 = arith.constant 0 : i32
          %dma_start3A_177 = arith.constant 0 : i32
          %dma_start3A_178 = tpu.memref_slice %arg3[%dma_start3A_176, %dma_start3A_177] : memref<10000x128xf32, #tpu.memory_space<hbm>> -> memref<10000x128xf32, #tpu.memory_space<hbm>>
          tpu.enqueue_indirect_dma source(%dma_start3A_178 : memref<10000x128xf32, #tpu.memory_space<hbm>>) target(%arg16 : memref<128x128xf32, #tpu.memory_space<vmem>>) offsets(%arg10 : memref<128xi32, #tpu.memory_space<vmem>>) semaphore(%arg19 : memref<!tpu.dma_semaphore, #tpu.memory_space<semaphore_mem>>)
        } else {
        }
        %dma_wait3A_102 = arith.constant 0 : i32
        %dma_wait3A_103 = arith.constant 0 : i32
        %dma_wait3A_104 = tpu.memref_slice %arg3[%dma_wait3A_102, %dma_wait3A_103] : memref<10000x128xf32, #tpu.memory_space<hbm>> -> memref<10000x128xf32, #tpu.memory_space<hbm>>
        tpu.wait_indirect_dma semaphore(%arg20 : memref<!tpu.dma_semaphore, #tpu.memory_space<semaphore_mem>>) src(%dma_wait3A_104 : memref<10000x128xf32, #tpu.memory_space<hbm>>) dst(%arg17 : memref<128x128xf32, #tpu.memory_space<vmem>>)
        %dma_start3A_105 = arith.constant 0 : i32
        %dma_start3A_106 = arith.constant 0 : i32
        %dma_start3A_107 = tpu.memref_slice %arg18[%dma_start3A_105, %dma_start3A_106] : memref<10240x128xf32, #tpu.memory_space<vmem_shared>> -> memref<10240x128xf32, #tpu.memory_space<vmem_shared>>
        tpu.enqueue_indirect_dma source(%arg17 : memref<128x128xf32, #tpu.memory_space<vmem>>) target(%dma_start3A_107 : memref<10240x128xf32, #tpu.memory_space<vmem_shared>>) offsets(%arg13 : memref<128xi32, #tpu.memory_space<vmem>>) semaphore(%arg26 : memref<!tpu.dma_semaphore, #tpu.memory_space<semaphore_mem>>) {add = true}
        %add3A_108 = arith.constant 2 : i32
        %add3A_109 = arith.addi %add3A_94, %add3A_108 : i32
        %lt3A_110 = arith.constant 160 : i32
        %lt3A_111 = arith.cmpi slt, %add3A_109, %lt3A_110 : i32
        %convert_element_type3A_112 = arith.extui %lt3A_111 : i1 to i32
        %cond3A_113 = arith.constant 0 : i32
        %cond3A_114 = arith.cmpi ne, %convert_element_type3A_112, %cond3A_113 : i32
        scf.if %cond3A_114 {
          %add3A_160 = arith.constant 2 : i32
          %add3A_161 = arith.addi %add3A_94, %add3A_160 : i32
          %add3A_162 = arith.addi %mul3A_0, %add3A_161 : i32
          %mul3A_163 = arith.constant 128 : i32
          %mul3A_164 = arith.muli %add3A_162, %mul3A_163 : i32
          %dma_start3A_165 = tpu.memref_slice %arg4[%mul3A_164] : memref<327680xi32, #tpu.memory_space<hbm>> -> memref<128xi32, #tpu.memory_space<hbm>>
          %dma_start3A_166 = tpu.memref_slice %arg4[%mul3A_164] : memref<327680xi32, #tpu.memory_space<hbm>> -> memref<128xi32, #tpu.memory_space<hbm>>
          tpu.enqueue_dma source(%dma_start3A_166 : memref<128xi32, #tpu.memory_space<hbm>>) target(%arg11 : memref<128xi32, #tpu.memory_space<vmem>>) target_semaphore(%arg24 : memref<!tpu.dma_semaphore, #tpu.memory_space<semaphore_mem>>)
          %add3A_167 = arith.addi %mul3A_0, %add3A_161 : i32
          %mul3A_168 = arith.constant 128 : i32
          %mul3A_169 = arith.muli %add3A_167, %mul3A_168 : i32
          %dma_start3A_170 = tpu.memref_slice %arg5[%mul3A_169] : memref<327680xi32, #tpu.memory_space<hbm>> -> memref<128xi32, #tpu.memory_space<hbm>>
          %dma_start3A_171 = tpu.memref_slice %arg5[%mul3A_169] : memref<327680xi32, #tpu.memory_space<hbm>> -> memref<128xi32, #tpu.memory_space<hbm>>
          tpu.enqueue_dma source(%dma_start3A_171 : memref<128xi32, #tpu.memory_space<hbm>>) target(%arg15 : memref<128xi32, #tpu.memory_space<vmem>>) target_semaphore(%arg24 : memref<!tpu.dma_semaphore, #tpu.memory_space<semaphore_mem>>)
        } else {
        }
        %add3A_115 = arith.constant 2 : i32
        %add3A_116 = arith.addi %mul3A_73, %add3A_115 : i32
        %add3A_117 = arith.constant 1 : i32
        %add3A_118 = arith.addi %add3A_116, %add3A_117 : i32
        %lt3A_119 = arith.constant 160 : i32
        %lt3A_120 = arith.cmpi slt, %add3A_118, %lt3A_119 : i32
        %convert_element_type3A_121 = arith.extui %lt3A_120 : i1 to i32
        %cond3A_122 = arith.constant 0 : i32
        %cond3A_123 = arith.cmpi ne, %convert_element_type3A_121, %cond3A_122 : i32
        scf.if %cond3A_123 {
          %add3A_160 = arith.constant 1 : i32
          %add3A_161 = arith.addi %add3A_116, %add3A_160 : i32
          %add3A_162 = arith.addi %mul3A_0, %add3A_161 : i32
          %mul3A_163 = arith.constant 128 : i32
          %mul3A_164 = arith.muli %add3A_162, %mul3A_163 : i32
          %dma_wait3A_165 = tpu.memref_slice %arg4[%mul3A_164] : memref<327680xi32, #tpu.memory_space<hbm>> -> memref<128xi32, #tpu.memory_space<hbm>>
          %dma_wait3A_166 = tpu.memref_slice %arg4[%mul3A_164] : memref<327680xi32, #tpu.memory_space<hbm>> -> memref<128xi32, #tpu.memory_space<hbm>>
          tpu.wait_dma2 semaphore(%arg24 : memref<!tpu.dma_semaphore, #tpu.memory_space<semaphore_mem>>) src(%dma_wait3A_166 : memref<128xi32, #tpu.memory_space<hbm>>) dst(%arg11 : memref<128xi32, #tpu.memory_space<vmem>>)
          %add3A_167 = arith.addi %mul3A_0, %add3A_161 : i32
          %mul3A_168 = arith.constant 128 : i32
          %mul3A_169 = arith.muli %add3A_167, %mul3A_168 : i32
          %dma_wait3A_170 = tpu.memref_slice %arg5[%mul3A_169] : memref<327680xi32, #tpu.memory_space<hbm>> -> memref<128xi32, #tpu.memory_space<hbm>>
          %dma_wait3A_171 = tpu.memref_slice %arg5[%mul3A_169] : memref<327680xi32, #tpu.memory_space<hbm>> -> memref<128xi32, #tpu.memory_space<hbm>>
          tpu.wait_dma2 semaphore(%arg24 : memref<!tpu.dma_semaphore, #tpu.memory_space<semaphore_mem>>) src(%dma_wait3A_171 : memref<128xi32, #tpu.memory_space<hbm>>) dst(%arg15 : memref<128xi32, #tpu.memory_space<vmem>>)
          %ge3A = arith.constant 1 : i32
          %ge3A_172 = arith.cmpi sge, %add3A_116, %ge3A : i32
          %convert_element_type3A_173 = arith.extui %ge3A_172 : i1 to i32
          %cond3A_174 = arith.constant 0 : i32
          %cond3A_175 = arith.cmpi ne, %convert_element_type3A_173, %cond3A_174 : i32
          scf.if %cond3A_175 {
            %dma_wait3A_179 = arith.constant 0 : i32
            %dma_wait3A_180 = arith.constant 0 : i32
            %dma_wait3A_181 = tpu.memref_slice %arg18[%dma_wait3A_179, %dma_wait3A_180] : memref<10240x128xf32, #tpu.memory_space<vmem_shared>> -> memref<10240x128xf32, #tpu.memory_space<vmem_shared>>
            tpu.wait_indirect_dma semaphore(%arg26 : memref<!tpu.dma_semaphore, #tpu.memory_space<semaphore_mem>>) src(%arg17 : memref<128x128xf32, #tpu.memory_space<vmem>>) dst(%dma_wait3A_181 : memref<10240x128xf32, #tpu.memory_space<vmem_shared>>)
          } else {
          }
          %dma_start3A_176 = arith.constant 0 : i32
          %dma_start3A_177 = arith.constant 0 : i32
          %dma_start3A_178 = tpu.memref_slice %arg3[%dma_start3A_176, %dma_start3A_177] : memref<10000x128xf32, #tpu.memory_space<hbm>> -> memref<10000x128xf32, #tpu.memory_space<hbm>>
          tpu.enqueue_indirect_dma source(%dma_start3A_178 : memref<10000x128xf32, #tpu.memory_space<hbm>>) target(%arg17 : memref<128x128xf32, #tpu.memory_space<vmem>>) offsets(%arg11 : memref<128xi32, #tpu.memory_space<vmem>>) semaphore(%arg20 : memref<!tpu.dma_semaphore, #tpu.memory_space<semaphore_mem>>)
        } else {
        }
        %dma_wait3A_124 = arith.constant 0 : i32
        %dma_wait3A_125 = arith.constant 0 : i32
        %dma_wait3A_126 = tpu.memref_slice %arg3[%dma_wait3A_124, %dma_wait3A_125] : memref<10000x128xf32, #tpu.memory_space<hbm>> -> memref<10000x128xf32, #tpu.memory_space<hbm>>
        tpu.wait_indirect_dma semaphore(%arg19 : memref<!tpu.dma_semaphore, #tpu.memory_space<semaphore_mem>>) src(%dma_wait3A_126 : memref<10000x128xf32, #tpu.memory_space<hbm>>) dst(%arg16 : memref<128x128xf32, #tpu.memory_space<vmem>>)
        %dma_start3A_127 = arith.constant 0 : i32
        %dma_start3A_128 = arith.constant 0 : i32
        %dma_start3A_129 = tpu.memref_slice %arg18[%dma_start3A_127, %dma_start3A_128] : memref<10240x128xf32, #tpu.memory_space<vmem_shared>> -> memref<10240x128xf32, #tpu.memory_space<vmem_shared>>
        tpu.enqueue_indirect_dma source(%arg16 : memref<128x128xf32, #tpu.memory_space<vmem>>) target(%dma_start3A_129 : memref<10240x128xf32, #tpu.memory_space<vmem_shared>>) offsets(%arg14 : memref<128xi32, #tpu.memory_space<vmem>>) semaphore(%arg25 : memref<!tpu.dma_semaphore, #tpu.memory_space<semaphore_mem>>) {add = true}
        %add3A_130 = arith.constant 2 : i32
        %add3A_131 = arith.addi %add3A_116, %add3A_130 : i32
        %lt3A_132 = arith.constant 160 : i32
        %lt3A_133 = arith.cmpi slt, %add3A_131, %lt3A_132 : i32
        %convert_element_type3A_134 = arith.extui %lt3A_133 : i1 to i32
        %cond3A_135 = arith.constant 0 : i32
        %cond3A_136 = arith.cmpi ne, %convert_element_type3A_134, %cond3A_135 : i32
        scf.if %cond3A_136 {
          %add3A_160 = arith.constant 2 : i32
          %add3A_161 = arith.addi %add3A_116, %add3A_160 : i32
          %add3A_162 = arith.addi %mul3A_0, %add3A_161 : i32
          %mul3A_163 = arith.constant 128 : i32
          %mul3A_164 = arith.muli %add3A_162, %mul3A_163 : i32
          %dma_start3A_165 = tpu.memref_slice %arg4[%mul3A_164] : memref<327680xi32, #tpu.memory_space<hbm>> -> memref<128xi32, #tpu.memory_space<hbm>>
          %dma_start3A_166 = tpu.memref_slice %arg4[%mul3A_164] : memref<327680xi32, #tpu.memory_space<hbm>> -> memref<128xi32, #tpu.memory_space<hbm>>
          tpu.enqueue_dma source(%dma_start3A_166 : memref<128xi32, #tpu.memory_space<hbm>>) target(%arg8 : memref<128xi32, #tpu.memory_space<vmem>>) target_semaphore(%arg21 : memref<!tpu.dma_semaphore, #tpu.memory_space<semaphore_mem>>)
          %add3A_167 = arith.addi %mul3A_0, %add3A_161 : i32
          %mul3A_168 = arith.constant 128 : i32
          %mul3A_169 = arith.muli %add3A_167, %mul3A_168 : i32
          %dma_start3A_170 = tpu.memref_slice %arg5[%mul3A_169] : memref<327680xi32, #tpu.memory_space<hbm>> -> memref<128xi32, #tpu.memory_space<hbm>>
          %dma_start3A_171 = tpu.memref_slice %arg5[%mul3A_169] : memref<327680xi32, #tpu.memory_space<hbm>> -> memref<128xi32, #tpu.memory_space<hbm>>
          tpu.enqueue_dma source(%dma_start3A_171 : memref<128xi32, #tpu.memory_space<hbm>>) target(%arg12 : memref<128xi32, #tpu.memory_space<vmem>>) target_semaphore(%arg21 : memref<!tpu.dma_semaphore, #tpu.memory_space<semaphore_mem>>)
        } else {
        }
        %add3A_137 = arith.constant 3 : i32
        %add3A_138 = arith.addi %mul3A_73, %add3A_137 : i32
        %add3A_139 = arith.constant 1 : i32
        %add3A_140 = arith.addi %add3A_138, %add3A_139 : i32
        %lt3A_141 = arith.constant 160 : i32
        %lt3A_142 = arith.cmpi slt, %add3A_140, %lt3A_141 : i32
        %convert_element_type3A_143 = arith.extui %lt3A_142 : i1 to i32
        %cond3A_144 = arith.constant 0 : i32
        %cond3A_145 = arith.cmpi ne, %convert_element_type3A_143, %cond3A_144 : i32
        scf.if %cond3A_145 {
          %add3A_160 = arith.constant 1 : i32
          %add3A_161 = arith.addi %add3A_138, %add3A_160 : i32
          %add3A_162 = arith.addi %mul3A_0, %add3A_161 : i32
          %mul3A_163 = arith.constant 128 : i32
          %mul3A_164 = arith.muli %add3A_162, %mul3A_163 : i32
          %dma_wait3A_165 = tpu.memref_slice %arg4[%mul3A_164] : memref<327680xi32, #tpu.memory_space<hbm>> -> memref<128xi32, #tpu.memory_space<hbm>>
          %dma_wait3A_166 = tpu.memref_slice %arg4[%mul3A_164] : memref<327680xi32, #tpu.memory_space<hbm>> -> memref<128xi32, #tpu.memory_space<hbm>>
          tpu.wait_dma2 semaphore(%arg21 : memref<!tpu.dma_semaphore, #tpu.memory_space<semaphore_mem>>) src(%dma_wait3A_166 : memref<128xi32, #tpu.memory_space<hbm>>) dst(%arg8 : memref<128xi32, #tpu.memory_space<vmem>>)
          %add3A_167 = arith.addi %mul3A_0, %add3A_161 : i32
          %mul3A_168 = arith.constant 128 : i32
          %mul3A_169 = arith.muli %add3A_167, %mul3A_168 : i32
          %dma_wait3A_170 = tpu.memref_slice %arg5[%mul3A_169] : memref<327680xi32, #tpu.memory_space<hbm>> -> memref<128xi32, #tpu.memory_space<hbm>>
          %dma_wait3A_171 = tpu.memref_slice %arg5[%mul3A_169] : memref<327680xi32, #tpu.memory_space<hbm>> -> memref<128xi32, #tpu.memory_space<hbm>>
          tpu.wait_dma2 semaphore(%arg21 : memref<!tpu.dma_semaphore, #tpu.memory_space<semaphore_mem>>) src(%dma_wait3A_171 : memref<128xi32, #tpu.memory_space<hbm>>) dst(%arg12 : memref<128xi32, #tpu.memory_space<vmem>>)
          %ge3A = arith.constant 1 : i32
          %ge3A_172 = arith.cmpi sge, %add3A_138, %ge3A : i32
          %convert_element_type3A_173 = arith.extui %ge3A_172 : i1 to i32
          %cond3A_174 = arith.constant 0 : i32
          %cond3A_175 = arith.cmpi ne, %convert_element_type3A_173, %cond3A_174 : i32
          scf.if %cond3A_175 {
            %dma_wait3A_179 = arith.constant 0 : i32
            %dma_wait3A_180 = arith.constant 0 : i32
            %dma_wait3A_181 = tpu.memref_slice %arg18[%dma_wait3A_179, %dma_wait3A_180] : memref<10240x128xf32, #tpu.memory_space<vmem_shared>> -> memref<10240x128xf32, #tpu.memory_space<vmem_shared>>
            tpu.wait_indirect_dma semaphore(%arg25 : memref<!tpu.dma_semaphore, #tpu.memory_space<semaphore_mem>>) src(%arg16 : memref<128x128xf32, #tpu.memory_space<vmem>>) dst(%dma_wait3A_181 : memref<10240x128xf32, #tpu.memory_space<vmem_shared>>)
          } else {
          }
          %dma_start3A_176 = arith.constant 0 : i32
          %dma_start3A_177 = arith.constant 0 : i32
          %dma_start3A_178 = tpu.memref_slice %arg3[%dma_start3A_176, %dma_start3A_177] : memref<10000x128xf32, #tpu.memory_space<hbm>> -> memref<10000x128xf32, #tpu.memory_space<hbm>>
          tpu.enqueue_indirect_dma source(%dma_start3A_178 : memref<10000x128xf32, #tpu.memory_space<hbm>>) target(%arg16 : memref<128x128xf32, #tpu.memory_space<vmem>>) offsets(%arg8 : memref<128xi32, #tpu.memory_space<vmem>>) semaphore(%arg19 : memref<!tpu.dma_semaphore, #tpu.memory_space<semaphore_mem>>)
        } else {
        }
        %dma_wait3A_146 = arith.constant 0 : i32
        %dma_wait3A_147 = arith.constant 0 : i32
        %dma_wait3A_148 = tpu.memref_slice %arg3[%dma_wait3A_146, %dma_wait3A_147] : memref<10000x128xf32, #tpu.memory_space<hbm>> -> memref<10000x128xf32, #tpu.memory_space<hbm>>
        tpu.wait_indirect_dma semaphore(%arg20 : memref<!tpu.dma_semaphore, #tpu.memory_space<semaphore_mem>>) src(%dma_wait3A_148 : memref<10000x128xf32, #tpu.memory_space<hbm>>) dst(%arg17 : memref<128x128xf32, #tpu.memory_space<vmem>>)
        %dma_start3A_149 = arith.constant 0 : i32
        %dma_start3A_150 = arith.constant 0 : i32
        %dma_start3A_151 = tpu.memref_slice %arg18[%dma_start3A_149, %dma_start3A_150] : memref<10240x128xf32, #tpu.memory_space<vmem_shared>> -> memref<10240x128xf32, #tpu.memory_space<vmem_shared>>
        tpu.enqueue_indirect_dma source(%arg17 : memref<128x128xf32, #tpu.memory_space<vmem>>) target(%dma_start3A_151 : memref<10240x128xf32, #tpu.memory_space<vmem_shared>>) offsets(%arg15 : memref<128xi32, #tpu.memory_space<vmem>>) semaphore(%arg26 : memref<!tpu.dma_semaphore, #tpu.memory_space<semaphore_mem>>) {add = true}
        %add3A_152 = arith.constant 2 : i32
        %add3A_153 = arith.addi %add3A_138, %add3A_152 : i32
        %lt3A_154 = arith.constant 160 : i32
        %lt3A_155 = arith.cmpi slt, %add3A_153, %lt3A_154 : i32
        %convert_element_type3A_156 = arith.extui %lt3A_155 : i1 to i32
        %cond3A_157 = arith.constant 0 : i32
        %cond3A_158 = arith.cmpi ne, %convert_element_type3A_156, %cond3A_157 : i32
        scf.if %cond3A_158 {
          %add3A_160 = arith.constant 2 : i32
          %add3A_161 = arith.addi %add3A_138, %add3A_160 : i32
          %add3A_162 = arith.addi %mul3A_0, %add3A_161 : i32
          %mul3A_163 = arith.constant 128 : i32
          %mul3A_164 = arith.muli %add3A_162, %mul3A_163 : i32
          %dma_start3A_165 = tpu.memref_slice %arg4[%mul3A_164] : memref<327680xi32, #tpu.memory_space<hbm>> -> memref<128xi32, #tpu.memory_space<hbm>>
          %dma_start3A_166 = tpu.memref_slice %arg4[%mul3A_164] : memref<327680xi32, #tpu.memory_space<hbm>> -> memref<128xi32, #tpu.memory_space<hbm>>
          tpu.enqueue_dma source(%dma_start3A_166 : memref<128xi32, #tpu.memory_space<hbm>>) target(%arg9 : memref<128xi32, #tpu.memory_space<vmem>>) target_semaphore(%arg22 : memref<!tpu.dma_semaphore, #tpu.memory_space<semaphore_mem>>)
          %add3A_167 = arith.addi %mul3A_0, %add3A_161 : i32
          %mul3A_168 = arith.constant 128 : i32
          %mul3A_169 = arith.muli %add3A_167, %mul3A_168 : i32
          %dma_start3A_170 = tpu.memref_slice %arg5[%mul3A_169] : memref<327680xi32, #tpu.memory_space<hbm>> -> memref<128xi32, #tpu.memory_space<hbm>>
          %dma_start3A_171 = tpu.memref_slice %arg5[%mul3A_169] : memref<327680xi32, #tpu.memory_space<hbm>> -> memref<128xi32, #tpu.memory_space<hbm>>
          tpu.enqueue_dma source(%dma_start3A_171 : memref<128xi32, #tpu.memory_space<hbm>>) target(%arg13 : memref<128xi32, #tpu.memory_space<vmem>>) target_semaphore(%arg22 : memref<!tpu.dma_semaphore, #tpu.memory_space<semaphore_mem>>)
        } else {
        }
        %scan3A_159 = arith.constant 0 : i32
        scf.yield %scan3A_159 : i32
      }
      %scan3A_58 = arith.constant 40 : i32
      %dma_wait3A_59 = arith.constant 0 : i32
      %dma_wait3A_60 = arith.constant 0 : i32
      %dma_wait3A_61 = tpu.memref_slice %arg18[%dma_wait3A_59, %dma_wait3A_60] : memref<10240x128xf32, #tpu.memory_space<vmem_shared>> -> memref<10240x128xf32, #tpu.memory_space<vmem_shared>>
      tpu.wait_indirect_dma semaphore(%arg25 : memref<!tpu.dma_semaphore, #tpu.memory_space<semaphore_mem>>) src(%arg16 : memref<128x128xf32, #tpu.memory_space<vmem>>) dst(%dma_wait3A_61 : memref<10240x128xf32, #tpu.memory_space<vmem_shared>>)
      %dma_wait3A_62 = arith.constant 0 : i32
      %dma_wait3A_63 = arith.constant 0 : i32
      %dma_wait3A_64 = tpu.memref_slice %arg18[%dma_wait3A_62, %dma_wait3A_63] : memref<10240x128xf32, #tpu.memory_space<vmem_shared>> -> memref<10240x128xf32, #tpu.memory_space<vmem_shared>>
      tpu.wait_indirect_dma semaphore(%arg26 : memref<!tpu.dma_semaphore, #tpu.memory_space<semaphore_mem>>) src(%arg17 : memref<128x128xf32, #tpu.memory_space<vmem>>) dst(%dma_wait3A_64 : memref<10240x128xf32, #tpu.memory_space<vmem_shared>>)
      %barrier3A_65 = arith.constant 0 : index
      tpu.barrier barrier_id(%barrier3A_65)
      %mul3A_66 = arith.constant 640 : i32
      %mul3A_67 = arith.muli %arg1, %mul3A_66 : i32
      %mul3A_68 = arith.constant 640 : i32
      %mul3A_69 = arith.muli %arg1, %mul3A_68 : i32
      "tpu.region"() ({
        %run_scoped3A = tpu.sem_alloc : memref<!tpu.dma_semaphore, #tpu.memory_space<semaphore_mem>>
        %dma_start3A_70 = arith.constant 0 : i32
        %dma_start3A_71 = tpu.memref_slice %arg7[%mul3A_69, %dma_start3A_70] : memref<10240x128xf32, #tpu.memory_space<hbm>> -> memref<640x128xf32, #tpu.memory_space<hbm>>
        %dma_start3A_72 = arith.constant 0 : i32
        %dma_start3A_73 = tpu.memref_slice %arg18[%mul3A_67, %dma_start3A_72] : memref<10240x128xf32, #tpu.memory_space<vmem_shared>> -> memref<640x128xf32, #tpu.memory_space<vmem_shared>>
        tpu.enqueue_dma source(%dma_start3A_73 : memref<640x128xf32, #tpu.memory_space<vmem_shared>>) target(%dma_start3A_71 : memref<640x128xf32, #tpu.memory_space<hbm>>) target_semaphore(%run_scoped3A : memref<!tpu.dma_semaphore, #tpu.memory_space<semaphore_mem>>)
        %dma_wait3A_74 = arith.constant 0 : i32
        %dma_wait3A_75 = tpu.memref_slice %arg7[%mul3A_69, %dma_wait3A_74] : memref<10240x128xf32, #tpu.memory_space<hbm>> -> memref<640x128xf32, #tpu.memory_space<hbm>>
        %dma_wait3A_76 = arith.constant 0 : i32
        %dma_wait3A_77 = tpu.memref_slice %arg18[%mul3A_67, %dma_wait3A_76] : memref<10240x128xf32, #tpu.memory_space<vmem_shared>> -> memref<640x128xf32, #tpu.memory_space<vmem_shared>>
        tpu.wait_dma2 semaphore(%run_scoped3A : memref<!tpu.dma_semaphore, #tpu.memory_space<semaphore_mem>>) src(%dma_wait3A_77 : memref<640x128xf32, #tpu.memory_space<vmem_shared>>) dst(%dma_wait3A_75 : memref<640x128xf32, #tpu.memory_space<hbm>>)
        tpu.yield
      }) : () -> ()
    } else {
    }
    return
  }
}

module attributes {stable_mosaic.version = 14 : i64} {
  func.func @_t2_body(%arg0: i32, %arg1: memref<2x1000x128xf32, #tpu.memory_space<vmem>>, %arg2: memref<1000x128xf32, #tpu.memory_space<vmem>>, %arg3: memref<1000x128xf32, #tpu.memory_space<vmem>>, %arg4: memref<1x256xf32, #tpu.memory_space<vmem>>, %arg5: memref<256x256xf32, #tpu.memory_space<vmem>>, %arg6: memref<1000x128xf32, #tpu.memory_space<vmem>>, %arg7: memref<1000x128xf32, #tpu.memory_space<vmem>>) attributes {dimension_semantics = [#tpu.dimension_semantics<arbitrary>], iteration_bounds = array<i64: 10>, scalar_prefetch = 0 : i64, scratch_operands = 0 : i64, tpu.core_type = #tpu.core_type<tc>, window_params = [{transform_indices = @transform_0, window_bounds = array<i64: 2, 1000, 128>}, {transform_indices = @transform_1, window_bounds = array<i64: 1000, 128>}, {transform_indices = @transform_2, window_bounds = array<i64: 1000, 128>}, {pipeline_mode = #tpu.pipeline_mode<synchronous>, transform_indices = @transform_3, window_bounds = array<i64: 1, 256>}, {pipeline_mode = #tpu.pipeline_mode<synchronous>, transform_indices = @transform_4, window_bounds = array<i64: 256, 256>}, {transform_indices = @transform_5, window_bounds = array<i64: 1000, 128>}, {transform_indices = @transform_6, window_bounds = array<i64: 1000, 128>}]} {
    %get3A = arith.constant 0 : index
    %get3A_0 = arith.constant 0 : index
    %get3A_1 = arith.constant 0 : index
    %get3A_2 = vector.load %arg1[%get3A, %get3A_0, %get3A_1] : memref<2x1000x128xf32, #tpu.memory_space<vmem>>, vector<2x1000x128xf32>
    %slice3A = vector.extract_strided_slice %get3A_2 {offsets = [0, 0, 0], sizes = [1, 1000, 1], strides = [1, 1, 1]} : vector<2x1000x128xf32> to vector<1x1000x1xf32>
    %squeeze3A = vector.shape_cast %slice3A : vector<1x1000x1xf32> to vector<1000x1xf32>
    %slice3A_3 = vector.extract_strided_slice %get3A_2 {offsets = [1, 0, 0], sizes = [1, 1000, 1], strides = [1, 1, 1]} : vector<2x1000x128xf32> to vector<1x1000x1xf32>
    %squeeze3A_4 = vector.shape_cast %slice3A_3 : vector<1x1000x1xf32> to vector<1000x1xf32>
    %add3A = arith.addf %squeeze3A, %squeeze3A_4 : vector<1000x1xf32>
    %sub3A = arith.constant 1.000000e+00 : f32
    %sub3A_5 = vector.broadcast %sub3A : f32 to vector<1000x1xf32>
    %sub3A_6 = arith.subf %add3A, %sub3A_5 : vector<1000x1xf32>
    %rsqrt3A = math.rsqrt %sub3A_6 : vector<1000x1xf32>
    %get3A_7 = arith.constant 0 : index
    %get3A_8 = arith.constant 0 : index
    %get3A_9 = vector.load %arg2[%get3A_7, %get3A_8] : memref<1000x128xf32, #tpu.memory_space<vmem>>, vector<1000x128xf32>
    %get3A_10 = arith.constant 0 : index
    %get3A_11 = arith.constant 0 : index
    %get3A_12 = vector.load %arg3[%get3A_10, %get3A_11] : memref<1000x128xf32, #tpu.memory_space<vmem>>, vector<1000x128xf32>
    %concatenate3A = tpu.concatenate %get3A_9, %get3A_12 in 1 : vector<1000x128xf32>, vector<1000x128xf32> -> vector<1000x256xf32>
    %mul3A = vector.broadcast %rsqrt3A : vector<1000x1xf32> to vector<1000x256xf32>
    %mul3A_13 = arith.mulf %concatenate3A, %mul3A : vector<1000x256xf32>
    %get3A_14 = arith.constant 0 : index
    %get3A_15 = arith.constant 0 : index
    %get3A_16 = vector.load %arg4[%get3A_14, %get3A_15] : memref<1x256xf32, #tpu.memory_space<vmem>>, vector<1x256xf32>
    %add3A_17 = vector.broadcast %get3A_16 : vector<1x256xf32> to vector<1000x256xf32>
    %add3A_18 = arith.addf %mul3A_13, %add3A_17 : vector<1000x256xf32>
    %max3A = arith.constant 0.000000e+00 : f32
    %max3A_19 = vector.broadcast %max3A : f32 to vector<1000x256xf32>
    %max3A_20 = arith.maximumf %add3A_18, %max3A_19 : vector<1000x256xf32>
    %get3A_21 = arith.constant 0 : index
    %get3A_22 = arith.constant 0 : index
    %get3A_23 = vector.load %arg5[%get3A_21, %get3A_22] : memref<256x256xf32, #tpu.memory_space<vmem>>, vector<256x256xf32>
    %dot_general3A = arith.constant dense<0.000000e+00> : vector<1000x256xf32>
    %dot_general3A_24 = tpu.matmul %max3A_20, %get3A_23, %dot_general3A {dimension_numbers = #tpu.dot_dimension_numbers<[1], [0], [0], [1], [0, 0, 1, 1], [], []>, transpose_lhs_hint = false} : vector<1000x256xf32>, vector<256x256xf32>, vector<1000x256xf32> -> vector<1000x256xf32>
    %mul3A_25 = vector.broadcast %rsqrt3A : vector<1000x1xf32> to vector<1000x256xf32>
    %mul3A_26 = arith.mulf %dot_general3A_24, %mul3A_25 : vector<1000x256xf32>
    %slice3A_27 = vector.extract_strided_slice %mul3A_26 {offsets = [0, 0], sizes = [1000, 128], strides = [1, 1]} : vector<1000x256xf32> to vector<1000x128xf32>
    %swap3A = arith.constant 0 : index
    %swap3A_28 = arith.constant 0 : index
    %swap3A_29 = vector.load %arg6[%swap3A, %swap3A_28] : memref<1000x128xf32, #tpu.memory_space<vmem>>, vector<1000x128xf32>
    tpu.vector_store %arg6[%swap3A, %swap3A_28], %slice3A_27 {strides = array<i32>} : memref<1000x128xf32, #tpu.memory_space<vmem>>, vector<1000x128xf32>,
    %slice3A_30 = vector.extract_strided_slice %mul3A_26 {offsets = [0, 128], sizes = [1000, 128], strides = [1, 1]} : vector<1000x256xf32> to vector<1000x128xf32>
    %swap3A_31 = arith.constant 0 : index
    %swap3A_32 = arith.constant 0 : index
    %swap3A_33 = vector.load %arg7[%swap3A_31, %swap3A_32] : memref<1000x128xf32, #tpu.memory_space<vmem>>, vector<1000x128xf32>
    tpu.vector_store %arg7[%swap3A_31, %swap3A_32], %slice3A_30 {strides = array<i32>} : memref<1000x128xf32, #tpu.memory_space<vmem>>, vector<1000x128xf32>,
    return
  }
  func.func @transform_0(%arg0: i32) -> (i32, i32, i32) {
    %c0_i32 = arith.constant 0 : i32
    %c0_i32_0 = arith.constant 0 : i32
    %c0_i32_1 = arith.constant 0 : i32
    return %c0_i32, %arg0, %c0_i32_0 : i32, i32, i32
  }
  func.func @transform_1(%arg0: i32) -> (i32, i32) {
    %c0_i32 = arith.constant 0 : i32
    %c0_i32_0 = arith.constant 0 : i32
    return %arg0, %c0_i32 : i32, i32
  }
  func.func @transform_2(%arg0: i32) -> (i32, i32) {
    %c0_i32 = arith.constant 0 : i32
    %c0_i32_0 = arith.constant 0 : i32
    return %arg0, %c0_i32 : i32, i32
  }
  func.func @transform_3(%arg0: i32) -> (i32, i32) {
    %c0_i32 = arith.constant 0 : i32
    %c0_i32_0 = arith.constant 0 : i32
    %c0_i32_1 = arith.constant 0 : i32
    return %c0_i32, %c0_i32_0 : i32, i32
  }
  func.func @transform_4(%arg0: i32) -> (i32, i32) {
    %c0_i32 = arith.constant 0 : i32
    %c0_i32_0 = arith.constant 0 : i32
    %c0_i32_1 = arith.constant 0 : i32
    return %c0_i32, %c0_i32_0 : i32, i32
  }
  func.func @transform_5(%arg0: i32) -> (i32, i32) {
    %c0_i32 = arith.constant 0 : i32
    %c0_i32_0 = arith.constant 0 : i32
    return %arg0, %c0_i32 : i32, i32
  }
  func.func @transform_6(%arg0: i32) -> (i32, i32) {
    %c0_i32 = arith.constant 0 : i32
    %c0_i32_0 = arith.constant 0 : i32
    return %arg0, %c0_i32 : i32, i32
  }
}

module attributes {stable_mosaic.version = 14 : i64} {
  func.func @_t1_body(%arg0: i32, %arg1: memref<2x1000x128xf32, #tpu.memory_space<vmem>>, %arg2: memref<1000x128xf32, #tpu.memory_space<vmem>>, %arg3: memref<128x256xf32, #tpu.memory_space<vmem>>, %arg4: memref<1000x128xf32, #tpu.memory_space<vmem>>, %arg5: memref<1000x128xf32, #tpu.memory_space<vmem>>) attributes {dimension_semantics = [#tpu.dimension_semantics<arbitrary>], iteration_bounds = array<i64: 10>, scalar_prefetch = 0 : i64, scratch_operands = 0 : i64, tpu.core_type = #tpu.core_type<tc>, window_params = [{transform_indices = @transform_0, window_bounds = array<i64: 2, 1000, 128>}, {transform_indices = @transform_1, window_bounds = array<i64: 1000, 128>}, {pipeline_mode = #tpu.pipeline_mode<synchronous>, transform_indices = @transform_2, window_bounds = array<i64: 128, 256>}, {transform_indices = @transform_3, window_bounds = array<i64: 1000, 128>}, {transform_indices = @transform_4, window_bounds = array<i64: 1000, 128>}]} {
    %get3A = arith.constant 0 : index
    %get3A_0 = arith.constant 0 : index
    %get3A_1 = arith.constant 0 : index
    %get3A_2 = vector.load %arg1[%get3A, %get3A_0, %get3A_1] : memref<2x1000x128xf32, #tpu.memory_space<vmem>>, vector<2x1000x128xf32>
    %slice3A = vector.extract_strided_slice %get3A_2 {offsets = [0, 0, 0], sizes = [1, 1000, 1], strides = [1, 1, 1]} : vector<2x1000x128xf32> to vector<1x1000x1xf32>
    %squeeze3A = vector.shape_cast %slice3A : vector<1x1000x1xf32> to vector<1000x1xf32>
    %slice3A_3 = vector.extract_strided_slice %get3A_2 {offsets = [1, 0, 0], sizes = [1, 1000, 1], strides = [1, 1, 1]} : vector<2x1000x128xf32> to vector<1x1000x1xf32>
    %squeeze3A_4 = vector.shape_cast %slice3A_3 : vector<1x1000x1xf32> to vector<1000x1xf32>
    %add3A = arith.addf %squeeze3A, %squeeze3A_4 : vector<1000x1xf32>
    %sub3A = arith.constant 1.000000e+00 : f32
    %sub3A_5 = vector.broadcast %sub3A : f32 to vector<1000x1xf32>
    %sub3A_6 = arith.subf %add3A, %sub3A_5 : vector<1000x1xf32>
    %rsqrt3A = math.rsqrt %sub3A_6 : vector<1000x1xf32>
    %get3A_7 = arith.constant 0 : index
    %get3A_8 = arith.constant 0 : index
    %get3A_9 = vector.load %arg2[%get3A_7, %get3A_8] : memref<1000x128xf32, #tpu.memory_space<vmem>>, vector<1000x128xf32>
    %get3A_10 = arith.constant 0 : index
    %get3A_11 = arith.constant 0 : index
    %get3A_12 = vector.load %arg3[%get3A_10, %get3A_11] : memref<128x256xf32, #tpu.memory_space<vmem>>, vector<128x256xf32>
    %dot_general3A = arith.constant dense<0.000000e+00> : vector<1000x256xf32>
    %dot_general3A_13 = tpu.matmul %get3A_9, %get3A_12, %dot_general3A {dimension_numbers = #tpu.dot_dimension_numbers<[1], [0], [0], [1], [0, 0, 1, 1], [], []>, transpose_lhs_hint = false} : vector<1000x128xf32>, vector<128x256xf32>, vector<1000x256xf32> -> vector<1000x256xf32>
    %mul3A = vector.broadcast %rsqrt3A : vector<1000x1xf32> to vector<1000x256xf32>
    %mul3A_14 = arith.mulf %dot_general3A_13, %mul3A : vector<1000x256xf32>
    %slice3A_15 = vector.extract_strided_slice %mul3A_14 {offsets = [0, 0], sizes = [1000, 128], strides = [1, 1]} : vector<1000x256xf32> to vector<1000x128xf32>
    %swap3A = arith.constant 0 : index
    %swap3A_16 = arith.constant 0 : index
    %swap3A_17 = vector.load %arg4[%swap3A, %swap3A_16] : memref<1000x128xf32, #tpu.memory_space<vmem>>, vector<1000x128xf32>
    tpu.vector_store %arg4[%swap3A, %swap3A_16], %slice3A_15 {strides = array<i32>} : memref<1000x128xf32, #tpu.memory_space<vmem>>, vector<1000x128xf32>,
    %slice3A_18 = vector.extract_strided_slice %mul3A_14 {offsets = [0, 128], sizes = [1000, 128], strides = [1, 1]} : vector<1000x256xf32> to vector<1000x128xf32>
    %swap3A_19 = arith.constant 0 : index
    %swap3A_20 = arith.constant 0 : index
    %swap3A_21 = vector.load %arg5[%swap3A_19, %swap3A_20] : memref<1000x128xf32, #tpu.memory_space<vmem>>, vector<1000x128xf32>
    tpu.vector_store %arg5[%swap3A_19, %swap3A_20], %slice3A_18 {strides = array<i32>} : memref<1000x128xf32, #tpu.memory_space<vmem>>, vector<1000x128xf32>,
    return
  }
  func.func @transform_0(%arg0: i32) -> (i32, i32, i32) {
    %c0_i32 = arith.constant 0 : i32
    %c0_i32_0 = arith.constant 0 : i32
    %c0_i32_1 = arith.constant 0 : i32
    return %c0_i32, %arg0, %c0_i32_0 : i32, i32, i32
  }
  func.func @transform_1(%arg0: i32) -> (i32, i32) {
    %c0_i32 = arith.constant 0 : i32
    %c0_i32_0 = arith.constant 0 : i32
    return %arg0, %c0_i32 : i32, i32
  }
  func.func @transform_2(%arg0: i32) -> (i32, i32) {
    %c0_i32 = arith.constant 0 : i32
    %c0_i32_0 = arith.constant 0 : i32
    %c0_i32_1 = arith.constant 0 : i32
    return %c0_i32, %c0_i32_0 : i32, i32
  }
  func.func @transform_3(%arg0: i32) -> (i32, i32) {
    %c0_i32 = arith.constant 0 : i32
    %c0_i32_0 = arith.constant 0 : i32
    return %arg0, %c0_i32 : i32, i32
  }
  func.func @transform_4(%arg0: i32) -> (i32, i32) {
    %c0_i32 = arith.constant 0 : i32
    %c0_i32_0 = arith.constant 0 : i32
    return %arg0, %c0_i32 : i32, i32
  }
}

module attributes {stable_mosaic.version = 14 : i64} {
  func.func @_t3a_body(%arg0: i32, %arg1: memref<2x1000x128xf32, #tpu.memory_space<vmem>>, %arg2: memref<1000x128xf32, #tpu.memory_space<vmem>>, %arg3: memref<1000x128xf32, #tpu.memory_space<vmem>>, %arg4: memref<1x256xf32, #tpu.memory_space<vmem>>, %arg5: memref<1000x256xf32, #tpu.memory_space<vmem>>, %arg6: memref<1x256xf32, #tpu.memory_space<vmem>>, %arg7: memref<1x256xf32, #tpu.memory_space<vmem>>) attributes {dimension_semantics = [#tpu.dimension_semantics<arbitrary>], iteration_bounds = array<i64: 10>, scalar_prefetch = 0 : i64, scratch_operands = 0 : i64, tpu.core_type = #tpu.core_type<tc>, window_params = [{transform_indices = @transform_0, window_bounds = array<i64: 2, 1000, 128>}, {transform_indices = @transform_1, window_bounds = array<i64: 1000, 128>}, {transform_indices = @transform_2, window_bounds = array<i64: 1000, 128>}, {pipeline_mode = #tpu.pipeline_mode<synchronous>, transform_indices = @transform_3, window_bounds = array<i64: 1, 256>}, {transform_indices = @transform_4, window_bounds = array<i64: 1000, 256>}, {pipeline_mode = #tpu.pipeline_mode<synchronous>, transform_indices = @transform_5, window_bounds = array<i64: 1, 256>}, {pipeline_mode = #tpu.pipeline_mode<synchronous>, transform_indices = @transform_6, window_bounds = array<i64: 1, 256>}]} {
    %get3A = arith.constant 0 : index
    %get3A_0 = arith.constant 0 : index
    %get3A_1 = arith.constant 0 : index
    %get3A_2 = vector.load %arg1[%get3A, %get3A_0, %get3A_1] : memref<2x1000x128xf32, #tpu.memory_space<vmem>>, vector<2x1000x128xf32>
    %slice3A = vector.extract_strided_slice %get3A_2 {offsets = [0, 0, 0], sizes = [1, 1000, 1], strides = [1, 1, 1]} : vector<2x1000x128xf32> to vector<1x1000x1xf32>
    %squeeze3A = vector.shape_cast %slice3A : vector<1x1000x1xf32> to vector<1000x1xf32>
    %slice3A_3 = vector.extract_strided_slice %get3A_2 {offsets = [1, 0, 0], sizes = [1, 1000, 1], strides = [1, 1, 1]} : vector<2x1000x128xf32> to vector<1x1000x1xf32>
    %squeeze3A_4 = vector.shape_cast %slice3A_3 : vector<1x1000x1xf32> to vector<1000x1xf32>
    %add3A = arith.addf %squeeze3A, %squeeze3A_4 : vector<1000x1xf32>
    %sub3A = arith.constant 1.000000e+00 : f32
    %sub3A_5 = vector.broadcast %sub3A : f32 to vector<1000x1xf32>
    %sub3A_6 = arith.subf %add3A, %sub3A_5 : vector<1000x1xf32>
    %rsqrt3A = math.rsqrt %sub3A_6 : vector<1000x1xf32>
    %get3A_7 = arith.constant 0 : index
    %get3A_8 = arith.constant 0 : index
    %get3A_9 = vector.load %arg2[%get3A_7, %get3A_8] : memref<1000x128xf32, #tpu.memory_space<vmem>>, vector<1000x128xf32>
    %get3A_10 = arith.constant 0 : index
    %get3A_11 = arith.constant 0 : index
    %get3A_12 = vector.load %arg3[%get3A_10, %get3A_11] : memref<1000x128xf32, #tpu.memory_space<vmem>>, vector<1000x128xf32>
    %concatenate3A = tpu.concatenate %get3A_9, %get3A_12 in 1 : vector<1000x128xf32>, vector<1000x128xf32> -> vector<1000x256xf32>
    %mul3A = vector.broadcast %rsqrt3A : vector<1000x1xf32> to vector<1000x256xf32>
    %mul3A_13 = arith.mulf %concatenate3A, %mul3A : vector<1000x256xf32>
    %get3A_14 = arith.constant 0 : index
    %get3A_15 = arith.constant 0 : index
    %get3A_16 = vector.load %arg4[%get3A_14, %get3A_15] : memref<1x256xf32, #tpu.memory_space<vmem>>, vector<1x256xf32>
    %add3A_17 = vector.broadcast %get3A_16 : vector<1x256xf32> to vector<1000x256xf32>
    %add3A_18 = arith.addf %mul3A_13, %add3A_17 : vector<1000x256xf32>
    %swap3A = arith.constant 0 : index
    %swap3A_19 = arith.constant 0 : index
    %swap3A_20 = vector.load %arg5[%swap3A, %swap3A_19] : memref<1000x256xf32, #tpu.memory_space<vmem>>, vector<1000x256xf32>
    tpu.vector_store %arg5[%swap3A, %swap3A_19], %add3A_18 {strides = array<i32>} : memref<1000x256xf32, #tpu.memory_space<vmem>>, vector<1000x256xf32>,
    %reduce_sum3A = arith.constant dense<0.000000e+00> : vector<256xf32>
    %reduce_sum3A_21 = vector.multi_reduction <add>, %add3A_18, %reduce_sum3A [0] : vector<1000x256xf32> to vector<256xf32>
    %broadcast_in_dim3A = vector.shape_cast %reduce_sum3A_21 : vector<256xf32> to vector<1x256xf32>
    %mul3A_22 = arith.mulf %add3A_18, %add3A_18 : vector<1000x256xf32>
    %reduce_sum3A_23 = arith.constant dense<0.000000e+00> : vector<256xf32>
    %reduce_sum3A_24 = vector.multi_reduction <add>, %mul3A_22, %reduce_sum3A_23 [0] : vector<1000x256xf32> to vector<256xf32>
    %broadcast_in_dim3A_25 = vector.shape_cast %reduce_sum3A_24 : vector<256xf32> to vector<1x256xf32>
    %eq3A = arith.constant 0 : i32
    %eq3A_26 = arith.cmpi eq, %arg0, %eq3A : i32
    %convert_element_type3A = arith.extui %eq3A_26 : i1 to i32
    %cond3A = arith.constant 0 : i32
    %cond3A_27 = arith.cmpi ne, %convert_element_type3A, %cond3A : i32
    scf.if %cond3A_27 {
      %swap3A_32 = arith.constant 0 : index
      %swap3A_33 = arith.constant 0 : index
      %swap3A_34 = vector.load %arg6[%swap3A_32, %swap3A_33] : memref<1x256xf32, #tpu.memory_space<vmem>>, vector<1x256xf32>
      tpu.vector_store %arg6[%swap3A_32, %swap3A_33], %broadcast_in_dim3A {strides = array<i32>} : memref<1x256xf32, #tpu.memory_space<vmem>>, vector<1x256xf32>,
      %swap3A_35 = arith.constant 0 : index
      %swap3A_36 = arith.constant 0 : index
      %swap3A_37 = vector.load %arg7[%swap3A_35, %swap3A_36] : memref<1x256xf32, #tpu.memory_space<vmem>>, vector<1x256xf32>
      tpu.vector_store %arg7[%swap3A_35, %swap3A_36], %broadcast_in_dim3A_25 {strides = array<i32>} : memref<1x256xf32, #tpu.memory_space<vmem>>, vector<1x256xf32>,
    } else {
    }
    %ne3A = arith.constant 0 : i32
    %ne3A_28 = arith.cmpi ne, %arg0, %ne3A : i32
    %convert_element_type3A_29 = arith.extui %ne3A_28 : i1 to i32
    %cond3A_30 = arith.constant 0 : i32
    %cond3A_31 = arith.cmpi ne, %convert_element_type3A_29, %cond3A_30 : i32
    scf.if %cond3A_31 {
      %get3A_32 = arith.constant 0 : index
      %get3A_33 = arith.constant 0 : index
      %get3A_34 = vector.load %arg6[%get3A_32, %get3A_33] : memref<1x256xf32, #tpu.memory_space<vmem>>, vector<1x256xf32>
      %add3A_35 = arith.addf %get3A_34, %broadcast_in_dim3A : vector<1x256xf32>
      %swap3A_36 = arith.constant 0 : index
      %swap3A_37 = arith.constant 0 : index
      %swap3A_38 = vector.load %arg6[%swap3A_36, %swap3A_37] : memref<1x256xf32, #tpu.memory_space<vmem>>, vector<1x256xf32>
      tpu.vector_store %arg6[%swap3A_36, %swap3A_37], %add3A_35 {strides = array<i32>} : memref<1x256xf32, #tpu.memory_space<vmem>>, vector<1x256xf32>,
      %get3A_39 = arith.constant 0 : index
      %get3A_40 = arith.constant 0 : index
      %get3A_41 = vector.load %arg7[%get3A_39, %get3A_40] : memref<1x256xf32, #tpu.memory_space<vmem>>, vector<1x256xf32>
      %add3A_42 = arith.addf %get3A_41, %broadcast_in_dim3A_25 : vector<1x256xf32>
      %swap3A_43 = arith.constant 0 : index
      %swap3A_44 = arith.constant 0 : index
      %swap3A_45 = vector.load %arg7[%swap3A_43, %swap3A_44] : memref<1x256xf32, #tpu.memory_space<vmem>>, vector<1x256xf32>
      tpu.vector_store %arg7[%swap3A_43, %swap3A_44], %add3A_42 {strides = array<i32>} : memref<1x256xf32, #tpu.memory_space<vmem>>, vector<1x256xf32>,
    } else {
    }
    return
  }
  func.func @transform_0(%arg0: i32) -> (i32, i32, i32) {
    %c0_i32 = arith.constant 0 : i32
    %c0_i32_0 = arith.constant 0 : i32
    %c0_i32_1 = arith.constant 0 : i32
    return %c0_i32, %arg0, %c0_i32_0 : i32, i32, i32
  }
  func.func @transform_1(%arg0: i32) -> (i32, i32) {
    %c0_i32 = arith.constant 0 : i32
    %c0_i32_0 = arith.constant 0 : i32
    return %arg0, %c0_i32 : i32, i32
  }
  func.func @transform_2(%arg0: i32) -> (i32, i32) {
    %c0_i32 = arith.constant 0 : i32
    %c0_i32_0 = arith.constant 0 : i32
    return %arg0, %c0_i32 : i32, i32
  }
  func.func @transform_3(%arg0: i32) -> (i32, i32) {
    %c0_i32 = arith.constant 0 : i32
    %c0_i32_0 = arith.constant 0 : i32
    %c0_i32_1 = arith.constant 0 : i32
    return %c0_i32, %c0_i32_0 : i32, i32
  }
  func.func @transform_4(%arg0: i32) -> (i32, i32) {
    %c0_i32 = arith.constant 0 : i32
    %c0_i32_0 = arith.constant 0 : i32
    return %arg0, %c0_i32 : i32, i32
  }
  func.func @transform_5(%arg0: i32) -> (i32, i32) {
    %c0_i32 = arith.constant 0 : i32
    %c0_i32_0 = arith.constant 0 : i32
    %c0_i32_1 = arith.constant 0 : i32
    return %c0_i32, %c0_i32_0 : i32, i32
  }
  func.func @transform_6(%arg0: i32) -> (i32, i32) {
    %c0_i32 = arith.constant 0 : i32
    %c0_i32_0 = arith.constant 0 : i32
    %c0_i32_1 = arith.constant 0 : i32
    return %c0_i32, %c0_i32_0 : i32, i32
  }
}

module attributes {stable_mosaic.version = 14 : i64} {
  func.func @_t3b_body(%arg0: i32, %arg1: memref<2x1000x128xf32, #tpu.memory_space<vmem>>, %arg2: memref<1000x256xf32, #tpu.memory_space<vmem>>, %arg3: memref<1x256xf32, #tpu.memory_space<vmem>>, %arg4: memref<1x256xf32, #tpu.memory_space<vmem>>, %arg5: memref<1x256xf32, #tpu.memory_space<vmem>>, %arg6: memref<1x256xf32, #tpu.memory_space<vmem>>, %arg7: memref<256x256xf32, #tpu.memory_space<vmem>>, %arg8: memref<1000x128xf32, #tpu.memory_space<vmem>>, %arg9: memref<1000x128xf32, #tpu.memory_space<vmem>>) attributes {dimension_semantics = [#tpu.dimension_semantics<arbitrary>], iteration_bounds = array<i64: 10>, scalar_prefetch = 0 : i64, scratch_operands = 0 : i64, tpu.core_type = #tpu.core_type<tc>, window_params = [{transform_indices = @transform_0, window_bounds = array<i64: 2, 1000, 128>}, {transform_indices = @transform_1, window_bounds = array<i64: 1000, 256>}, {pipeline_mode = #tpu.pipeline_mode<synchronous>, transform_indices = @transform_2, window_bounds = array<i64: 1, 256>}, {pipeline_mode = #tpu.pipeline_mode<synchronous>, transform_indices = @transform_3, window_bounds = array<i64: 1, 256>}, {pipeline_mode = #tpu.pipeline_mode<synchronous>, transform_indices = @transform_4, window_bounds = array<i64: 1, 256>}, {pipeline_mode = #tpu.pipeline_mode<synchronous>, transform_indices = @transform_5, window_bounds = array<i64: 1, 256>}, {pipeline_mode = #tpu.pipeline_mode<synchronous>, transform_indices = @transform_6, window_bounds = array<i64: 256, 256>}, {transform_indices = @transform_7, window_bounds = array<i64: 1000, 128>}, {transform_indices = @transform_8, window_bounds = array<i64: 1000, 128>}]} {
    %get3A = arith.constant 0 : index
    %get3A_0 = arith.constant 0 : index
    %get3A_1 = vector.load %arg3[%get3A, %get3A_0] : memref<1x256xf32, #tpu.memory_space<vmem>>, vector<1x256xf32>
    %div3A = arith.constant 1.000000e+04 : f32
    %div3A_2 = vector.broadcast %div3A : f32 to vector<1x256xf32>
    %div3A_3 = arith.divf %get3A_1, %div3A_2 : vector<1x256xf32>
    %get3A_4 = arith.constant 0 : index
    %get3A_5 = arith.constant 0 : index
    %get3A_6 = vector.load %arg4[%get3A_4, %get3A_5] : memref<1x256xf32, #tpu.memory_space<vmem>>, vector<1x256xf32>
    %div3A_7 = arith.constant 1.000000e+04 : f32
    %div3A_8 = vector.broadcast %div3A_7 : f32 to vector<1x256xf32>
    %div3A_9 = arith.divf %get3A_6, %div3A_8 : vector<1x256xf32>
    %mul3A = arith.mulf %div3A_3, %div3A_3 : vector<1x256xf32>
    %sub3A = arith.subf %div3A_9, %mul3A : vector<1x256xf32>
    %get3A_10 = arith.constant 0 : index
    %get3A_11 = arith.constant 0 : index
    %get3A_12 = vector.load %arg2[%get3A_10, %get3A_11] : memref<1000x256xf32, #tpu.memory_space<vmem>>, vector<1000x256xf32>
    %sub3A_13 = vector.broadcast %div3A_3 : vector<1x256xf32> to vector<1000x256xf32>
    %sub3A_14 = arith.subf %get3A_12, %sub3A_13 : vector<1000x256xf32>
    %add3A = arith.constant 9.99999974E-6 : f32
    %add3A_15 = vector.broadcast %add3A : f32 to vector<1x256xf32>
    %add3A_16 = arith.addf %sub3A, %add3A_15 : vector<1x256xf32>
    %rsqrt3A = math.rsqrt %add3A_16 : vector<1x256xf32>
    %mul3A_17 = vector.broadcast %rsqrt3A : vector<1x256xf32> to vector<1000x256xf32>
    %mul3A_18 = arith.mulf %sub3A_14, %mul3A_17 : vector<1000x256xf32>
    %get3A_19 = arith.constant 0 : index
    %get3A_20 = arith.constant 0 : index
    %get3A_21 = vector.load %arg5[%get3A_19, %get3A_20] : memref<1x256xf32, #tpu.memory_space<vmem>>, vector<1x256xf32>
    %mul3A_22 = vector.broadcast %get3A_21 : vector<1x256xf32> to vector<1000x256xf32>
    %mul3A_23 = arith.mulf %mul3A_18, %mul3A_22 : vector<1000x256xf32>
    %get3A_24 = arith.constant 0 : index
    %get3A_25 = arith.constant 0 : index
    %get3A_26 = vector.load %arg6[%get3A_24, %get3A_25] : memref<1x256xf32, #tpu.memory_space<vmem>>, vector<1x256xf32>
    %add3A_27 = vector.broadcast %get3A_26 : vector<1x256xf32> to vector<1000x256xf32>
    %add3A_28 = arith.addf %mul3A_23, %add3A_27 : vector<1000x256xf32>
    %max3A = arith.constant 0.000000e+00 : f32
    %max3A_29 = vector.broadcast %max3A : f32 to vector<1000x256xf32>
    %max3A_30 = arith.maximumf %add3A_28, %max3A_29 : vector<1000x256xf32>
    %get3A_31 = arith.constant 0 : index
    %get3A_32 = arith.constant 0 : index
    %get3A_33 = arith.constant 0 : index
    %get3A_34 = vector.load %arg1[%get3A_31, %get3A_32, %get3A_33] : memref<2x1000x128xf32, #tpu.memory_space<vmem>>, vector<2x1000x128xf32>
    %slice3A = vector.extract_strided_slice %get3A_34 {offsets = [0, 0, 0], sizes = [1, 1000, 1], strides = [1, 1, 1]} : vector<2x1000x128xf32> to vector<1x1000x1xf32>
    %squeeze3A = vector.shape_cast %slice3A : vector<1x1000x1xf32> to vector<1000x1xf32>
    %slice3A_35 = vector.extract_strided_slice %get3A_34 {offsets = [1, 0, 0], sizes = [1, 1000, 1], strides = [1, 1, 1]} : vector<2x1000x128xf32> to vector<1x1000x1xf32>
    %squeeze3A_36 = vector.shape_cast %slice3A_35 : vector<1x1000x1xf32> to vector<1000x1xf32>
    %add3A_37 = arith.addf %squeeze3A, %squeeze3A_36 : vector<1000x1xf32>
    %sub3A_38 = arith.constant 1.000000e+00 : f32
    %sub3A_39 = vector.broadcast %sub3A_38 : f32 to vector<1000x1xf32>
    %sub3A_40 = arith.subf %add3A_37, %sub3A_39 : vector<1000x1xf32>
    %rsqrt3A_41 = math.rsqrt %sub3A_40 : vector<1000x1xf32>
    %get3A_42 = arith.constant 0 : index
    %get3A_43 = arith.constant 0 : index
    %get3A_44 = vector.load %arg7[%get3A_42, %get3A_43] : memref<256x256xf32, #tpu.memory_space<vmem>>, vector<256x256xf32>
    %dot_general3A = arith.constant dense<0.000000e+00> : vector<1000x256xf32>
    %dot_general3A_45 = tpu.matmul %max3A_30, %get3A_44, %dot_general3A {dimension_numbers = #tpu.dot_dimension_numbers<[1], [0], [0], [1], [0, 0, 1, 1], [], []>, transpose_lhs_hint = false} : vector<1000x256xf32>, vector<256x256xf32>, vector<1000x256xf32> -> vector<1000x256xf32>
    %mul3A_46 = vector.broadcast %rsqrt3A_41 : vector<1000x1xf32> to vector<1000x256xf32>
    %mul3A_47 = arith.mulf %dot_general3A_45, %mul3A_46 : vector<1000x256xf32>
    %slice3A_48 = vector.extract_strided_slice %mul3A_47 {offsets = [0, 0], sizes = [1000, 128], strides = [1, 1]} : vector<1000x256xf32> to vector<1000x128xf32>
    %swap3A = arith.constant 0 : index
    %swap3A_49 = arith.constant 0 : index
    %swap3A_50 = vector.load %arg8[%swap3A, %swap3A_49] : memref<1000x128xf32, #tpu.memory_space<vmem>>, vector<1000x128xf32>
    tpu.vector_store %arg8[%swap3A, %swap3A_49], %slice3A_48 {strides = array<i32>} : memref<1000x128xf32, #tpu.memory_space<vmem>>, vector<1000x128xf32>,
    %slice3A_51 = vector.extract_strided_slice %mul3A_47 {offsets = [0, 128], sizes = [1000, 128], strides = [1, 1]} : vector<1000x256xf32> to vector<1000x128xf32>
    %swap3A_52 = arith.constant 0 : index
    %swap3A_53 = arith.constant 0 : index
    %swap3A_54 = vector.load %arg9[%swap3A_52, %swap3A_53] : memref<1000x128xf32, #tpu.memory_space<vmem>>, vector<1000x128xf32>
    tpu.vector_store %arg9[%swap3A_52, %swap3A_53], %slice3A_51 {strides = array<i32>} : memref<1000x128xf32, #tpu.memory_space<vmem>>, vector<1000x128xf32>,
    return
  }
  func.func @transform_0(%arg0: i32) -> (i32, i32, i32) {
    %c0_i32 = arith.constant 0 : i32
    %c0_i32_0 = arith.constant 0 : i32
    %c0_i32_1 = arith.constant 0 : i32
    return %c0_i32, %arg0, %c0_i32_0 : i32, i32, i32
  }
  func.func @transform_1(%arg0: i32) -> (i32, i32) {
    %c0_i32 = arith.constant 0 : i32
    %c0_i32_0 = arith.constant 0 : i32
    return %arg0, %c0_i32 : i32, i32
  }
  func.func @transform_2(%arg0: i32) -> (i32, i32) {
    %c0_i32 = arith.constant 0 : i32
    %c0_i32_0 = arith.constant 0 : i32
    %c0_i32_1 = arith.constant 0 : i32
    return %c0_i32, %c0_i32_0 : i32, i32
  }
  func.func @transform_3(%arg0: i32) -> (i32, i32) {
    %c0_i32 = arith.constant 0 : i32
    %c0_i32_0 = arith.constant 0 : i32
    %c0_i32_1 = arith.constant 0 : i32
    return %c0_i32, %c0_i32_0 : i32, i32
  }
  func.func @transform_4(%arg0: i32) -> (i32, i32) {
    %c0_i32 = arith.constant 0 : i32
    %c0_i32_0 = arith.constant 0 : i32
    %c0_i32_1 = arith.constant 0 : i32
    return %c0_i32, %c0_i32_0 : i32, i32
  }
  func.func @transform_5(%arg0: i32) -> (i32, i32) {
    %c0_i32 = arith.constant 0 : i32
    %c0_i32_0 = arith.constant 0 : i32
    %c0_i32_1 = arith.constant 0 : i32
    return %c0_i32, %c0_i32_0 : i32, i32
  }
  func.func @transform_6(%arg0: i32) -> (i32, i32) {
    %c0_i32 = arith.constant 0 : i32
    %c0_i32_0 = arith.constant 0 : i32
    %c0_i32_1 = arith.constant 0 : i32
    return %c0_i32, %c0_i32_0 : i32, i32
  }
  func.func @transform_7(%arg0: i32) -> (i32, i32) {
    %c0_i32 = arith.constant 0 : i32
    %c0_i32_0 = arith.constant 0 : i32
    return %arg0, %c0_i32 : i32, i32
  }
  func.func @transform_8(%arg0: i32) -> (i32, i32) {
    %c0_i32 = arith.constant 0 : i32
    %c0_i32_0 = arith.constant 0 : i32
    return %arg0, %c0_i32 : i32, i32
  }
}

module attributes {stable_mosaic.version = 14 : i64} {
  func.func @_t4b_body(%arg0: i32, %arg1: memref<1000x256xf32, #tpu.memory_space<vmem>>, %arg2: memref<1x256xf32, #tpu.memory_space<vmem>>, %arg3: memref<1x256xf32, #tpu.memory_space<vmem>>, %arg4: memref<1x256xf32, #tpu.memory_space<vmem>>, %arg5: memref<1x256xf32, #tpu.memory_space<vmem>>, %arg6: memref<1000x1xi32, #tpu.memory_space<vmem>>, %arg7: memref<64x256xf32, #tpu.memory_space<vmem>>, %arg8: memref<64x1xf32, #tpu.memory_space<vmem>>) attributes {dimension_semantics = [#tpu.dimension_semantics<arbitrary>], iteration_bounds = array<i64: 10>, scalar_prefetch = 0 : i64, scratch_operands = 0 : i64, tpu.core_type = #tpu.core_type<tc>, window_params = [{transform_indices = @transform_0, window_bounds = array<i64: 1000, 256>}, {pipeline_mode = #tpu.pipeline_mode<synchronous>, transform_indices = @transform_1, window_bounds = array<i64: 1, 256>}, {pipeline_mode = #tpu.pipeline_mode<synchronous>, transform_indices = @transform_2, window_bounds = array<i64: 1, 256>}, {pipeline_mode = #tpu.pipeline_mode<synchronous>, transform_indices = @transform_3, window_bounds = array<i64: 1, 256>}, {pipeline_mode = #tpu.pipeline_mode<synchronous>, transform_indices = @transform_4, window_bounds = array<i64: 1, 256>}, {transform_indices = @transform_5, window_bounds = array<i64: 1000, 1>}, {pipeline_mode = #tpu.pipeline_mode<synchronous>, transform_indices = @transform_6, window_bounds = array<i64: 64, 256>}, {pipeline_mode = #tpu.pipeline_mode<synchronous>, transform_indices = @transform_7, window_bounds = array<i64: 64, 1>}]} {
    %get3A = arith.constant 0 : index
    %get3A_0 = arith.constant 0 : index
    %get3A_1 = vector.load %arg2[%get3A, %get3A_0] : memref<1x256xf32, #tpu.memory_space<vmem>>, vector<1x256xf32>
    %div3A = arith.constant 1.000000e+04 : f32
    %div3A_2 = vector.broadcast %div3A : f32 to vector<1x256xf32>
    %div3A_3 = arith.divf %get3A_1, %div3A_2 : vector<1x256xf32>
    %get3A_4 = arith.constant 0 : index
    %get3A_5 = arith.constant 0 : index
    %get3A_6 = vector.load %arg3[%get3A_4, %get3A_5] : memref<1x256xf32, #tpu.memory_space<vmem>>, vector<1x256xf32>
    %div3A_7 = arith.constant 1.000000e+04 : f32
    %div3A_8 = vector.broadcast %div3A_7 : f32 to vector<1x256xf32>
    %div3A_9 = arith.divf %get3A_6, %div3A_8 : vector<1x256xf32>
    %mul3A = arith.mulf %div3A_3, %div3A_3 : vector<1x256xf32>
    %sub3A = arith.subf %div3A_9, %mul3A : vector<1x256xf32>
    %get3A_10 = arith.constant 0 : index
    %get3A_11 = arith.constant 0 : index
    %get3A_12 = vector.load %arg1[%get3A_10, %get3A_11] : memref<1000x256xf32, #tpu.memory_space<vmem>>, vector<1000x256xf32>
    %sub3A_13 = vector.broadcast %div3A_3 : vector<1x256xf32> to vector<1000x256xf32>
    %sub3A_14 = arith.subf %get3A_12, %sub3A_13 : vector<1000x256xf32>
    %add3A = arith.constant 9.99999974E-6 : f32
    %add3A_15 = vector.broadcast %add3A : f32 to vector<1x256xf32>
    %add3A_16 = arith.addf %sub3A, %add3A_15 : vector<1x256xf32>
    %rsqrt3A = math.rsqrt %add3A_16 : vector<1x256xf32>
    %mul3A_17 = vector.broadcast %rsqrt3A : vector<1x256xf32> to vector<1000x256xf32>
    %mul3A_18 = arith.mulf %sub3A_14, %mul3A_17 : vector<1000x256xf32>
    %get3A_19 = arith.constant 0 : index
    %get3A_20 = arith.constant 0 : index
    %get3A_21 = vector.load %arg4[%get3A_19, %get3A_20] : memref<1x256xf32, #tpu.memory_space<vmem>>, vector<1x256xf32>
    %mul3A_22 = vector.broadcast %get3A_21 : vector<1x256xf32> to vector<1000x256xf32>
    %mul3A_23 = arith.mulf %mul3A_18, %mul3A_22 : vector<1000x256xf32>
    %get3A_24 = arith.constant 0 : index
    %get3A_25 = arith.constant 0 : index
    %get3A_26 = vector.load %arg5[%get3A_24, %get3A_25] : memref<1x256xf32, #tpu.memory_space<vmem>>, vector<1x256xf32>
    %add3A_27 = vector.broadcast %get3A_26 : vector<1x256xf32> to vector<1000x256xf32>
    %add3A_28 = arith.addf %mul3A_23, %add3A_27 : vector<1000x256xf32>
    %max3A = arith.constant 0.000000e+00 : f32
    %max3A_29 = vector.broadcast %max3A : f32 to vector<1000x256xf32>
    %max3A_30 = arith.maximumf %add3A_28, %max3A_29 : vector<1000x256xf32>
    %get3A_31 = arith.constant 0 : index
    %get3A_32 = arith.constant 0 : index
    %get3A_33 = vector.load %arg6[%get3A_31, %get3A_32] : memref<1000x1xi32, #tpu.memory_space<vmem>>, vector<1000x1xi32>
    %iota3A = tpu.iota {dimensions = array<i32: 1>} : vector<1000x64xi32>
    %eq3A = vector.broadcast %get3A_33 : vector<1000x1xi32> to vector<1000x64xi32>
    %eq3A_34 = arith.cmpi eq, %eq3A, %iota3A : vector<1000x64xi32>
    %convert_element_type3A = arith.extui %eq3A_34 : vector<1000x64xi1> to vector<1000x64xi32>
    %convert_element_type3A_35 = arith.sitofp %convert_element_type3A : vector<1000x64xi32> to vector<1000x64xf32>
    %dot_general3A = arith.constant dense<0.000000e+00> : vector<64x256xf32>
    %dot_general3A_36 = tpu.matmul %convert_element_type3A_35, %max3A_30, %dot_general3A {dimension_numbers = #tpu.dot_dimension_numbers<[0], [0], [1], [1], [0, 1, 1, 1], [], []>, transpose_lhs_hint = false} : vector<1000x64xf32>, vector<1000x256xf32>, vector<64x256xf32> -> vector<64x256xf32>
    %broadcast_in_dim3A = arith.constant 1.000000e+00 : f32
    %broadcast_in_dim3A_37 = vector.broadcast %broadcast_in_dim3A : f32 to vector<1000x1xf32>
    %dot_general3A_38 = arith.constant dense<0.000000e+00> : vector<64x1xf32>
    %dot_general3A_39 = tpu.matmul %convert_element_type3A_35, %broadcast_in_dim3A_37, %dot_general3A_38 {dimension_numbers = #tpu.dot_dimension_numbers<[0], [0], [1], [1], [0, 1, 1, 1], [], []>, transpose_lhs_hint = false} : vector<1000x64xf32>, vector<1000x1xf32>, vector<64x1xf32> -> vector<64x1xf32>
    %eq3A_40 = arith.constant 0 : i32
    %eq3A_41 = arith.cmpi eq, %arg0, %eq3A_40 : i32
    %convert_element_type3A_42 = arith.extui %eq3A_41 : i1 to i32
    %cond3A = arith.constant 0 : i32
    %cond3A_43 = arith.cmpi ne, %convert_element_type3A_42, %cond3A : i32
    scf.if %cond3A_43 {
      %swap3A = arith.constant 0 : index
      %swap3A_48 = arith.constant 0 : index
      %swap3A_49 = vector.load %arg7[%swap3A, %swap3A_48] : memref<64x256xf32, #tpu.memory_space<vmem>>, vector<64x256xf32>
      tpu.vector_store %arg7[%swap3A, %swap3A_48], %dot_general3A_36 {strides = array<i32>} : memref<64x256xf32, #tpu.memory_space<vmem>>, vector<64x256xf32>,
      %swap3A_50 = arith.constant 0 : index
      %swap3A_51 = arith.constant 0 : index
      %swap3A_52 = vector.load %arg8[%swap3A_50, %swap3A_51] : memref<64x1xf32, #tpu.memory_space<vmem>>, vector<64x1xf32>
      tpu.vector_store %arg8[%swap3A_50, %swap3A_51], %dot_general3A_39 {strides = array<i32>} : memref<64x1xf32, #tpu.memory_space<vmem>>, vector<64x1xf32>,
    } else {
    }
    %ne3A = arith.constant 0 : i32
    %ne3A_44 = arith.cmpi ne, %arg0, %ne3A : i32
    %convert_element_type3A_45 = arith.extui %ne3A_44 : i1 to i32
    %cond3A_46 = arith.constant 0 : i32
    %cond3A_47 = arith.cmpi ne, %convert_element_type3A_45, %cond3A_46 : i32
    scf.if %cond3A_47 {
      %get3A_48 = arith.constant 0 : index
      %get3A_49 = arith.constant 0 : index
      %get3A_50 = vector.load %arg7[%get3A_48, %get3A_49] : memref<64x256xf32, #tpu.memory_space<vmem>>, vector<64x256xf32>
      %add3A_51 = arith.addf %get3A_50, %dot_general3A_36 : vector<64x256xf32>
      %swap3A = arith.constant 0 : index
      %swap3A_52 = arith.constant 0 : index
      %swap3A_53 = vector.load %arg7[%swap3A, %swap3A_52] : memref<64x256xf32, #tpu.memory_space<vmem>>, vector<64x256xf32>
      tpu.vector_store %arg7[%swap3A, %swap3A_52], %add3A_51 {strides = array<i32>} : memref<64x256xf32, #tpu.memory_space<vmem>>, vector<64x256xf32>,
      %get3A_54 = arith.constant 0 : index
      %get3A_55 = arith.constant 0 : index
      %get3A_56 = vector.load %arg8[%get3A_54, %get3A_55] : memref<64x1xf32, #tpu.memory_space<vmem>>, vector<64x1xf32>
      %add3A_57 = arith.addf %get3A_56, %dot_general3A_39 : vector<64x1xf32>
      %swap3A_58 = arith.constant 0 : index
      %swap3A_59 = arith.constant 0 : index
      %swap3A_60 = vector.load %arg8[%swap3A_58, %swap3A_59] : memref<64x1xf32, #tpu.memory_space<vmem>>, vector<64x1xf32>
      tpu.vector_store %arg8[%swap3A_58, %swap3A_59], %add3A_57 {strides = array<i32>} : memref<64x1xf32, #tpu.memory_space<vmem>>, vector<64x1xf32>,
    } else {
    }
    return
  }
  func.func @transform_0(%arg0: i32) -> (i32, i32) {
    %c0_i32 = arith.constant 0 : i32
    %c0_i32_0 = arith.constant 0 : i32
    return %arg0, %c0_i32 : i32, i32
  }
  func.func @transform_1(%arg0: i32) -> (i32, i32) {
    %c0_i32 = arith.constant 0 : i32
    %c0_i32_0 = arith.constant 0 : i32
    %c0_i32_1 = arith.constant 0 : i32
    return %c0_i32, %c0_i32_0 : i32, i32
  }
  func.func @transform_2(%arg0: i32) -> (i32, i32) {
    %c0_i32 = arith.constant 0 : i32
    %c0_i32_0 = arith.constant 0 : i32
    %c0_i32_1 = arith.constant 0 : i32
    return %c0_i32, %c0_i32_0 : i32, i32
  }
  func.func @transform_3(%arg0: i32) -> (i32, i32) {
    %c0_i32 = arith.constant 0 : i32
    %c0_i32_0 = arith.constant 0 : i32
    %c0_i32_1 = arith.constant 0 : i32
    return %c0_i32, %c0_i32_0 : i32, i32
  }
  func.func @transform_4(%arg0: i32) -> (i32, i32) {
    %c0_i32 = arith.constant 0 : i32
    %c0_i32_0 = arith.constant 0 : i32
    %c0_i32_1 = arith.constant 0 : i32
    return %c0_i32, %c0_i32_0 : i32, i32
  }
  func.func @transform_5(%arg0: i32) -> (i32, i32) {
    %c0_i32 = arith.constant 0 : i32
    %c0_i32_0 = arith.constant 0 : i32
    return %arg0, %c0_i32 : i32, i32
  }
  func.func @transform_6(%arg0: i32) -> (i32, i32) {
    %c0_i32 = arith.constant 0 : i32
    %c0_i32_0 = arith.constant 0 : i32
    %c0_i32_1 = arith.constant 0 : i32
    return %c0_i32, %c0_i32_0 : i32, i32
  }
  func.func @transform_7(%arg0: i32) -> (i32, i32) {
    %c0_i32 = arith.constant 0 : i32
    %c0_i32_0 = arith.constant 0 : i32
    %c0_i32_1 = arith.constant 0 : i32
    return %c0_i32, %c0_i32_0 : i32, i32
  }
}

module attributes {stable_mosaic.version = 14 : i64} {
  func.func @_t5_body(%arg0: i32, %arg1: memref<64x256xf32, #tpu.memory_space<vmem>>, %arg2: memref<64x1xf32, #tpu.memory_space<vmem>>, %arg3: memref<256x256xf32, #tpu.memory_space<vmem>>, %arg4: memref<1x256xf32, #tpu.memory_space<vmem>>, %arg5: memref<256x128xf32, #tpu.memory_space<vmem>>, %arg6: memref<1x128xf32, #tpu.memory_space<vmem>>, %arg7: memref<64x128xf32, #tpu.memory_space<vmem>>) attributes {dimension_semantics = [#tpu.dimension_semantics<arbitrary>], iteration_bounds = array<i64: 1>, scalar_prefetch = 0 : i64, scratch_operands = 0 : i64, tpu.core_type = #tpu.core_type<tc>, window_params = [{pipeline_mode = #tpu.pipeline_mode<synchronous>, transform_indices = @transform_0, window_bounds = array<i64: 64, 256>}, {pipeline_mode = #tpu.pipeline_mode<synchronous>, transform_indices = @transform_1, window_bounds = array<i64: 64, 1>}, {pipeline_mode = #tpu.pipeline_mode<synchronous>, transform_indices = @transform_2, window_bounds = array<i64: 256, 256>}, {pipeline_mode = #tpu.pipeline_mode<synchronous>, transform_indices = @transform_3, window_bounds = array<i64: 1, 256>}, {pipeline_mode = #tpu.pipeline_mode<synchronous>, transform_indices = @transform_4, window_bounds = array<i64: 256, 128>}, {pipeline_mode = #tpu.pipeline_mode<synchronous>, transform_indices = @transform_5, window_bounds = array<i64: 1, 128>}, {pipeline_mode = #tpu.pipeline_mode<synchronous>, transform_indices = @transform_6, window_bounds = array<i64: 64, 128>}]} {
    %get3A = arith.constant 0 : index
    %get3A_0 = arith.constant 0 : index
    %get3A_1 = vector.load %arg1[%get3A, %get3A_0] : memref<64x256xf32, #tpu.memory_space<vmem>>, vector<64x256xf32>
    %get3A_2 = arith.constant 0 : index
    %get3A_3 = arith.constant 0 : index
    %get3A_4 = vector.load %arg2[%get3A_2, %get3A_3] : memref<64x1xf32, #tpu.memory_space<vmem>>, vector<64x1xf32>
    %max3A = arith.constant 1.000000e+00 : f32
    %max3A_5 = vector.broadcast %max3A : f32 to vector<64x1xf32>
    %max3A_6 = arith.maximumf %get3A_4, %max3A_5 : vector<64x1xf32>
    %div3A = vector.broadcast %max3A_6 : vector<64x1xf32> to vector<64x256xf32>
    %div3A_7 = arith.divf %get3A_1, %div3A : vector<64x256xf32>
    %get3A_8 = arith.constant 0 : index
    %get3A_9 = arith.constant 0 : index
    %get3A_10 = vector.load %arg3[%get3A_8, %get3A_9] : memref<256x256xf32, #tpu.memory_space<vmem>>, vector<256x256xf32>
    %dot_general3A = arith.constant dense<0.000000e+00> : vector<64x256xf32>
    %dot_general3A_11 = tpu.matmul %div3A_7, %get3A_10, %dot_general3A {dimension_numbers = #tpu.dot_dimension_numbers<[1], [0], [0], [1], [0, 0, 1, 1], [], []>, transpose_lhs_hint = false} : vector<64x256xf32>, vector<256x256xf32>, vector<64x256xf32> -> vector<64x256xf32>
    %get3A_12 = arith.constant 0 : index
    %get3A_13 = arith.constant 0 : index
    %get3A_14 = vector.load %arg4[%get3A_12, %get3A_13] : memref<1x256xf32, #tpu.memory_space<vmem>>, vector<1x256xf32>
    %add3A = vector.broadcast %get3A_14 : vector<1x256xf32> to vector<64x256xf32>
    %add3A_15 = arith.addf %dot_general3A_11, %add3A : vector<64x256xf32>
    %max3A_16 = arith.constant 0.000000e+00 : f32
    %max3A_17 = vector.broadcast %max3A_16 : f32 to vector<64x256xf32>
    %max3A_18 = arith.maximumf %add3A_15, %max3A_17 : vector<64x256xf32>
    %get3A_19 = arith.constant 0 : index
    %get3A_20 = arith.constant 0 : index
    %get3A_21 = vector.load %arg5[%get3A_19, %get3A_20] : memref<256x128xf32, #tpu.memory_space<vmem>>, vector<256x128xf32>
    %dot_general3A_22 = arith.constant dense<0.000000e+00> : vector<64x128xf32>
    %dot_general3A_23 = tpu.matmul %max3A_18, %get3A_21, %dot_general3A_22 {dimension_numbers = #tpu.dot_dimension_numbers<[1], [0], [0], [1], [0, 0, 1, 1], [], []>, transpose_lhs_hint = false} : vector<64x256xf32>, vector<256x128xf32>, vector<64x128xf32> -> vector<64x128xf32>
    %get3A_24 = arith.constant 0 : index
    %get3A_25 = arith.constant 0 : index
    %get3A_26 = vector.load %arg6[%get3A_24, %get3A_25] : memref<1x128xf32, #tpu.memory_space<vmem>>, vector<1x128xf32>
    %add3A_27 = vector.broadcast %get3A_26 : vector<1x128xf32> to vector<64x128xf32>
    %add3A_28 = arith.addf %dot_general3A_23, %add3A_27 : vector<64x128xf32>
    %swap3A = arith.constant 0 : index
    %swap3A_29 = arith.constant 0 : index
    %swap3A_30 = vector.load %arg7[%swap3A, %swap3A_29] : memref<64x128xf32, #tpu.memory_space<vmem>>, vector<64x128xf32>
    tpu.vector_store %arg7[%swap3A, %swap3A_29], %add3A_28 {strides = array<i32>} : memref<64x128xf32, #tpu.memory_space<vmem>>, vector<64x128xf32>,
    return
  }
  func.func @transform_0(%arg0: i32) -> (i32, i32) {
    %c0_i32 = arith.constant 0 : i32
    %c0_i32_0 = arith.constant 0 : i32
    %c0_i32_1 = arith.constant 0 : i32
    return %c0_i32, %c0_i32_0 : i32, i32
  }
  func.func @transform_1(%arg0: i32) -> (i32, i32) {
    %c0_i32 = arith.constant 0 : i32
    %c0_i32_0 = arith.constant 0 : i32
    %c0_i32_1 = arith.constant 0 : i32
    return %c0_i32, %c0_i32_0 : i32, i32
  }
  func.func @transform_2(%arg0: i32) -> (i32, i32) {
    %c0_i32 = arith.constant 0 : i32
    %c0_i32_0 = arith.constant 0 : i32
    %c0_i32_1 = arith.constant 0 : i32
    return %c0_i32, %c0_i32_0 : i32, i32
  }
  func.func @transform_3(%arg0: i32) -> (i32, i32) {
    %c0_i32 = arith.constant 0 : i32
    %c0_i32_0 = arith.constant 0 : i32
    %c0_i32_1 = arith.constant 0 : i32
    return %c0_i32, %c0_i32_0 : i32, i32
  }
  func.func @transform_4(%arg0: i32) -> (i32, i32) {
    %c0_i32 = arith.constant 0 : i32
    %c0_i32_0 = arith.constant 0 : i32
    %c0_i32_1 = arith.constant 0 : i32
    return %c0_i32, %c0_i32_0 : i32, i32
  }
  func.func @transform_5(%arg0: i32) -> (i32, i32) {
    %c0_i32 = arith.constant 0 : i32
    %c0_i32_0 = arith.constant 0 : i32
    %c0_i32_1 = arith.constant 0 : i32
    return %c0_i32, %c0_i32_0 : i32, i32
  }
  func.func @transform_6(%arg0: i32) -> (i32, i32) {
    %c0_i32 = arith.constant 0 : i32
    %c0_i32_0 = arith.constant 0 : i32
    %c0_i32_1 = arith.constant 0 : i32
    return %c0_i32, %c0_i32_0 : i32, i32
  }
}

</mosaic_0001>

<sc_bundles>
// kernel: kernel.13.cloned.1.call-start
scs
__scs_entry_jumppad:
0x0: {  	(pc) =	sbr.rel $0x88, $3  }
0x1: {  	(tag) =	ssettag $0x0;
	lr =	simm.s32 $0x1  }
0x2: {  	[smem:$0x3F90] =	sst lr;
	_ =	strace $0xD0000000  }
0x3: {  	_ = 	snop  }
0x4: {  	_ = 	snop  }
0x5: {  	_ = 	snop  }
0x6: {  	_ = 	snop  }
0x7: {  	_ = 	snop  }
__scs_overlays_trampoline_lowered:
0x8: {  	[smem:$0x3F9F] =	sst s0  }
0x9: {  	[smem:$0x3FA0] =	sst s1  }
0xa: {  	[smem:$0x3FA1] =	sst s2  }
0xb: {  	[smem:$0x3FA2] =	sst s3  }
0xc: {  	[smem:$0x3FA3] =	sst s4  }
0xd: {  	[smem:$0x3FA4] =	sst s5  }
0xe: {  	[smem:$0x3FA5] =	sst s6  }
0xf: {  	[smem:$0x3FA6] =	sst s7  }
0x10: {  	[smem:$0x3FA7] =	sst s8  }
0x11: {  	[smem:$0x3FA8] =	sst s9;
	s0 =	simm.s32 @!p0 $0x0  }
0x12: {  	s1 =	sld [smem:$0x3F8E];
	s0 =	simm.s32 @p0 $0x1  }
0x13: {  	[smem:$0x3FA9] =	sst s0;
	s0 =	simm.s32 @!p1 $0x0  }
0x14: {  	s2 =	sld [smem:$0x3F8D];
	s0 =	simm.s32 @p1 $0x1  }
0x15: {  	[smem:$0x3FAA] =	sst s0;
	s0 =	simm.s32 @!p2 $0x0  }
0x16: {  	s3 =	sld [smem:$0x3FDB];
	s0 =	simm.s32 @p2 $0x1  }
0x17: {  	s4 =	simm.s32 $0x1BF5;
	[smem:$0x3FAC] =	sst s0  }
0x18: {  	s0 =	sld [smem:$0x3F8F];
	_ =	swait.ge [sflag:s4], $0x0  }
0x19: {  	s7 =	sld [smem:$0x3F90]  }
0x1a: {  	s8 =	sadd.s32 $0xFFFFE003, lr  }
0x1b: {  	s9 =	sadd.s32 $0xFFFFFEF7, lr;
	s5 =	simm.s32 $0xFFFFFFFF;
	p2 =	slt.u32 s8, $0xFFFFF086  }
0x1c: {  	p1 =	slt.u32 s9, $0xF7A;
	s5 =	simm.s32 @!p2 $0x0  }
0x1d: {  	s5 =	simm.s32 @p1 $0x1;
	p0 =	seq.s32 s7, s2  }
0x1e: {  	s7 =	smul.u32 @!p0 $0xF7A, s2;
	p2 =	seq.s32 @!p0 s5, $0x0  }
0x1f: {  	s9 =	smul.u32 $0xF7A, s1;
	s8 =	simm.s32 @!p0 $0x1BF5;
	p2 =	por !p2, p0  }
0x20: {  	[sflag:s8] =	ssyncset.s32 @!p0 $0xFFFFF086;
	s6 =	sadd.s32 @!p0 s3, s7;
	s7 =	simm.s32 @!p0 $0x108  }
0x21: {  	s3 =	sadd.s32 s3, s9;
	s6 =	sadd.s32 @!p0 $0x88, s6;
	s7 =	simm.s32 @p2 $0x1082  }
0x22: {  	[simem:s7], [sflag:s8] =	dma.local @!p0 [hbm:s6], $0xF7A  }
0x23: {  	s9 =	sor.u32 $0xD0000000, s2;
	s6 =	simm.s32 $0x108;
	_ =	swait.ge @!p0 [sflag:s8], $0x0  }
0x24: {  	s3 =	sadd.s32 $0x88, s3;
	s6 =	simm.s32 @!p1 $0x1082;
	[sflag:s4] =	ssyncset.s32 $0xFFFFF086  }
0x25: {  	[simem:s6], [sflag:s4] =	dma.local [hbm:s3], $0xF7A  }
0x26: {  	[smem:$0x3F90] =	sst s1;
	(tag) =	ssettag s2;
	_ =	strace s9  }
0x27: {  	s1 =	sld [smem:$0x3FA0]  }
0x28: {  	s2 =	sld [smem:$0x3FA1]  }
0x29: {  	s4 =	sld [smem:$0x3FA3]  }
0x2a: {  	p0 =	seq.s32 s5, $0x0;
	s5 =	sld [smem:$0x3FA4]  }
0x2b: {  	s6 =	sld [smem:$0x3FA5]  }
0x2c: {  	s7 =	sld [smem:$0x3FA6]  }
0x2d: {  	s3 =	simm.s32 $0x108;
	s8 =	sld [smem:$0x3FA7]  }
0x2e: {  	s3 =	simm.s32 @!p0 $0x1082;
	s9 =	sld [smem:$0x3FA8]  }
0x2f: {  	lr =	sadd.s32 s0, s3;
	s0 =	sld [smem:$0x3F9F]  }
0x30: {  	s3 =	sld [smem:$0x3FA2]  }
0x31: {  	[smem:$0x3FAB] =	sst s10  }
0x32: {  	s10 =	sld [smem:$0x3FA9];
	_ =	sdelay $0x3  }
0x33: {  	p0 =	seq.s32 s10, $0x1;
	s10 =	sld [smem:$0x3FAB];
	_ =	sdelay $0x3  }
0x34: {  	[smem:$0x3FAB] =	sst s10  }
0x35: {  	s10 =	sld [smem:$0x3FAA];
	_ =	sdelay $0x3  }
0x36: {  	p1 =	seq.s32 s10, $0x1;
	s10 =	sld [smem:$0x3FAB];
	_ =	sdelay $0x3  }
0x37: {  	[smem:$0x3FAB] =	sst s10  }
0x38: {  	s10 =	sld [smem:$0x3FAC]  }
0x39: {  	_ = 	snop;
	(pc) =	sbr.ind lr, $3  }
0x3a: {  	_ = 	snop  }
0x3b: {  	_ = 	snop  }
0x3c: {  	p2 =	seq.s32 s10, $0x1;
	s10 =	sld [smem:$0x3FAB]  }
0x3d: {  	_ =	shalt  }
0x3e: {  	_ =	shalt  }
0x3f: {  	_ =	shalt  }
0x40: {  	_ =	shalt  }
0x41: {  	_ =	shalt  }
0x42: {  	_ =	shalt  }
0x43: {  	_ =	shalt  }
0x44: {  	_ =	shalt  }
0x45: {  	_ =	shalt  }
0x46: {  	_ =	shalt  }
0x47: {  	_ =	shalt  }
0x48: {  	_ =	shalt  }
0x49: {  	_ =	shalt  }
0x4a: {  	_ =	shalt  }
0x4b: {  	_ =	shalt  }
0x4c: {  	_ =	shalt  }
0x4d: {  	_ =	shalt  }
0x4e: {  	_ =	shalt  }
0x4f: {  	_ =	shalt  }
0x50: {  	_ =	shalt  }
0x51: {  	_ =	shalt  }
0x52: {  	_ =	shalt  }
0x53: {  	_ =	shalt  }
0x54: {  	_ =	shalt  }
0x55: {  	_ =	shalt  }
0x56: {  	_ =	shalt  }
0x57: {  	_ =	shalt  }
0x58: {  	_ =	shalt  }
0x59: {  	_ =	shalt  }
0x5a: {  	_ =	shalt  }
0x5b: {  	_ =	shalt  }
0x5c: {  	_ =	shalt  }
0x5d: {  	_ =	shalt  }
0x5e: {  	_ =	shalt  }
0x5f: {  	_ =	shalt  }
0x60: {  	_ =	shalt  }
0x61: {  	_ =	shalt  }
0x62: {  	_ =	shalt  }
0x63: {  	_ =	shalt  }
0x64: {  	_ =	shalt  }
0x65: {  	_ =	shalt  }
0x66: {  	_ =	shalt  }
0x67: {  	_ =	shalt  }
0x68: {  	_ =	shalt  }
0x69: {  	_ =	shalt  }
0x6a: {  	_ =	shalt  }
0x6b: {  	_ =	shalt  }
0x6c: {  	_ =	shalt  }
0x6d: {  	_ =	shalt  }
0x6e: {  	_ =	shalt  }
0x6f: {  	_ =	shalt  }
0x70: {  	_ =	shalt  }
0x71: {  	_ =	shalt  }
0x72: {  	_ =	shalt  }
0x73: {  	_ =	shalt  }
0x74: {  	_ =	shalt  }
0x75: {  	_ =	shalt  }
0x76: {  	_ =	shalt  }
0x77: {  	_ =	shalt  }
0x78: {  	_ =	shalt  }
0x79: {  	_ =	shalt  }
0x7a: {  	_ =	shalt  }
0x7b: {  	_ =	shalt  }
0x7c: {  	_ =	shalt  }
0x7d: {  	_ =	shalt  }
0x7e: {  	_ =	shalt  }
0x7f: {  	_ =	shalt  }
0x80: {  	_ =	shalt  }
0x81: {  	_ =	shalt  }
0x82: {  	_ =	shalt  }
0x83: {  	_ =	shalt  }
0x84: {  	_ =	shalt  }
0x85: {  	_ =	shalt  }
0x86: {  	_ =	shalt  }
0x87: {  	_ =	shalt  }
.Lfunc_end0:
.L_simem_size_0:
called_computation_lowered:
.L_overlay_start_0:
0x88: {  	s2 =	sld [smem:$0x3FD9]  }
0x89: {  	s3 =	sld [smem:$0x3FFE];
	_ =	sdelay $0x1  }
0x8a: {  	s1 =	srdreg.scid  }
0x8b: {  	s0 =	sand.u32 $0x1, s1  }
0x8c: {  	s16 =	sshll.u32 s0, $0xA;
	s2 =	sadd.s32 s3, s2  }
0x8d: {  	s2 =	sadd.s32 s2, s16  }
0x8e: {  	[smem:$0x3FB7] =	sst s2  }
0x8f: {  	_ = 	snop  }
0x90: {  	(tm) =	ssettm $0x1  }
0x91: {  	s17 =	sld [smem:$0x3FFB];
	_ =	sdelay $0x3  }
0x92: {  	_ =	strace s17  }
0x93: {  	s2 =	sld [smem:$0x3FFC];
	_ =	sdelay $0x3  }
0x94: {  	_ =	strace s2  }
0x95: {  	s2 =	sld [smem:$0x3FFD];
	_ =	sdelay $0x3  }
0x96: {  	_ =	strace s2  }
0x97: {  	_ =	strace $0x8FFFFFFF  }
0x98: {  	s18 =	sld [smem:$0x3FDB];
	_ =	sdelay $0x1  }
0x99: {  	s19 =	simm.s32 $_scs_section_size  }
0x9a: {  	s4 =	simm.s32 $_size__tile_overlayer_lowered;
	s5 =	simm.s32 $_tile_overlayer_lowered  }
0x9b: {  	s22 =	simm.s32 $0x1BFF;
	s21 =	sshll.u32 s5, $0x1;
	s2 =	sadd.s32 s19, s18  }
0x9c: {  	s6 =	simm.s32 $0x0;
	s20 =	sshll.u32 s4, $0x1;
	s4 =	sadd.s32 s21, s2  }
0x9d: {  	[timem:s6], [sflag:s22] =	dma.local [hbm:s4], s20  }
0x9e: {  	_ =	swait.ge [sflag:s22], s20  }
0x9f: {  	s3 =	ssub.s32 $0x0, s20;
	[sflag:s22] =	ssyncset.done $0x0  }
0xa0: {  	[sflag:s22] =	ssyncadd.s32 s3;
	_ =	sdelay $0x1  }
0xa1: {  	s23 =	simm.s32 $0x1B8B  }
0xa2: {  	_ =	swait.ge [sflag:s23], $0x1  }
0xa3: {  	[sflag:s23] =	ssyncset.done $0x0  }
0xa4: {  	s25 =	simm.s32 $0x1B8E;
	s24 =	sld [smem:$0x3FFE];
	[sflag:s23] =	ssyncadd.s32 $0xFFFFFFFF  }
0xa5: {  	s26 =	simm.s32 $execute0_lowered;
	[smem:$0x3FD2] =	sst s25  }
0xa6: {  	s4 =	sshll.u32 s26, $0x1;
	_ =	strace $0x80000046;
	[dreg:$0x1] =	wrdreg $0xFFFFFFFF  }
0xa7: {  	s28 =	simm.s32 $_size_execute0_lowered;
	s2 =	sadd.s32 s2, s4;
	[dreg:$0x0] =	wrdreg $0x0  }
0xa8: {  	s4 =	sshll.u32 s28, $0x1;
	[dreg:$0x2] =	wrdreg s2  }
0xa9: {  	[dreg:$0x3] =	wrdreg s4  }
0xaa: {  	[dreg:$0x4] =	wrdreg $0xC0  }
0xab: {  	_ =	task [dreg:s6], $0x5FFFF  }
0xac: {  	[dreg:$0x1] =	wrdreg $0xFFFFFFFF  }
0xad: {  	[dreg:$0x0] =	wrdreg $0x60  }
0xae: {  	[dreg:$0x2] =	wrdreg s24  }
0xaf: {  	[dreg:$0x3] =	wrdreg $0x40800  }
0xb0: {  	[dreg:$0x4] =	wrdreg $0x9  }
0xb1: {  	_ =	task.clear_ibuf [dreg:s6], $0x5FFFF;
	_ =	strace $0x90000046  }
0xb2: {  	s29 =	simm.s32 $0x9;
	_ =	strace $0x80000048  }
0xb3: {  	_ =	swait.ge [sflag:s29], $0x1  }
0xb4: {  	[sflag:s29] =	ssyncadd.s32 $0xFFFFFFFF  }
0xb5: {  	_ =	strace $0x90000048  }
0xb6: {  	_ =	sfence  }
0xb7: {  	s30 =	sld [smem:$0x0];
	_ =	sdelay $0x2  }
0xb8: {  	s31 =	sshll.u32 s1, $0xD;
	s1 =	sshrl.u32 s1, $0x2  }
0xb9: {  	s3 =	sand.u32 $0x4000, s31;
	s1 =	sadd.s32 s1, s30  }
0xba: {  	s0 =	sor.u32 s3, s0;
	s1 =	sshll.u32 s1, $0x11  }
0xbb: {  	s0 =	sor.u32 s1, s0  }
0xbc: {  	s0 =	sadd.s32 $0x8F2B, s0  }
0xbd: {  	[sflag:s0] =	ssyncadd.remote.s32 $0x1  }
0xbe: {  	_ =	sfence.sel $0xFFFF  }
0xbf: {  	[dreg:$0x0] =	wrdreg $0xFFFFFFFF;
	(pc) =	sbr.abs _section_cstart, $3  }
0xc0: {  	[dreg:$0x1] =	wrdreg $0xFFFFFFFF  }
0xc1: {  	_ =	task.clear_ibuf [dreg:s6], $0x2FFFF;
	_ =	strace $0x9FFFFFFF  }
0xc2: {  	(tm) =	ssettm $0x7FFFFFFF  }
0xc3: {  	_ =	shalt  }
tec
execute0_lowered:
.L_overlay_start_1:
0x0: {  	(tag) =	ssettag $0x1  }
0x1: {  	s4 =	rddreg [dreg:$0x0]  }
0x2: {  	s0 =	srdreg.scid;
	s2 =	rddreg [dreg:$0x1]  }
0x3: {  	s1 =	rddreg [dreg:$0x2];
	s5 =	sand.u32 $0x1, s0  }
0x4: {  	s0 =	stileid.u32;
	s6 =	smul.u32 $0x140000, s5  }
0x5: {  	s3 =	simm.s32 $0x0;
	s13 =	simm.s32 $0x1;
	s7 =	smul.u32 $0x14000, s0  }
0x6: {  	s16 =	simm.s32 $0x0;
	[smem:$0x7FF] =	sst s3;
	s8 =	smul.u32 $0xA00, s0  }
0x7: {  	s28 =	smul.u32 $0x50000, s0;
	_ =	strace $0x80000047;
	s29 =	ssub.s32 $0x2, s5  }
0x8: {  	s11 =	smul.u32 $0x500, s5;
	s14 =	sshll.u32 s0, $0x6;
	s31 =	sshrl.u32 s29, $0x1  }
0x9: {  	s14 =	sor.u32 $0x1C01, s14;
	s6 =	sadd.s32 s7, s6;
	s9 =	sadd.s32 s8, s4  }
0xa: {  	s30 =	sshrl.u32 s28, $0x2;
	s12 =	ssub.s32 s29, s31;
	s6 =	sshrl.u32 s6, $0x3  }
0xb: {  	s11 =	sadd.s32 s11, s9;
	s10 =	sadd.s32 s6, s4;
	s4 =	sadd.s32 s30, s2  }
0xc: {  	s11 =	sadd.s32 $0x6200, s11;
	s5 =	sadd.s32 $0x4000, s4;
	s6 =	sadd.s32 $0x8000, s4  }
0xd: {  	s7 =	sadd.s32 $0xC000, s4;
	s8 =	sadd.s32 $0x10000, s4;
	s9 =	sadd.s32 $0x10200, s10  }
0xe: {  	v0 =	vimm.f32 $1.000000000e+00;
	s10 =	smax.u32 s12, $0x1;
	s12 =	simm.s32 $0x80;
	s15 =	sshrl.u32 s4, $0x3  }
.LBB2_1:
0xf: {  	s17 =	simm.s32 $0x0;
	s18 =	simm.s32 $0x200  }
.LBB2_2:
0x10: {  	p0 =	sne.s32 s18, $0xFE00;
	[tilespmem:s17+$0xF0] =	vst v0  }
0x11: {  	[tilespmem:s17+$0x80] =	vst v0  }
0x12: {  	[tilespmem:s17+$0x90] =	vst v0  }
.Ltmp0:
0x13: {  	[tilespmem:s17+$0xA0] =	vst v0;
	(pc) =	sbr.rel @p0 .LBB2_2-.Ltmp0, $4  }
0x14: {  	[tilespmem:s17+$0xB0] =	vst v0  }
0x15: {  	[tilespmem:s17+$0xC0] =	vst v0  }
0x16: {  	[tilespmem:s17+$0xD0] =	vst v0  }
0x17: {  	[tilespmem:s17+$0xE0] =	vst v0;
	s17 =	sshra.s32 s18, $0x2;
	s18 =	sadd.s32 $0x200, s18  }
0x18: {  	[tilespmem:s17+$0xF0] =	vst v0  }
0x19: {  	[tilespmem:s17+$0x80] =	vst v0  }
0x1a: {  	[tilespmem:s17+$0x90] =	vst v0  }
0x1b: {  	[tilespmem:s17+$0xA0] =	vst v0  }
0x1c: {  	[tilespmem:s17+$0xB0] =	vst v0  }
0x1d: {  	[tilespmem:s17+$0xC0] =	vst v0  }
0x1e: {  	[tilespmem:s17+$0xD0] =	vst v0  }
0x1f: {  	[tilespmem:s17+$0xE0] =	vst v0  }
0x20: {  	[spmem:s4] =	stream.linear.scatter [tilespmem:s12], [sflag:$0x1], $0x4000, $0x38;
	[tilespmem:$0x18080] =	vst v63  }
0x21: {  	_ =	swait.ge [sflag:s13], $0x4000  }
0x22: {  	[sflag:s13] =	ssyncset.done $0x0  }
0x23: {  	[sflag:s13] =	ssyncadd.s32 $0xFFFFC000  }
0x24: {  	[spmem:s5] =	stream.linear.scatter [tilespmem:s12], [sflag:$0x1], $0x4000, $0x38;
	[tilespmem:$0x18080] =	vst v63  }
0x25: {  	_ =	swait.ge [sflag:s13], $0x4000  }
0x26: {  	[sflag:s13] =	ssyncset.done $0x0  }
0x27: {  	[sflag:s13] =	ssyncadd.s32 $0xFFFFC000  }
0x28: {  	[spmem:s6] =	stream.linear.scatter [tilespmem:s12], [sflag:$0x1], $0x4000, $0x38;
	[tilespmem:$0x18080] =	vst v63  }
0x29: {  	_ =	swait.ge [sflag:s13], $0x4000  }
0x2a: {  	[sflag:s13] =	ssyncset.done $0x0  }
0x2b: {  	[sflag:s13] =	ssyncadd.s32 $0xFFFFC000  }
0x2c: {  	[spmem:s7] =	stream.linear.scatter [tilespmem:s12], [sflag:$0x1], $0x4000, $0x38;
	[tilespmem:$0x18080] =	vst v63  }
0x2d: {  	_ =	swait.ge [sflag:s13], $0x4000  }
0x2e: {  	[sflag:s13] =	ssyncset.done $0x0  }
0x2f: {  	[sflag:s13] =	ssyncadd.s32 $0xFFFFC000  }
0x30: {  	[spmem:s8] =	stream.linear.scatter [tilespmem:s12], [sflag:$0x1], $0x4000, $0x38;
	[tilespmem:$0x18080] =	vst v63  }
0x31: {  	_ =	swait.ge [sflag:s13], $0x4000  }
0x32: {  	[sflag:s13] =	ssyncset.done $0x0  }
0x33: {  	[sflag:s13] =	ssyncadd.s32 $0xFFFFC000  }
0x34: {  	s31 =	sadd.s32 $0x0, s11;
	[bflag:$0x0] =	sbarrier.arrive $0xFFFF  }
0x35: {  	[tilespmem:s3], [sflag:$0x1] =	stream.linear.gather [hbm4b:s31+s3], $0x80, $0x38;
	[tilespmem:$0x18080] =	vst v63  }
0x36: {  	_ =	swait.ge [sflag:s13], $0x80  }
0x37: {  	[sflag:s13] =	ssyncset.done $0x0  }
0x38: {  	[sflag:s13] =	ssyncadd.s32 $0xFFFFFF80  }
0x39: {  	[spmem:s2] =	stream.indirect.scatter.add.f32 [tilespmem:s12], [sflag:$0x1], $0x80, s3, s12, $0xb8;
	[tilespmem:$0x18080] =	vst v63  }
0x3a: {  	_ =	swait.ge [sflag:s13], $0x4000  }
0x3b: {  	s17 =	simm.s32 $0x10;
	s18 =	simm.s32 $0x20;
	[sflag:s13] =	ssyncset.done $0x0  }
.LBB2_4:
0x3c: {  	s19 =	sadd.s32 s17, s11  }
0x3d: {  	[sflag:s13] =	ssyncadd.s32 $0xFFFFC000;
	s17 =	smov.u32 s18;
	s20 =	sadd.s32 $0x10, s18  }
0x3e: {  	[tilespmem:s3], [sflag:$0x1] =	stream.linear.gather [hbm4b:s19+s3], $0x80, $0x38;
	[tilespmem:$0x18080] =	vst v63  }
0x3f: {  	p0 =	sne.s32 s18, $0x4F0;
	_ =	swait.ge [sflag:s13], $0x80  }
.Ltmp1:
0x40: {  	[sflag:s13] =	ssyncset.done $0x0;
	(pc) =	sbr.rel @p0 .LBB2_4-.Ltmp1, $4  }
0x41: {  	[sflag:s13] =	ssyncadd.s32 $0xFFFFFF80  }
0x42: {  	[spmem:s2] =	stream.indirect.scatter.add.f32 [tilespmem:s12], [sflag:$0x1], $0x80, s3, s12, $0xb8;
	[tilespmem:$0x18080] =	vst v63  }
0x43: {  	_ =	swait.ge [sflag:s13], $0x4000  }
0x44: {  	s18 =	smov.u32 s20;
	[sflag:s13] =	ssyncset.done $0x0  }
0x45: {  	s17 =	sadd.s32 s17, s11;
	[sflag:s13] =	ssyncadd.s32 $0xFFFFC000  }
0x46: {  	[tilespmem:s3], [sflag:$0x1] =	stream.linear.gather [hbm4b:s17+s3], $0x80, $0x38;
	[tilespmem:$0x18080] =	vst v63  }
0x47: {  	_ =	swait.ge [sflag:s13], $0x80  }
0x48: {  	[sflag:s13] =	ssyncset.done $0x0  }
0x49: {  	[sflag:s13] =	ssyncadd.s32 $0xFFFFFF80  }
0x4a: {  	[spmem:s2] =	stream.indirect.scatter.add.f32 [tilespmem:s12], [sflag:$0x1], $0x80, s3, s12, $0xb8;
	[tilespmem:$0x18080] =	vst v63  }
0x4b: {  	_ =	swait.ge [sflag:s13], $0x4000  }
0x4c: {  	s16 =	sadd.s32 $0x1, s16;
	[sflag:s13] =	ssyncset.done $0x0  }
0x4d: {  	p0 =	sne.s32 s16, s10;
	[sflag:s13] =	ssyncadd.s32 $0xFFFFC000  }
.Ltmp2:
0x4e: {  	[bflag:$0x0] =	sbarrier.arrive $0xFFFF;
	(pc) =	sbr.rel @p0 .LBB2_1-.Ltmp2, $4  }
0x4f: {  	[hbm:s9], [sflag:s14] =	dma.local [spmem:s15], $0x2800  }
0x50: {  	_ =	swait.ge [sflag:s13], $0x2800  }
0x51: {  	[sflag:s13] =	ssyncset.done $0x0  }
0x52: {  	[sflag:s13] =	ssyncadd.s32 $0xFFFFD800  }
0x53: {  	_ =	sfence.sel $0x180000  }
0x54: {  	[bflag:$0x0] =	sbarrier.arrive $0xFFFF  }
0x55: {  	p0 =	sne.s32 s0, $0x0;
	_ =	strace $0x90000047  }
0x56: {  	s0 =	sadd.s32 @!p0 $0x100000, s1;
	[bflag:$0x2] =	sbarrier.arrive $0xFFFF  }
0x57: {  	[sflag:s0] =	ssyncadd.tile.s32 @!p0 $0x1;
	_ =	shalt  }
.Lfunc_end2:
_tile_overlayer_lowered:
.L_overlay_start_2:
0x58: {  	(tag) =	ssettag $0x2  }
0x59: {  	s0 =	rddreg [dreg:$0x0];
	s2 =	stileid.u32  }
0x5a: {  	s1 =	rddreg [dreg:$0x1];
	p0 =	sne.s32 s2, $0x0  }
0x5b: {  	s3 =	rddreg [dreg:$0x2];
	[bflag:$0x3] =	sbarrier.arrive $0xFFFF;
	s2 =	simm.s32 @!p0 $0x1C01  }
0x5c: {  	[timem:s3], [sflag:s2] =	dma.local @!p0 [hbm:s0], s1  }
0x5d: {  	s0 =	simm.s32 @!p0 $0x1  }
0x5e: {  	_ =	swait.ge @!p0 [sflag:s0], s1  }
0x5f: {  	s1 =	ssub.s32 @!p0 $0x0, s1;
	[sflag:s0] =	ssyncset.done @!p0 $0x0  }
0x60: {  	[sflag:s0] =	ssyncadd.s32 @!p0 s1  }
0x61: {  	[bflag:$0x3] =	sbarrier.arrive $0xFFFF  }
0x62: {  	_ =	shalt  }

// kernel: kernel.16.cloned.1.call-start
scs
__scs_entry_jumppad:
0x0: {  	(pc) =	sbr.rel $0x88, $3  }
0x1: {  	(tag) =	ssettag $0x0;
	lr =	simm.s32 $0x1  }
0x2: {  	[smem:$0x3F90] =	sst lr;
	_ =	strace $0xD0000000  }
0x3: {  	_ = 	snop  }
0x4: {  	_ = 	snop  }
0x5: {  	_ = 	snop  }
0x6: {  	_ = 	snop  }
0x7: {  	_ = 	snop  }
__scs_overlays_trampoline_lowered:
0x8: {  	[smem:$0x3F9F] =	sst s0  }
0x9: {  	[smem:$0x3FA0] =	sst s1  }
0xa: {  	[smem:$0x3FA1] =	sst s2  }
0xb: {  	[smem:$0x3FA2] =	sst s3  }
0xc: {  	[smem:$0x3FA3] =	sst s4  }
0xd: {  	[smem:$0x3FA4] =	sst s5  }
0xe: {  	[smem:$0x3FA5] =	sst s6  }
0xf: {  	[smem:$0x3FA6] =	sst s7  }
0x10: {  	[smem:$0x3FA7] =	sst s8  }
0x11: {  	[smem:$0x3FA8] =	sst s9;
	s0 =	simm.s32 @!p0 $0x0  }
0x12: {  	s1 =	sld [smem:$0x3F8E];
	s0 =	simm.s32 @p0 $0x1  }
0x13: {  	[smem:$0x3FA9] =	sst s0;
	s0 =	simm.s32 @!p1 $0x0  }
0x14: {  	s2 =	sld [smem:$0x3F8D];
	s0 =	simm.s32 @p1 $0x1  }
0x15: {  	[smem:$0x3FAA] =	sst s0;
	s0 =	simm.s32 @!p2 $0x0  }
0x16: {  	s3 =	sld [smem:$0x3FDB];
	s0 =	simm.s32 @p2 $0x1  }
0x17: {  	s4 =	simm.s32 $0x1BF5;
	[smem:$0x3FAC] =	sst s0  }
0x18: {  	s0 =	sld [smem:$0x3F8F];
	_ =	swait.ge [sflag:s4], $0x0  }
0x19: {  	s7 =	sld [smem:$0x3F90]  }
0x1a: {  	s8 =	sadd.s32 $0xFFFFE003, lr  }
0x1b: {  	s9 =	sadd.s32 $0xFFFFFEF7, lr;
	s5 =	simm.s32 $0xFFFFFFFF;
	p2 =	slt.u32 s8, $0xFFFFF086  }
0x1c: {  	p1 =	slt.u32 s9, $0xF7A;
	s5 =	simm.s32 @!p2 $0x0  }
0x1d: {  	s5 =	simm.s32 @p1 $0x1;
	p0 =	seq.s32 s7, s2  }
0x1e: {  	s7 =	smul.u32 @!p0 $0xF7A, s2;
	p2 =	seq.s32 @!p0 s5, $0x0  }
0x1f: {  	s9 =	smul.u32 $0xF7A, s1;
	s8 =	simm.s32 @!p0 $0x1BF5;
	p2 =	por !p2, p0  }
0x20: {  	[sflag:s8] =	ssyncset.s32 @!p0 $0xFFFFF086;
	s6 =	sadd.s32 @!p0 s3, s7;
	s7 =	simm.s32 @!p0 $0x108  }
0x21: {  	s3 =	sadd.s32 s3, s9;
	s6 =	sadd.s32 @!p0 $0x88, s6;
	s7 =	simm.s32 @p2 $0x1082  }
0x22: {  	[simem:s7], [sflag:s8] =	dma.local @!p0 [hbm:s6], $0xF7A  }
0x23: {  	s9 =	sor.u32 $0xD0000000, s2;
	s6 =	simm.s32 $0x108;
	_ =	swait.ge @!p0 [sflag:s8], $0x0  }
0x24: {  	s3 =	sadd.s32 $0x88, s3;
	s6 =	simm.s32 @!p1 $0x1082;
	[sflag:s4] =	ssyncset.s32 $0xFFFFF086  }
0x25: {  	[simem:s6], [sflag:s4] =	dma.local [hbm:s3], $0xF7A  }
0x26: {  	[smem:$0x3F90] =	sst s1;
	(tag) =	ssettag s2;
	_ =	strace s9  }
0x27: {  	s1 =	sld [smem:$0x3FA0]  }
0x28: {  	s2 =	sld [smem:$0x3FA1]  }
0x29: {  	s4 =	sld [smem:$0x3FA3]  }
0x2a: {  	p0 =	seq.s32 s5, $0x0;
	s5 =	sld [smem:$0x3FA4]  }
0x2b: {  	s6 =	sld [smem:$0x3FA5]  }
0x2c: {  	s7 =	sld [smem:$0x3FA6]  }
0x2d: {  	s3 =	simm.s32 $0x108;
	s8 =	sld [smem:$0x3FA7]  }
0x2e: {  	s3 =	simm.s32 @!p0 $0x1082;
	s9 =	sld [smem:$0x3FA8]  }
0x2f: {  	lr =	sadd.s32 s0, s3;
	s0 =	sld [smem:$0x3F9F]  }
0x30: {  	s3 =	sld [smem:$0x3FA2]  }
0x31: {  	[smem:$0x3FAB] =	sst s10  }
0x32: {  	s10 =	sld [smem:$0x3FA9];
	_ =	sdelay $0x3  }
0x33: {  	p0 =	seq.s32 s10, $0x1;
	s10 =	sld [smem:$0x3FAB];
	_ =	sdelay $0x3  }
0x34: {  	[smem:$0x3FAB] =	sst s10  }
0x35: {  	s10 =	sld [smem:$0x3FAA];
	_ =	sdelay $0x3  }
0x36: {  	p1 =	seq.s32 s10, $0x1;
	s10 =	sld [smem:$0x3FAB];
	_ =	sdelay $0x3  }
0x37: {  	[smem:$0x3FAB] =	sst s10  }
0x38: {  	s10 =	sld [smem:$0x3FAC]  }
0x39: {  	_ = 	snop;
	(pc) =	sbr.ind lr, $3  }
0x3a: {  	_ = 	snop  }
0x3b: {  	_ = 	snop  }
0x3c: {  	p2 =	seq.s32 s10, $0x1;
	s10 =	sld [smem:$0x3FAB]  }
0x3d: {  	_ =	shalt  }
0x3e: {  	_ =	shalt  }
0x3f: {  	_ =	shalt  }
0x40: {  	_ =	shalt  }
0x41: {  	_ =	shalt  }
0x42: {  	_ =	shalt  }
0x43: {  	_ =	shalt  }
0x44: {  	_ =	shalt  }
0x45: {  	_ =	shalt  }
0x46: {  	_ =	shalt  }
0x47: {  	_ =	shalt  }
0x48: {  	_ =	shalt  }
0x49: {  	_ =	shalt  }
0x4a: {  	_ =	shalt  }
0x4b: {  	_ =	shalt  }
0x4c: {  	_ =	shalt  }
0x4d: {  	_ =	shalt  }
0x4e: {  	_ =	shalt  }
0x4f: {  	_ =	shalt  }
0x50: {  	_ =	shalt  }
0x51: {  	_ =	shalt  }
0x52: {  	_ =	shalt  }
0x53: {  	_ =	shalt  }
0x54: {  	_ =	shalt  }
0x55: {  	_ =	shalt  }
0x56: {  	_ =	shalt  }
0x57: {  	_ =	shalt  }
0x58: {  	_ =	shalt  }
0x59: {  	_ =	shalt  }
0x5a: {  	_ =	shalt  }
0x5b: {  	_ =	shalt  }
0x5c: {  	_ =	shalt  }
0x5d: {  	_ =	shalt  }
0x5e: {  	_ =	shalt  }
0x5f: {  	_ =	shalt  }
0x60: {  	_ =	shalt  }
0x61: {  	_ =	shalt  }
0x62: {  	_ =	shalt  }
0x63: {  	_ =	shalt  }
0x64: {  	_ =	shalt  }
0x65: {  	_ =	shalt  }
0x66: {  	_ =	shalt  }
0x67: {  	_ =	shalt  }
0x68: {  	_ =	shalt  }
0x69: {  	_ =	shalt  }
0x6a: {  	_ =	shalt  }
0x6b: {  	_ =	shalt  }
0x6c: {  	_ =	shalt  }
0x6d: {  	_ =	shalt  }
0x6e: {  	_ =	shalt  }
0x6f: {  	_ =	shalt  }
0x70: {  	_ =	shalt  }
0x71: {  	_ =	shalt  }
0x72: {  	_ =	shalt  }
0x73: {  	_ =	shalt  }
0x74: {  	_ =	shalt  }
0x75: {  	_ =	shalt  }
0x76: {  	_ =	shalt  }
0x77: {  	_ =	shalt  }
0x78: {  	_ =	shalt  }
0x79: {  	_ =	shalt  }
0x7a: {  	_ =	shalt  }
0x7b: {  	_ =	shalt  }
0x7c: {  	_ =	shalt  }
0x7d: {  	_ =	shalt  }
0x7e: {  	_ =	shalt  }
0x7f: {  	_ =	shalt  }
0x80: {  	_ =	shalt  }
0x81: {  	_ =	shalt  }
0x82: {  	_ =	shalt  }
0x83: {  	_ =	shalt  }
0x84: {  	_ =	shalt  }
0x85: {  	_ =	shalt  }
0x86: {  	_ =	shalt  }
0x87: {  	_ =	shalt  }
.Lfunc_end0:
.L_simem_size_0:
called_computation.1_lowered:
.L_overlay_start_0:
0x88: {  	s2 =	sld [smem:$0x3FD9]  }
0x89: {  	s3 =	sld [smem:$0x3FFE];
	_ =	sdelay $0x1  }
0x8a: {  	s1 =	srdreg.scid  }
0x8b: {  	s0 =	sand.u32 $0x1, s1  }
0x8c: {  	s16 =	sshll.u32 s0, $0xA;
	s2 =	sadd.s32 s3, s2  }
0x8d: {  	s2 =	sadd.s32 s2, s16  }
0x8e: {  	[smem:$0x3FB7] =	sst s2  }
0x8f: {  	_ = 	snop  }
0x90: {  	(tm) =	ssettm $0x1  }
0x91: {  	s17 =	sld [smem:$0x3FFB];
	_ =	sdelay $0x3  }
0x92: {  	_ =	strace s17  }
0x93: {  	s2 =	sld [smem:$0x3FFC];
	_ =	sdelay $0x3  }
0x94: {  	_ =	strace s2  }
0x95: {  	s2 =	sld [smem:$0x3FFD];
	_ =	sdelay $0x3  }
0x96: {  	_ =	strace s2  }
0x97: {  	_ =	strace $0x8FFFFFFF  }
0x98: {  	s18 =	sld [smem:$0x3FDB];
	_ =	sdelay $0x1  }
0x99: {  	s19 =	simm.s32 $_scs_section_size  }
0x9a: {  	s4 =	simm.s32 $_size__tile_overlayer_lowered;
	s5 =	simm.s32 $_tile_overlayer_lowered  }
0x9b: {  	s22 =	simm.s32 $0x1BFF;
	s21 =	sshll.u32 s5, $0x1;
	s2 =	sadd.s32 s19, s18  }
0x9c: {  	s6 =	simm.s32 $0x0;
	s20 =	sshll.u32 s4, $0x1;
	s4 =	sadd.s32 s21, s2  }
0x9d: {  	[timem:s6], [sflag:s22] =	dma.local [hbm:s4], s20  }
0x9e: {  	_ =	swait.ge [sflag:s22], s20  }
0x9f: {  	s3 =	ssub.s32 $0x0, s20;
	[sflag:s22] =	ssyncset.done $0x0  }
0xa0: {  	[sflag:s22] =	ssyncadd.s32 s3;
	_ =	sdelay $0x1  }
0xa1: {  	s23 =	simm.s32 $0x1B8B  }
0xa2: {  	_ =	swait.ge [sflag:s23], $0x1  }
0xa3: {  	[sflag:s23] =	ssyncset.done $0x0  }
0xa4: {  	s25 =	simm.s32 $0x1B8E;
	s24 =	sld [smem:$0x3FFE];
	[sflag:s23] =	ssyncadd.s32 $0xFFFFFFFF  }
0xa5: {  	s26 =	simm.s32 $execute0_lowered;
	[smem:$0x3FD2] =	sst s25  }
0xa6: {  	s4 =	sshll.u32 s26, $0x1;
	_ =	strace $0x80000049;
	[dreg:$0x1] =	wrdreg $0xFFFFFFFF  }
0xa7: {  	s28 =	simm.s32 $_size_execute0_lowered;
	s2 =	sadd.s32 s2, s4;
	[dreg:$0x0] =	wrdreg $0x0  }
0xa8: {  	s4 =	sshll.u32 s28, $0x1;
	[dreg:$0x2] =	wrdreg s2  }
0xa9: {  	[dreg:$0x3] =	wrdreg s4  }
0xaa: {  	[dreg:$0x4] =	wrdreg $0xC0  }
0xab: {  	_ =	task [dreg:s6], $0x5FFFF  }
0xac: {  	[dreg:$0x1] =	wrdreg $0xFFFFFFFF  }
0xad: {  	[dreg:$0x0] =	wrdreg $0x60  }
0xae: {  	[dreg:$0x2] =	wrdreg s24  }
0xaf: {  	[dreg:$0x3] =	wrdreg $0x84000  }
0xb0: {  	[dreg:$0x4] =	wrdreg $0x9  }
0xb1: {  	_ =	task.clear_ibuf [dreg:s6], $0x5FFFF;
	_ =	strace $0x90000049  }
0xb2: {  	s29 =	simm.s32 $0x9;
	_ =	strace $0x8000004B  }
0xb3: {  	_ =	swait.ge [sflag:s29], $0x1  }
0xb4: {  	[sflag:s29] =	ssyncadd.s32 $0xFFFFFFFF  }
0xb5: {  	_ =	strace $0x9000004B  }
0xb6: {  	_ =	sfence  }
0xb7: {  	s30 =	sld [smem:$0x0];
	_ =	sdelay $0x2  }
0xb8: {  	s31 =	sshll.u32 s1, $0xD;
	s1 =	sshrl.u32 s1, $0x2  }
0xb9: {  	s3 =	sand.u32 $0x4000, s31;
	s1 =	sadd.s32 s1, s30  }
0xba: {  	s0 =	sor.u32 s3, s0;
	s1 =	sshll.u32 s1, $0x11  }
0xbb: {  	s0 =	sor.u32 s1, s0  }
0xbc: {  	s0 =	sadd.s32 $0x8F2B, s0  }
0xbd: {  	[sflag:s0] =	ssyncadd.remote.s32 $0x1  }
0xbe: {  	_ =	sfence.sel $0xFFFF  }
0xbf: {  	[dreg:$0x0] =	wrdreg $0xFFFFFFFF;
	(pc) =	sbr.abs _section_cstart, $3  }
0xc0: {  	[dreg:$0x1] =	wrdreg $0xFFFFFFFF  }
0xc1: {  	_ =	task.clear_ibuf [dreg:s6], $0x2FFFF;
	_ =	strace $0x9FFFFFFF  }
0xc2: {  	(tm) =	ssettm $0x7FFFFFFF  }
0xc3: {  	_ =	shalt  }
tec
execute0_lowered:
.L_overlay_start_1:
0x0: {  	(tag) =	ssettag $0x1  }
0x1: {  	s0 =	rddreg [dreg:$0x0]  }
0x2: {  	s1 =	rddreg [dreg:$0x1];
	s2 =	simm.s32 $0x0  }
0x3: {  	s4 =	srdreg.scid;
	s14 =	stileid.u32;
	s28 =	simm.s32 $0x4  }
0x4: {  	s29 =	simm.s32 $0x4400;
	s30 =	simm.s32 $0x1;
	s31 =	simm.s32 $0x100  }
0x5: {  	s16 =	simm.s32 $0x380;
	[smem:$0x7FF] =	sst s2;
	s3 =	sadd.s32 $0x6A200, s0  }
0x6: {  	s5 =	sadd.s32 $0x91400, s0;
	s6 =	sadd.s32 $0x60200, s0;
	s10 =	smul.u32 $0x50000, s14  }
0x7: {  	s4 =	sand.u32 $0x1, s4;
	s7 =	sadd.s32 $0x6200, s0;
	s18 =	smul.u32 $0x2800, s14  }
0x8: {  	s9 =	sadd.s32 $0xB8600, s0;
	s11 =	sadd.s32 $0xE0600, s0;
	s20 =	smul.u32 $0xA00, s14  }
0x9: {  	s22 =	sadd.s32 $0x8FA00, s0;
	_ =	strace $0x8000004A;
	[dreg:$0x3] =	wrdreg s9  }
0xa: {  	s0 =	sadd.s32 $0xB6C00, s0;
	p1 =	seq.s32 s14, $0xF;
	[dreg:$0x4] =	wrdreg s11  }
0xb: {  	s8 =	ssub.s32 $0x2, s4;
	p0 =	seq.s32 s4, $0x1;
	[dreg:$0x7] =	wrdreg s22  }
0xc: {  	s4 =	sadd.s32 $0x12C000, s1;
	[dreg:$0xb] =	wrdreg s0;
	s22 =	simm.s32 $0x200  }
0xd: {  	s11 =	simm.s32 $0x180;
	s17 =	sshrl.u32 s8, $0x1;
	s19 =	sshrl.u32 s10, $0x2  }
0xe: {  	s21 =	sadd.s32 s3, s18;
	s12 =	sadd.s32 s6, s20;
	s23 =	sor.u32 $0x10, s20  }
0xf: {  	s13 =	sadd.s32 s7, s20;
	[dreg:$0x5] =	wrdreg s18;
	s25 =	sadd.s32 s5, s18  }
0x10: {  	s0 =	sshrl.u32 @p1 s4, $0x3;
	s10 =	simm.s32 $0x2;
	s4 =	simm.s32 $0x8  }
0x11: {  	s9 =	ssub.s32 s8, s17;
	s15 =	sadd.s32 s19, s1;
	[dreg:$0x6] =	wrdreg s21  }
0x12: {  	s6 =	sadd.s32 s6, s23;
	s24 =	sadd.s32 s7, s23;
	[dreg:$0xa] =	wrdreg s25  }
0x13: {  	[dreg:$0xd] =	wrdreg s0;
	s0 =	sshll.u32 @!p1 s14, $0x6;
	s23 =	simm.s32 $0x3  }
0x14: {  	s25 =	simm.s32 $0x400;
	s7 =	simm.s32 $0x7;
	s17 =	simm.s32 $0x6  }
.Ltmp0:
0x15: {  	s14 =	simm.s32 $0x9;
	[dreg:$0x8] =	wrdreg s6;
	(pc) =	sbr.rel .LBB2_1-.Ltmp0, $4  }
0x16: {  	[dreg:$0x9] =	wrdreg s24;
	s26 =	smax.u32 s9, $0x1;
	s0 =	sor.u32 @!p1 $0x1C09, s0  }
0x17: {  	s20 =	smov.u32 s15;
	s21 =	sshrl.u32 @!p1 s15, $0x3;
	s24 =	simm.s32 $0x80  }
0x18: {  	s6 =	simm.s32 $0x5;
	s15 =	simm.s32 $0x0;
	[dreg:$0xc] =	wrdreg s26  }
0x19: {  	[dreg:$0xe] =	wrdreg s0;
	s26 =	simm.s32 $0x280;
	s0 =	simm.s32 $0x300  }
.LBB2_8:
0x1a: {  	s9 =	rddreg [dreg:$0x4]  }
.LBB2_9:
0x1b: {  	_ =	swait.ge [sflag:s10], $0x4000  }
0x1c: {  	[sflag:s10] =	ssyncset.done $0x0  }
0x1d: {  	[sflag:s10] =	ssyncadd.s32 $0xFFFFC000  }
0x1e: {  	[spmem:s1] =	stream.indirect.scatter.add.f32 [tilespmem:s29], [sflag:$0x8], $0x80, s16, s24, $0xb8;
	[tilespmem:$0x1C400] =	vst v63  }
0x1f: {  	_ =	swait.ge [sflag:s7], $0x4000  }
0x20: {  	[sflag:s7] =	ssyncset.done $0x0  }
0x21: {  	[sflag:s7] =	ssyncadd.s32 $0xFFFFC000  }
0x22: {  	_ =	swait.ge [sflag:s4], $0x4000  }
0x23: {  	s18 =	stileid.u32;
	[sflag:s4] =	ssyncset.done $0x0;
	s8 =	rddreg [dreg:$0x5]  }
0x24: {  	s8 =	sadd.s32 s9, s8;
	[sflag:s4] =	ssyncadd.s32 $0xFFFFC000;
	s9 =	sshll.u32 s18, $0x6  }
0x25: {  	s18 =	sshrl.u32 s20, $0x3;
	[bflag:$0x0] =	sbarrier.arrive $0xFFFF;
	s9 =	sor.u32 $0x1C09, s9  }
0x26: {  	[hbm:s8], [sflag:s9] =	dma.local [spmem:s18], $0x2800  }
0x27: {  	_ =	swait.ge [sflag:s14], $0x2800  }
0x28: {  	s15 =	sadd.s32 $0x1, s15;
	s19 =	rddreg [dreg:$0xc]  }
0x29: {  	p2 =	sne.s32 s15, s19  }
.Ltmp1:
0x2a: {  	_ = 	snop;
	(pc) =	sbr.rel @!p2 .LBB2_10-.Ltmp1, $3  }
0x2b: {  	_ =	sdelay $0x1  }
0x2c: {  	[sflag:s14] =	ssyncset.done $0x0  }
0x2d: {  	[sflag:s14] =	ssyncadd.s32 $0xFFFFD800  }
.LBB2_1:
.Ltmp2:
0x2e: {  	(pc) =	sbr.rel @!p0 .LBB2_2-.Ltmp2, $1  }
0x2f: {  	_ =	sdelay $0x3  }
0x30: {  	s9 =	rddreg [dreg:$0xb]  }
0x31: {  	s8 =	simm.s32 @p1 $0x1FC9;
	s18 =	rddreg [dreg:$0xd]  }
0x32: {  	[spmem:s18], [sflag:s8] =	dma.local @p1 [hbm:s9], $0x1900  }
0x33: {  	s8 =	simm.s32 @p1 $0x9  }
0x34: {  	_ =	swait.ge @p1 [sflag:s8], $0x1900  }
0x35: {  	[sflag:s8] =	ssyncset.done @p1 $0x0;
	s9 =	rddreg [dreg:$0xe]  }
0x36: {  	[sflag:s8] =	ssyncadd.s32 @p1 $0xFFFFE700;
	s8 =	rddreg [dreg:$0xa]  }
0x37: {  	[spmem:s21], [sflag:s9] =	dma.local @!p1 [hbm:s8], $0x2800  }
0x38: {  	s8 =	simm.s32 @!p1 $0x9  }
0x39: {  	_ =	swait.ge @!p1 [sflag:s8], $0x2800  }
0x3a: {  	[sflag:s8] =	ssyncset.done @!p1 $0x0  }
0x3b: {  	[sflag:s8] =	ssyncadd.s32 @!p1 $0xFFFFD800  }
0x3c: {  	s9 =	simm.s32 $0x0;
	[bflag:$0x0] =	sbarrier.arrive $0xFFFF  }
0x3d: {  	[tilespmem:s9], [sflag:$0x3] =	stream.linear.gather [hbm4b:s12+s9], $0x80, $0x38;
	[tilespmem:$0x1C400] =	vst v63  }
0x3e: {  	_ = 	snop  }
0x3f: {  	[tilespmem:s22], [sflag:$0x3] =	stream.linear.gather [hbm4b:s13+s9], $0x80, $0x38;
	[tilespmem:$0x1C400] =	vst v63  }
0x40: {  	_ =	swait.ge [sflag:s23], $0x80  }
0x41: {  	[sflag:s23] =	ssyncset.done $0x0  }
0x42: {  	[sflag:s23] =	ssyncadd.s32 $0xFFFFFF80  }
0x43: {  	_ =	swait.ge [sflag:s23], $0x80  }
0x44: {  	[sflag:s23] =	ssyncset.done $0x0  }
0x45: {  	[sflag:s23] =	ssyncadd.s32 $0xFFFFFF80  }
0x46: {  	[tilespmem:s25], [sflag:$0x1] =	stream.indirect.gather [hbm4b:s5+s24], $0x80, s9, s24, $0xb8;
	[tilespmem:$0x1C400] =	vst v63  }
0x47: {  	s18 =	rddreg [dreg:$0x8]  }
0x48: {  	[tilespmem:s24], [sflag:$0x4] =	stream.linear.gather [hbm4b:s18+s9], $0x80, $0x38;
	[tilespmem:$0x1C400] =	vst v63  }
0x49: {  	s19 =	rddreg [dreg:$0x9]  }
0x4a: {  	[tilespmem:s26], [sflag:$0x4] =	stream.linear.gather [hbm4b:s19+s9], $0x80, $0x38;
	[tilespmem:$0x1C400] =	vst v63  }
.LBB2_7:
0x4b: {  	_ =	swait.ge [sflag:s28], $0x80  }
0x4c: {  	[sflag:s28] =	ssyncset.done $0x0  }
0x4d: {  	[sflag:s28] =	ssyncadd.s32 $0xFFFFFF80  }
0x4e: {  	_ =	swait.ge [sflag:s28], $0x80  }
0x4f: {  	p2 =	seq.s32 s9, $0x0;
	[sflag:s28] =	ssyncset.done $0x0  }
0x50: {  	s8 =	simm.s32 @!p2 $0x8;
	[sflag:s28] =	ssyncadd.s32 $0xFFFFFF80  }
0x51: {  	_ =	swait.ge @!p2 [sflag:s8], $0x4000  }
0x52: {  	[sflag:s8] =	ssyncset.done @!p2 $0x0  }
0x53: {  	[sflag:s8] =	ssyncadd.s32 @!p2 $0xFFFFC000  }
0x54: {  	[tilespmem:s29], [sflag:$0x2] =	stream.indirect.gather [hbm4b:s5+s24], $0x80, s24, s24, $0xb8;
	[tilespmem:$0x1C400] =	vst v63  }
0x55: {  	_ =	swait.ge [sflag:s30], $0x4000  }
0x56: {  	[sflag:s30] =	ssyncset.done $0x0  }
0x57: {  	s18 =	sadd.s32 s9, s12;
	[sflag:s30] =	ssyncadd.s32 $0xFFFFC000  }
0x58: {  	[spmem:s1] =	stream.indirect.scatter.add.f32 [tilespmem:s25], [sflag:$0x7], $0x80, s22, s24, $0xb8;
	[tilespmem:$0x1C400] =	vst v63  }
0x59: {  	s19 =	sadd.s32 $0x20, s18  }
0x5a: {  	[tilespmem:s31], [sflag:$0x5] =	stream.linear.gather [hbm4b:s19+s2], $0x80, $0x38;
	[tilespmem:$0x1C400] =	vst v63  }
0x5b: {  	s19 =	sadd.s32 s9, s13  }
0x5c: {  	s8 =	sadd.s32 $0x20, s19  }
0x5d: {  	[tilespmem:s0], [sflag:$0x5] =	stream.linear.gather [hbm4b:s8+s2], $0x80, $0x38;
	[tilespmem:$0x1C400] =	vst v63  }
0x5e: {  	_ =	swait.ge [sflag:s6], $0x80  }
0x5f: {  	[sflag:s6] =	ssyncset.done $0x0  }
0x60: {  	[sflag:s6] =	ssyncadd.s32 $0xFFFFFF80  }
0x61: {  	_ =	swait.ge [sflag:s6], $0x80  }
0x62: {  	[sflag:s6] =	ssyncset.done $0x0  }
0x63: {  	[sflag:s6] =	ssyncadd.s32 $0xFFFFFF80  }
0x64: {  	_ =	swait.ge [sflag:s7], $0x4000  }
0x65: {  	[sflag:s7] =	ssyncset.done $0x0  }
0x66: {  	[sflag:s7] =	ssyncadd.s32 $0xFFFFC000  }
0x67: {  	[tilespmem:s25], [sflag:$0x1] =	stream.indirect.gather [hbm4b:s5+s24], $0x80, s31, s24, $0xb8;
	[tilespmem:$0x1C400] =	vst v63  }
0x68: {  	_ =	swait.ge [sflag:s10], $0x4000  }
0x69: {  	[sflag:s10] =	ssyncset.done $0x0  }
0x6a: {  	[sflag:s10] =	ssyncadd.s32 $0xFFFFC000  }
0x6b: {  	[spmem:s1] =	stream.indirect.scatter.add.f32 [tilespmem:s29], [sflag:$0x8], $0x80, s26, s24, $0xb8;
	[tilespmem:$0x1C400] =	vst v63  }
0x6c: {  	s8 =	sadd.s32 $0x30, s18  }
0x6d: {  	[tilespmem:s11], [sflag:$0x6] =	stream.linear.gather [hbm4b:s8+s2], $0x80, $0x38;
	[tilespmem:$0x1C400] =	vst v63  }
0x6e: {  	s8 =	sadd.s32 $0x30, s19  }
0x6f: {  	[tilespmem:s16], [sflag:$0x6] =	stream.linear.gather [hbm4b:s8+s2], $0x80, $0x38;
	[tilespmem:$0x1C400] =	vst v63  }
0x70: {  	_ =	swait.ge [sflag:s17], $0x80  }
0x71: {  	[sflag:s17] =	ssyncset.done $0x0  }
0x72: {  	[sflag:s17] =	ssyncadd.s32 $0xFFFFFF80  }
0x73: {  	_ =	swait.ge [sflag:s17], $0x80  }
0x74: {  	[sflag:s17] =	ssyncset.done $0x0  }
0x75: {  	[sflag:s17] =	ssyncadd.s32 $0xFFFFFF80  }
0x76: {  	_ =	swait.ge [sflag:s4], $0x4000  }
0x77: {  	[sflag:s4] =	ssyncset.done $0x0  }
0x78: {  	p2 =	seq.s32 s9, $0x9C0;
	[sflag:s4] =	ssyncadd.s32 $0xFFFFC000  }
0x79: {  	[tilespmem:s29], [sflag:$0x2] =	stream.indirect.gather [hbm4b:s5+s24], $0x80, s11, s24, $0xb8;
	[tilespmem:$0x1C400] =	vst v63  }
.Ltmp3:
0x7a: {  	_ = 	snop;
	(pc) =	sbr.rel @p2 .LBB2_8-.Ltmp3, $4  }
0x7b: {  	_ =	swait.ge [sflag:s30], $0x4000  }
0x7c: {  	[sflag:s30] =	ssyncset.done $0x0  }
0x7d: {  	[sflag:s30] =	ssyncadd.s32 $0xFFFFC000  }
0x7e: {  	[spmem:s1] =	stream.indirect.scatter.add.f32 [tilespmem:s25], [sflag:$0x7], $0x80, s0, s24, $0xb8;
	[tilespmem:$0x1C400] =	vst v63  }
0x7f: {  	s8 =	sadd.s32 $0x40, s18  }
0x80: {  	[tilespmem:s2], [sflag:$0x3] =	stream.linear.gather [hbm4b:s8+s2], $0x80, $0x38;
	[tilespmem:$0x1C400] =	vst v63  }
0x81: {  	s8 =	sadd.s32 $0x40, s19  }
0x82: {  	[tilespmem:s22], [sflag:$0x3] =	stream.linear.gather [hbm4b:s8+s2], $0x80, $0x38;
	[tilespmem:$0x1C400] =	vst v63  }
0x83: {  	_ =	swait.ge [sflag:s23], $0x80  }
0x84: {  	[sflag:s23] =	ssyncset.done $0x0  }
0x85: {  	[sflag:s23] =	ssyncadd.s32 $0xFFFFFF80  }
0x86: {  	_ =	swait.ge [sflag:s23], $0x80  }
0x87: {  	[sflag:s23] =	ssyncset.done $0x0  }
0x88: {  	[sflag:s23] =	ssyncadd.s32 $0xFFFFFF80  }
0x89: {  	_ =	swait.ge [sflag:s7], $0x4000  }
0x8a: {  	[sflag:s7] =	ssyncset.done $0x0  }
0x8b: {  	[sflag:s7] =	ssyncadd.s32 $0xFFFFC000  }
0x8c: {  	[tilespmem:s25], [sflag:$0x1] =	stream.indirect.gather [hbm4b:s5+s24], $0x80, s2, s24, $0xb8;
	[tilespmem:$0x1C400] =	vst v63  }
0x8d: {  	_ =	swait.ge [sflag:s10], $0x4000  }
0x8e: {  	[sflag:s10] =	ssyncset.done $0x0  }
0x8f: {  	[sflag:s10] =	ssyncadd.s32 $0xFFFFC000  }
0x90: {  	[spmem:s1] =	stream.indirect.scatter.add.f32 [tilespmem:s29], [sflag:$0x8], $0x80, s16, s24, $0xb8;
	[tilespmem:$0x1C400] =	vst v63  }
.Ltmp4:
0x91: {  	_ = 	snop;
	(pc) =	sbr.rel .LBB2_7-.Ltmp4, $4  }
0x92: {  	s18 =	sadd.s32 $0x50, s18  }
0x93: {  	[tilespmem:s24], [sflag:$0x4] =	stream.linear.gather [hbm4b:s18+s2], $0x80, $0x38;
	[tilespmem:$0x1C400] =	vst v63  }
0x94: {  	s9 =	sadd.s32 $0x40, s9;
	s19 =	sadd.s32 $0x50, s19  }
0x95: {  	[tilespmem:s26], [sflag:$0x4] =	stream.linear.gather [hbm4b:s19+s2], $0x80, $0x38;
	[tilespmem:$0x1C400] =	vst v63  }
.LBB2_2:
0x96: {  	s8 =	rddreg [dreg:$0x7]  }
0x97: {  	s9 =	simm.s32 @p1 $0x1FC9;
	s18 =	rddreg [dreg:$0xd]  }
0x98: {  	[spmem:s18], [sflag:s9] =	dma.local @p1 [hbm:s8], $0x1900  }
0x99: {  	s9 =	simm.s32 @p1 $0x9  }
0x9a: {  	_ =	swait.ge @p1 [sflag:s9], $0x1900  }
0x9b: {  	[sflag:s9] =	ssyncset.done @p1 $0x0;
	s8 =	rddreg [dreg:$0x6]  }
0x9c: {  	[sflag:s9] =	ssyncadd.s32 @p1 $0xFFFFE700;
	s9 =	rddreg [dreg:$0xe]  }
0x9d: {  	[spmem:s21], [sflag:s9] =	dma.local @!p1 [hbm:s8], $0x2800  }
0x9e: {  	s9 =	simm.s32 @!p1 $0x9  }
0x9f: {  	_ =	swait.ge @!p1 [sflag:s9], $0x2800  }
0xa0: {  	[sflag:s9] =	ssyncset.done @!p1 $0x0  }
0xa1: {  	[sflag:s9] =	ssyncadd.s32 @!p1 $0xFFFFD800  }
0xa2: {  	s9 =	simm.s32 $0x0;
	[bflag:$0x0] =	sbarrier.arrive $0xFFFF  }
0xa3: {  	[tilespmem:s9], [sflag:$0x3] =	stream.linear.gather [hbm4b:s12+s9], $0x80, $0x38;
	[tilespmem:$0x1C400] =	vst v63  }
0xa4: {  	_ = 	snop  }
0xa5: {  	[tilespmem:s22], [sflag:$0x3] =	stream.linear.gather [hbm4b:s13+s9], $0x80, $0x38;
	[tilespmem:$0x1C400] =	vst v63  }
0xa6: {  	_ =	swait.ge [sflag:s23], $0x80  }
0xa7: {  	[sflag:s23] =	ssyncset.done $0x0  }
0xa8: {  	[sflag:s23] =	ssyncadd.s32 $0xFFFFFF80  }
0xa9: {  	_ =	swait.ge [sflag:s23], $0x80  }
0xaa: {  	[sflag:s23] =	ssyncset.done $0x0  }
0xab: {  	[sflag:s23] =	ssyncadd.s32 $0xFFFFFF80  }
0xac: {  	[tilespmem:s25], [sflag:$0x1] =	stream.indirect.gather [hbm4b:s3+s24], $0x80, s9, s24, $0xb8;
	[tilespmem:$0x1C400] =	vst v63  }
0xad: {  	s18 =	rddreg [dreg:$0x8]  }
0xae: {  	[tilespmem:s24], [sflag:$0x4] =	stream.linear.gather [hbm4b:s18+s9], $0x80, $0x38;
	[tilespmem:$0x1C400] =	vst v63  }
0xaf: {  	s19 =	rddreg [dreg:$0x9]  }
0xb0: {  	[tilespmem:s26], [sflag:$0x4] =	stream.linear.gather [hbm4b:s19+s9], $0x80, $0x38;
	[tilespmem:$0x1C400] =	vst v63  }
.LBB2_3:
0xb1: {  	_ =	swait.ge [sflag:s28], $0x80  }
0xb2: {  	[sflag:s28] =	ssyncset.done $0x0  }
0xb3: {  	[sflag:s28] =	ssyncadd.s32 $0xFFFFFF80  }
0xb4: {  	_ =	swait.ge [sflag:s28], $0x80  }
0xb5: {  	p2 =	seq.s32 s9, $0x0;
	[sflag:s28] =	ssyncset.done $0x0  }
0xb6: {  	s18 =	simm.s32 @!p2 $0x8;
	[sflag:s28] =	ssyncadd.s32 $0xFFFFFF80  }
0xb7: {  	_ =	swait.ge @!p2 [sflag:s18], $0x4000  }
0xb8: {  	[sflag:s18] =	ssyncset.done @!p2 $0x0  }
0xb9: {  	[sflag:s18] =	ssyncadd.s32 @!p2 $0xFFFFC000  }
0xba: {  	[tilespmem:s29], [sflag:$0x2] =	stream.indirect.gather [hbm4b:s3+s24], $0x80, s24, s24, $0xb8;
	[tilespmem:$0x1C400] =	vst v63  }
0xbb: {  	_ =	swait.ge [sflag:s30], $0x4000  }
0xbc: {  	[sflag:s30] =	ssyncset.done $0x0  }
0xbd: {  	s18 =	sadd.s32 s9, s12;
	[sflag:s30] =	ssyncadd.s32 $0xFFFFC000  }
0xbe: {  	[spmem:s1] =	stream.indirect.scatter.add.f32 [tilespmem:s25], [sflag:$0x7], $0x80, s22, s24, $0xb8;
	[tilespmem:$0x1C400] =	vst v63  }
0xbf: {  	s19 =	sadd.s32 $0x20, s18  }
0xc0: {  	[tilespmem:s31], [sflag:$0x5] =	stream.linear.gather [hbm4b:s19+s2], $0x80, $0x38;
	[tilespmem:$0x1C400] =	vst v63  }
0xc1: {  	s19 =	sadd.s32 s9, s13  }
0xc2: {  	s8 =	sadd.s32 $0x20, s19  }
0xc3: {  	[tilespmem:s0], [sflag:$0x5] =	stream.linear.gather [hbm4b:s8+s2], $0x80, $0x38;
	[tilespmem:$0x1C400] =	vst v63  }
0xc4: {  	_ =	swait.ge [sflag:s6], $0x80  }
0xc5: {  	[sflag:s6] =	ssyncset.done $0x0  }
0xc6: {  	[sflag:s6] =	ssyncadd.s32 $0xFFFFFF80  }
0xc7: {  	_ =	swait.ge [sflag:s6], $0x80  }
0xc8: {  	[sflag:s6] =	ssyncset.done $0x0  }
0xc9: {  	[sflag:s6] =	ssyncadd.s32 $0xFFFFFF80  }
0xca: {  	_ =	swait.ge [sflag:s7], $0x4000  }
0xcb: {  	[sflag:s7] =	ssyncset.done $0x0  }
0xcc: {  	[sflag:s7] =	ssyncadd.s32 $0xFFFFC000  }
0xcd: {  	[tilespmem:s25], [sflag:$0x1] =	stream.indirect.gather [hbm4b:s3+s24], $0x80, s31, s24, $0xb8;
	[tilespmem:$0x1C400] =	vst v63  }
0xce: {  	_ =	swait.ge [sflag:s10], $0x4000  }
0xcf: {  	[sflag:s10] =	ssyncset.done $0x0  }
0xd0: {  	[sflag:s10] =	ssyncadd.s32 $0xFFFFC000  }
0xd1: {  	[spmem:s1] =	stream.indirect.scatter.add.f32 [tilespmem:s29], [sflag:$0x8], $0x80, s26, s24, $0xb8;
	[tilespmem:$0x1C400] =	vst v63  }
0xd2: {  	s8 =	sadd.s32 $0x30, s18  }
0xd3: {  	[tilespmem:s11], [sflag:$0x6] =	stream.linear.gather [hbm4b:s8+s2], $0x80, $0x38;
	[tilespmem:$0x1C400] =	vst v63  }
0xd4: {  	s8 =	sadd.s32 $0x30, s19  }
0xd5: {  	[tilespmem:s16], [sflag:$0x6] =	stream.linear.gather [hbm4b:s8+s2], $0x80, $0x38;
	[tilespmem:$0x1C400] =	vst v63  }
0xd6: {  	_ =	swait.ge [sflag:s17], $0x80  }
0xd7: {  	[sflag:s17] =	ssyncset.done $0x0  }
0xd8: {  	[sflag:s17] =	ssyncadd.s32 $0xFFFFFF80  }
0xd9: {  	_ =	swait.ge [sflag:s17], $0x80  }
0xda: {  	[sflag:s17] =	ssyncset.done $0x0  }
0xdb: {  	[sflag:s17] =	ssyncadd.s32 $0xFFFFFF80  }
0xdc: {  	_ =	swait.ge [sflag:s4], $0x4000  }
0xdd: {  	[sflag:s4] =	ssyncset.done $0x0  }
0xde: {  	p2 =	seq.s32 s9, $0x9C0;
	[sflag:s4] =	ssyncadd.s32 $0xFFFFC000  }
0xdf: {  	[tilespmem:s29], [sflag:$0x2] =	stream.indirect.gather [hbm4b:s3+s24], $0x80, s11, s24, $0xb8;
	[tilespmem:$0x1C400] =	vst v63  }
.Ltmp5:
0xe0: {  	_ = 	snop;
	(pc) =	sbr.rel @p2 .LBB2_4-.Ltmp5, $4  }
0xe1: {  	_ =	swait.ge [sflag:s30], $0x4000  }
0xe2: {  	[sflag:s30] =	ssyncset.done $0x0  }
0xe3: {  	[sflag:s30] =	ssyncadd.s32 $0xFFFFC000  }
0xe4: {  	[spmem:s1] =	stream.indirect.scatter.add.f32 [tilespmem:s25], [sflag:$0x7], $0x80, s0, s24, $0xb8;
	[tilespmem:$0x1C400] =	vst v63  }
0xe5: {  	s8 =	sadd.s32 $0x40, s18  }
0xe6: {  	[tilespmem:s2], [sflag:$0x3] =	stream.linear.gather [hbm4b:s8+s2], $0x80, $0x38;
	[tilespmem:$0x1C400] =	vst v63  }
0xe7: {  	s8 =	sadd.s32 $0x40, s19  }
0xe8: {  	[tilespmem:s22], [sflag:$0x3] =	stream.linear.gather [hbm4b:s8+s2], $0x80, $0x38;
	[tilespmem:$0x1C400] =	vst v63  }
0xe9: {  	_ =	swait.ge [sflag:s23], $0x80  }
0xea: {  	[sflag:s23] =	ssyncset.done $0x0  }
0xeb: {  	[sflag:s23] =	ssyncadd.s32 $0xFFFFFF80  }
0xec: {  	_ =	swait.ge [sflag:s23], $0x80  }
0xed: {  	[sflag:s23] =	ssyncset.done $0x0  }
0xee: {  	[sflag:s23] =	ssyncadd.s32 $0xFFFFFF80  }
0xef: {  	_ =	swait.ge [sflag:s7], $0x4000  }
0xf0: {  	[sflag:s7] =	ssyncset.done $0x0  }
0xf1: {  	[sflag:s7] =	ssyncadd.s32 $0xFFFFC000  }
0xf2: {  	[tilespmem:s25], [sflag:$0x1] =	stream.indirect.gather [hbm4b:s3+s24], $0x80, s2, s24, $0xb8;
	[tilespmem:$0x1C400] =	vst v63  }
0xf3: {  	_ =	swait.ge [sflag:s10], $0x4000  }
0xf4: {  	[sflag:s10] =	ssyncset.done $0x0  }
0xf5: {  	[sflag:s10] =	ssyncadd.s32 $0xFFFFC000  }
0xf6: {  	[spmem:s1] =	stream.indirect.scatter.add.f32 [tilespmem:s29], [sflag:$0x8], $0x80, s16, s24, $0xb8;
	[tilespmem:$0x1C400] =	vst v63  }
.Ltmp6:
0xf7: {  	_ = 	snop;
	(pc) =	sbr.rel .LBB2_3-.Ltmp6, $4  }
0xf8: {  	s18 =	sadd.s32 $0x50, s18  }
0xf9: {  	[tilespmem:s24], [sflag:$0x4] =	stream.linear.gather [hbm4b:s18+s2], $0x80, $0x38;
	[tilespmem:$0x1C400] =	vst v63  }
0xfa: {  	s9 =	sadd.s32 $0x40, s9;
	s19 =	sadd.s32 $0x50, s19  }
0xfb: {  	[tilespmem:s26], [sflag:$0x4] =	stream.linear.gather [hbm4b:s19+s2], $0x80, $0x38;
	[tilespmem:$0x1C400] =	vst v63  }
.LBB2_4:
.Ltmp7:
0xfc: {  	(pc) =	sbr.rel .LBB2_9-.Ltmp7, $2  }
0xfd: {  	_ =	sdelay $0x2  }
0xfe: {  	s9 =	rddreg [dreg:$0x3]  }
.LBB2_10:
0xff: {  	_ =	sfence.sel $0x180000  }
0x100: {  	[bflag:$0x0] =	sbarrier.arrive $0xFFFF  }
0x101: {  	_ =	strace $0x9000004A  }
0x102: {  	s0 =	stileid.u32;
	[bflag:$0x2] =	sbarrier.arrive $0xFFFF  }
0x103: {  	p0 =	sne.s32 s0, $0x0;
	s0 =	rddreg [dreg:$0x2]  }
0x104: {  	s0 =	sadd.s32 @!p0 $0x100000, s0  }
0x105: {  	[sflag:s0] =	ssyncadd.tile.s32 @!p0 $0x1;
	_ =	shalt  }
.Lfunc_end2:
_tile_overlayer_lowered:
.L_overlay_start_2:
0x106: {  	(tag) =	ssettag $0x2  }
0x107: {  	s0 =	rddreg [dreg:$0x0];
	s2 =	stileid.u32  }
0x108: {  	s1 =	rddreg [dreg:$0x1];
	p0 =	sne.s32 s2, $0x0  }
0x109: {  	s3 =	rddreg [dreg:$0x2];
	[bflag:$0x3] =	sbarrier.arrive $0xFFFF;
	s2 =	simm.s32 @!p0 $0x1C09  }
0x10a: {  	[timem:s3], [sflag:s2] =	dma.local @!p0 [hbm:s0], s1  }
0x10b: {  	s0 =	simm.s32 @!p0 $0x9  }
0x10c: {  	_ =	swait.ge @!p0 [sflag:s0], s1  }
0x10d: {  	s1 =	ssub.s32 @!p0 $0x0, s1;
	[sflag:s0] =	ssyncset.done @!p0 $0x0  }
0x10e: {  	[sflag:s0] =	ssyncadd.s32 @!p0 s1  }
0x10f: {  	[bflag:$0x3] =	sbarrier.arrive $0xFFFF  }
0x110: {  	_ =	shalt  }

// kernel: kernel.19.cloned.1.call-start
scs
__scs_entry_jumppad:
0x0: {  	(pc) =	sbr.rel $0x88, $3  }
0x1: {  	(tag) =	ssettag $0x0;
	lr =	simm.s32 $0x1  }
0x2: {  	[smem:$0x3F90] =	sst lr;
	_ =	strace $0xD0000000  }
0x3: {  	_ = 	snop  }
0x4: {  	_ = 	snop  }
0x5: {  	_ = 	snop  }
0x6: {  	_ = 	snop  }
0x7: {  	_ = 	snop  }
__scs_overlays_trampoline_lowered:
0x8: {  	[smem:$0x3F9F] =	sst s0  }
0x9: {  	[smem:$0x3FA0] =	sst s1  }
0xa: {  	[smem:$0x3FA1] =	sst s2  }
0xb: {  	[smem:$0x3FA2] =	sst s3  }
0xc: {  	[smem:$0x3FA3] =	sst s4  }
0xd: {  	[smem:$0x3FA4] =	sst s5  }
0xe: {  	[smem:$0x3FA5] =	sst s6  }
0xf: {  	[smem:$0x3FA6] =	sst s7  }
0x10: {  	[smem:$0x3FA7] =	sst s8  }
0x11: {  	[smem:$0x3FA8] =	sst s9;
	s0 =	simm.s32 @!p0 $0x0  }
0x12: {  	s1 =	sld [smem:$0x3F8E];
	s0 =	simm.s32 @p0 $0x1  }
0x13: {  	[smem:$0x3FA9] =	sst s0;
	s0 =	simm.s32 @!p1 $0x0  }
0x14: {  	s2 =	sld [smem:$0x3F8D];
	s0 =	simm.s32 @p1 $0x1  }
0x15: {  	[smem:$0x3FAA] =	sst s0;
	s0 =	simm.s32 @!p2 $0x0  }
0x16: {  	s3 =	sld [smem:$0x3FDB];
	s0 =	simm.s32 @p2 $0x1  }
0x17: {  	s4 =	simm.s32 $0x1BF5;
	[smem:$0x3FAC] =	sst s0  }
0x18: {  	s0 =	sld [smem:$0x3F8F];
	_ =	swait.ge [sflag:s4], $0x0  }
0x19: {  	s7 =	sld [smem:$0x3F90]  }
0x1a: {  	s8 =	sadd.s32 $0xFFFFE003, lr  }
0x1b: {  	s9 =	sadd.s32 $0xFFFFFEF7, lr;
	s5 =	simm.s32 $0xFFFFFFFF;
	p2 =	slt.u32 s8, $0xFFFFF086  }
0x1c: {  	p1 =	slt.u32 s9, $0xF7A;
	s5 =	simm.s32 @!p2 $0x0  }
0x1d: {  	s5 =	simm.s32 @p1 $0x1;
	p0 =	seq.s32 s7, s2  }
0x1e: {  	s7 =	smul.u32 @!p0 $0xF7A, s2;
	p2 =	seq.s32 @!p0 s5, $0x0  }
0x1f: {  	s9 =	smul.u32 $0xF7A, s1;
	s8 =	simm.s32 @!p0 $0x1BF5;
	p2 =	por !p2, p0  }
0x20: {  	[sflag:s8] =	ssyncset.s32 @!p0 $0xFFFFF086;
	s6 =	sadd.s32 @!p0 s3, s7;
	s7 =	simm.s32 @!p0 $0x108  }
0x21: {  	s3 =	sadd.s32 s3, s9;
	s6 =	sadd.s32 @!p0 $0x88, s6;
	s7 =	simm.s32 @p2 $0x1082  }
0x22: {  	[simem:s7], [sflag:s8] =	dma.local @!p0 [hbm:s6], $0xF7A  }
0x23: {  	s9 =	sor.u32 $0xD0000000, s2;
	s6 =	simm.s32 $0x108;
	_ =	swait.ge @!p0 [sflag:s8], $0x0  }
0x24: {  	s3 =	sadd.s32 $0x88, s3;
	s6 =	simm.s32 @!p1 $0x1082;
	[sflag:s4] =	ssyncset.s32 $0xFFFFF086  }
0x25: {  	[simem:s6], [sflag:s4] =	dma.local [hbm:s3], $0xF7A  }
0x26: {  	[smem:$0x3F90] =	sst s1;
	(tag) =	ssettag s2;
	_ =	strace s9  }
0x27: {  	s1 =	sld [smem:$0x3FA0]  }
0x28: {  	s2 =	sld [smem:$0x3FA1]  }
0x29: {  	s4 =	sld [smem:$0x3FA3]  }
0x2a: {  	p0 =	seq.s32 s5, $0x0;
	s5 =	sld [smem:$0x3FA4]  }
0x2b: {  	s6 =	sld [smem:$0x3FA5]  }
0x2c: {  	s7 =	sld [smem:$0x3FA6]  }
0x2d: {  	s3 =	simm.s32 $0x108;
	s8 =	sld [smem:$0x3FA7]  }
0x2e: {  	s3 =	simm.s32 @!p0 $0x1082;
	s9 =	sld [smem:$0x3FA8]  }
0x2f: {  	lr =	sadd.s32 s0, s3;
	s0 =	sld [smem:$0x3F9F]  }
0x30: {  	s3 =	sld [smem:$0x3FA2]  }
0x31: {  	[smem:$0x3FAB] =	sst s10  }
0x32: {  	s10 =	sld [smem:$0x3FA9];
	_ =	sdelay $0x3  }
0x33: {  	p0 =	seq.s32 s10, $0x1;
	s10 =	sld [smem:$0x3FAB];
	_ =	sdelay $0x3  }
0x34: {  	[smem:$0x3FAB] =	sst s10  }
0x35: {  	s10 =	sld [smem:$0x3FAA];
	_ =	sdelay $0x3  }
0x36: {  	p1 =	seq.s32 s10, $0x1;
	s10 =	sld [smem:$0x3FAB];
	_ =	sdelay $0x3  }
0x37: {  	[smem:$0x3FAB] =	sst s10  }
0x38: {  	s10 =	sld [smem:$0x3FAC]  }
0x39: {  	_ = 	snop;
	(pc) =	sbr.ind lr, $3  }
0x3a: {  	_ = 	snop  }
0x3b: {  	_ = 	snop  }
0x3c: {  	p2 =	seq.s32 s10, $0x1;
	s10 =	sld [smem:$0x3FAB]  }
0x3d: {  	_ =	shalt  }
0x3e: {  	_ =	shalt  }
0x3f: {  	_ =	shalt  }
0x40: {  	_ =	shalt  }
0x41: {  	_ =	shalt  }
0x42: {  	_ =	shalt  }
0x43: {  	_ =	shalt  }
0x44: {  	_ =	shalt  }
0x45: {  	_ =	shalt  }
0x46: {  	_ =	shalt  }
0x47: {  	_ =	shalt  }
0x48: {  	_ =	shalt  }
0x49: {  	_ =	shalt  }
0x4a: {  	_ =	shalt  }
0x4b: {  	_ =	shalt  }
0x4c: {  	_ =	shalt  }
0x4d: {  	_ =	shalt  }
0x4e: {  	_ =	shalt  }
0x4f: {  	_ =	shalt  }
0x50: {  	_ =	shalt  }
0x51: {  	_ =	shalt  }
0x52: {  	_ =	shalt  }
0x53: {  	_ =	shalt  }
0x54: {  	_ =	shalt  }
0x55: {  	_ =	shalt  }
0x56: {  	_ =	shalt  }
0x57: {  	_ =	shalt  }
0x58: {  	_ =	shalt  }
0x59: {  	_ =	shalt  }
0x5a: {  	_ =	shalt  }
0x5b: {  	_ =	shalt  }
0x5c: {  	_ =	shalt  }
0x5d: {  	_ =	shalt  }
0x5e: {  	_ =	shalt  }
0x5f: {  	_ =	shalt  }
0x60: {  	_ =	shalt  }
0x61: {  	_ =	shalt  }
0x62: {  	_ =	shalt  }
0x63: {  	_ =	shalt  }
0x64: {  	_ =	shalt  }
0x65: {  	_ =	shalt  }
0x66: {  	_ =	shalt  }
0x67: {  	_ =	shalt  }
0x68: {  	_ =	shalt  }
0x69: {  	_ =	shalt  }
0x6a: {  	_ =	shalt  }
0x6b: {  	_ =	shalt  }
0x6c: {  	_ =	shalt  }
0x6d: {  	_ =	shalt  }
0x6e: {  	_ =	shalt  }
0x6f: {  	_ =	shalt  }
0x70: {  	_ =	shalt  }
0x71: {  	_ =	shalt  }
0x72: {  	_ =	shalt  }
0x73: {  	_ =	shalt  }
0x74: {  	_ =	shalt  }
0x75: {  	_ =	shalt  }
0x76: {  	_ =	shalt  }
0x77: {  	_ =	shalt  }
0x78: {  	_ =	shalt  }
0x79: {  	_ =	shalt  }
0x7a: {  	_ =	shalt  }
0x7b: {  	_ =	shalt  }
0x7c: {  	_ =	shalt  }
0x7d: {  	_ =	shalt  }
0x7e: {  	_ =	shalt  }
0x7f: {  	_ =	shalt  }
0x80: {  	_ =	shalt  }
0x81: {  	_ =	shalt  }
0x82: {  	_ =	shalt  }
0x83: {  	_ =	shalt  }
0x84: {  	_ =	shalt  }
0x85: {  	_ =	shalt  }
0x86: {  	_ =	shalt  }
0x87: {  	_ =	shalt  }
.Lfunc_end0:
.L_simem_size_0:
called_computation.2_lowered:
.L_overlay_start_0:
0x88: {  	s2 =	sld [smem:$0x3FD9]  }
0x89: {  	s3 =	sld [smem:$0x3FFE];
	_ =	sdelay $0x1  }
0x8a: {  	s1 =	srdreg.scid  }
0x8b: {  	s0 =	sand.u32 $0x1, s1  }
0x8c: {  	s16 =	sshll.u32 s0, $0xA;
	s2 =	sadd.s32 s3, s2  }
0x8d: {  	s2 =	sadd.s32 s2, s16  }
0x8e: {  	[smem:$0x3FB7] =	sst s2  }
0x8f: {  	_ = 	snop  }
0x90: {  	(tm) =	ssettm $0x1  }
0x91: {  	s17 =	sld [smem:$0x3FFB];
	_ =	sdelay $0x3  }
0x92: {  	_ =	strace s17  }
0x93: {  	s2 =	sld [smem:$0x3FFC];
	_ =	sdelay $0x3  }
0x94: {  	_ =	strace s2  }
0x95: {  	s2 =	sld [smem:$0x3FFD];
	_ =	sdelay $0x3  }
0x96: {  	_ =	strace s2  }
0x97: {  	_ =	strace $0x8FFFFFFF  }
0x98: {  	s18 =	sld [smem:$0x3FDB];
	_ =	sdelay $0x1  }
0x99: {  	s19 =	simm.s32 $_scs_section_size  }
0x9a: {  	s4 =	simm.s32 $_size__tile_overlayer_lowered;
	s5 =	simm.s32 $_tile_overlayer_lowered  }
0x9b: {  	s22 =	simm.s32 $0x1BFF;
	s21 =	sshll.u32 s5, $0x1;
	s2 =	sadd.s32 s19, s18  }
0x9c: {  	s6 =	simm.s32 $0x0;
	s20 =	sshll.u32 s4, $0x1;
	s4 =	sadd.s32 s21, s2  }
0x9d: {  	[timem:s6], [sflag:s22] =	dma.local [hbm:s4], s20  }
0x9e: {  	_ =	swait.ge [sflag:s22], s20  }
0x9f: {  	s3 =	ssub.s32 $0x0, s20;
	[sflag:s22] =	ssyncset.done $0x0  }
0xa0: {  	[sflag:s22] =	ssyncadd.s32 s3;
	_ =	sdelay $0x1  }
0xa1: {  	s23 =	simm.s32 $0x1B8B  }
0xa2: {  	_ =	swait.ge [sflag:s23], $0x1  }
0xa3: {  	[sflag:s23] =	ssyncset.done $0x0  }
0xa4: {  	s25 =	simm.s32 $0x1B8E;
	s24 =	sld [smem:$0x3FFE];
	[sflag:s23] =	ssyncadd.s32 $0xFFFFFFFF  }
0xa5: {  	s26 =	simm.s32 $execute0_lowered;
	[smem:$0x3FD2] =	sst s25  }
0xa6: {  	s4 =	sshll.u32 s26, $0x1;
	_ =	strace $0x8000004C;
	[dreg:$0x1] =	wrdreg $0xFFFFFFFF  }
0xa7: {  	s28 =	simm.s32 $_size_execute0_lowered;
	s2 =	sadd.s32 s2, s4;
	[dreg:$0x0] =	wrdreg $0x0  }
0xa8: {  	s4 =	sshll.u32 s28, $0x1;
	[dreg:$0x2] =	wrdreg s2  }
0xa9: {  	[dreg:$0x3] =	wrdreg s4  }
0xaa: {  	[dreg:$0x4] =	wrdreg $0xC0  }
0xab: {  	_ =	task [dreg:s6], $0x5FFFF  }
0xac: {  	[dreg:$0x1] =	wrdreg $0xFFFFFFFF  }
0xad: {  	[dreg:$0x0] =	wrdreg $0x60  }
0xae: {  	[dreg:$0x2] =	wrdreg s24  }
0xaf: {  	[dreg:$0x3] =	wrdreg $0x84000  }
0xb0: {  	[dreg:$0x4] =	wrdreg $0x9  }
0xb1: {  	_ =	task.clear_ibuf [dreg:s6], $0x5FFFF;
	_ =	strace $0x9000004C  }
0xb2: {  	s29 =	simm.s32 $0x9;
	_ =	strace $0x8000004E  }
0xb3: {  	_ =	swait.ge [sflag:s29], $0x1  }
0xb4: {  	[sflag:s29] =	ssyncadd.s32 $0xFFFFFFFF  }
0xb5: {  	_ =	strace $0x9000004E  }
0xb6: {  	_ =	sfence  }
0xb7: {  	s30 =	sld [smem:$0x0];
	_ =	sdelay $0x2  }
0xb8: {  	s31 =	sshll.u32 s1, $0xD;
	s1 =	sshrl.u32 s1, $0x2  }
0xb9: {  	s3 =	sand.u32 $0x4000, s31;
	s1 =	sadd.s32 s1, s30  }
0xba: {  	s0 =	sor.u32 s3, s0;
	s1 =	sshll.u32 s1, $0x11  }
0xbb: {  	s0 =	sor.u32 s1, s0  }
0xbc: {  	s0 =	sadd.s32 $0x8F2B, s0  }
0xbd: {  	[sflag:s0] =	ssyncadd.remote.s32 $0x1  }
0xbe: {  	_ =	sfence.sel $0xFFFF  }
0xbf: {  	[dreg:$0x0] =	wrdreg $0xFFFFFFFF;
	(pc) =	sbr.abs _section_cstart, $3  }
0xc0: {  	[dreg:$0x1] =	wrdreg $0xFFFFFFFF  }
0xc1: {  	_ =	task.clear_ibuf [dreg:s6], $0x2FFFF;
	_ =	strace $0x9FFFFFFF  }
0xc2: {  	(tm) =	ssettm $0x7FFFFFFF  }
0xc3: {  	_ =	shalt  }
tec
execute0_lowered:
.L_overlay_start_1:
0x0: {  	(tag) =	ssettag $0x1  }
0x1: {  	s0 =	rddreg [dreg:$0x0]  }
0x2: {  	s1 =	rddreg [dreg:$0x1];
	s2 =	simm.s32 $0x0  }
0x3: {  	s4 =	srdreg.scid;
	s14 =	stileid.u32;
	s28 =	simm.s32 $0x4  }
0x4: {  	s29 =	simm.s32 $0x4400;
	s30 =	simm.s32 $0x1;
	s31 =	simm.s32 $0x100  }
0x5: {  	s16 =	simm.s32 $0x380;
	[smem:$0x7FF] =	sst s2;
	s3 =	sadd.s32 $0x6A200, s0  }
0x6: {  	s5 =	sadd.s32 $0x91400, s0;
	s6 =	sadd.s32 $0x60200, s0;
	s10 =	smul.u32 $0x50000, s14  }
0x7: {  	s4 =	sand.u32 $0x1, s4;
	s7 =	sadd.s32 $0x6200, s0;
	s18 =	smul.u32 $0x2800, s14  }
0x8: {  	s9 =	sadd.s32 $0xB8600, s0;
	s11 =	sadd.s32 $0xE0600, s0;
	s20 =	smul.u32 $0xA00, s14  }
0x9: {  	s22 =	sadd.s32 $0x8FA00, s0;
	_ =	strace $0x8000004D;
	[dreg:$0x3] =	wrdreg s9  }
0xa: {  	s0 =	sadd.s32 $0xB6C00, s0;
	p1 =	seq.s32 s14, $0xF;
	[dreg:$0x4] =	wrdreg s11  }
0xb: {  	s8 =	ssub.s32 $0x2, s4;
	p0 =	seq.s32 s4, $0x1;
	[dreg:$0x7] =	wrdreg s22  }
0xc: {  	s4 =	sadd.s32 $0x12C000, s1;
	[dreg:$0xb] =	wrdreg s0;
	s22 =	simm.s32 $0x200  }
0xd: {  	s11 =	simm.s32 $0x180;
	s17 =	sshrl.u32 s8, $0x1;
	s19 =	sshrl.u32 s10, $0x2  }
0xe: {  	s21 =	sadd.s32 s3, s18;
	s12 =	sadd.s32 s6, s20;
	s23 =	sor.u32 $0x10, s20  }
0xf: {  	s13 =	sadd.s32 s7, s20;
	[dreg:$0x5] =	wrdreg s18;
	s25 =	sadd.s32 s5, s18  }
0x10: {  	s0 =	sshrl.u32 @p1 s4, $0x3;
	s10 =	simm.s32 $0x2;
	s4 =	simm.s32 $0x8  }
0x11: {  	s9 =	ssub.s32 s8, s17;
	s15 =	sadd.s32 s19, s1;
	[dreg:$0x6] =	wrdreg s21  }
0x12: {  	s6 =	sadd.s32 s6, s23;
	s24 =	sadd.s32 s7, s23;
	[dreg:$0xa] =	wrdreg s25  }
0x13: {  	[dreg:$0xd] =	wrdreg s0;
	s0 =	sshll.u32 @!p1 s14, $0x6;
	s23 =	simm.s32 $0x3  }
0x14: {  	s25 =	simm.s32 $0x400;
	s7 =	simm.s32 $0x7;
	s17 =	simm.s32 $0x6  }
.Ltmp0:
0x15: {  	s14 =	simm.s32 $0x9;
	[dreg:$0x8] =	wrdreg s6;
	(pc) =	sbr.rel .LBB2_1-.Ltmp0, $4  }
0x16: {  	[dreg:$0x9] =	wrdreg s24;
	s26 =	smax.u32 s9, $0x1;
	s0 =	sor.u32 @!p1 $0x1C09, s0  }
0x17: {  	s20 =	smov.u32 s15;
	s21 =	sshrl.u32 @!p1 s15, $0x3;
	s24 =	simm.s32 $0x80  }
0x18: {  	s6 =	simm.s32 $0x5;
	s15 =	simm.s32 $0x0;
	[dreg:$0xc] =	wrdreg s26  }
0x19: {  	[dreg:$0xe] =	wrdreg s0;
	s26 =	simm.s32 $0x280;
	s0 =	simm.s32 $0x300  }
.LBB2_8:
0x1a: {  	s9 =	rddreg [dreg:$0x4]  }
.LBB2_9:
0x1b: {  	_ =	swait.ge [sflag:s10], $0x4000  }
0x1c: {  	[sflag:s10] =	ssyncset.done $0x0  }
0x1d: {  	[sflag:s10] =	ssyncadd.s32 $0xFFFFC000  }
0x1e: {  	[spmem:s1] =	stream.indirect.scatter.add.f32 [tilespmem:s29], [sflag:$0x8], $0x80, s16, s24, $0xb8;
	[tilespmem:$0x1C400] =	vst v63  }
0x1f: {  	_ =	swait.ge [sflag:s7], $0x4000  }
0x20: {  	[sflag:s7] =	ssyncset.done $0x0  }
0x21: {  	[sflag:s7] =	ssyncadd.s32 $0xFFFFC000  }
0x22: {  	_ =	swait.ge [sflag:s4], $0x4000  }
0x23: {  	s18 =	stileid.u32;
	[sflag:s4] =	ssyncset.done $0x0;
	s8 =	rddreg [dreg:$0x5]  }
0x24: {  	s8 =	sadd.s32 s9, s8;
	[sflag:s4] =	ssyncadd.s32 $0xFFFFC000;
	s9 =	sshll.u32 s18, $0x6  }
0x25: {  	s18 =	sshrl.u32 s20, $0x3;
	[bflag:$0x0] =	sbarrier.arrive $0xFFFF;
	s9 =	sor.u32 $0x1C09, s9  }
0x26: {  	[hbm:s8], [sflag:s9] =	dma.local [spmem:s18], $0x2800  }
0x27: {  	_ =	swait.ge [sflag:s14], $0x2800  }
0x28: {  	s15 =	sadd.s32 $0x1, s15;
	s19 =	rddreg [dreg:$0xc]  }
0x29: {  	p2 =	sne.s32 s15, s19  }
.Ltmp1:
0x2a: {  	_ = 	snop;
	(pc) =	sbr.rel @!p2 .LBB2_10-.Ltmp1, $3  }
0x2b: {  	_ =	sdelay $0x1  }
0x2c: {  	[sflag:s14] =	ssyncset.done $0x0  }
0x2d: {  	[sflag:s14] =	ssyncadd.s32 $0xFFFFD800  }
.LBB2_1:
.Ltmp2:
0x2e: {  	(pc) =	sbr.rel @!p0 .LBB2_2-.Ltmp2, $1  }
0x2f: {  	_ =	sdelay $0x3  }
0x30: {  	s9 =	rddreg [dreg:$0xb]  }
0x31: {  	s8 =	simm.s32 @p1 $0x1FC9;
	s18 =	rddreg [dreg:$0xd]  }
0x32: {  	[spmem:s18], [sflag:s8] =	dma.local @p1 [hbm:s9], $0x1900  }
0x33: {  	s8 =	simm.s32 @p1 $0x9  }
0x34: {  	_ =	swait.ge @p1 [sflag:s8], $0x1900  }
0x35: {  	[sflag:s8] =	ssyncset.done @p1 $0x0;
	s9 =	rddreg [dreg:$0xe]  }
0x36: {  	[sflag:s8] =	ssyncadd.s32 @p1 $0xFFFFE700;
	s8 =	rddreg [dreg:$0xa]  }
0x37: {  	[spmem:s21], [sflag:s9] =	dma.local @!p1 [hbm:s8], $0x2800  }
0x38: {  	s8 =	simm.s32 @!p1 $0x9  }
0x39: {  	_ =	swait.ge @!p1 [sflag:s8], $0x2800  }
0x3a: {  	[sflag:s8] =	ssyncset.done @!p1 $0x0  }
0x3b: {  	[sflag:s8] =	ssyncadd.s32 @!p1 $0xFFFFD800  }
0x3c: {  	s9 =	simm.s32 $0x0;
	[bflag:$0x0] =	sbarrier.arrive $0xFFFF  }
0x3d: {  	[tilespmem:s9], [sflag:$0x3] =	stream.linear.gather [hbm4b:s12+s9], $0x80, $0x38;
	[tilespmem:$0x1C400] =	vst v63  }
0x3e: {  	_ = 	snop  }
0x3f: {  	[tilespmem:s22], [sflag:$0x3] =	stream.linear.gather [hbm4b:s13+s9], $0x80, $0x38;
	[tilespmem:$0x1C400] =	vst v63  }
0x40: {  	_ =	swait.ge [sflag:s23], $0x80  }
0x41: {  	[sflag:s23] =	ssyncset.done $0x0  }
0x42: {  	[sflag:s23] =	ssyncadd.s32 $0xFFFFFF80  }
0x43: {  	_ =	swait.ge [sflag:s23], $0x80  }
0x44: {  	[sflag:s23] =	ssyncset.done $0x0  }
0x45: {  	[sflag:s23] =	ssyncadd.s32 $0xFFFFFF80  }
0x46: {  	[tilespmem:s25], [sflag:$0x1] =	stream.indirect.gather [hbm4b:s5+s24], $0x80, s9, s24, $0xb8;
	[tilespmem:$0x1C400] =	vst v63  }
0x47: {  	s18 =	rddreg [dreg:$0x8]  }
0x48: {  	[tilespmem:s24], [sflag:$0x4] =	stream.linear.gather [hbm4b:s18+s9], $0x80, $0x38;
	[tilespmem:$0x1C400] =	vst v63  }
0x49: {  	s19 =	rddreg [dreg:$0x9]  }
0x4a: {  	[tilespmem:s26], [sflag:$0x4] =	stream.linear.gather [hbm4b:s19+s9], $0x80, $0x38;
	[tilespmem:$0x1C400] =	vst v63  }
.LBB2_7:
0x4b: {  	_ =	swait.ge [sflag:s28], $0x80  }
0x4c: {  	[sflag:s28] =	ssyncset.done $0x0  }
0x4d: {  	[sflag:s28] =	ssyncadd.s32 $0xFFFFFF80  }
0x4e: {  	_ =	swait.ge [sflag:s28], $0x80  }
0x4f: {  	p2 =	seq.s32 s9, $0x0;
	[sflag:s28] =	ssyncset.done $0x0  }
0x50: {  	s8 =	simm.s32 @!p2 $0x8;
	[sflag:s28] =	ssyncadd.s32 $0xFFFFFF80  }
0x51: {  	_ =	swait.ge @!p2 [sflag:s8], $0x4000  }
0x52: {  	[sflag:s8] =	ssyncset.done @!p2 $0x0  }
0x53: {  	[sflag:s8] =	ssyncadd.s32 @!p2 $0xFFFFC000  }
0x54: {  	[tilespmem:s29], [sflag:$0x2] =	stream.indirect.gather [hbm4b:s5+s24], $0x80, s24, s24, $0xb8;
	[tilespmem:$0x1C400] =	vst v63  }
0x55: {  	_ =	swait.ge [sflag:s30], $0x4000  }
0x56: {  	[sflag:s30] =	ssyncset.done $0x0  }
0x57: {  	s18 =	sadd.s32 s9, s12;
	[sflag:s30] =	ssyncadd.s32 $0xFFFFC000  }
0x58: {  	[spmem:s1] =	stream.indirect.scatter.add.f32 [tilespmem:s25], [sflag:$0x7], $0x80, s22, s24, $0xb8;
	[tilespmem:$0x1C400] =	vst v63  }
0x59: {  	s19 =	sadd.s32 $0x20, s18  }
0x5a: {  	[tilespmem:s31], [sflag:$0x5] =	stream.linear.gather [hbm4b:s19+s2], $0x80, $0x38;
	[tilespmem:$0x1C400] =	vst v63  }
0x5b: {  	s19 =	sadd.s32 s9, s13  }
0x5c: {  	s8 =	sadd.s32 $0x20, s19  }
0x5d: {  	[tilespmem:s0], [sflag:$0x5] =	stream.linear.gather [hbm4b:s8+s2], $0x80, $0x38;
	[tilespmem:$0x1C400] =	vst v63  }
0x5e: {  	_ =	swait.ge [sflag:s6], $0x80  }
0x5f: {  	[sflag:s6] =	ssyncset.done $0x0  }
0x60: {  	[sflag:s6] =	ssyncadd.s32 $0xFFFFFF80  }
0x61: {  	_ =	swait.ge [sflag:s6], $0x80  }
0x62: {  	[sflag:s6] =	ssyncset.done $0x0  }
0x63: {  	[sflag:s6] =	ssyncadd.s32 $0xFFFFFF80  }
0x64: {  	_ =	swait.ge [sflag:s7], $0x4000  }
0x65: {  	[sflag:s7] =	ssyncset.done $0x0  }
0x66: {  	[sflag:s7] =	ssyncadd.s32 $0xFFFFC000  }
0x67: {  	[tilespmem:s25], [sflag:$0x1] =	stream.indirect.gather [hbm4b:s5+s24], $0x80, s31, s24, $0xb8;
	[tilespmem:$0x1C400] =	vst v63  }
0x68: {  	_ =	swait.ge [sflag:s10], $0x4000  }
0x69: {  	[sflag:s10] =	ssyncset.done $0x0  }
0x6a: {  	[sflag:s10] =	ssyncadd.s32 $0xFFFFC000  }
0x6b: {  	[spmem:s1] =	stream.indirect.scatter.add.f32 [tilespmem:s29], [sflag:$0x8], $0x80, s26, s24, $0xb8;
	[tilespmem:$0x1C400] =	vst v63  }
0x6c: {  	s8 =	sadd.s32 $0x30, s18  }
0x6d: {  	[tilespmem:s11], [sflag:$0x6] =	stream.linear.gather [hbm4b:s8+s2], $0x80, $0x38;
	[tilespmem:$0x1C400] =	vst v63  }
0x6e: {  	s8 =	sadd.s32 $0x30, s19  }
0x6f: {  	[tilespmem:s16], [sflag:$0x6] =	stream.linear.gather [hbm4b:s8+s2], $0x80, $0x38;
	[tilespmem:$0x1C400] =	vst v63  }
0x70: {  	_ =	swait.ge [sflag:s17], $0x80  }
0x71: {  	[sflag:s17] =	ssyncset.done $0x0  }
0x72: {  	[sflag:s17] =	ssyncadd.s32 $0xFFFFFF80  }
0x73: {  	_ =	swait.ge [sflag:s17], $0x80  }
0x74: {  	[sflag:s17] =	ssyncset.done $0x0  }
0x75: {  	[sflag:s17] =	ssyncadd.s32 $0xFFFFFF80  }
0x76: {  	_ =	swait.ge [sflag:s4], $0x4000  }
0x77: {  	[sflag:s4] =	ssyncset.done $0x0  }
0x78: {  	p2 =	seq.s32 s9, $0x9C0;
	[sflag:s4] =	ssyncadd.s32 $0xFFFFC000  }
0x79: {  	[tilespmem:s29], [sflag:$0x2] =	stream.indirect.gather [hbm4b:s5+s24], $0x80, s11, s24, $0xb8;
	[tilespmem:$0x1C400] =	vst v63  }
.Ltmp3:
0x7a: {  	_ = 	snop;
	(pc) =	sbr.rel @p2 .LBB2_8-.Ltmp3, $4  }
0x7b: {  	_ =	swait.ge [sflag:s30], $0x4000  }
0x7c: {  	[sflag:s30] =	ssyncset.done $0x0  }
0x7d: {  	[sflag:s30] =	ssyncadd.s32 $0xFFFFC000  }
0x7e: {  	[spmem:s1] =	stream.indirect.scatter.add.f32 [tilespmem:s25], [sflag:$0x7], $0x80, s0, s24, $0xb8;
	[tilespmem:$0x1C400] =	vst v63  }
0x7f: {  	s8 =	sadd.s32 $0x40, s18  }
0x80: {  	[tilespmem:s2], [sflag:$0x3] =	stream.linear.gather [hbm4b:s8+s2], $0x80, $0x38;
	[tilespmem:$0x1C400] =	vst v63  }
0x81: {  	s8 =	sadd.s32 $0x40, s19  }
0x82: {  	[tilespmem:s22], [sflag:$0x3] =	stream.linear.gather [hbm4b:s8+s2], $0x80, $0x38;
	[tilespmem:$0x1C400] =	vst v63  }
0x83: {  	_ =	swait.ge [sflag:s23], $0x80  }
0x84: {  	[sflag:s23] =	ssyncset.done $0x0  }
0x85: {  	[sflag:s23] =	ssyncadd.s32 $0xFFFFFF80  }
0x86: {  	_ =	swait.ge [sflag:s23], $0x80  }
0x87: {  	[sflag:s23] =	ssyncset.done $0x0  }
0x88: {  	[sflag:s23] =	ssyncadd.s32 $0xFFFFFF80  }
0x89: {  	_ =	swait.ge [sflag:s7], $0x4000  }
0x8a: {  	[sflag:s7] =	ssyncset.done $0x0  }
0x8b: {  	[sflag:s7] =	ssyncadd.s32 $0xFFFFC000  }
0x8c: {  	[tilespmem:s25], [sflag:$0x1] =	stream.indirect.gather [hbm4b:s5+s24], $0x80, s2, s24, $0xb8;
	[tilespmem:$0x1C400] =	vst v63  }
0x8d: {  	_ =	swait.ge [sflag:s10], $0x4000  }
0x8e: {  	[sflag:s10] =	ssyncset.done $0x0  }
0x8f: {  	[sflag:s10] =	ssyncadd.s32 $0xFFFFC000  }
0x90: {  	[spmem:s1] =	stream.indirect.scatter.add.f32 [tilespmem:s29], [sflag:$0x8], $0x80, s16, s24, $0xb8;
	[tilespmem:$0x1C400] =	vst v63  }
.Ltmp4:
0x91: {  	_ = 	snop;
	(pc) =	sbr.rel .LBB2_7-.Ltmp4, $4  }
0x92: {  	s18 =	sadd.s32 $0x50, s18  }
0x93: {  	[tilespmem:s24], [sflag:$0x4] =	stream.linear.gather [hbm4b:s18+s2], $0x80, $0x38;
	[tilespmem:$0x1C400] =	vst v63  }
0x94: {  	s9 =	sadd.s32 $0x40, s9;
	s19 =	sadd.s32 $0x50, s19  }
0x95: {  	[tilespmem:s26], [sflag:$0x4] =	stream.linear.gather [hbm4b:s19+s2], $0x80, $0x38;
	[tilespmem:$0x1C400] =	vst v63  }
.LBB2_2:
0x96: {  	s8 =	rddreg [dreg:$0x7]  }
0x97: {  	s9 =	simm.s32 @p1 $0x1FC9;
	s18 =	rddreg [dreg:$0xd]  }
0x98: {  	[spmem:s18], [sflag:s9] =	dma.local @p1 [hbm:s8], $0x1900  }
0x99: {  	s9 =	simm.s32 @p1 $0x9  }
0x9a: {  	_ =	swait.ge @p1 [sflag:s9], $0x1900  }
0x9b: {  	[sflag:s9] =	ssyncset.done @p1 $0x0;
	s8 =	rddreg [dreg:$0x6]  }
0x9c: {  	[sflag:s9] =	ssyncadd.s32 @p1 $0xFFFFE700;
	s9 =	rddreg [dreg:$0xe]  }
0x9d: {  	[spmem:s21], [sflag:s9] =	dma.local @!p1 [hbm:s8], $0x2800  }
0x9e: {  	s9 =	simm.s32 @!p1 $0x9  }
0x9f: {  	_ =	swait.ge @!p1 [sflag:s9], $0x2800  }
0xa0: {  	[sflag:s9] =	ssyncset.done @!p1 $0x0  }
0xa1: {  	[sflag:s9] =	ssyncadd.s32 @!p1 $0xFFFFD800  }
0xa2: {  	s9 =	simm.s32 $0x0;
	[bflag:$0x0] =	sbarrier.arrive $0xFFFF  }
0xa3: {  	[tilespmem:s9], [sflag:$0x3] =	stream.linear.gather [hbm4b:s12+s9], $0x80, $0x38;
	[tilespmem:$0x1C400] =	vst v63  }
0xa4: {  	_ = 	snop  }
0xa5: {  	[tilespmem:s22], [sflag:$0x3] =	stream.linear.gather [hbm4b:s13+s9], $0x80, $0x38;
	[tilespmem:$0x1C400] =	vst v63  }
0xa6: {  	_ =	swait.ge [sflag:s23], $0x80  }
0xa7: {  	[sflag:s23] =	ssyncset.done $0x0  }
0xa8: {  	[sflag:s23] =	ssyncadd.s32 $0xFFFFFF80  }
0xa9: {  	_ =	swait.ge [sflag:s23], $0x80  }
0xaa: {  	[sflag:s23] =	ssyncset.done $0x0  }
0xab: {  	[sflag:s23] =	ssyncadd.s32 $0xFFFFFF80  }
0xac: {  	[tilespmem:s25], [sflag:$0x1] =	stream.indirect.gather [hbm4b:s3+s24], $0x80, s9, s24, $0xb8;
	[tilespmem:$0x1C400] =	vst v63  }
0xad: {  	s18 =	rddreg [dreg:$0x8]  }
0xae: {  	[tilespmem:s24], [sflag:$0x4] =	stream.linear.gather [hbm4b:s18+s9], $0x80, $0x38;
	[tilespmem:$0x1C400] =	vst v63  }
0xaf: {  	s19 =	rddreg [dreg:$0x9]  }
0xb0: {  	[tilespmem:s26], [sflag:$0x4] =	stream.linear.gather [hbm4b:s19+s9], $0x80, $0x38;
	[tilespmem:$0x1C400] =	vst v63  }
.LBB2_3:
0xb1: {  	_ =	swait.ge [sflag:s28], $0x80  }
0xb2: {  	[sflag:s28] =	ssyncset.done $0x0  }
0xb3: {  	[sflag:s28] =	ssyncadd.s32 $0xFFFFFF80  }
0xb4: {  	_ =	swait.ge [sflag:s28], $0x80  }
0xb5: {  	p2 =	seq.s32 s9, $0x0;
	[sflag:s28] =	ssyncset.done $0x0  }
0xb6: {  	s18 =	simm.s32 @!p2 $0x8;
	[sflag:s28] =	ssyncadd.s32 $0xFFFFFF80  }
0xb7: {  	_ =	swait.ge @!p2 [sflag:s18], $0x4000  }
0xb8: {  	[sflag:s18] =	ssyncset.done @!p2 $0x0  }
0xb9: {  	[sflag:s18] =	ssyncadd.s32 @!p2 $0xFFFFC000  }
0xba: {  	[tilespmem:s29], [sflag:$0x2] =	stream.indirect.gather [hbm4b:s3+s24], $0x80, s24, s24, $0xb8;
	[tilespmem:$0x1C400] =	vst v63  }
0xbb: {  	_ =	swait.ge [sflag:s30], $0x4000  }
0xbc: {  	[sflag:s30] =	ssyncset.done $0x0  }
0xbd: {  	s18 =	sadd.s32 s9, s12;
	[sflag:s30] =	ssyncadd.s32 $0xFFFFC000  }
0xbe: {  	[spmem:s1] =	stream.indirect.scatter.add.f32 [tilespmem:s25], [sflag:$0x7], $0x80, s22, s24, $0xb8;
	[tilespmem:$0x1C400] =	vst v63  }
0xbf: {  	s19 =	sadd.s32 $0x20, s18  }
0xc0: {  	[tilespmem:s31], [sflag:$0x5] =	stream.linear.gather [hbm4b:s19+s2], $0x80, $0x38;
	[tilespmem:$0x1C400] =	vst v63  }
0xc1: {  	s19 =	sadd.s32 s9, s13  }
0xc2: {  	s8 =	sadd.s32 $0x20, s19  }
0xc3: {  	[tilespmem:s0], [sflag:$0x5] =	stream.linear.gather [hbm4b:s8+s2], $0x80, $0x38;
	[tilespmem:$0x1C400] =	vst v63  }
0xc4: {  	_ =	swait.ge [sflag:s6], $0x80  }
0xc5: {  	[sflag:s6] =	ssyncset.done $0x0  }
0xc6: {  	[sflag:s6] =	ssyncadd.s32 $0xFFFFFF80  }
0xc7: {  	_ =	swait.ge [sflag:s6], $0x80  }
0xc8: {  	[sflag:s6] =	ssyncset.done $0x0  }
0xc9: {  	[sflag:s6] =	ssyncadd.s32 $0xFFFFFF80  }
0xca: {  	_ =	swait.ge [sflag:s7], $0x4000  }
0xcb: {  	[sflag:s7] =	ssyncset.done $0x0  }
0xcc: {  	[sflag:s7] =	ssyncadd.s32 $0xFFFFC000  }
0xcd: {  	[tilespmem:s25], [sflag:$0x1] =	stream.indirect.gather [hbm4b:s3+s24], $0x80, s31, s24, $0xb8;
	[tilespmem:$0x1C400] =	vst v63  }
0xce: {  	_ =	swait.ge [sflag:s10], $0x4000  }
0xcf: {  	[sflag:s10] =	ssyncset.done $0x0  }
0xd0: {  	[sflag:s10] =	ssyncadd.s32 $0xFFFFC000  }
0xd1: {  	[spmem:s1] =	stream.indirect.scatter.add.f32 [tilespmem:s29], [sflag:$0x8], $0x80, s26, s24, $0xb8;
	[tilespmem:$0x1C400] =	vst v63  }
0xd2: {  	s8 =	sadd.s32 $0x30, s18  }
0xd3: {  	[tilespmem:s11], [sflag:$0x6] =	stream.linear.gather [hbm4b:s8+s2], $0x80, $0x38;
	[tilespmem:$0x1C400] =	vst v63  }
0xd4: {  	s8 =	sadd.s32 $0x30, s19  }
0xd5: {  	[tilespmem:s16], [sflag:$0x6] =	stream.linear.gather [hbm4b:s8+s2], $0x80, $0x38;
	[tilespmem:$0x1C400] =	vst v63  }
0xd6: {  	_ =	swait.ge [sflag:s17], $0x80  }
0xd7: {  	[sflag:s17] =	ssyncset.done $0x0  }
0xd8: {  	[sflag:s17] =	ssyncadd.s32 $0xFFFFFF80  }
0xd9: {  	_ =	swait.ge [sflag:s17], $0x80  }
0xda: {  	[sflag:s17] =	ssyncset.done $0x0  }
0xdb: {  	[sflag:s17] =	ssyncadd.s32 $0xFFFFFF80  }
0xdc: {  	_ =	swait.ge [sflag:s4], $0x4000  }
0xdd: {  	[sflag:s4] =	ssyncset.done $0x0  }
0xde: {  	p2 =	seq.s32 s9, $0x9C0;
	[sflag:s4] =	ssyncadd.s32 $0xFFFFC000  }
0xdf: {  	[tilespmem:s29], [sflag:$0x2] =	stream.indirect.gather [hbm4b:s3+s24], $0x80, s11, s24, $0xb8;
	[tilespmem:$0x1C400] =	vst v63  }
.Ltmp5:
0xe0: {  	_ = 	snop;
	(pc) =	sbr.rel @p2 .LBB2_4-.Ltmp5, $4  }
0xe1: {  	_ =	swait.ge [sflag:s30], $0x4000  }
0xe2: {  	[sflag:s30] =	ssyncset.done $0x0  }
0xe3: {  	[sflag:s30] =	ssyncadd.s32 $0xFFFFC000  }
0xe4: {  	[spmem:s1] =	stream.indirect.scatter.add.f32 [tilespmem:s25], [sflag:$0x7], $0x80, s0, s24, $0xb8;
	[tilespmem:$0x1C400] =	vst v63  }
0xe5: {  	s8 =	sadd.s32 $0x40, s18  }
0xe6: {  	[tilespmem:s2], [sflag:$0x3] =	stream.linear.gather [hbm4b:s8+s2], $0x80, $0x38;
	[tilespmem:$0x1C400] =	vst v63  }
0xe7: {  	s8 =	sadd.s32 $0x40, s19  }
0xe8: {  	[tilespmem:s22], [sflag:$0x3] =	stream.linear.gather [hbm4b:s8+s2], $0x80, $0x38;
	[tilespmem:$0x1C400] =	vst v63  }
0xe9: {  	_ =	swait.ge [sflag:s23], $0x80  }
0xea: {  	[sflag:s23] =	ssyncset.done $0x0  }
0xeb: {  	[sflag:s23] =	ssyncadd.s32 $0xFFFFFF80  }
0xec: {  	_ =	swait.ge [sflag:s23], $0x80  }
0xed: {  	[sflag:s23] =	ssyncset.done $0x0  }
0xee: {  	[sflag:s23] =	ssyncadd.s32 $0xFFFFFF80  }
0xef: {  	_ =	swait.ge [sflag:s7], $0x4000  }
0xf0: {  	[sflag:s7] =	ssyncset.done $0x0  }
0xf1: {  	[sflag:s7] =	ssyncadd.s32 $0xFFFFC000  }
0xf2: {  	[tilespmem:s25], [sflag:$0x1] =	stream.indirect.gather [hbm4b:s3+s24], $0x80, s2, s24, $0xb8;
	[tilespmem:$0x1C400] =	vst v63  }
0xf3: {  	_ =	swait.ge [sflag:s10], $0x4000  }
0xf4: {  	[sflag:s10] =	ssyncset.done $0x0  }
0xf5: {  	[sflag:s10] =	ssyncadd.s32 $0xFFFFC000  }
0xf6: {  	[spmem:s1] =	stream.indirect.scatter.add.f32 [tilespmem:s29], [sflag:$0x8], $0x80, s16, s24, $0xb8;
	[tilespmem:$0x1C400] =	vst v63  }
.Ltmp6:
0xf7: {  	_ = 	snop;
	(pc) =	sbr.rel .LBB2_3-.Ltmp6, $4  }
0xf8: {  	s18 =	sadd.s32 $0x50, s18  }
0xf9: {  	[tilespmem:s24], [sflag:$0x4] =	stream.linear.gather [hbm4b:s18+s2], $0x80, $0x38;
	[tilespmem:$0x1C400] =	vst v63  }
0xfa: {  	s9 =	sadd.s32 $0x40, s9;
	s19 =	sadd.s32 $0x50, s19  }
0xfb: {  	[tilespmem:s26], [sflag:$0x4] =	stream.linear.gather [hbm4b:s19+s2], $0x80, $0x38;
	[tilespmem:$0x1C400] =	vst v63  }
.LBB2_4:
.Ltmp7:
0xfc: {  	(pc) =	sbr.rel .LBB2_9-.Ltmp7, $2  }
0xfd: {  	_ =	sdelay $0x2  }
0xfe: {  	s9 =	rddreg [dreg:$0x3]  }
.LBB2_10:
0xff: {  	_ =	sfence.sel $0x180000  }
0x100: {  	[bflag:$0x0] =	sbarrier.arrive $0xFFFF  }
0x101: {  	_ =	strace $0x9000004D  }
0x102: {  	s0 =	stileid.u32;
	[bflag:$0x2] =	sbarrier.arrive $0xFFFF  }
0x103: {  	p0 =	sne.s32 s0, $0x0;
	s0 =	rddreg [dreg:$0x2]  }
0x104: {  	s0 =	sadd.s32 @!p0 $0x100000, s0  }
0x105: {  	[sflag:s0] =	ssyncadd.tile.s32 @!p0 $0x1;
	_ =	shalt  }
.Lfunc_end2:
_tile_overlayer_lowered:
.L_overlay_start_2:
0x106: {  	(tag) =	ssettag $0x2  }
0x107: {  	s0 =	rddreg [dreg:$0x0];
	s2 =	stileid.u32  }
0x108: {  	s1 =	rddreg [dreg:$0x1];
	p0 =	sne.s32 s2, $0x0  }
0x109: {  	s3 =	rddreg [dreg:$0x2];
	[bflag:$0x3] =	sbarrier.arrive $0xFFFF;
	s2 =	simm.s32 @!p0 $0x1C09  }
0x10a: {  	[timem:s3], [sflag:s2] =	dma.local @!p0 [hbm:s0], s1  }
0x10b: {  	s0 =	simm.s32 @!p0 $0x9  }
0x10c: {  	_ =	swait.ge @!p0 [sflag:s0], s1  }
0x10d: {  	s1 =	ssub.s32 @!p0 $0x0, s1;
	[sflag:s0] =	ssyncset.done @!p0 $0x0  }
0x10e: {  	[sflag:s0] =	ssyncadd.s32 @!p0 s1  }
0x10f: {  	[bflag:$0x3] =	sbarrier.arrive $0xFFFF  }
0x110: {  	_ =	shalt  }

// kernel: kernel.22.cloned.1.call-start
scs
__scs_entry_jumppad:
0x0: {  	(pc) =	sbr.rel $0x88, $3  }
0x1: {  	(tag) =	ssettag $0x0;
	lr =	simm.s32 $0x1  }
0x2: {  	[smem:$0x3F90] =	sst lr;
	_ =	strace $0xD0000000  }
0x3: {  	_ = 	snop  }
0x4: {  	_ = 	snop  }
0x5: {  	_ = 	snop  }
0x6: {  	_ = 	snop  }
0x7: {  	_ = 	snop  }
__scs_overlays_trampoline_lowered:
0x8: {  	[smem:$0x3F9F] =	sst s0  }
0x9: {  	[smem:$0x3FA0] =	sst s1  }
0xa: {  	[smem:$0x3FA1] =	sst s2  }
0xb: {  	[smem:$0x3FA2] =	sst s3  }
0xc: {  	[smem:$0x3FA3] =	sst s4  }
0xd: {  	[smem:$0x3FA4] =	sst s5  }
0xe: {  	[smem:$0x3FA5] =	sst s6  }
0xf: {  	[smem:$0x3FA6] =	sst s7  }
0x10: {  	[smem:$0x3FA7] =	sst s8  }
0x11: {  	[smem:$0x3FA8] =	sst s9;
	s0 =	simm.s32 @!p0 $0x0  }
0x12: {  	s1 =	sld [smem:$0x3F8E];
	s0 =	simm.s32 @p0 $0x1  }
0x13: {  	[smem:$0x3FA9] =	sst s0;
	s0 =	simm.s32 @!p1 $0x0  }
0x14: {  	s2 =	sld [smem:$0x3F8D];
	s0 =	simm.s32 @p1 $0x1  }
0x15: {  	[smem:$0x3FAA] =	sst s0;
	s0 =	simm.s32 @!p2 $0x0  }
0x16: {  	s3 =	sld [smem:$0x3FDB];
	s0 =	simm.s32 @p2 $0x1  }
0x17: {  	s4 =	simm.s32 $0x1BF5;
	[smem:$0x3FAC] =	sst s0  }
0x18: {  	s0 =	sld [smem:$0x3F8F];
	_ =	swait.ge [sflag:s4], $0x0  }
0x19: {  	s7 =	sld [smem:$0x3F90]  }
0x1a: {  	s8 =	sadd.s32 $0xFFFFE003, lr  }
0x1b: {  	s9 =	sadd.s32 $0xFFFFFEF7, lr;
	s5 =	simm.s32 $0xFFFFFFFF;
	p2 =	slt.u32 s8, $0xFFFFF086  }
0x1c: {  	p1 =	slt.u32 s9, $0xF7A;
	s5 =	simm.s32 @!p2 $0x0  }
0x1d: {  	s5 =	simm.s32 @p1 $0x1;
	p0 =	seq.s32 s7, s2  }
0x1e: {  	s7 =	smul.u32 @!p0 $0xF7A, s2;
	p2 =	seq.s32 @!p0 s5, $0x0  }
0x1f: {  	s9 =	smul.u32 $0xF7A, s1;
	s8 =	simm.s32 @!p0 $0x1BF5;
	p2 =	por !p2, p0  }
0x20: {  	[sflag:s8] =	ssyncset.s32 @!p0 $0xFFFFF086;
	s6 =	sadd.s32 @!p0 s3, s7;
	s7 =	simm.s32 @!p0 $0x108  }
0x21: {  	s3 =	sadd.s32 s3, s9;
	s6 =	sadd.s32 @!p0 $0x88, s6;
	s7 =	simm.s32 @p2 $0x1082  }
0x22: {  	[simem:s7], [sflag:s8] =	dma.local @!p0 [hbm:s6], $0xF7A  }
0x23: {  	s9 =	sor.u32 $0xD0000000, s2;
	s6 =	simm.s32 $0x108;
	_ =	swait.ge @!p0 [sflag:s8], $0x0  }
0x24: {  	s3 =	sadd.s32 $0x88, s3;
	s6 =	simm.s32 @!p1 $0x1082;
	[sflag:s4] =	ssyncset.s32 $0xFFFFF086  }
0x25: {  	[simem:s6], [sflag:s4] =	dma.local [hbm:s3], $0xF7A  }
0x26: {  	[smem:$0x3F90] =	sst s1;
	(tag) =	ssettag s2;
	_ =	strace s9  }
0x27: {  	s1 =	sld [smem:$0x3FA0]  }
0x28: {  	s2 =	sld [smem:$0x3FA1]  }
0x29: {  	s4 =	sld [smem:$0x3FA3]  }
0x2a: {  	p0 =	seq.s32 s5, $0x0;
	s5 =	sld [smem:$0x3FA4]  }
0x2b: {  	s6 =	sld [smem:$0x3FA5]  }
0x2c: {  	s7 =	sld [smem:$0x3FA6]  }
0x2d: {  	s3 =	simm.s32 $0x108;
	s8 =	sld [smem:$0x3FA7]  }
0x2e: {  	s3 =	simm.s32 @!p0 $0x1082;
	s9 =	sld [smem:$0x3FA8]  }
0x2f: {  	lr =	sadd.s32 s0, s3;
	s0 =	sld [smem:$0x3F9F]  }
0x30: {  	s3 =	sld [smem:$0x3FA2]  }
0x31: {  	[smem:$0x3FAB] =	sst s10  }
0x32: {  	s10 =	sld [smem:$0x3FA9];
	_ =	sdelay $0x3  }
0x33: {  	p0 =	seq.s32 s10, $0x1;
	s10 =	sld [smem:$0x3FAB];
	_ =	sdelay $0x3  }
0x34: {  	[smem:$0x3FAB] =	sst s10  }
0x35: {  	s10 =	sld [smem:$0x3FAA];
	_ =	sdelay $0x3  }
0x36: {  	p1 =	seq.s32 s10, $0x1;
	s10 =	sld [smem:$0x3FAB];
	_ =	sdelay $0x3  }
0x37: {  	[smem:$0x3FAB] =	sst s10  }
0x38: {  	s10 =	sld [smem:$0x3FAC]  }
0x39: {  	_ = 	snop;
	(pc) =	sbr.ind lr, $3  }
0x3a: {  	_ = 	snop  }
0x3b: {  	_ = 	snop  }
0x3c: {  	p2 =	seq.s32 s10, $0x1;
	s10 =	sld [smem:$0x3FAB]  }
0x3d: {  	_ =	shalt  }
0x3e: {  	_ =	shalt  }
0x3f: {  	_ =	shalt  }
0x40: {  	_ =	shalt  }
0x41: {  	_ =	shalt  }
0x42: {  	_ =	shalt  }
0x43: {  	_ =	shalt  }
0x44: {  	_ =	shalt  }
0x45: {  	_ =	shalt  }
0x46: {  	_ =	shalt  }
0x47: {  	_ =	shalt  }
0x48: {  	_ =	shalt  }
0x49: {  	_ =	shalt  }
0x4a: {  	_ =	shalt  }
0x4b: {  	_ =	shalt  }
0x4c: {  	_ =	shalt  }
0x4d: {  	_ =	shalt  }
0x4e: {  	_ =	shalt  }
0x4f: {  	_ =	shalt  }
0x50: {  	_ =	shalt  }
0x51: {  	_ =	shalt  }
0x52: {  	_ =	shalt  }
0x53: {  	_ =	shalt  }
0x54: {  	_ =	shalt  }
0x55: {  	_ =	shalt  }
0x56: {  	_ =	shalt  }
0x57: {  	_ =	shalt  }
0x58: {  	_ =	shalt  }
0x59: {  	_ =	shalt  }
0x5a: {  	_ =	shalt  }
0x5b: {  	_ =	shalt  }
0x5c: {  	_ =	shalt  }
0x5d: {  	_ =	shalt  }
0x5e: {  	_ =	shalt  }
0x5f: {  	_ =	shalt  }
0x60: {  	_ =	shalt  }
0x61: {  	_ =	shalt  }
0x62: {  	_ =	shalt  }
0x63: {  	_ =	shalt  }
0x64: {  	_ =	shalt  }
0x65: {  	_ =	shalt  }
0x66: {  	_ =	shalt  }
0x67: {  	_ =	shalt  }
0x68: {  	_ =	shalt  }
0x69: {  	_ =	shalt  }
0x6a: {  	_ =	shalt  }
0x6b: {  	_ =	shalt  }
0x6c: {  	_ =	shalt  }
0x6d: {  	_ =	shalt  }
0x6e: {  	_ =	shalt  }
0x6f: {  	_ =	shalt  }
0x70: {  	_ =	shalt  }
0x71: {  	_ =	shalt  }
0x72: {  	_ =	shalt  }
0x73: {  	_ =	shalt  }
0x74: {  	_ =	shalt  }
0x75: {  	_ =	shalt  }
0x76: {  	_ =	shalt  }
0x77: {  	_ =	shalt  }
0x78: {  	_ =	shalt  }
0x79: {  	_ =	shalt  }
0x7a: {  	_ =	shalt  }
0x7b: {  	_ =	shalt  }
0x7c: {  	_ =	shalt  }
0x7d: {  	_ =	shalt  }
0x7e: {  	_ =	shalt  }
0x7f: {  	_ =	shalt  }
0x80: {  	_ =	shalt  }
0x81: {  	_ =	shalt  }
0x82: {  	_ =	shalt  }
0x83: {  	_ =	shalt  }
0x84: {  	_ =	shalt  }
0x85: {  	_ =	shalt  }
0x86: {  	_ =	shalt  }
0x87: {  	_ =	shalt  }
.Lfunc_end0:
.L_simem_size_0:
called_computation.3_lowered:
.L_overlay_start_0:
0x88: {  	s2 =	sld [smem:$0x3FD9]  }
0x89: {  	s3 =	sld [smem:$0x3FFE];
	_ =	sdelay $0x1  }
0x8a: {  	s1 =	srdreg.scid  }
0x8b: {  	s0 =	sand.u32 $0x1, s1  }
0x8c: {  	s16 =	sshll.u32 s0, $0xA;
	s2 =	sadd.s32 s3, s2  }
0x8d: {  	s2 =	sadd.s32 s2, s16  }
0x8e: {  	[smem:$0x3FB7] =	sst s2  }
0x8f: {  	_ = 	snop  }
0x90: {  	(tm) =	ssettm $0x1  }
0x91: {  	s17 =	sld [smem:$0x3FFB];
	_ =	sdelay $0x3  }
0x92: {  	_ =	strace s17  }
0x93: {  	s2 =	sld [smem:$0x3FFC];
	_ =	sdelay $0x3  }
0x94: {  	_ =	strace s2  }
0x95: {  	s2 =	sld [smem:$0x3FFD];
	_ =	sdelay $0x3  }
0x96: {  	_ =	strace s2  }
0x97: {  	_ =	strace $0x8FFFFFFF  }
0x98: {  	s18 =	sld [smem:$0x3FDB];
	_ =	sdelay $0x1  }
0x99: {  	s19 =	simm.s32 $_scs_section_size  }
0x9a: {  	s4 =	simm.s32 $_size__tile_overlayer_lowered;
	s5 =	simm.s32 $_tile_overlayer_lowered  }
0x9b: {  	s22 =	simm.s32 $0x1BFF;
	s21 =	sshll.u32 s5, $0x1;
	s2 =	sadd.s32 s19, s18  }
0x9c: {  	s6 =	simm.s32 $0x0;
	s20 =	sshll.u32 s4, $0x1;
	s4 =	sadd.s32 s21, s2  }
0x9d: {  	[timem:s6], [sflag:s22] =	dma.local [hbm:s4], s20  }
0x9e: {  	_ =	swait.ge [sflag:s22], s20  }
0x9f: {  	s3 =	ssub.s32 $0x0, s20;
	[sflag:s22] =	ssyncset.done $0x0  }
0xa0: {  	[sflag:s22] =	ssyncadd.s32 s3;
	_ =	sdelay $0x1  }
0xa1: {  	s23 =	simm.s32 $0x1B8B  }
0xa2: {  	_ =	swait.ge [sflag:s23], $0x1  }
0xa3: {  	[sflag:s23] =	ssyncset.done $0x0  }
0xa4: {  	s25 =	simm.s32 $0x1B8E;
	s24 =	sld [smem:$0x3FFE];
	[sflag:s23] =	ssyncadd.s32 $0xFFFFFFFF  }
0xa5: {  	s26 =	simm.s32 $execute0_lowered;
	[smem:$0x3FD2] =	sst s25  }
0xa6: {  	s4 =	sshll.u32 s26, $0x1;
	_ =	strace $0x8000004F;
	[dreg:$0x1] =	wrdreg $0xFFFFFFFF  }
0xa7: {  	s28 =	simm.s32 $_size_execute0_lowered;
	s2 =	sadd.s32 s2, s4;
	[dreg:$0x0] =	wrdreg $0x0  }
0xa8: {  	s4 =	sshll.u32 s28, $0x1;
	[dreg:$0x2] =	wrdreg s2  }
0xa9: {  	[dreg:$0x3] =	wrdreg s4  }
0xaa: {  	[dreg:$0x4] =	wrdreg $0xC0  }
0xab: {  	_ =	task [dreg:s6], $0x5FFFF  }
0xac: {  	[dreg:$0x1] =	wrdreg $0xFFFFFFFF  }
0xad: {  	[dreg:$0x0] =	wrdreg $0x60  }
0xae: {  	[dreg:$0x2] =	wrdreg s24  }
0xaf: {  	[dreg:$0x3] =	wrdreg $0x84000  }
0xb0: {  	[dreg:$0x4] =	wrdreg $0x9  }
0xb1: {  	_ =	task.clear_ibuf [dreg:s6], $0x5FFFF;
	_ =	strace $0x9000004F  }
0xb2: {  	s29 =	simm.s32 $0x9;
	_ =	strace $0x80000051  }
0xb3: {  	_ =	swait.ge [sflag:s29], $0x1  }
0xb4: {  	[sflag:s29] =	ssyncadd.s32 $0xFFFFFFFF  }
0xb5: {  	_ =	strace $0x90000051  }
0xb6: {  	_ =	sfence  }
0xb7: {  	s30 =	sld [smem:$0x0];
	_ =	sdelay $0x2  }
0xb8: {  	s31 =	sshll.u32 s1, $0xD;
	s1 =	sshrl.u32 s1, $0x2  }
0xb9: {  	s3 =	sand.u32 $0x4000, s31;
	s1 =	sadd.s32 s1, s30  }
0xba: {  	s0 =	sor.u32 s3, s0;
	s1 =	sshll.u32 s1, $0x11  }
0xbb: {  	s0 =	sor.u32 s1, s0  }
0xbc: {  	s0 =	sadd.s32 $0x8F2B, s0  }
0xbd: {  	[sflag:s0] =	ssyncadd.remote.s32 $0x1  }
0xbe: {  	_ =	sfence.sel $0xFFFF  }
0xbf: {  	[dreg:$0x0] =	wrdreg $0xFFFFFFFF;
	(pc) =	sbr.abs _section_cstart, $3  }
0xc0: {  	[dreg:$0x1] =	wrdreg $0xFFFFFFFF  }
0xc1: {  	_ =	task.clear_ibuf [dreg:s6], $0x2FFFF;
	_ =	strace $0x9FFFFFFF  }
0xc2: {  	(tm) =	ssettm $0x7FFFFFFF  }
0xc3: {  	_ =	shalt  }
tec
execute0_lowered:
.L_overlay_start_1:
0x0: {  	(tag) =	ssettag $0x1  }
0x1: {  	s0 =	rddreg [dreg:$0x0]  }
0x2: {  	s1 =	rddreg [dreg:$0x1];
	s2 =	simm.s32 $0x0  }
0x3: {  	s4 =	srdreg.scid;
	s14 =	stileid.u32;
	s28 =	simm.s32 $0x4  }
0x4: {  	s29 =	simm.s32 $0x4400;
	s30 =	simm.s32 $0x1;
	s31 =	simm.s32 $0x100  }
0x5: {  	s16 =	simm.s32 $0x380;
	[smem:$0x7FF] =	sst s2;
	s3 =	sadd.s32 $0x6A200, s0  }
0x6: {  	s5 =	sadd.s32 $0x91400, s0;
	s6 =	sadd.s32 $0x60200, s0;
	s10 =	smul.u32 $0x50000, s14  }
0x7: {  	s4 =	sand.u32 $0x1, s4;
	s7 =	sadd.s32 $0x6200, s0;
	s18 =	smul.u32 $0x2800, s14  }
0x8: {  	s9 =	sadd.s32 $0xB8600, s0;
	s11 =	sadd.s32 $0xE0600, s0;
	s20 =	smul.u32 $0xA00, s14  }
0x9: {  	s22 =	sadd.s32 $0x8FA00, s0;
	_ =	strace $0x80000050;
	[dreg:$0x3] =	wrdreg s9  }
0xa: {  	s0 =	sadd.s32 $0xB6C00, s0;
	p1 =	seq.s32 s14, $0xF;
	[dreg:$0x4] =	wrdreg s11  }
0xb: {  	s8 =	ssub.s32 $0x2, s4;
	p0 =	seq.s32 s4, $0x1;
	[dreg:$0x7] =	wrdreg s22  }
0xc: {  	s4 =	sadd.s32 $0x12C000, s1;
	[dreg:$0xb] =	wrdreg s0;
	s22 =	simm.s32 $0x200  }
0xd: {  	s11 =	simm.s32 $0x180;
	s17 =	sshrl.u32 s8, $0x1;
	s19 =	sshrl.u32 s10, $0x2  }
0xe: {  	s21 =	sadd.s32 s3, s18;
	s12 =	sadd.s32 s6, s20;
	s23 =	sor.u32 $0x10, s20  }
0xf: {  	s13 =	sadd.s32 s7, s20;
	[dreg:$0x5] =	wrdreg s18;
	s25 =	sadd.s32 s5, s18  }
0x10: {  	s0 =	sshrl.u32 @p1 s4, $0x3;
	s10 =	simm.s32 $0x2;
	s4 =	simm.s32 $0x8  }
0x11: {  	s9 =	ssub.s32 s8, s17;
	s15 =	sadd.s32 s19, s1;
	[dreg:$0x6] =	wrdreg s21  }
0x12: {  	s6 =	sadd.s32 s6, s23;
	s24 =	sadd.s32 s7, s23;
	[dreg:$0xa] =	wrdreg s25  }
0x13: {  	[dreg:$0xd] =	wrdreg s0;
	s0 =	sshll.u32 @!p1 s14, $0x6;
	s23 =	simm.s32 $0x3  }
0x14: {  	s25 =	simm.s32 $0x400;
	s7 =	simm.s32 $0x7;
	s17 =	simm.s32 $0x6  }
.Ltmp0:
0x15: {  	s14 =	simm.s32 $0x9;
	[dreg:$0x8] =	wrdreg s6;
	(pc) =	sbr.rel .LBB2_1-.Ltmp0, $4  }
0x16: {  	[dreg:$0x9] =	wrdreg s24;
	s26 =	smax.u32 s9, $0x1;
	s0 =	sor.u32 @!p1 $0x1C09, s0  }
0x17: {  	s20 =	smov.u32 s15;
	s21 =	sshrl.u32 @!p1 s15, $0x3;
	s24 =	simm.s32 $0x80  }
0x18: {  	s6 =	simm.s32 $0x5;
	s15 =	simm.s32 $0x0;
	[dreg:$0xc] =	wrdreg s26  }
0x19: {  	[dreg:$0xe] =	wrdreg s0;
	s26 =	simm.s32 $0x280;
	s0 =	simm.s32 $0x300  }
.LBB2_8:
0x1a: {  	s9 =	rddreg [dreg:$0x4]  }
.LBB2_9:
0x1b: {  	_ =	swait.ge [sflag:s10], $0x4000  }
0x1c: {  	[sflag:s10] =	ssyncset.done $0x0  }
0x1d: {  	[sflag:s10] =	ssyncadd.s32 $0xFFFFC000  }
0x1e: {  	[spmem:s1] =	stream.indirect.scatter.add.f32 [tilespmem:s29], [sflag:$0x8], $0x80, s16, s24, $0xb8;
	[tilespmem:$0x1C400] =	vst v63  }
0x1f: {  	_ =	swait.ge [sflag:s7], $0x4000  }
0x20: {  	[sflag:s7] =	ssyncset.done $0x0  }
0x21: {  	[sflag:s7] =	ssyncadd.s32 $0xFFFFC000  }
0x22: {  	_ =	swait.ge [sflag:s4], $0x4000  }
0x23: {  	s18 =	stileid.u32;
	[sflag:s4] =	ssyncset.done $0x0;
	s8 =	rddreg [dreg:$0x5]  }
0x24: {  	s8 =	sadd.s32 s9, s8;
	[sflag:s4] =	ssyncadd.s32 $0xFFFFC000;
	s9 =	sshll.u32 s18, $0x6  }
0x25: {  	s18 =	sshrl.u32 s20, $0x3;
	[bflag:$0x0] =	sbarrier.arrive $0xFFFF;
	s9 =	sor.u32 $0x1C09, s9  }
0x26: {  	[hbm:s8], [sflag:s9] =	dma.local [spmem:s18], $0x2800  }
0x27: {  	_ =	swait.ge [sflag:s14], $0x2800  }
0x28: {  	s15 =	sadd.s32 $0x1, s15;
	s19 =	rddreg [dreg:$0xc]  }
0x29: {  	p2 =	sne.s32 s15, s19  }
.Ltmp1:
0x2a: {  	_ = 	snop;
	(pc) =	sbr.rel @!p2 .LBB2_10-.Ltmp1, $3  }
0x2b: {  	_ =	sdelay $0x1  }
0x2c: {  	[sflag:s14] =	ssyncset.done $0x0  }
0x2d: {  	[sflag:s14] =	ssyncadd.s32 $0xFFFFD800  }
.LBB2_1:
.Ltmp2:
0x2e: {  	(pc) =	sbr.rel @!p0 .LBB2_2-.Ltmp2, $1  }
0x2f: {  	_ =	sdelay $0x3  }
0x30: {  	s9 =	rddreg [dreg:$0xb]  }
0x31: {  	s8 =	simm.s32 @p1 $0x1FC9;
	s18 =	rddreg [dreg:$0xd]  }
0x32: {  	[spmem:s18], [sflag:s8] =	dma.local @p1 [hbm:s9], $0x1900  }
0x33: {  	s8 =	simm.s32 @p1 $0x9  }
0x34: {  	_ =	swait.ge @p1 [sflag:s8], $0x1900  }
0x35: {  	[sflag:s8] =	ssyncset.done @p1 $0x0;
	s9 =	rddreg [dreg:$0xe]  }
0x36: {  	[sflag:s8] =	ssyncadd.s32 @p1 $0xFFFFE700;
	s8 =	rddreg [dreg:$0xa]  }
0x37: {  	[spmem:s21], [sflag:s9] =	dma.local @!p1 [hbm:s8], $0x2800  }
0x38: {  	s8 =	simm.s32 @!p1 $0x9  }
0x39: {  	_ =	swait.ge @!p1 [sflag:s8], $0x2800  }
0x3a: {  	[sflag:s8] =	ssyncset.done @!p1 $0x0  }
0x3b: {  	[sflag:s8] =	ssyncadd.s32 @!p1 $0xFFFFD800  }
0x3c: {  	s9 =	simm.s32 $0x0;
	[bflag:$0x0] =	sbarrier.arrive $0xFFFF  }
0x3d: {  	[tilespmem:s9], [sflag:$0x3] =	stream.linear.gather [hbm4b:s12+s9], $0x80, $0x38;
	[tilespmem:$0x1C400] =	vst v63  }
0x3e: {  	_ = 	snop  }
0x3f: {  	[tilespmem:s22], [sflag:$0x3] =	stream.linear.gather [hbm4b:s13+s9], $0x80, $0x38;
	[tilespmem:$0x1C400] =	vst v63  }
0x40: {  	_ =	swait.ge [sflag:s23], $0x80  }
0x41: {  	[sflag:s23] =	ssyncset.done $0x0  }
0x42: {  	[sflag:s23] =	ssyncadd.s32 $0xFFFFFF80  }
0x43: {  	_ =	swait.ge [sflag:s23], $0x80  }
0x44: {  	[sflag:s23] =	ssyncset.done $0x0  }
0x45: {  	[sflag:s23] =	ssyncadd.s32 $0xFFFFFF80  }
0x46: {  	[tilespmem:s25], [sflag:$0x1] =	stream.indirect.gather [hbm4b:s5+s24], $0x80, s9, s24, $0xb8;
	[tilespmem:$0x1C400] =	vst v63  }
0x47: {  	s18 =	rddreg [dreg:$0x8]  }
0x48: {  	[tilespmem:s24], [sflag:$0x4] =	stream.linear.gather [hbm4b:s18+s9], $0x80, $0x38;
	[tilespmem:$0x1C400] =	vst v63  }
0x49: {  	s19 =	rddreg [dreg:$0x9]  }
0x4a: {  	[tilespmem:s26], [sflag:$0x4] =	stream.linear.gather [hbm4b:s19+s9], $0x80, $0x38;
	[tilespmem:$0x1C400] =	vst v63  }
.LBB2_7:
0x4b: {  	_ =	swait.ge [sflag:s28], $0x80  }
0x4c: {  	[sflag:s28] =	ssyncset.done $0x0  }
0x4d: {  	[sflag:s28] =	ssyncadd.s32 $0xFFFFFF80  }
0x4e: {  	_ =	swait.ge [sflag:s28], $0x80  }
0x4f: {  	p2 =	seq.s32 s9, $0x0;
	[sflag:s28] =	ssyncset.done $0x0  }
0x50: {  	s8 =	simm.s32 @!p2 $0x8;
	[sflag:s28] =	ssyncadd.s32 $0xFFFFFF80  }
0x51: {  	_ =	swait.ge @!p2 [sflag:s8], $0x4000  }
0x52: {  	[sflag:s8] =	ssyncset.done @!p2 $0x0  }
0x53: {  	[sflag:s8] =	ssyncadd.s32 @!p2 $0xFFFFC000  }
0x54: {  	[tilespmem:s29], [sflag:$0x2] =	stream.indirect.gather [hbm4b:s5+s24], $0x80, s24, s24, $0xb8;
	[tilespmem:$0x1C400] =	vst v63  }
0x55: {  	_ =	swait.ge [sflag:s30], $0x4000  }
0x56: {  	[sflag:s30] =	ssyncset.done $0x0  }
0x57: {  	s18 =	sadd.s32 s9, s12;
	[sflag:s30] =	ssyncadd.s32 $0xFFFFC000  }
0x58: {  	[spmem:s1] =	stream.indirect.scatter.add.f32 [tilespmem:s25], [sflag:$0x7], $0x80, s22, s24, $0xb8;
	[tilespmem:$0x1C400] =	vst v63  }
0x59: {  	s19 =	sadd.s32 $0x20, s18  }
0x5a: {  	[tilespmem:s31], [sflag:$0x5] =	stream.linear.gather [hbm4b:s19+s2], $0x80, $0x38;
	[tilespmem:$0x1C400] =	vst v63  }
0x5b: {  	s19 =	sadd.s32 s9, s13  }
0x5c: {  	s8 =	sadd.s32 $0x20, s19  }
0x5d: {  	[tilespmem:s0], [sflag:$0x5] =	stream.linear.gather [hbm4b:s8+s2], $0x80, $0x38;
	[tilespmem:$0x1C400] =	vst v63  }
0x5e: {  	_ =	swait.ge [sflag:s6], $0x80  }
0x5f: {  	[sflag:s6] =	ssyncset.done $0x0  }
0x60: {  	[sflag:s6] =	ssyncadd.s32 $0xFFFFFF80  }
0x61: {  	_ =	swait.ge [sflag:s6], $0x80  }
0x62: {  	[sflag:s6] =	ssyncset.done $0x0  }
0x63: {  	[sflag:s6] =	ssyncadd.s32 $0xFFFFFF80  }
0x64: {  	_ =	swait.ge [sflag:s7], $0x4000  }
0x65: {  	[sflag:s7] =	ssyncset.done $0x0  }
0x66: {  	[sflag:s7] =	ssyncadd.s32 $0xFFFFC000  }
0x67: {  	[tilespmem:s25], [sflag:$0x1] =	stream.indirect.gather [hbm4b:s5+s24], $0x80, s31, s24, $0xb8;
	[tilespmem:$0x1C400] =	vst v63  }
0x68: {  	_ =	swait.ge [sflag:s10], $0x4000  }
0x69: {  	[sflag:s10] =	ssyncset.done $0x0  }
0x6a: {  	[sflag:s10] =	ssyncadd.s32 $0xFFFFC000  }
0x6b: {  	[spmem:s1] =	stream.indirect.scatter.add.f32 [tilespmem:s29], [sflag:$0x8], $0x80, s26, s24, $0xb8;
	[tilespmem:$0x1C400] =	vst v63  }
0x6c: {  	s8 =	sadd.s32 $0x30, s18  }
0x6d: {  	[tilespmem:s11], [sflag:$0x6] =	stream.linear.gather [hbm4b:s8+s2], $0x80, $0x38;
	[tilespmem:$0x1C400] =	vst v63  }
0x6e: {  	s8 =	sadd.s32 $0x30, s19  }
0x6f: {  	[tilespmem:s16], [sflag:$0x6] =	stream.linear.gather [hbm4b:s8+s2], $0x80, $0x38;
	[tilespmem:$0x1C400] =	vst v63  }
0x70: {  	_ =	swait.ge [sflag:s17], $0x80  }
0x71: {  	[sflag:s17] =	ssyncset.done $0x0  }
0x72: {  	[sflag:s17] =	ssyncadd.s32 $0xFFFFFF80  }
0x73: {  	_ =	swait.ge [sflag:s17], $0x80  }
0x74: {  	[sflag:s17] =	ssyncset.done $0x0  }
0x75: {  	[sflag:s17] =	ssyncadd.s32 $0xFFFFFF80  }
0x76: {  	_ =	swait.ge [sflag:s4], $0x4000  }
0x77: {  	[sflag:s4] =	ssyncset.done $0x0  }
0x78: {  	p2 =	seq.s32 s9, $0x9C0;
	[sflag:s4] =	ssyncadd.s32 $0xFFFFC000  }
0x79: {  	[tilespmem:s29], [sflag:$0x2] =	stream.indirect.gather [hbm4b:s5+s24], $0x80, s11, s24, $0xb8;
	[tilespmem:$0x1C400] =	vst v63  }
.Ltmp3:
0x7a: {  	_ = 	snop;
	(pc) =	sbr.rel @p2 .LBB2_8-.Ltmp3, $4  }
0x7b: {  	_ =	swait.ge [sflag:s30], $0x4000  }
0x7c: {  	[sflag:s30] =	ssyncset.done $0x0  }
0x7d: {  	[sflag:s30] =	ssyncadd.s32 $0xFFFFC000  }
0x7e: {  	[spmem:s1] =	stream.indirect.scatter.add.f32 [tilespmem:s25], [sflag:$0x7], $0x80, s0, s24, $0xb8;
	[tilespmem:$0x1C400] =	vst v63  }
0x7f: {  	s8 =	sadd.s32 $0x40, s18  }
0x80: {  	[tilespmem:s2], [sflag:$0x3] =	stream.linear.gather [hbm4b:s8+s2], $0x80, $0x38;
	[tilespmem:$0x1C400] =	vst v63  }
0x81: {  	s8 =	sadd.s32 $0x40, s19  }
0x82: {  	[tilespmem:s22], [sflag:$0x3] =	stream.linear.gather [hbm4b:s8+s2], $0x80, $0x38;
	[tilespmem:$0x1C400] =	vst v63  }
0x83: {  	_ =	swait.ge [sflag:s23], $0x80  }
0x84: {  	[sflag:s23] =	ssyncset.done $0x0  }
0x85: {  	[sflag:s23] =	ssyncadd.s32 $0xFFFFFF80  }
0x86: {  	_ =	swait.ge [sflag:s23], $0x80  }
0x87: {  	[sflag:s23] =	ssyncset.done $0x0  }
0x88: {  	[sflag:s23] =	ssyncadd.s32 $0xFFFFFF80  }
0x89: {  	_ =	swait.ge [sflag:s7], $0x4000  }
0x8a: {  	[sflag:s7] =	ssyncset.done $0x0  }
0x8b: {  	[sflag:s7] =	ssyncadd.s32 $0xFFFFC000  }
0x8c: {  	[tilespmem:s25], [sflag:$0x1] =	stream.indirect.gather [hbm4b:s5+s24], $0x80, s2, s24, $0xb8;
	[tilespmem:$0x1C400] =	vst v63  }
0x8d: {  	_ =	swait.ge [sflag:s10], $0x4000  }
0x8e: {  	[sflag:s10] =	ssyncset.done $0x0  }
0x8f: {  	[sflag:s10] =	ssyncadd.s32 $0xFFFFC000  }
0x90: {  	[spmem:s1] =	stream.indirect.scatter.add.f32 [tilespmem:s29], [sflag:$0x8], $0x80, s16, s24, $0xb8;
	[tilespmem:$0x1C400] =	vst v63  }
.Ltmp4:
0x91: {  	_ = 	snop;
	(pc) =	sbr.rel .LBB2_7-.Ltmp4, $4  }
0x92: {  	s18 =	sadd.s32 $0x50, s18  }
0x93: {  	[tilespmem:s24], [sflag:$0x4] =	stream.linear.gather [hbm4b:s18+s2], $0x80, $0x38;
	[tilespmem:$0x1C400] =	vst v63  }
0x94: {  	s9 =	sadd.s32 $0x40, s9;
	s19 =	sadd.s32 $0x50, s19  }
0x95: {  	[tilespmem:s26], [sflag:$0x4] =	stream.linear.gather [hbm4b:s19+s2], $0x80, $0x38;
	[tilespmem:$0x1C400] =	vst v63  }
.LBB2_2:
0x96: {  	s8 =	rddreg [dreg:$0x7]  }
0x97: {  	s9 =	simm.s32 @p1 $0x1FC9;
	s18 =	rddreg [dreg:$0xd]  }
0x98: {  	[spmem:s18], [sflag:s9] =	dma.local @p1 [hbm:s8], $0x1900  }
0x99: {  	s9 =	simm.s32 @p1 $0x9  }
0x9a: {  	_ =	swait.ge @p1 [sflag:s9], $0x1900  }
0x9b: {  	[sflag:s9] =	ssyncset.done @p1 $0x0;
	s8 =	rddreg [dreg:$0x6]  }
0x9c: {  	[sflag:s9] =	ssyncadd.s32 @p1 $0xFFFFE700;
	s9 =	rddreg [dreg:$0xe]  }
0x9d: {  	[spmem:s21], [sflag:s9] =	dma.local @!p1 [hbm:s8], $0x2800  }
0x9e: {  	s9 =	simm.s32 @!p1 $0x9  }
0x9f: {  	_ =	swait.ge @!p1 [sflag:s9], $0x2800  }
0xa0: {  	[sflag:s9] =	ssyncset.done @!p1 $0x0  }
0xa1: {  	[sflag:s9] =	ssyncadd.s32 @!p1 $0xFFFFD800  }
0xa2: {  	s9 =	simm.s32 $0x0;
	[bflag:$0x0] =	sbarrier.arrive $0xFFFF  }
0xa3: {  	[tilespmem:s9], [sflag:$0x3] =	stream.linear.gather [hbm4b:s12+s9], $0x80, $0x38;
	[tilespmem:$0x1C400] =	vst v63  }
0xa4: {  	_ = 	snop  }
0xa5: {  	[tilespmem:s22], [sflag:$0x3] =	stream.linear.gather [hbm4b:s13+s9], $0x80, $0x38;
	[tilespmem:$0x1C400] =	vst v63  }
0xa6: {  	_ =	swait.ge [sflag:s23], $0x80  }
0xa7: {  	[sflag:s23] =	ssyncset.done $0x0  }
0xa8: {  	[sflag:s23] =	ssyncadd.s32 $0xFFFFFF80  }
0xa9: {  	_ =	swait.ge [sflag:s23], $0x80  }
0xaa: {  	[sflag:s23] =	ssyncset.done $0x0  }
0xab: {  	[sflag:s23] =	ssyncadd.s32 $0xFFFFFF80  }
0xac: {  	[tilespmem:s25], [sflag:$0x1] =	stream.indirect.gather [hbm4b:s3+s24], $0x80, s9, s24, $0xb8;
	[tilespmem:$0x1C400] =	vst v63  }
0xad: {  	s18 =	rddreg [dreg:$0x8]  }
0xae: {  	[tilespmem:s24], [sflag:$0x4] =	stream.linear.gather [hbm4b:s18+s9], $0x80, $0x38;
	[tilespmem:$0x1C400] =	vst v63  }
0xaf: {  	s19 =	rddreg [dreg:$0x9]  }
0xb0: {  	[tilespmem:s26], [sflag:$0x4] =	stream.linear.gather [hbm4b:s19+s9], $0x80, $0x38;
	[tilespmem:$0x1C400] =	vst v63  }
.LBB2_3:
0xb1: {  	_ =	swait.ge [sflag:s28], $0x80  }
0xb2: {  	[sflag:s28] =	ssyncset.done $0x0  }
0xb3: {  	[sflag:s28] =	ssyncadd.s32 $0xFFFFFF80  }
0xb4: {  	_ =	swait.ge [sflag:s28], $0x80  }
0xb5: {  	p2 =	seq.s32 s9, $0x0;
	[sflag:s28] =	ssyncset.done $0x0  }
0xb6: {  	s18 =	simm.s32 @!p2 $0x8;
	[sflag:s28] =	ssyncadd.s32 $0xFFFFFF80  }
0xb7: {  	_ =	swait.ge @!p2 [sflag:s18], $0x4000  }
0xb8: {  	[sflag:s18] =	ssyncset.done @!p2 $0x0  }
0xb9: {  	[sflag:s18] =	ssyncadd.s32 @!p2 $0xFFFFC000  }
0xba: {  	[tilespmem:s29], [sflag:$0x2] =	stream.indirect.gather [hbm4b:s3+s24], $0x80, s24, s24, $0xb8;
	[tilespmem:$0x1C400] =	vst v63  }
0xbb: {  	_ =	swait.ge [sflag:s30], $0x4000  }
0xbc: {  	[sflag:s30] =	ssyncset.done $0x0  }
0xbd: {  	s18 =	sadd.s32 s9, s12;
	[sflag:s30] =	ssyncadd.s32 $0xFFFFC000  }
0xbe: {  	[spmem:s1] =	stream.indirect.scatter.add.f32 [tilespmem:s25], [sflag:$0x7], $0x80, s22, s24, $0xb8;
	[tilespmem:$0x1C400] =	vst v63  }
0xbf: {  	s19 =	sadd.s32 $0x20, s18  }
0xc0: {  	[tilespmem:s31], [sflag:$0x5] =	stream.linear.gather [hbm4b:s19+s2], $0x80, $0x38;
	[tilespmem:$0x1C400] =	vst v63  }
0xc1: {  	s19 =	sadd.s32 s9, s13  }
0xc2: {  	s8 =	sadd.s32 $0x20, s19  }
0xc3: {  	[tilespmem:s0], [sflag:$0x5] =	stream.linear.gather [hbm4b:s8+s2], $0x80, $0x38;
	[tilespmem:$0x1C400] =	vst v63  }
0xc4: {  	_ =	swait.ge [sflag:s6], $0x80  }
0xc5: {  	[sflag:s6] =	ssyncset.done $0x0  }
0xc6: {  	[sflag:s6] =	ssyncadd.s32 $0xFFFFFF80  }
0xc7: {  	_ =	swait.ge [sflag:s6], $0x80  }
0xc8: {  	[sflag:s6] =	ssyncset.done $0x0  }
0xc9: {  	[sflag:s6] =	ssyncadd.s32 $0xFFFFFF80  }
0xca: {  	_ =	swait.ge [sflag:s7], $0x4000  }
0xcb: {  	[sflag:s7] =	ssyncset.done $0x0  }
0xcc: {  	[sflag:s7] =	ssyncadd.s32 $0xFFFFC000  }
0xcd: {  	[tilespmem:s25], [sflag:$0x1] =	stream.indirect.gather [hbm4b:s3+s24], $0x80, s31, s24, $0xb8;
	[tilespmem:$0x1C400] =	vst v63  }
0xce: {  	_ =	swait.ge [sflag:s10], $0x4000  }
0xcf: {  	[sflag:s10] =	ssyncset.done $0x0  }
0xd0: {  	[sflag:s10] =	ssyncadd.s32 $0xFFFFC000  }
0xd1: {  	[spmem:s1] =	stream.indirect.scatter.add.f32 [tilespmem:s29], [sflag:$0x8], $0x80, s26, s24, $0xb8;
	[tilespmem:$0x1C400] =	vst v63  }
0xd2: {  	s8 =	sadd.s32 $0x30, s18  }
0xd3: {  	[tilespmem:s11], [sflag:$0x6] =	stream.linear.gather [hbm4b:s8+s2], $0x80, $0x38;
	[tilespmem:$0x1C400] =	vst v63  }
0xd4: {  	s8 =	sadd.s32 $0x30, s19  }
0xd5: {  	[tilespmem:s16], [sflag:$0x6] =	stream.linear.gather [hbm4b:s8+s2], $0x80, $0x38;
	[tilespmem:$0x1C400] =	vst v63  }
0xd6: {  	_ =	swait.ge [sflag:s17], $0x80  }
0xd7: {  	[sflag:s17] =	ssyncset.done $0x0  }
0xd8: {  	[sflag:s17] =	ssyncadd.s32 $0xFFFFFF80  }
0xd9: {  	_ =	swait.ge [sflag:s17], $0x80  }
0xda: {  	[sflag:s17] =	ssyncset.done $0x0  }
0xdb: {  	[sflag:s17] =	ssyncadd.s32 $0xFFFFFF80  }
0xdc: {  	_ =	swait.ge [sflag:s4], $0x4000  }
0xdd: {  	[sflag:s4] =	ssyncset.done $0x0  }
0xde: {  	p2 =	seq.s32 s9, $0x9C0;
	[sflag:s4] =	ssyncadd.s32 $0xFFFFC000  }
0xdf: {  	[tilespmem:s29], [sflag:$0x2] =	stream.indirect.gather [hbm4b:s3+s24], $0x80, s11, s24, $0xb8;
	[tilespmem:$0x1C400] =	vst v63  }
.Ltmp5:
0xe0: {  	_ = 	snop;
	(pc) =	sbr.rel @p2 .LBB2_4-.Ltmp5, $4  }
0xe1: {  	_ =	swait.ge [sflag:s30], $0x4000  }
0xe2: {  	[sflag:s30] =	ssyncset.done $0x0  }
0xe3: {  	[sflag:s30] =	ssyncadd.s32 $0xFFFFC000  }
0xe4: {  	[spmem:s1] =	stream.indirect.scatter.add.f32 [tilespmem:s25], [sflag:$0x7], $0x80, s0, s24, $0xb8;
	[tilespmem:$0x1C400] =	vst v63  }
0xe5: {  	s8 =	sadd.s32 $0x40, s18  }
0xe6: {  	[tilespmem:s2], [sflag:$0x3] =	stream.linear.gather [hbm4b:s8+s2], $0x80, $0x38;
	[tilespmem:$0x1C400] =	vst v63  }
0xe7: {  	s8 =	sadd.s32 $0x40, s19  }
0xe8: {  	[tilespmem:s22], [sflag:$0x3] =	stream.linear.gather [hbm4b:s8+s2], $0x80, $0x38;
	[tilespmem:$0x1C400] =	vst v63  }
0xe9: {  	_ =	swait.ge [sflag:s23], $0x80  }
0xea: {  	[sflag:s23] =	ssyncset.done $0x0  }
0xeb: {  	[sflag:s23] =	ssyncadd.s32 $0xFFFFFF80  }
0xec: {  	_ =	swait.ge [sflag:s23], $0x80  }
0xed: {  	[sflag:s23] =	ssyncset.done $0x0  }
0xee: {  	[sflag:s23] =	ssyncadd.s32 $0xFFFFFF80  }
0xef: {  	_ =	swait.ge [sflag:s7], $0x4000  }
0xf0: {  	[sflag:s7] =	ssyncset.done $0x0  }
0xf1: {  	[sflag:s7] =	ssyncadd.s32 $0xFFFFC000  }
0xf2: {  	[tilespmem:s25], [sflag:$0x1] =	stream.indirect.gather [hbm4b:s3+s24], $0x80, s2, s24, $0xb8;
	[tilespmem:$0x1C400] =	vst v63  }
0xf3: {  	_ =	swait.ge [sflag:s10], $0x4000  }
0xf4: {  	[sflag:s10] =	ssyncset.done $0x0  }
0xf5: {  	[sflag:s10] =	ssyncadd.s32 $0xFFFFC000  }
0xf6: {  	[spmem:s1] =	stream.indirect.scatter.add.f32 [tilespmem:s29], [sflag:$0x8], $0x80, s16, s24, $0xb8;
	[tilespmem:$0x1C400] =	vst v63  }
.Ltmp6:
0xf7: {  	_ = 	snop;
	(pc) =	sbr.rel .LBB2_3-.Ltmp6, $4  }
0xf8: {  	s18 =	sadd.s32 $0x50, s18  }
0xf9: {  	[tilespmem:s24], [sflag:$0x4] =	stream.linear.gather [hbm4b:s18+s2], $0x80, $0x38;
	[tilespmem:$0x1C400] =	vst v63  }
0xfa: {  	s9 =	sadd.s32 $0x40, s9;
	s19 =	sadd.s32 $0x50, s19  }
0xfb: {  	[tilespmem:s26], [sflag:$0x4] =	stream.linear.gather [hbm4b:s19+s2], $0x80, $0x38;
	[tilespmem:$0x1C400] =	vst v63  }
.LBB2_4:
.Ltmp7:
0xfc: {  	(pc) =	sbr.rel .LBB2_9-.Ltmp7, $2  }
0xfd: {  	_ =	sdelay $0x2  }
0xfe: {  	s9 =	rddreg [dreg:$0x3]  }
.LBB2_10:
0xff: {  	_ =	sfence.sel $0x180000  }
0x100: {  	[bflag:$0x0] =	sbarrier.arrive $0xFFFF  }
0x101: {  	_ =	strace $0x90000050  }
0x102: {  	s0 =	stileid.u32;
	[bflag:$0x2] =	sbarrier.arrive $0xFFFF  }
0x103: {  	p0 =	sne.s32 s0, $0x0;
	s0 =	rddreg [dreg:$0x2]  }
0x104: {  	s0 =	sadd.s32 @!p0 $0x100000, s0  }
0x105: {  	[sflag:s0] =	ssyncadd.tile.s32 @!p0 $0x1;
	_ =	shalt  }
.Lfunc_end2:
_tile_overlayer_lowered:
.L_overlay_start_2:
0x106: {  	(tag) =	ssettag $0x2  }
0x107: {  	s0 =	rddreg [dreg:$0x0];
	s2 =	stileid.u32  }
0x108: {  	s1 =	rddreg [dreg:$0x1];
	p0 =	sne.s32 s2, $0x0  }
0x109: {  	s3 =	rddreg [dreg:$0x2];
	[bflag:$0x3] =	sbarrier.arrive $0xFFFF;
	s2 =	simm.s32 @!p0 $0x1C09  }
0x10a: {  	[timem:s3], [sflag:s2] =	dma.local @!p0 [hbm:s0], s1  }
0x10b: {  	s0 =	simm.s32 @!p0 $0x9  }
0x10c: {  	_ =	swait.ge @!p0 [sflag:s0], s1  }
0x10d: {  	s1 =	ssub.s32 @!p0 $0x0, s1;
	[sflag:s0] =	ssyncset.done @!p0 $0x0  }
0x10e: {  	[sflag:s0] =	ssyncadd.s32 @!p0 s1  }
0x10f: {  	[bflag:$0x3] =	sbarrier.arrive $0xFFFF  }
0x110: {  	_ =	shalt  }

</sc_bundles>
